<compile_context>
chip_gen: v7x
topology: tpu7x:2x2x1
jax: 0.10.2.dev20260603
libtpu: 0.0.44.dev20260713+nightly
codegen_flags: <defaults>
</compile_context>

<pallas_src>
import functools

import jax
import jax.numpy as jnp
from jax import lax
from jax.experimental import pallas as pl
from jax.experimental.pallas import tpu as pltpu
from jax.experimental.pallas import tpu_sc as plsc

NC = 2
NS = 16
NW = NC * NS
L = 16
C = 256
NB = 4
PF = 2


def kernel(x, positions, embedding_weight):
    B, S, D = x.shape
    V = embedding_weight.shape[0]
    N = B * S
    xf = x.reshape(N * D)
    pf = positions.reshape(N)
    tabf = embedding_weight.reshape(V * D)
    R = N // NW
    NCHUNK = R // C

    mesh = plsc.VectorSubcoreMesh(core_axis_name="c", subcore_axis_name="s")

    @functools.partial(
        pl.kernel,
        out_type=jax.ShapeDtypeStruct((N * D,), jnp.float32),
        mesh=mesh,
        compiler_params=pltpu.CompilerParams(needs_layout_passes=False),
        scratch_types=(
            [pltpu.VMEM((V * D,), jnp.float32)]
            + [pltpu.VMEM((C * D,), jnp.float32) for _ in range(NB)]
            + [pltpu.VMEM((C,), jnp.int32) for _ in range(NB)]
            + [pltpu.SemaphoreType.DMA for _ in range(3 * NB)]
        ),
    )
    def sc_kernel(x_hbm, pos_hbm, tab_hbm, out_hbm, tab_v, *scratch):
        xbufs = scratch[0:NB]
        idxs = scratch[NB:2 * NB]
        sems = scratch[2 * NB:]
        sx = sems[0:NB]
        sp = sems[NB:2 * NB]
        so = sems[2 * NB:3 * NB]

        iota16 = lax.iota(jnp.int32, L)
        cid = lax.axis_index("c")
        sid = lax.axis_index("s")
        wid = sid * NC + cid
        row0 = wid * R
        pltpu.sync_copy(tab_hbm, tab_v)

        def issue_in(k, b):
            rbase = row0 + k * C
            pltpu.async_copy(pos_hbm.at[pl.ds(rbase, C)], idxs[b], sp[b])
            pltpu.async_copy(x_hbm.at[pl.ds(rbase * D, C * D)], xbufs[b], sx[b])

        for k0 in range(PF):
            issue_in(k0, k0 % NB)

        @pl.loop(0, NCHUNK, step=NB)
        def _(r):
            for j in range(NB):
                k = r + j
                b = j
                rbase = row0 + k * C
                pltpu.make_async_copy(
                    pos_hbm.at[pl.ds(rbase, C)], idxs[b], sp[b]).wait()
                pltpu.make_async_copy(
                    x_hbm.at[pl.ds(rbase * D, C * D)], xbufs[b], sx[b]).wait()

                @pl.loop(0, C, step=L)
                def _(g):
                    rows = idxs[b][pl.ds(g, L)] * D
                    gD = g * D
                    for l in range(L):
                        rsplat = lax.gather(
                            rows, jnp.full((L, 1), l, jnp.int32),
                            dimension_numbers=lax.GatherDimensionNumbers(
                                offset_dims=(), collapsed_slice_dims=(0,),
                                start_index_map=(0,)),
                            slice_sizes=(1,),
                            mode=lax.GatherScatterMode.PROMISE_IN_BOUNDS)
                        for cb in range(D // L):
                            vals = plsc.load_gather(
                                tab_v, [rsplat + (iota16 + cb * L)])
                            plsc.addupdate(
                                xbufs[b].at[pl.ds(gD + l * D + cb * L, L)],
                                vals)

                pltpu.async_copy(
                    xbufs[b], out_hbm.at[pl.ds(rbase * D, C * D)], so[b])

                bn = (j + PF) % NB

                @pl.when(k >= PF)
                def _():
                    pltpu.make_async_copy(
                        xbufs[bn], out_hbm.at[pl.ds(0, C * D)], so[bn]).wait()

                @pl.when(k + PF < NCHUNK)
                def _():
                    issue_in(k + PF, bn)

        for k0 in range(NCHUNK - PF, NCHUNK):
            b = k0 % NB
            pltpu.make_async_copy(
                xbufs[b], out_hbm.at[pl.ds(0, C * D)], so[b]).wait()

    out = sc_kernel(xf, pf, tabf)
    return out.reshape(B, S, D)

# --- scband reference (transcript-rebuilt; emitter-appended) ---
"""Pipeline reference for scband-positional-embedding-27797028339976 (READ-ONLY COPY).

The authoritative reference and input builder live on the scoring server;
editing this copy changes nothing except your own understanding.
"""

import jax, jax.numpy as jnp
import numpy as np

MAX_SEQ_LEN = 1000
HIDDEN_DIM = 64
BATCH = 16384
SEQ = 200

def setup_inputs(seed: int = 0) -> dict:
    key = jax.random.key(seed)
    k_x, k_pos, k_emb = jax.random.split(key, 3)
    x = jax.random.normal(k_x, (BATCH, SEQ, HIDDEN_DIM), dtype=jnp.float32)
    positions = jax.random.randint(k_pos, (BATCH, SEQ), 0, MAX_SEQ_LEN, dtype=jnp.int64 if jax.config.jax_enable_x64 else jnp.int32)
    # embedding table, like nn.Embedding default init N(0,1)
    embedding_weight = jax.random.normal(k_emb, (MAX_SEQ_LEN, HIDDEN_DIM), dtype=jnp.float32)
    return {"x": x, "positions": positions, "embedding_weight": embedding_weight}

def reference(x, positions, embedding_weight):
    # pos_emb = self.embedding(positions)
    pos_emb = jnp.take(embedding_weight, positions, axis=0)
    return x + pos_emb

if __name__ == "__main__":
    import jax
    _d = setup_inputs()
    print(jax.jit(kernel)(*tuple(_d.values())))

</pallas_src>

<mosaic_0001>
#map = affine_map<(d0, d1) -> (0)>
module attributes {stable_mosaic.version = 14 : i64} {
  func.func @sc_kernel(%arg0: i32, %arg1: i32, %arg2: memref<209715200xf32, #tpu.memory_space<hbm>>, %arg3: memref<3276800xi32, #tpu.memory_space<hbm>>, %arg4: memref<64000xf32, #tpu.memory_space<hbm>>, %arg5: memref<209715200xf32, #tpu.memory_space<hbm>>, %arg6: memref<64000xf32, #tpu.memory_space<vmem>>, %arg7: memref<16384xf32, #tpu.memory_space<vmem>>, %arg8: memref<16384xf32, #tpu.memory_space<vmem>>, %arg9: memref<16384xf32, #tpu.memory_space<vmem>>, %arg10: memref<16384xf32, #tpu.memory_space<vmem>>, %arg11: memref<256xi32, #tpu.memory_space<vmem>>, %arg12: memref<256xi32, #tpu.memory_space<vmem>>, %arg13: memref<256xi32, #tpu.memory_space<vmem>>, %arg14: memref<256xi32, #tpu.memory_space<vmem>>, %arg15: memref<!tpu.dma_semaphore, #tpu.memory_space<semaphore_mem>>, %arg16: memref<!tpu.dma_semaphore, #tpu.memory_space<semaphore_mem>>, %arg17: memref<!tpu.dma_semaphore, #tpu.memory_space<semaphore_mem>>, %arg18: memref<!tpu.dma_semaphore, #tpu.memory_space<semaphore_mem>>, %arg19: memref<!tpu.dma_semaphore, #tpu.memory_space<semaphore_mem>>, %arg20: memref<!tpu.dma_semaphore, #tpu.memory_space<semaphore_mem>>, %arg21: memref<!tpu.dma_semaphore, #tpu.memory_space<semaphore_mem>>, %arg22: memref<!tpu.dma_semaphore, #tpu.memory_space<semaphore_mem>>, %arg23: memref<!tpu.dma_semaphore, #tpu.memory_space<semaphore_mem>>, %arg24: memref<!tpu.dma_semaphore, #tpu.memory_space<semaphore_mem>>, %arg25: memref<!tpu.dma_semaphore, #tpu.memory_space<semaphore_mem>>, %arg26: memref<!tpu.dma_semaphore, #tpu.memory_space<semaphore_mem>>) attributes {dimension_semantics = [#tpu.dimension_semantics<core_parallel>, #tpu.dimension_semantics<subcore_parallel>], iteration_bounds = array<i64: 2, 16>, scalar_prefetch = 0 : i64, scratch_operands = 21 : i64, tpu.core_type = #tpu.core_type<sc_vector_subcore>, window_params = [{transform_indices = #map}, {transform_indices = #map}, {transform_indices = #map}, {transform_indices = #map}]} {
    %iota3A = tpu.iota {dimensions = array<i32: 0>} : vector<16xi32>
    %mul3A = arith.constant 2 : i32
    %mul3A_0 = arith.muli %arg1, %mul3A : i32
    %add3A = arith.addi %mul3A_0, %arg0 : i32
    %mul3A_1 = arith.constant 102400 : i32
    %mul3A_2 = arith.muli %add3A, %mul3A_1 : i32
    "tpu.region"() ({
      %run_scoped3A = tpu.sem_alloc : memref<!tpu.dma_semaphore, #tpu.memory_space<semaphore_mem>>
      tpu.enqueue_dma source(%arg4 : memref<64000xf32, #tpu.memory_space<hbm>>) target(%arg6 : memref<64000xf32, #tpu.memory_space<vmem>>) target_semaphore(%run_scoped3A : memref<!tpu.dma_semaphore, #tpu.memory_space<semaphore_mem>>)
      tpu.wait_dma2 semaphore(%run_scoped3A : memref<!tpu.dma_semaphore, #tpu.memory_space<semaphore_mem>>) src(%arg4 : memref<64000xf32, #tpu.memory_space<hbm>>) dst(%arg6 : memref<64000xf32, #tpu.memory_space<vmem>>)
      tpu.yield
    }) : () -> ()
    %add3A_3 = arith.constant 0 : i32
    %add3A_4 = arith.addi %mul3A_2, %add3A_3 : i32
    %dma_start3A = tpu.memref_slice %arg3[%add3A_4] : memref<3276800xi32, #tpu.memory_space<hbm>> -> memref<256xi32, #tpu.memory_space<hbm>>
    %dma_start3A_5 = tpu.memref_slice %arg3[%add3A_4] : memref<3276800xi32, #tpu.memory_space<hbm>> -> memref<256xi32, #tpu.memory_space<hbm>>
    tpu.enqueue_dma source(%dma_start3A_5 : memref<256xi32, #tpu.memory_space<hbm>>) target(%arg11 : memref<256xi32, #tpu.memory_space<vmem>>) target_semaphore(%arg19 : memref<!tpu.dma_semaphore, #tpu.memory_space<semaphore_mem>>)
    %mul3A_6 = arith.constant 64 : i32
    %mul3A_7 = arith.muli %add3A_4, %mul3A_6 : i32
    %dma_start3A_8 = tpu.memref_slice %arg2[%mul3A_7] : memref<209715200xf32, #tpu.memory_space<hbm>> -> memref<16384xf32, #tpu.memory_space<hbm>>
    %dma_start3A_9 = tpu.memref_slice %arg2[%mul3A_7] : memref<209715200xf32, #tpu.memory_space<hbm>> -> memref<16384xf32, #tpu.memory_space<hbm>>
    tpu.enqueue_dma source(%dma_start3A_9 : memref<16384xf32, #tpu.memory_space<hbm>>) target(%arg7 : memref<16384xf32, #tpu.memory_space<vmem>>) target_semaphore(%arg15 : memref<!tpu.dma_semaphore, #tpu.memory_space<semaphore_mem>>)
    %add3A_10 = arith.constant 256 : i32
    %add3A_11 = arith.addi %mul3A_2, %add3A_10 : i32
    %dma_start3A_12 = tpu.memref_slice %arg3[%add3A_11] : memref<3276800xi32, #tpu.memory_space<hbm>> -> memref<256xi32, #tpu.memory_space<hbm>>
    %dma_start3A_13 = tpu.memref_slice %arg3[%add3A_11] : memref<3276800xi32, #tpu.memory_space<hbm>> -> memref<256xi32, #tpu.memory_space<hbm>>
    tpu.enqueue_dma source(%dma_start3A_13 : memref<256xi32, #tpu.memory_space<hbm>>) target(%arg12 : memref<256xi32, #tpu.memory_space<vmem>>) target_semaphore(%arg20 : memref<!tpu.dma_semaphore, #tpu.memory_space<semaphore_mem>>)
    %mul3A_14 = arith.constant 64 : i32
    %mul3A_15 = arith.muli %add3A_11, %mul3A_14 : i32
    %dma_start3A_16 = tpu.memref_slice %arg2[%mul3A_15] : memref<209715200xf32, #tpu.memory_space<hbm>> -> memref<16384xf32, #tpu.memory_space<hbm>>
    %dma_start3A_17 = tpu.memref_slice %arg2[%mul3A_15] : memref<209715200xf32, #tpu.memory_space<hbm>> -> memref<16384xf32, #tpu.memory_space<hbm>>
    tpu.enqueue_dma source(%dma_start3A_17 : memref<16384xf32, #tpu.memory_space<hbm>>) target(%arg8 : memref<16384xf32, #tpu.memory_space<vmem>>) target_semaphore(%arg16 : memref<!tpu.dma_semaphore, #tpu.memory_space<semaphore_mem>>)
    %scan3A = arith.constant 0 : i32
    %scan3A_18 = arith.constant 100 : i32
    %scan3A_19 = arith.addi %scan3A, %scan3A_18 : i32
    %scan3A_20 = arith.constant 1 : i32
    scf.for %scan3A_29 = %scan3A to %scan3A_19 step %scan3A_20  : i32 {
      %mul3A_30 = arith.constant 4 : i32
      %mul3A_31 = arith.muli %scan3A_29, %mul3A_30 : i32
      %add3A_32 = arith.constant 0 : i32
      %add3A_33 = arith.addi %add3A_32, %mul3A_31 : i32
      %add3A_34 = arith.constant 0 : i32
      %add3A_35 = arith.addi %add3A_33, %add3A_34 : i32
      %mul3A_36 = arith.constant 256 : i32
      %mul3A_37 = arith.muli %add3A_35, %mul3A_36 : i32
      %add3A_38 = arith.addi %mul3A_2, %mul3A_37 : i32
      %dma_wait3A_39 = tpu.memref_slice %arg3[%add3A_38] : memref<3276800xi32, #tpu.memory_space<hbm>> -> memref<256xi32, #tpu.memory_space<hbm>>
      %dma_wait3A_40 = tpu.memref_slice %arg3[%add3A_38] : memref<3276800xi32, #tpu.memory_space<hbm>> -> memref<256xi32, #tpu.memory_space<hbm>>
      tpu.wait_dma2 semaphore(%arg19 : memref<!tpu.dma_semaphore, #tpu.memory_space<semaphore_mem>>) src(%dma_wait3A_40 : memref<256xi32, #tpu.memory_space<hbm>>) dst(%arg11 : memref<256xi32, #tpu.memory_space<vmem>>)
      %mul3A_41 = arith.constant 64 : i32
      %mul3A_42 = arith.muli %add3A_38, %mul3A_41 : i32
      %dma_wait3A_43 = tpu.memref_slice %arg2[%mul3A_42] : memref<209715200xf32, #tpu.memory_space<hbm>> -> memref<16384xf32, #tpu.memory_space<hbm>>
      %dma_wait3A_44 = tpu.memref_slice %arg2[%mul3A_42] : memref<209715200xf32, #tpu.memory_space<hbm>> -> memref<16384xf32, #tpu.memory_space<hbm>>
      tpu.wait_dma2 semaphore(%arg15 : memref<!tpu.dma_semaphore, #tpu.memory_space<semaphore_mem>>) src(%dma_wait3A_44 : memref<16384xf32, #tpu.memory_space<hbm>>) dst(%arg7 : memref<16384xf32, #tpu.memory_space<vmem>>)
      %scan3A_45 = arith.constant 0 : i32
      %scan3A_46 = arith.constant 16 : i32
      %scan3A_47 = arith.addi %scan3A_45, %scan3A_46 : i32
      %scan3A_48 = arith.constant 1 : i32
      scf.for %scan3A_158 = %scan3A_45 to %scan3A_47 step %scan3A_48  : i32 {
        %mul3A_159 = arith.constant 16 : i32
        %mul3A_160 = arith.muli %scan3A_158, %mul3A_159 : i32
        %add3A_161 = arith.constant 0 : i32
        %add3A_162 = arith.addi %add3A_161, %mul3A_160 : i32
        %get3A = arith.index_cast %add3A_162 : i32 to index
        %get3A_163 = tpu.vector_load %arg11[%get3A] {strides = array<i32>} : memref<256xi32, #tpu.memory_space<vmem>>, vector<16xi32>,
        %mul3A_164 = arith.constant 64 : i32
        %mul3A_165 = vector.broadcast %mul3A_164 : i32 to vector<16xi32>
        %mul3A_166 = arith.muli %get3A_163, %mul3A_165 : vector<16xi32>
        %mul3A_167 = arith.constant 64 : i32
        %mul3A_168 = arith.muli %add3A_162, %mul3A_167 : i32
        %broadcast_in_dim3A = arith.constant 0 : i32
        %broadcast_in_dim3A_169 = vector.broadcast %broadcast_in_dim3A : i32 to vector<16x1xi32>
        %gather3A = vector.shape_cast %broadcast_in_dim3A_169 : vector<16x1xi32> to vector<16xi32>
        %gather3A_170 = tpu.dynamic_gather %mul3A_166[%gather3A] in [0] : vector<16xi32>, vector<16xi32> -> vector<16xi32>
        %add3A_171 = arith.constant 0 : i32
        %add3A_172 = vector.broadcast %add3A_171 : i32 to vector<16xi32>
        %add3A_173 = arith.addi %iota3A, %add3A_172 : vector<16xi32>
        %add3A_174 = arith.addi %gather3A_170, %add3A_173 : vector<16xi32>
        %gather3A_175 = tpu.vector_load_idx %arg6[%add3A_174] : memref<64000xf32, #tpu.memory_space<vmem>>[vector<16xi32>], vector<16xf32>,
        %add3A_176 = arith.constant 0 : i32
        %add3A_177 = arith.addi %mul3A_168, %add3A_176 : i32
        %add3A_178 = arith.constant 0 : i32
        %add3A_179 = arith.addi %add3A_177, %add3A_178 : i32
        %swap3A = arith.index_cast %add3A_179 : i32 to index
        %swap3A_180 = tpu.vector_load %arg7[%swap3A] {strides = array<i32>} : memref<16384xf32, #tpu.memory_space<vmem>>, vector<16xf32>,
        tpu.vector_store %arg7[%swap3A], %gather3A_175 {add = true, strides = array<i32>} : memref<16384xf32, #tpu.memory_space<vmem>>, vector<16xf32>,
        %add3A_181 = arith.constant 16 : i32
        %add3A_182 = vector.broadcast %add3A_181 : i32 to vector<16xi32>
        %add3A_183 = arith.addi %iota3A, %add3A_182 : vector<16xi32>
        %add3A_184 = arith.addi %gather3A_170, %add3A_183 : vector<16xi32>
        %gather3A_185 = tpu.vector_load_idx %arg6[%add3A_184] : memref<64000xf32, #tpu.memory_space<vmem>>[vector<16xi32>], vector<16xf32>,
        %add3A_186 = arith.constant 0 : i32
        %add3A_187 = arith.addi %mul3A_168, %add3A_186 : i32
        %add3A_188 = arith.constant 16 : i32
        %add3A_189 = arith.addi %add3A_187, %add3A_188 : i32
        %swap3A_190 = arith.index_cast %add3A_189 : i32 to index
        %swap3A_191 = tpu.vector_load %arg7[%swap3A_190] {strides = array<i32>} : memref<16384xf32, #tpu.memory_space<vmem>>, vector<16xf32>,
        tpu.vector_store %arg7[%swap3A_190], %gather3A_185 {add = true, strides = array<i32>} : memref<16384xf32, #tpu.memory_space<vmem>>, vector<16xf32>,
        %add3A_192 = arith.constant 32 : i32
        %add3A_193 = vector.broadcast %add3A_192 : i32 to vector<16xi32>
        %add3A_194 = arith.addi %iota3A, %add3A_193 : vector<16xi32>
        %add3A_195 = arith.addi %gather3A_170, %add3A_194 : vector<16xi32>
        %gather3A_196 = tpu.vector_load_idx %arg6[%add3A_195] : memref<64000xf32, #tpu.memory_space<vmem>>[vector<16xi32>], vector<16xf32>,
        %add3A_197 = arith.constant 0 : i32
        %add3A_198 = arith.addi %mul3A_168, %add3A_197 : i32
        %add3A_199 = arith.constant 32 : i32
        %add3A_200 = arith.addi %add3A_198, %add3A_199 : i32
        %swap3A_201 = arith.index_cast %add3A_200 : i32 to index
        %swap3A_202 = tpu.vector_load %arg7[%swap3A_201] {strides = array<i32>} : memref<16384xf32, #tpu.memory_space<vmem>>, vector<16xf32>,
        tpu.vector_store %arg7[%swap3A_201], %gather3A_196 {add = true, strides = array<i32>} : memref<16384xf32, #tpu.memory_space<vmem>>, vector<16xf32>,
        %add3A_203 = arith.constant 48 : i32
        %add3A_204 = vector.broadcast %add3A_203 : i32 to vector<16xi32>
        %add3A_205 = arith.addi %iota3A, %add3A_204 : vector<16xi32>
        %add3A_206 = arith.addi %gather3A_170, %add3A_205 : vector<16xi32>
        %gather3A_207 = tpu.vector_load_idx %arg6[%add3A_206] : memref<64000xf32, #tpu.memory_space<vmem>>[vector<16xi32>], vector<16xf32>,
        %add3A_208 = arith.constant 0 : i32
        %add3A_209 = arith.addi %mul3A_168, %add3A_208 : i32
        %add3A_210 = arith.constant 48 : i32
        %add3A_211 = arith.addi %add3A_209, %add3A_210 : i32
        %swap3A_212 = arith.index_cast %add3A_211 : i32 to index
        %swap3A_213 = tpu.vector_load %arg7[%swap3A_212] {strides = array<i32>} : memref<16384xf32, #tpu.memory_space<vmem>>, vector<16xf32>,
        tpu.vector_store %arg7[%swap3A_212], %gather3A_207 {add = true, strides = array<i32>} : memref<16384xf32, #tpu.memory_space<vmem>>, vector<16xf32>,
        %broadcast_in_dim3A_214 = arith.constant 1 : i32
        %broadcast_in_dim3A_215 = vector.broadcast %broadcast_in_dim3A_214 : i32 to vector<16x1xi32>
        %gather3A_216 = vector.shape_cast %broadcast_in_dim3A_215 : vector<16x1xi32> to vector<16xi32>
        %gather3A_217 = tpu.dynamic_gather %mul3A_166[%gather3A_216] in [0] : vector<16xi32>, vector<16xi32> -> vector<16xi32>
        %add3A_218 = arith.constant 0 : i32
        %add3A_219 = vector.broadcast %add3A_218 : i32 to vector<16xi32>
        %add3A_220 = arith.addi %iota3A, %add3A_219 : vector<16xi32>
        %add3A_221 = arith.addi %gather3A_217, %add3A_220 : vector<16xi32>
        %gather3A_222 = tpu.vector_load_idx %arg6[%add3A_221] : memref<64000xf32, #tpu.memory_space<vmem>>[vector<16xi32>], vector<16xf32>,
        %add3A_223 = arith.constant 64 : i32
        %add3A_224 = arith.addi %mul3A_168, %add3A_223 : i32
        %add3A_225 = arith.constant 0 : i32
        %add3A_226 = arith.addi %add3A_224, %add3A_225 : i32
        %swap3A_227 = arith.index_cast %add3A_226 : i32 to index
        %swap3A_228 = tpu.vector_load %arg7[%swap3A_227] {strides = array<i32>} : memref<16384xf32, #tpu.memory_space<vmem>>, vector<16xf32>,
        tpu.vector_store %arg7[%swap3A_227], %gather3A_222 {add = true, strides = array<i32>} : memref<16384xf32, #tpu.memory_space<vmem>>, vector<16xf32>,
        %add3A_229 = arith.constant 16 : i32
        %add3A_230 = vector.broadcast %add3A_229 : i32 to vector<16xi32>
        %add3A_231 = arith.addi %iota3A, %add3A_230 : vector<16xi32>
        %add3A_232 = arith.addi %gather3A_217, %add3A_231 : vector<16xi32>
        %gather3A_233 = tpu.vector_load_idx %arg6[%add3A_232] : memref<64000xf32, #tpu.memory_space<vmem>>[vector<16xi32>], vector<16xf32>,
        %add3A_234 = arith.constant 64 : i32
        %add3A_235 = arith.addi %mul3A_168, %add3A_234 : i32
        %add3A_236 = arith.constant 16 : i32
        %add3A_237 = arith.addi %add3A_235, %add3A_236 : i32
        %swap3A_238 = arith.index_cast %add3A_237 : i32 to index
        %swap3A_239 = tpu.vector_load %arg7[%swap3A_238] {strides = array<i32>} : memref<16384xf32, #tpu.memory_space<vmem>>, vector<16xf32>,
        tpu.vector_store %arg7[%swap3A_238], %gather3A_233 {add = true, strides = array<i32>} : memref<16384xf32, #tpu.memory_space<vmem>>, vector<16xf32>,
        %add3A_240 = arith.constant 32 : i32
        %add3A_241 = vector.broadcast %add3A_240 : i32 to vector<16xi32>
        %add3A_242 = arith.addi %iota3A, %add3A_241 : vector<16xi32>
        %add3A_243 = arith.addi %gather3A_217, %add3A_242 : vector<16xi32>
        %gather3A_244 = tpu.vector_load_idx %arg6[%add3A_243] : memref<64000xf32, #tpu.memory_space<vmem>>[vector<16xi32>], vector<16xf32>,
        %add3A_245 = arith.constant 64 : i32
        %add3A_246 = arith.addi %mul3A_168, %add3A_245 : i32
        %add3A_247 = arith.constant 32 : i32
        %add3A_248 = arith.addi %add3A_246, %add3A_247 : i32
        %swap3A_249 = arith.index_cast %add3A_248 : i32 to index
        %swap3A_250 = tpu.vector_load %arg7[%swap3A_249] {strides = array<i32>} : memref<16384xf32, #tpu.memory_space<vmem>>, vector<16xf32>,
        tpu.vector_store %arg7[%swap3A_249], %gather3A_244 {add = true, strides = array<i32>} : memref<16384xf32, #tpu.memory_space<vmem>>, vector<16xf32>,
        %add3A_251 = arith.constant 48 : i32
        %add3A_252 = vector.broadcast %add3A_251 : i32 to vector<16xi32>
        %add3A_253 = arith.addi %iota3A, %add3A_252 : vector<16xi32>
        %add3A_254 = arith.addi %gather3A_217, %add3A_253 : vector<16xi32>
        %gather3A_255 = tpu.vector_load_idx %arg6[%add3A_254] : memref<64000xf32, #tpu.memory_space<vmem>>[vector<16xi32>], vector<16xf32>,
        %add3A_256 = arith.constant 64 : i32
        %add3A_257 = arith.addi %mul3A_168, %add3A_256 : i32
        %add3A_258 = arith.constant 48 : i32
        %add3A_259 = arith.addi %add3A_257, %add3A_258 : i32
        %swap3A_260 = arith.index_cast %add3A_259 : i32 to index
        %swap3A_261 = tpu.vector_load %arg7[%swap3A_260] {strides = array<i32>} : memref<16384xf32, #tpu.memory_space<vmem>>, vector<16xf32>,
        tpu.vector_store %arg7[%swap3A_260], %gather3A_255 {add = true, strides = array<i32>} : memref<16384xf32, #tpu.memory_space<vmem>>, vector<16xf32>,
        %broadcast_in_dim3A_262 = arith.constant 2 : i32
        %broadcast_in_dim3A_263 = vector.broadcast %broadcast_in_dim3A_262 : i32 to vector<16x1xi32>
        %gather3A_264 = vector.shape_cast %broadcast_in_dim3A_263 : vector<16x1xi32> to vector<16xi32>
        %gather3A_265 = tpu.dynamic_gather %mul3A_166[%gather3A_264] in [0] : vector<16xi32>, vector<16xi32> -> vector<16xi32>
        %add3A_266 = arith.constant 0 : i32
        %add3A_267 = vector.broadcast %add3A_266 : i32 to vector<16xi32>
        %add3A_268 = arith.addi %iota3A, %add3A_267 : vector<16xi32>
        %add3A_269 = arith.addi %gather3A_265, %add3A_268 : vector<16xi32>
        %gather3A_270 = tpu.vector_load_idx %arg6[%add3A_269] : memref<64000xf32, #tpu.memory_space<vmem>>[vector<16xi32>], vector<16xf32>,
        %add3A_271 = arith.constant 128 : i32
        %add3A_272 = arith.addi %mul3A_168, %add3A_271 : i32
        %add3A_273 = arith.constant 0 : i32
        %add3A_274 = arith.addi %add3A_272, %add3A_273 : i32
        %swap3A_275 = arith.index_cast %add3A_274 : i32 to index
        %swap3A_276 = tpu.vector_load %arg7[%swap3A_275] {strides = array<i32>} : memref<16384xf32, #tpu.memory_space<vmem>>, vector<16xf32>,
        tpu.vector_store %arg7[%swap3A_275], %gather3A_270 {add = true, strides = array<i32>} : memref<16384xf32, #tpu.memory_space<vmem>>, vector<16xf32>,
        %add3A_277 = arith.constant 16 : i32
        %add3A_278 = vector.broadcast %add3A_277 : i32 to vector<16xi32>
        %add3A_279 = arith.addi %iota3A, %add3A_278 : vector<16xi32>
        %add3A_280 = arith.addi %gather3A_265, %add3A_279 : vector<16xi32>
        %gather3A_281 = tpu.vector_load_idx %arg6[%add3A_280] : memref<64000xf32, #tpu.memory_space<vmem>>[vector<16xi32>], vector<16xf32>,
        %add3A_282 = arith.constant 128 : i32
        %add3A_283 = arith.addi %mul3A_168, %add3A_282 : i32
        %add3A_284 = arith.constant 16 : i32
        %add3A_285 = arith.addi %add3A_283, %add3A_284 : i32
        %swap3A_286 = arith.index_cast %add3A_285 : i32 to index
        %swap3A_287 = tpu.vector_load %arg7[%swap3A_286] {strides = array<i32>} : memref<16384xf32, #tpu.memory_space<vmem>>, vector<16xf32>,
        tpu.vector_store %arg7[%swap3A_286], %gather3A_281 {add = true, strides = array<i32>} : memref<16384xf32, #tpu.memory_space<vmem>>, vector<16xf32>,
        %add3A_288 = arith.constant 32 : i32
        %add3A_289 = vector.broadcast %add3A_288 : i32 to vector<16xi32>
        %add3A_290 = arith.addi %iota3A, %add3A_289 : vector<16xi32>
        %add3A_291 = arith.addi %gather3A_265, %add3A_290 : vector<16xi32>
        %gather3A_292 = tpu.vector_load_idx %arg6[%add3A_291] : memref<64000xf32, #tpu.memory_space<vmem>>[vector<16xi32>], vector<16xf32>,
        %add3A_293 = arith.constant 128 : i32
        %add3A_294 = arith.addi %mul3A_168, %add3A_293 : i32
        %add3A_295 = arith.constant 32 : i32
        %add3A_296 = arith.addi %add3A_294, %add3A_295 : i32
        %swap3A_297 = arith.index_cast %add3A_296 : i32 to index
        %swap3A_298 = tpu.vector_load %arg7[%swap3A_297] {strides = array<i32>} : memref<16384xf32, #tpu.memory_space<vmem>>, vector<16xf32>,
        tpu.vector_store %arg7[%swap3A_297], %gather3A_292 {add = true, strides = array<i32>} : memref<16384xf32, #tpu.memory_space<vmem>>, vector<16xf32>,
        %add3A_299 = arith.constant 48 : i32
        %add3A_300 = vector.broadcast %add3A_299 : i32 to vector<16xi32>
        %add3A_301 = arith.addi %iota3A, %add3A_300 : vector<16xi32>
        %add3A_302 = arith.addi %gather3A_265, %add3A_301 : vector<16xi32>
        %gather3A_303 = tpu.vector_load_idx %arg6[%add3A_302] : memref<64000xf32, #tpu.memory_space<vmem>>[vector<16xi32>], vector<16xf32>,
        %add3A_304 = arith.constant 128 : i32
        %add3A_305 = arith.addi %mul3A_168, %add3A_304 : i32
        %add3A_306 = arith.constant 48 : i32
        %add3A_307 = arith.addi %add3A_305, %add3A_306 : i32
        %swap3A_308 = arith.index_cast %add3A_307 : i32 to index
        %swap3A_309 = tpu.vector_load %arg7[%swap3A_308] {strides = array<i32>} : memref<16384xf32, #tpu.memory_space<vmem>>, vector<16xf32>,
        tpu.vector_store %arg7[%swap3A_308], %gather3A_303 {add = true, strides = array<i32>} : memref<16384xf32, #tpu.memory_space<vmem>>, vector<16xf32>,
        %broadcast_in_dim3A_310 = arith.constant 3 : i32
        %broadcast_in_dim3A_311 = vector.broadcast %broadcast_in_dim3A_310 : i32 to vector<16x1xi32>
        %gather3A_312 = vector.shape_cast %broadcast_in_dim3A_311 : vector<16x1xi32> to vector<16xi32>
        %gather3A_313 = tpu.dynamic_gather %mul3A_166[%gather3A_312] in [0] : vector<16xi32>, vector<16xi32> -> vector<16xi32>
        %add3A_314 = arith.constant 0 : i32
        %add3A_315 = vector.broadcast %add3A_314 : i32 to vector<16xi32>
        %add3A_316 = arith.addi %iota3A, %add3A_315 : vector<16xi32>
        %add3A_317 = arith.addi %gather3A_313, %add3A_316 : vector<16xi32>
        %gather3A_318 = tpu.vector_load_idx %arg6[%add3A_317] : memref<64000xf32, #tpu.memory_space<vmem>>[vector<16xi32>], vector<16xf32>,
        %add3A_319 = arith.constant 192 : i32
        %add3A_320 = arith.addi %mul3A_168, %add3A_319 : i32
        %add3A_321 = arith.constant 0 : i32
        %add3A_322 = arith.addi %add3A_320, %add3A_321 : i32
        %swap3A_323 = arith.index_cast %add3A_322 : i32 to index
        %swap3A_324 = tpu.vector_load %arg7[%swap3A_323] {strides = array<i32>} : memref<16384xf32, #tpu.memory_space<vmem>>, vector<16xf32>,
        tpu.vector_store %arg7[%swap3A_323], %gather3A_318 {add = true, strides = array<i32>} : memref<16384xf32, #tpu.memory_space<vmem>>, vector<16xf32>,
        %add3A_325 = arith.constant 16 : i32
        %add3A_326 = vector.broadcast %add3A_325 : i32 to vector<16xi32>
        %add3A_327 = arith.addi %iota3A, %add3A_326 : vector<16xi32>
        %add3A_328 = arith.addi %gather3A_313, %add3A_327 : vector<16xi32>
        %gather3A_329 = tpu.vector_load_idx %arg6[%add3A_328] : memref<64000xf32, #tpu.memory_space<vmem>>[vector<16xi32>], vector<16xf32>,
        %add3A_330 = arith.constant 192 : i32
        %add3A_331 = arith.addi %mul3A_168, %add3A_330 : i32
        %add3A_332 = arith.constant 16 : i32
        %add3A_333 = arith.addi %add3A_331, %add3A_332 : i32
        %swap3A_334 = arith.index_cast %add3A_333 : i32 to index
        %swap3A_335 = tpu.vector_load %arg7[%swap3A_334] {strides = array<i32>} : memref<16384xf32, #tpu.memory_space<vmem>>, vector<16xf32>,
        tpu.vector_store %arg7[%swap3A_334], %gather3A_329 {add = true, strides = array<i32>} : memref<16384xf32, #tpu.memory_space<vmem>>, vector<16xf32>,
        %add3A_336 = arith.constant 32 : i32
        %add3A_337 = vector.broadcast %add3A_336 : i32 to vector<16xi32>
        %add3A_338 = arith.addi %iota3A, %add3A_337 : vector<16xi32>
        %add3A_339 = arith.addi %gather3A_313, %add3A_338 : vector<16xi32>
        %gather3A_340 = tpu.vector_load_idx %arg6[%add3A_339] : memref<64000xf32, #tpu.memory_space<vmem>>[vector<16xi32>], vector<16xf32>,
        %add3A_341 = arith.constant 192 : i32
        %add3A_342 = arith.addi %mul3A_168, %add3A_341 : i32
        %add3A_343 = arith.constant 32 : i32
        %add3A_344 = arith.addi %add3A_342, %add3A_343 : i32
        %swap3A_345 = arith.index_cast %add3A_344 : i32 to index
        %swap3A_346 = tpu.vector_load %arg7[%swap3A_345] {strides = array<i32>} : memref<16384xf32, #tpu.memory_space<vmem>>, vector<16xf32>,
        tpu.vector_store %arg7[%swap3A_345], %gather3A_340 {add = true, strides = array<i32>} : memref<16384xf32, #tpu.memory_space<vmem>>, vector<16xf32>,
        %add3A_347 = arith.constant 48 : i32
        %add3A_348 = vector.broadcast %add3A_347 : i32 to vector<16xi32>
        %add3A_349 = arith.addi %iota3A, %add3A_348 : vector<16xi32>
        %add3A_350 = arith.addi %gather3A_313, %add3A_349 : vector<16xi32>
        %gather3A_351 = tpu.vector_load_idx %arg6[%add3A_350] : memref<64000xf32, #tpu.memory_space<vmem>>[vector<16xi32>], vector<16xf32>,
        %add3A_352 = arith.constant 192 : i32
        %add3A_353 = arith.addi %mul3A_168, %add3A_352 : i32
        %add3A_354 = arith.constant 48 : i32
        %add3A_355 = arith.addi %add3A_353, %add3A_354 : i32
        %swap3A_356 = arith.index_cast %add3A_355 : i32 to index
        %swap3A_357 = tpu.vector_load %arg7[%swap3A_356] {strides = array<i32>} : memref<16384xf32, #tpu.memory_space<vmem>>, vector<16xf32>,
        tpu.vector_store %arg7[%swap3A_356], %gather3A_351 {add = true, strides = array<i32>} : memref<16384xf32, #tpu.memory_space<vmem>>, vector<16xf32>,
        %broadcast_in_dim3A_358 = arith.constant 4 : i32
        %broadcast_in_dim3A_359 = vector.broadcast %broadcast_in_dim3A_358 : i32 to vector<16x1xi32>
        %gather3A_360 = vector.shape_cast %broadcast_in_dim3A_359 : vector<16x1xi32> to vector<16xi32>
        %gather3A_361 = tpu.dynamic_gather %mul3A_166[%gather3A_360] in [0] : vector<16xi32>, vector<16xi32> -> vector<16xi32>
        %add3A_362 = arith.constant 0 : i32
        %add3A_363 = vector.broadcast %add3A_362 : i32 to vector<16xi32>
        %add3A_364 = arith.addi %iota3A, %add3A_363 : vector<16xi32>
        %add3A_365 = arith.addi %gather3A_361, %add3A_364 : vector<16xi32>
        %gather3A_366 = tpu.vector_load_idx %arg6[%add3A_365] : memref<64000xf32, #tpu.memory_space<vmem>>[vector<16xi32>], vector<16xf32>,
        %add3A_367 = arith.constant 256 : i32
        %add3A_368 = arith.addi %mul3A_168, %add3A_367 : i32
        %add3A_369 = arith.constant 0 : i32
        %add3A_370 = arith.addi %add3A_368, %add3A_369 : i32
        %swap3A_371 = arith.index_cast %add3A_370 : i32 to index
        %swap3A_372 = tpu.vector_load %arg7[%swap3A_371] {strides = array<i32>} : memref<16384xf32, #tpu.memory_space<vmem>>, vector<16xf32>,
        tpu.vector_store %arg7[%swap3A_371], %gather3A_366 {add = true, strides = array<i32>} : memref<16384xf32, #tpu.memory_space<vmem>>, vector<16xf32>,
        %add3A_373 = arith.constant 16 : i32
        %add3A_374 = vector.broadcast %add3A_373 : i32 to vector<16xi32>
        %add3A_375 = arith.addi %iota3A, %add3A_374 : vector<16xi32>
        %add3A_376 = arith.addi %gather3A_361, %add3A_375 : vector<16xi32>
        %gather3A_377 = tpu.vector_load_idx %arg6[%add3A_376] : memref<64000xf32, #tpu.memory_space<vmem>>[vector<16xi32>], vector<16xf32>,
        %add3A_378 = arith.constant 256 : i32
        %add3A_379 = arith.addi %mul3A_168, %add3A_378 : i32
        %add3A_380 = arith.constant 16 : i32
        %add3A_381 = arith.addi %add3A_379, %add3A_380 : i32
        %swap3A_382 = arith.index_cast %add3A_381 : i32 to index
        %swap3A_383 = tpu.vector_load %arg7[%swap3A_382] {strides = array<i32>} : memref<16384xf32, #tpu.memory_space<vmem>>, vector<16xf32>,
        tpu.vector_store %arg7[%swap3A_382], %gather3A_377 {add = true, strides = array<i32>} : memref<16384xf32, #tpu.memory_space<vmem>>, vector<16xf32>,
        %add3A_384 = arith.constant 32 : i32
        %add3A_385 = vector.broadcast %add3A_384 : i32 to vector<16xi32>
        %add3A_386 = arith.addi %iota3A, %add3A_385 : vector<16xi32>
        %add3A_387 = arith.addi %gather3A_361, %add3A_386 : vector<16xi32>
        %gather3A_388 = tpu.vector_load_idx %arg6[%add3A_387] : memref<64000xf32, #tpu.memory_space<vmem>>[vector<16xi32>], vector<16xf32>,
        %add3A_389 = arith.constant 256 : i32
        %add3A_390 = arith.addi %mul3A_168, %add3A_389 : i32
        %add3A_391 = arith.constant 32 : i32
        %add3A_392 = arith.addi %add3A_390, %add3A_391 : i32
        %swap3A_393 = arith.index_cast %add3A_392 : i32 to index
        %swap3A_394 = tpu.vector_load %arg7[%swap3A_393] {strides = array<i32>} : memref<16384xf32, #tpu.memory_space<vmem>>, vector<16xf32>,
        tpu.vector_store %arg7[%swap3A_393], %gather3A_388 {add = true, strides = array<i32>} : memref<16384xf32, #tpu.memory_space<vmem>>, vector<16xf32>,
        %add3A_395 = arith.constant 48 : i32
        %add3A_396 = vector.broadcast %add3A_395 : i32 to vector<16xi32>
        %add3A_397 = arith.addi %iota3A, %add3A_396 : vector<16xi32>
        %add3A_398 = arith.addi %gather3A_361, %add3A_397 : vector<16xi32>
        %gather3A_399 = tpu.vector_load_idx %arg6[%add3A_398] : memref<64000xf32, #tpu.memory_space<vmem>>[vector<16xi32>], vector<16xf32>,
        %add3A_400 = arith.constant 256 : i32
        %add3A_401 = arith.addi %mul3A_168, %add3A_400 : i32
        %add3A_402 = arith.constant 48 : i32
        %add3A_403 = arith.addi %add3A_401, %add3A_402 : i32
        %swap3A_404 = arith.index_cast %add3A_403 : i32 to index
        %swap3A_405 = tpu.vector_load %arg7[%swap3A_404] {strides = array<i32>} : memref<16384xf32, #tpu.memory_space<vmem>>, vector<16xf32>,
        tpu.vector_store %arg7[%swap3A_404], %gather3A_399 {add = true, strides = array<i32>} : memref<16384xf32, #tpu.memory_space<vmem>>, vector<16xf32>,
        %broadcast_in_dim3A_406 = arith.constant 5 : i32
        %broadcast_in_dim3A_407 = vector.broadcast %broadcast_in_dim3A_406 : i32 to vector<16x1xi32>
        %gather3A_408 = vector.shape_cast %broadcast_in_dim3A_407 : vector<16x1xi32> to vector<16xi32>
        %gather3A_409 = tpu.dynamic_gather %mul3A_166[%gather3A_408] in [0] : vector<16xi32>, vector<16xi32> -> vector<16xi32>
        %add3A_410 = arith.constant 0 : i32
        %add3A_411 = vector.broadcast %add3A_410 : i32 to vector<16xi32>
        %add3A_412 = arith.addi %iota3A, %add3A_411 : vector<16xi32>
        %add3A_413 = arith.addi %gather3A_409, %add3A_412 : vector<16xi32>
        %gather3A_414 = tpu.vector_load_idx %arg6[%add3A_413] : memref<64000xf32, #tpu.memory_space<vmem>>[vector<16xi32>], vector<16xf32>,
        %add3A_415 = arith.constant 320 : i32
        %add3A_416 = arith.addi %mul3A_168, %add3A_415 : i32
        %add3A_417 = arith.constant 0 : i32
        %add3A_418 = arith.addi %add3A_416, %add3A_417 : i32
        %swap3A_419 = arith.index_cast %add3A_418 : i32 to index
        %swap3A_420 = tpu.vector_load %arg7[%swap3A_419] {strides = array<i32>} : memref<16384xf32, #tpu.memory_space<vmem>>, vector<16xf32>,
        tpu.vector_store %arg7[%swap3A_419], %gather3A_414 {add = true, strides = array<i32>} : memref<16384xf32, #tpu.memory_space<vmem>>, vector<16xf32>,
        %add3A_421 = arith.constant 16 : i32
        %add3A_422 = vector.broadcast %add3A_421 : i32 to vector<16xi32>
        %add3A_423 = arith.addi %iota3A, %add3A_422 : vector<16xi32>
        %add3A_424 = arith.addi %gather3A_409, %add3A_423 : vector<16xi32>
        %gather3A_425 = tpu.vector_load_idx %arg6[%add3A_424] : memref<64000xf32, #tpu.memory_space<vmem>>[vector<16xi32>], vector<16xf32>,
        %add3A_426 = arith.constant 320 : i32
        %add3A_427 = arith.addi %mul3A_168, %add3A_426 : i32
        %add3A_428 = arith.constant 16 : i32
        %add3A_429 = arith.addi %add3A_427, %add3A_428 : i32
        %swap3A_430 = arith.index_cast %add3A_429 : i32 to index
        %swap3A_431 = tpu.vector_load %arg7[%swap3A_430] {strides = array<i32>} : memref<16384xf32, #tpu.memory_space<vmem>>, vector<16xf32>,
        tpu.vector_store %arg7[%swap3A_430], %gather3A_425 {add = true, strides = array<i32>} : memref<16384xf32, #tpu.memory_space<vmem>>, vector<16xf32>,
        %add3A_432 = arith.constant 32 : i32
        %add3A_433 = vector.broadcast %add3A_432 : i32 to vector<16xi32>
        %add3A_434 = arith.addi %iota3A, %add3A_433 : vector<16xi32>
        %add3A_435 = arith.addi %gather3A_409, %add3A_434 : vector<16xi32>
        %gather3A_436 = tpu.vector_load_idx %arg6[%add3A_435] : memref<64000xf32, #tpu.memory_space<vmem>>[vector<16xi32>], vector<16xf32>,
        %add3A_437 = arith.constant 320 : i32
        %add3A_438 = arith.addi %mul3A_168, %add3A_437 : i32
        %add3A_439 = arith.constant 32 : i32
        %add3A_440 = arith.addi %add3A_438, %add3A_439 : i32
        %swap3A_441 = arith.index_cast %add3A_440 : i32 to index
        %swap3A_442 = tpu.vector_load %arg7[%swap3A_441] {strides = array<i32>} : memref<16384xf32, #tpu.memory_space<vmem>>, vector<16xf32>,
        tpu.vector_store %arg7[%swap3A_441], %gather3A_436 {add = true, strides = array<i32>} : memref<16384xf32, #tpu.memory_space<vmem>>, vector<16xf32>,
        %add3A_443 = arith.constant 48 : i32
        %add3A_444 = vector.broadcast %add3A_443 : i32 to vector<16xi32>
        %add3A_445 = arith.addi %iota3A, %add3A_444 : vector<16xi32>
        %add3A_446 = arith.addi %gather3A_409, %add3A_445 : vector<16xi32>
        %gather3A_447 = tpu.vector_load_idx %arg6[%add3A_446] : memref<64000xf32, #tpu.memory_space<vmem>>[vector<16xi32>], vector<16xf32>,
        %add3A_448 = arith.constant 320 : i32
        %add3A_449 = arith.addi %mul3A_168, %add3A_448 : i32
        %add3A_450 = arith.constant 48 : i32
        %add3A_451 = arith.addi %add3A_449, %add3A_450 : i32
        %swap3A_452 = arith.index_cast %add3A_451 : i32 to index
        %swap3A_453 = tpu.vector_load %arg7[%swap3A_452] {strides = array<i32>} : memref<16384xf32, #tpu.memory_space<vmem>>, vector<16xf32>,
        tpu.vector_store %arg7[%swap3A_452], %gather3A_447 {add = true, strides = array<i32>} : memref<16384xf32, #tpu.memory_space<vmem>>, vector<16xf32>,
        %broadcast_in_dim3A_454 = arith.constant 6 : i32
        %broadcast_in_dim3A_455 = vector.broadcast %broadcast_in_dim3A_454 : i32 to vector<16x1xi32>
        %gather3A_456 = vector.shape_cast %broadcast_in_dim3A_455 : vector<16x1xi32> to vector<16xi32>
        %gather3A_457 = tpu.dynamic_gather %mul3A_166[%gather3A_456] in [0] : vector<16xi32>, vector<16xi32> -> vector<16xi32>
        %add3A_458 = arith.constant 0 : i32
        %add3A_459 = vector.broadcast %add3A_458 : i32 to vector<16xi32>
        %add3A_460 = arith.addi %iota3A, %add3A_459 : vector<16xi32>
        %add3A_461 = arith.addi %gather3A_457, %add3A_460 : vector<16xi32>
        %gather3A_462 = tpu.vector_load_idx %arg6[%add3A_461] : memref<64000xf32, #tpu.memory_space<vmem>>[vector<16xi32>], vector<16xf32>,
        %add3A_463 = arith.constant 384 : i32
        %add3A_464 = arith.addi %mul3A_168, %add3A_463 : i32
        %add3A_465 = arith.constant 0 : i32
        %add3A_466 = arith.addi %add3A_464, %add3A_465 : i32
        %swap3A_467 = arith.index_cast %add3A_466 : i32 to index
        %swap3A_468 = tpu.vector_load %arg7[%swap3A_467] {strides = array<i32>} : memref<16384xf32, #tpu.memory_space<vmem>>, vector<16xf32>,
        tpu.vector_store %arg7[%swap3A_467], %gather3A_462 {add = true, strides = array<i32>} : memref<16384xf32, #tpu.memory_space<vmem>>, vector<16xf32>,
        %add3A_469 = arith.constant 16 : i32
        %add3A_470 = vector.broadcast %add3A_469 : i32 to vector<16xi32>
        %add3A_471 = arith.addi %iota3A, %add3A_470 : vector<16xi32>
        %add3A_472 = arith.addi %gather3A_457, %add3A_471 : vector<16xi32>
        %gather3A_473 = tpu.vector_load_idx %arg6[%add3A_472] : memref<64000xf32, #tpu.memory_space<vmem>>[vector<16xi32>], vector<16xf32>,
        %add3A_474 = arith.constant 384 : i32
        %add3A_475 = arith.addi %mul3A_168, %add3A_474 : i32
        %add3A_476 = arith.constant 16 : i32
        %add3A_477 = arith.addi %add3A_475, %add3A_476 : i32
        %swap3A_478 = arith.index_cast %add3A_477 : i32 to index
        %swap3A_479 = tpu.vector_load %arg7[%swap3A_478] {strides = array<i32>} : memref<16384xf32, #tpu.memory_space<vmem>>, vector<16xf32>,
        tpu.vector_store %arg7[%swap3A_478], %gather3A_473 {add = true, strides = array<i32>} : memref<16384xf32, #tpu.memory_space<vmem>>, vector<16xf32>,
        %add3A_480 = arith.constant 32 : i32
        %add3A_481 = vector.broadcast %add3A_480 : i32 to vector<16xi32>
        %add3A_482 = arith.addi %iota3A, %add3A_481 : vector<16xi32>
        %add3A_483 = arith.addi %gather3A_457, %add3A_482 : vector<16xi32>
        %gather3A_484 = tpu.vector_load_idx %arg6[%add3A_483] : memref<64000xf32, #tpu.memory_space<vmem>>[vector<16xi32>], vector<16xf32>,
        %add3A_485 = arith.constant 384 : i32
        %add3A_486 = arith.addi %mul3A_168, %add3A_485 : i32
        %add3A_487 = arith.constant 32 : i32
        %add3A_488 = arith.addi %add3A_486, %add3A_487 : i32
        %swap3A_489 = arith.index_cast %add3A_488 : i32 to index
        %swap3A_490 = tpu.vector_load %arg7[%swap3A_489] {strides = array<i32>} : memref<16384xf32, #tpu.memory_space<vmem>>, vector<16xf32>,
        tpu.vector_store %arg7[%swap3A_489], %gather3A_484 {add = true, strides = array<i32>} : memref<16384xf32, #tpu.memory_space<vmem>>, vector<16xf32>,
        %add3A_491 = arith.constant 48 : i32
        %add3A_492 = vector.broadcast %add3A_491 : i32 to vector<16xi32>
        %add3A_493 = arith.addi %iota3A, %add3A_492 : vector<16xi32>
        %add3A_494 = arith.addi %gather3A_457, %add3A_493 : vector<16xi32>
        %gather3A_495 = tpu.vector_load_idx %arg6[%add3A_494] : memref<64000xf32, #tpu.memory_space<vmem>>[vector<16xi32>], vector<16xf32>,
        %add3A_496 = arith.constant 384 : i32
        %add3A_497 = arith.addi %mul3A_168, %add3A_496 : i32
        %add3A_498 = arith.constant 48 : i32
        %add3A_499 = arith.addi %add3A_497, %add3A_498 : i32
        %swap3A_500 = arith.index_cast %add3A_499 : i32 to index
        %swap3A_501 = tpu.vector_load %arg7[%swap3A_500] {strides = array<i32>} : memref<16384xf32, #tpu.memory_space<vmem>>, vector<16xf32>,
        tpu.vector_store %arg7[%swap3A_500], %gather3A_495 {add = true, strides = array<i32>} : memref<16384xf32, #tpu.memory_space<vmem>>, vector<16xf32>,
        %broadcast_in_dim3A_502 = arith.constant 7 : i32
        %broadcast_in_dim3A_503 = vector.broadcast %broadcast_in_dim3A_502 : i32 to vector<16x1xi32>
        %gather3A_504 = vector.shape_cast %broadcast_in_dim3A_503 : vector<16x1xi32> to vector<16xi32>
        %gather3A_505 = tpu.dynamic_gather %mul3A_166[%gather3A_504] in [0] : vector<16xi32>, vector<16xi32> -> vector<16xi32>
        %add3A_506 = arith.constant 0 : i32
        %add3A_507 = vector.broadcast %add3A_506 : i32 to vector<16xi32>
        %add3A_508 = arith.addi %iota3A, %add3A_507 : vector<16xi32>
        %add3A_509 = arith.addi %gather3A_505, %add3A_508 : vector<16xi32>
        %gather3A_510 = tpu.vector_load_idx %arg6[%add3A_509] : memref<64000xf32, #tpu.memory_space<vmem>>[vector<16xi32>], vector<16xf32>,
        %add3A_511 = arith.constant 448 : i32
        %add3A_512 = arith.addi %mul3A_168, %add3A_511 : i32
        %add3A_513 = arith.constant 0 : i32
        %add3A_514 = arith.addi %add3A_512, %add3A_513 : i32
        %swap3A_515 = arith.index_cast %add3A_514 : i32 to index
        %swap3A_516 = tpu.vector_load %arg7[%swap3A_515] {strides = array<i32>} : memref<16384xf32, #tpu.memory_space<vmem>>, vector<16xf32>,
        tpu.vector_store %arg7[%swap3A_515], %gather3A_510 {add = true, strides = array<i32>} : memref<16384xf32, #tpu.memory_space<vmem>>, vector<16xf32>,
        %add3A_517 = arith.constant 16 : i32
        %add3A_518 = vector.broadcast %add3A_517 : i32 to vector<16xi32>
        %add3A_519 = arith.addi %iota3A, %add3A_518 : vector<16xi32>
        %add3A_520 = arith.addi %gather3A_505, %add3A_519 : vector<16xi32>
        %gather3A_521 = tpu.vector_load_idx %arg6[%add3A_520] : memref<64000xf32, #tpu.memory_space<vmem>>[vector<16xi32>], vector<16xf32>,
        %add3A_522 = arith.constant 448 : i32
        %add3A_523 = arith.addi %mul3A_168, %add3A_522 : i32
        %add3A_524 = arith.constant 16 : i32
        %add3A_525 = arith.addi %add3A_523, %add3A_524 : i32
        %swap3A_526 = arith.index_cast %add3A_525 : i32 to index
        %swap3A_527 = tpu.vector_load %arg7[%swap3A_526] {strides = array<i32>} : memref<16384xf32, #tpu.memory_space<vmem>>, vector<16xf32>,
        tpu.vector_store %arg7[%swap3A_526], %gather3A_521 {add = true, strides = array<i32>} : memref<16384xf32, #tpu.memory_space<vmem>>, vector<16xf32>,
        %add3A_528 = arith.constant 32 : i32
        %add3A_529 = vector.broadcast %add3A_528 : i32 to vector<16xi32>
        %add3A_530 = arith.addi %iota3A, %add3A_529 : vector<16xi32>
        %add3A_531 = arith.addi %gather3A_505, %add3A_530 : vector<16xi32>
        %gather3A_532 = tpu.vector_load_idx %arg6[%add3A_531] : memref<64000xf32, #tpu.memory_space<vmem>>[vector<16xi32>], vector<16xf32>,
        %add3A_533 = arith.constant 448 : i32
        %add3A_534 = arith.addi %mul3A_168, %add3A_533 : i32
        %add3A_535 = arith.constant 32 : i32
        %add3A_536 = arith.addi %add3A_534, %add3A_535 : i32
        %swap3A_537 = arith.index_cast %add3A_536 : i32 to index
        %swap3A_538 = tpu.vector_load %arg7[%swap3A_537] {strides = array<i32>} : memref<16384xf32, #tpu.memory_space<vmem>>, vector<16xf32>,
        tpu.vector_store %arg7[%swap3A_537], %gather3A_532 {add = true, strides = array<i32>} : memref<16384xf32, #tpu.memory_space<vmem>>, vector<16xf32>,
        %add3A_539 = arith.constant 48 : i32
        %add3A_540 = vector.broadcast %add3A_539 : i32 to vector<16xi32>
        %add3A_541 = arith.addi %iota3A, %add3A_540 : vector<16xi32>
        %add3A_542 = arith.addi %gather3A_505, %add3A_541 : vector<16xi32>
        %gather3A_543 = tpu.vector_load_idx %arg6[%add3A_542] : memref<64000xf32, #tpu.memory_space<vmem>>[vector<16xi32>], vector<16xf32>,
        %add3A_544 = arith.constant 448 : i32
        %add3A_545 = arith.addi %mul3A_168, %add3A_544 : i32
        %add3A_546 = arith.constant 48 : i32
        %add3A_547 = arith.addi %add3A_545, %add3A_546 : i32
        %swap3A_548 = arith.index_cast %add3A_547 : i32 to index
        %swap3A_549 = tpu.vector_load %arg7[%swap3A_548] {strides = array<i32>} : memref<16384xf32, #tpu.memory_space<vmem>>, vector<16xf32>,
        tpu.vector_store %arg7[%swap3A_548], %gather3A_543 {add = true, strides = array<i32>} : memref<16384xf32, #tpu.memory_space<vmem>>, vector<16xf32>,
        %broadcast_in_dim3A_550 = arith.constant 8 : i32
        %broadcast_in_dim3A_551 = vector.broadcast %broadcast_in_dim3A_550 : i32 to vector<16x1xi32>
        %gather3A_552 = vector.shape_cast %broadcast_in_dim3A_551 : vector<16x1xi32> to vector<16xi32>
        %gather3A_553 = tpu.dynamic_gather %mul3A_166[%gather3A_552] in [0] : vector<16xi32>, vector<16xi32> -> vector<16xi32>
        %add3A_554 = arith.constant 0 : i32
        %add3A_555 = vector.broadcast %add3A_554 : i32 to vector<16xi32>
        %add3A_556 = arith.addi %iota3A, %add3A_555 : vector<16xi32>
        %add3A_557 = arith.addi %gather3A_553, %add3A_556 : vector<16xi32>
        %gather3A_558 = tpu.vector_load_idx %arg6[%add3A_557] : memref<64000xf32, #tpu.memory_space<vmem>>[vector<16xi32>], vector<16xf32>,
        %add3A_559 = arith.constant 512 : i32
        %add3A_560 = arith.addi %mul3A_168, %add3A_559 : i32
        %add3A_561 = arith.constant 0 : i32
        %add3A_562 = arith.addi %add3A_560, %add3A_561 : i32
        %swap3A_563 = arith.index_cast %add3A_562 : i32 to index
        %swap3A_564 = tpu.vector_load %arg7[%swap3A_563] {strides = array<i32>} : memref<16384xf32, #tpu.memory_space<vmem>>, vector<16xf32>,
        tpu.vector_store %arg7[%swap3A_563], %gather3A_558 {add = true, strides = array<i32>} : memref<16384xf32, #tpu.memory_space<vmem>>, vector<16xf32>,
        %add3A_565 = arith.constant 16 : i32
        %add3A_566 = vector.broadcast %add3A_565 : i32 to vector<16xi32>
        %add3A_567 = arith.addi %iota3A, %add3A_566 : vector<16xi32>
        %add3A_568 = arith.addi %gather3A_553, %add3A_567 : vector<16xi32>
        %gather3A_569 = tpu.vector_load_idx %arg6[%add3A_568] : memref<64000xf32, #tpu.memory_space<vmem>>[vector<16xi32>], vector<16xf32>,
        %add3A_570 = arith.constant 512 : i32
        %add3A_571 = arith.addi %mul3A_168, %add3A_570 : i32
        %add3A_572 = arith.constant 16 : i32
        %add3A_573 = arith.addi %add3A_571, %add3A_572 : i32
        %swap3A_574 = arith.index_cast %add3A_573 : i32 to index
        %swap3A_575 = tpu.vector_load %arg7[%swap3A_574] {strides = array<i32>} : memref<16384xf32, #tpu.memory_space<vmem>>, vector<16xf32>,
        tpu.vector_store %arg7[%swap3A_574], %gather3A_569 {add = true, strides = array<i32>} : memref<16384xf32, #tpu.memory_space<vmem>>, vector<16xf32>,
        %add3A_576 = arith.constant 32 : i32
        %add3A_577 = vector.broadcast %add3A_576 : i32 to vector<16xi32>
        %add3A_578 = arith.addi %iota3A, %add3A_577 : vector<16xi32>
        %add3A_579 = arith.addi %gather3A_553, %add3A_578 : vector<16xi32>
        %gather3A_580 = tpu.vector_load_idx %arg6[%add3A_579] : memref<64000xf32, #tpu.memory_space<vmem>>[vector<16xi32>], vector<16xf32>,
        %add3A_581 = arith.constant 512 : i32
        %add3A_582 = arith.addi %mul3A_168, %add3A_581 : i32
        %add3A_583 = arith.constant 32 : i32
        %add3A_584 = arith.addi %add3A_582, %add3A_583 : i32
        %swap3A_585 = arith.index_cast %add3A_584 : i32 to index
        %swap3A_586 = tpu.vector_load %arg7[%swap3A_585] {strides = array<i32>} : memref<16384xf32, #tpu.memory_space<vmem>>, vector<16xf32>,
        tpu.vector_store %arg7[%swap3A_585], %gather3A_580 {add = true, strides = array<i32>} : memref<16384xf32, #tpu.memory_space<vmem>>, vector<16xf32>,
        %add3A_587 = arith.constant 48 : i32
        %add3A_588 = vector.broadcast %add3A_587 : i32 to vector<16xi32>
        %add3A_589 = arith.addi %iota3A, %add3A_588 : vector<16xi32>
        %add3A_590 = arith.addi %gather3A_553, %add3A_589 : vector<16xi32>
        %gather3A_591 = tpu.vector_load_idx %arg6[%add3A_590] : memref<64000xf32, #tpu.memory_space<vmem>>[vector<16xi32>], vector<16xf32>,
        %add3A_592 = arith.constant 512 : i32
        %add3A_593 = arith.addi %mul3A_168, %add3A_592 : i32
        %add3A_594 = arith.constant 48 : i32
        %add3A_595 = arith.addi %add3A_593, %add3A_594 : i32
        %swap3A_596 = arith.index_cast %add3A_595 : i32 to index
        %swap3A_597 = tpu.vector_load %arg7[%swap3A_596] {strides = array<i32>} : memref<16384xf32, #tpu.memory_space<vmem>>, vector<16xf32>,
        tpu.vector_store %arg7[%swap3A_596], %gather3A_591 {add = true, strides = array<i32>} : memref<16384xf32, #tpu.memory_space<vmem>>, vector<16xf32>,
        %broadcast_in_dim3A_598 = arith.constant 9 : i32
        %broadcast_in_dim3A_599 = vector.broadcast %broadcast_in_dim3A_598 : i32 to vector<16x1xi32>
        %gather3A_600 = vector.shape_cast %broadcast_in_dim3A_599 : vector<16x1xi32> to vector<16xi32>
        %gather3A_601 = tpu.dynamic_gather %mul3A_166[%gather3A_600] in [0] : vector<16xi32>, vector<16xi32> -> vector<16xi32>
        %add3A_602 = arith.constant 0 : i32
        %add3A_603 = vector.broadcast %add3A_602 : i32 to vector<16xi32>
        %add3A_604 = arith.addi %iota3A, %add3A_603 : vector<16xi32>
        %add3A_605 = arith.addi %gather3A_601, %add3A_604 : vector<16xi32>
        %gather3A_606 = tpu.vector_load_idx %arg6[%add3A_605] : memref<64000xf32, #tpu.memory_space<vmem>>[vector<16xi32>], vector<16xf32>,
        %add3A_607 = arith.constant 576 : i32
        %add3A_608 = arith.addi %mul3A_168, %add3A_607 : i32
        %add3A_609 = arith.constant 0 : i32
        %add3A_610 = arith.addi %add3A_608, %add3A_609 : i32
        %swap3A_611 = arith.index_cast %add3A_610 : i32 to index
        %swap3A_612 = tpu.vector_load %arg7[%swap3A_611] {strides = array<i32>} : memref<16384xf32, #tpu.memory_space<vmem>>, vector<16xf32>,
        tpu.vector_store %arg7[%swap3A_611], %gather3A_606 {add = true, strides = array<i32>} : memref<16384xf32, #tpu.memory_space<vmem>>, vector<16xf32>,
        %add3A_613 = arith.constant 16 : i32
        %add3A_614 = vector.broadcast %add3A_613 : i32 to vector<16xi32>
        %add3A_615 = arith.addi %iota3A, %add3A_614 : vector<16xi32>
        %add3A_616 = arith.addi %gather3A_601, %add3A_615 : vector<16xi32>
        %gather3A_617 = tpu.vector_load_idx %arg6[%add3A_616] : memref<64000xf32, #tpu.memory_space<vmem>>[vector<16xi32>], vector<16xf32>,
        %add3A_618 = arith.constant 576 : i32
        %add3A_619 = arith.addi %mul3A_168, %add3A_618 : i32
        %add3A_620 = arith.constant 16 : i32
        %add3A_621 = arith.addi %add3A_619, %add3A_620 : i32
        %swap3A_622 = arith.index_cast %add3A_621 : i32 to index
        %swap3A_623 = tpu.vector_load %arg7[%swap3A_622] {strides = array<i32>} : memref<16384xf32, #tpu.memory_space<vmem>>, vector<16xf32>,
        tpu.vector_store %arg7[%swap3A_622], %gather3A_617 {add = true, strides = array<i32>} : memref<16384xf32, #tpu.memory_space<vmem>>, vector<16xf32>,
        %add3A_624 = arith.constant 32 : i32
        %add3A_625 = vector.broadcast %add3A_624 : i32 to vector<16xi32>
        %add3A_626 = arith.addi %iota3A, %add3A_625 : vector<16xi32>
        %add3A_627 = arith.addi %gather3A_601, %add3A_626 : vector<16xi32>
        %gather3A_628 = tpu.vector_load_idx %arg6[%add3A_627] : memref<64000xf32, #tpu.memory_space<vmem>>[vector<16xi32>], vector<16xf32>,
        %add3A_629 = arith.constant 576 : i32
        %add3A_630 = arith.addi %mul3A_168, %add3A_629 : i32
        %add3A_631 = arith.constant 32 : i32
        %add3A_632 = arith.addi %add3A_630, %add3A_631 : i32
        %swap3A_633 = arith.index_cast %add3A_632 : i32 to index
        %swap3A_634 = tpu.vector_load %arg7[%swap3A_633] {strides = array<i32>} : memref<16384xf32, #tpu.memory_space<vmem>>, vector<16xf32>,
        tpu.vector_store %arg7[%swap3A_633], %gather3A_628 {add = true, strides = array<i32>} : memref<16384xf32, #tpu.memory_space<vmem>>, vector<16xf32>,
        %add3A_635 = arith.constant 48 : i32
        %add3A_636 = vector.broadcast %add3A_635 : i32 to vector<16xi32>
        %add3A_637 = arith.addi %iota3A, %add3A_636 : vector<16xi32>
        %add3A_638 = arith.addi %gather3A_601, %add3A_637 : vector<16xi32>
        %gather3A_639 = tpu.vector_load_idx %arg6[%add3A_638] : memref<64000xf32, #tpu.memory_space<vmem>>[vector<16xi32>], vector<16xf32>,
        %add3A_640 = arith.constant 576 : i32
        %add3A_641 = arith.addi %mul3A_168, %add3A_640 : i32
        %add3A_642 = arith.constant 48 : i32
        %add3A_643 = arith.addi %add3A_641, %add3A_642 : i32
        %swap3A_644 = arith.index_cast %add3A_643 : i32 to index
        %swap3A_645 = tpu.vector_load %arg7[%swap3A_644] {strides = array<i32>} : memref<16384xf32, #tpu.memory_space<vmem>>, vector<16xf32>,
        tpu.vector_store %arg7[%swap3A_644], %gather3A_639 {add = true, strides = array<i32>} : memref<16384xf32, #tpu.memory_space<vmem>>, vector<16xf32>,
        %broadcast_in_dim3A_646 = arith.constant 10 : i32
        %broadcast_in_dim3A_647 = vector.broadcast %broadcast_in_dim3A_646 : i32 to vector<16x1xi32>
        %gather3A_648 = vector.shape_cast %broadcast_in_dim3A_647 : vector<16x1xi32> to vector<16xi32>
        %gather3A_649 = tpu.dynamic_gather %mul3A_166[%gather3A_648] in [0] : vector<16xi32>, vector<16xi32> -> vector<16xi32>
        %add3A_650 = arith.constant 0 : i32
        %add3A_651 = vector.broadcast %add3A_650 : i32 to vector<16xi32>
        %add3A_652 = arith.addi %iota3A, %add3A_651 : vector<16xi32>
        %add3A_653 = arith.addi %gather3A_649, %add3A_652 : vector<16xi32>
        %gather3A_654 = tpu.vector_load_idx %arg6[%add3A_653] : memref<64000xf32, #tpu.memory_space<vmem>>[vector<16xi32>], vector<16xf32>,
        %add3A_655 = arith.constant 640 : i32
        %add3A_656 = arith.addi %mul3A_168, %add3A_655 : i32
        %add3A_657 = arith.constant 0 : i32
        %add3A_658 = arith.addi %add3A_656, %add3A_657 : i32
        %swap3A_659 = arith.index_cast %add3A_658 : i32 to index
        %swap3A_660 = tpu.vector_load %arg7[%swap3A_659] {strides = array<i32>} : memref<16384xf32, #tpu.memory_space<vmem>>, vector<16xf32>,
        tpu.vector_store %arg7[%swap3A_659], %gather3A_654 {add = true, strides = array<i32>} : memref<16384xf32, #tpu.memory_space<vmem>>, vector<16xf32>,
        %add3A_661 = arith.constant 16 : i32
        %add3A_662 = vector.broadcast %add3A_661 : i32 to vector<16xi32>
        %add3A_663 = arith.addi %iota3A, %add3A_662 : vector<16xi32>
        %add3A_664 = arith.addi %gather3A_649, %add3A_663 : vector<16xi32>
        %gather3A_665 = tpu.vector_load_idx %arg6[%add3A_664] : memref<64000xf32, #tpu.memory_space<vmem>>[vector<16xi32>], vector<16xf32>,
        %add3A_666 = arith.constant 640 : i32
        %add3A_667 = arith.addi %mul3A_168, %add3A_666 : i32
        %add3A_668 = arith.constant 16 : i32
        %add3A_669 = arith.addi %add3A_667, %add3A_668 : i32
        %swap3A_670 = arith.index_cast %add3A_669 : i32 to index
        %swap3A_671 = tpu.vector_load %arg7[%swap3A_670] {strides = array<i32>} : memref<16384xf32, #tpu.memory_space<vmem>>, vector<16xf32>,
        tpu.vector_store %arg7[%swap3A_670], %gather3A_665 {add = true, strides = array<i32>} : memref<16384xf32, #tpu.memory_space<vmem>>, vector<16xf32>,
        %add3A_672 = arith.constant 32 : i32
        %add3A_673 = vector.broadcast %add3A_672 : i32 to vector<16xi32>
        %add3A_674 = arith.addi %iota3A, %add3A_673 : vector<16xi32>
        %add3A_675 = arith.addi %gather3A_649, %add3A_674 : vector<16xi32>
        %gather3A_676 = tpu.vector_load_idx %arg6[%add3A_675] : memref<64000xf32, #tpu.memory_space<vmem>>[vector<16xi32>], vector<16xf32>,
        %add3A_677 = arith.constant 640 : i32
        %add3A_678 = arith.addi %mul3A_168, %add3A_677 : i32
        %add3A_679 = arith.constant 32 : i32
        %add3A_680 = arith.addi %add3A_678, %add3A_679 : i32
        %swap3A_681 = arith.index_cast %add3A_680 : i32 to index
        %swap3A_682 = tpu.vector_load %arg7[%swap3A_681] {strides = array<i32>} : memref<16384xf32, #tpu.memory_space<vmem>>, vector<16xf32>,
        tpu.vector_store %arg7[%swap3A_681], %gather3A_676 {add = true, strides = array<i32>} : memref<16384xf32, #tpu.memory_space<vmem>>, vector<16xf32>,
        %add3A_683 = arith.constant 48 : i32
        %add3A_684 = vector.broadcast %add3A_683 : i32 to vector<16xi32>
        %add3A_685 = arith.addi %iota3A, %add3A_684 : vector<16xi32>
        %add3A_686 = arith.addi %gather3A_649, %add3A_685 : vector<16xi32>
        %gather3A_687 = tpu.vector_load_idx %arg6[%add3A_686] : memref<64000xf32, #tpu.memory_space<vmem>>[vector<16xi32>], vector<16xf32>,
        %add3A_688 = arith.constant 640 : i32
        %add3A_689 = arith.addi %mul3A_168, %add3A_688 : i32
        %add3A_690 = arith.constant 48 : i32
        %add3A_691 = arith.addi %add3A_689, %add3A_690 : i32
        %swap3A_692 = arith.index_cast %add3A_691 : i32 to index
        %swap3A_693 = tpu.vector_load %arg7[%swap3A_692] {strides = array<i32>} : memref<16384xf32, #tpu.memory_space<vmem>>, vector<16xf32>,
        tpu.vector_store %arg7[%swap3A_692], %gather3A_687 {add = true, strides = array<i32>} : memref<16384xf32, #tpu.memory_space<vmem>>, vector<16xf32>,
        %broadcast_in_dim3A_694 = arith.constant 11 : i32
        %broadcast_in_dim3A_695 = vector.broadcast %broadcast_in_dim3A_694 : i32 to vector<16x1xi32>
        %gather3A_696 = vector.shape_cast %broadcast_in_dim3A_695 : vector<16x1xi32> to vector<16xi32>
        %gather3A_697 = tpu.dynamic_gather %mul3A_166[%gather3A_696] in [0] : vector<16xi32>, vector<16xi32> -> vector<16xi32>
        %add3A_698 = arith.constant 0 : i32
        %add3A_699 = vector.broadcast %add3A_698 : i32 to vector<16xi32>
        %add3A_700 = arith.addi %iota3A, %add3A_699 : vector<16xi32>
        %add3A_701 = arith.addi %gather3A_697, %add3A_700 : vector<16xi32>
        %gather3A_702 = tpu.vector_load_idx %arg6[%add3A_701] : memref<64000xf32, #tpu.memory_space<vmem>>[vector<16xi32>], vector<16xf32>,
        %add3A_703 = arith.constant 704 : i32
        %add3A_704 = arith.addi %mul3A_168, %add3A_703 : i32
        %add3A_705 = arith.constant 0 : i32
        %add3A_706 = arith.addi %add3A_704, %add3A_705 : i32
        %swap3A_707 = arith.index_cast %add3A_706 : i32 to index
        %swap3A_708 = tpu.vector_load %arg7[%swap3A_707] {strides = array<i32>} : memref<16384xf32, #tpu.memory_space<vmem>>, vector<16xf32>,
        tpu.vector_store %arg7[%swap3A_707], %gather3A_702 {add = true, strides = array<i32>} : memref<16384xf32, #tpu.memory_space<vmem>>, vector<16xf32>,
        %add3A_709 = arith.constant 16 : i32
        %add3A_710 = vector.broadcast %add3A_709 : i32 to vector<16xi32>
        %add3A_711 = arith.addi %iota3A, %add3A_710 : vector<16xi32>
        %add3A_712 = arith.addi %gather3A_697, %add3A_711 : vector<16xi32>
        %gather3A_713 = tpu.vector_load_idx %arg6[%add3A_712] : memref<64000xf32, #tpu.memory_space<vmem>>[vector<16xi32>], vector<16xf32>,
        %add3A_714 = arith.constant 704 : i32
        %add3A_715 = arith.addi %mul3A_168, %add3A_714 : i32
        %add3A_716 = arith.constant 16 : i32
        %add3A_717 = arith.addi %add3A_715, %add3A_716 : i32
        %swap3A_718 = arith.index_cast %add3A_717 : i32 to index
        %swap3A_719 = tpu.vector_load %arg7[%swap3A_718] {strides = array<i32>} : memref<16384xf32, #tpu.memory_space<vmem>>, vector<16xf32>,
        tpu.vector_store %arg7[%swap3A_718], %gather3A_713 {add = true, strides = array<i32>} : memref<16384xf32, #tpu.memory_space<vmem>>, vector<16xf32>,
        %add3A_720 = arith.constant 32 : i32
        %add3A_721 = vector.broadcast %add3A_720 : i32 to vector<16xi32>
        %add3A_722 = arith.addi %iota3A, %add3A_721 : vector<16xi32>
        %add3A_723 = arith.addi %gather3A_697, %add3A_722 : vector<16xi32>
        %gather3A_724 = tpu.vector_load_idx %arg6[%add3A_723] : memref<64000xf32, #tpu.memory_space<vmem>>[vector<16xi32>], vector<16xf32>,
        %add3A_725 = arith.constant 704 : i32
        %add3A_726 = arith.addi %mul3A_168, %add3A_725 : i32
        %add3A_727 = arith.constant 32 : i32
        %add3A_728 = arith.addi %add3A_726, %add3A_727 : i32
        %swap3A_729 = arith.index_cast %add3A_728 : i32 to index
        %swap3A_730 = tpu.vector_load %arg7[%swap3A_729] {strides = array<i32>} : memref<16384xf32, #tpu.memory_space<vmem>>, vector<16xf32>,
        tpu.vector_store %arg7[%swap3A_729], %gather3A_724 {add = true, strides = array<i32>} : memref<16384xf32, #tpu.memory_space<vmem>>, vector<16xf32>,
        %add3A_731 = arith.constant 48 : i32
        %add3A_732 = vector.broadcast %add3A_731 : i32 to vector<16xi32>
        %add3A_733 = arith.addi %iota3A, %add3A_732 : vector<16xi32>
        %add3A_734 = arith.addi %gather3A_697, %add3A_733 : vector<16xi32>
        %gather3A_735 = tpu.vector_load_idx %arg6[%add3A_734] : memref<64000xf32, #tpu.memory_space<vmem>>[vector<16xi32>], vector<16xf32>,
        %add3A_736 = arith.constant 704 : i32
        %add3A_737 = arith.addi %mul3A_168, %add3A_736 : i32
        %add3A_738 = arith.constant 48 : i32
        %add3A_739 = arith.addi %add3A_737, %add3A_738 : i32
        %swap3A_740 = arith.index_cast %add3A_739 : i32 to index
        %swap3A_741 = tpu.vector_load %arg7[%swap3A_740] {strides = array<i32>} : memref<16384xf32, #tpu.memory_space<vmem>>, vector<16xf32>,
        tpu.vector_store %arg7[%swap3A_740], %gather3A_735 {add = true, strides = array<i32>} : memref<16384xf32, #tpu.memory_space<vmem>>, vector<16xf32>,
        %broadcast_in_dim3A_742 = arith.constant 12 : i32
        %broadcast_in_dim3A_743 = vector.broadcast %broadcast_in_dim3A_742 : i32 to vector<16x1xi32>
        %gather3A_744 = vector.shape_cast %broadcast_in_dim3A_743 : vector<16x1xi32> to vector<16xi32>
        %gather3A_745 = tpu.dynamic_gather %mul3A_166[%gather3A_744] in [0] : vector<16xi32>, vector<16xi32> -> vector<16xi32>
        %add3A_746 = arith.constant 0 : i32
        %add3A_747 = vector.broadcast %add3A_746 : i32 to vector<16xi32>
        %add3A_748 = arith.addi %iota3A, %add3A_747 : vector<16xi32>
        %add3A_749 = arith.addi %gather3A_745, %add3A_748 : vector<16xi32>
        %gather3A_750 = tpu.vector_load_idx %arg6[%add3A_749] : memref<64000xf32, #tpu.memory_space<vmem>>[vector<16xi32>], vector<16xf32>,
        %add3A_751 = arith.constant 768 : i32
        %add3A_752 = arith.addi %mul3A_168, %add3A_751 : i32
        %add3A_753 = arith.constant 0 : i32
        %add3A_754 = arith.addi %add3A_752, %add3A_753 : i32
        %swap3A_755 = arith.index_cast %add3A_754 : i32 to index
        %swap3A_756 = tpu.vector_load %arg7[%swap3A_755] {strides = array<i32>} : memref<16384xf32, #tpu.memory_space<vmem>>, vector<16xf32>,
        tpu.vector_store %arg7[%swap3A_755], %gather3A_750 {add = true, strides = array<i32>} : memref<16384xf32, #tpu.memory_space<vmem>>, vector<16xf32>,
        %add3A_757 = arith.constant 16 : i32
        %add3A_758 = vector.broadcast %add3A_757 : i32 to vector<16xi32>
        %add3A_759 = arith.addi %iota3A, %add3A_758 : vector<16xi32>
        %add3A_760 = arith.addi %gather3A_745, %add3A_759 : vector<16xi32>
        %gather3A_761 = tpu.vector_load_idx %arg6[%add3A_760] : memref<64000xf32, #tpu.memory_space<vmem>>[vector<16xi32>], vector<16xf32>,
        %add3A_762 = arith.constant 768 : i32
        %add3A_763 = arith.addi %mul3A_168, %add3A_762 : i32
        %add3A_764 = arith.constant 16 : i32
        %add3A_765 = arith.addi %add3A_763, %add3A_764 : i32
        %swap3A_766 = arith.index_cast %add3A_765 : i32 to index
        %swap3A_767 = tpu.vector_load %arg7[%swap3A_766] {strides = array<i32>} : memref<16384xf32, #tpu.memory_space<vmem>>, vector<16xf32>,
        tpu.vector_store %arg7[%swap3A_766], %gather3A_761 {add = true, strides = array<i32>} : memref<16384xf32, #tpu.memory_space<vmem>>, vector<16xf32>,
        %add3A_768 = arith.constant 32 : i32
        %add3A_769 = vector.broadcast %add3A_768 : i32 to vector<16xi32>
        %add3A_770 = arith.addi %iota3A, %add3A_769 : vector<16xi32>
        %add3A_771 = arith.addi %gather3A_745, %add3A_770 : vector<16xi32>
        %gather3A_772 = tpu.vector_load_idx %arg6[%add3A_771] : memref<64000xf32, #tpu.memory_space<vmem>>[vector<16xi32>], vector<16xf32>,
        %add3A_773 = arith.constant 768 : i32
        %add3A_774 = arith.addi %mul3A_168, %add3A_773 : i32
        %add3A_775 = arith.constant 32 : i32
        %add3A_776 = arith.addi %add3A_774, %add3A_775 : i32
        %swap3A_777 = arith.index_cast %add3A_776 : i32 to index
        %swap3A_778 = tpu.vector_load %arg7[%swap3A_777] {strides = array<i32>} : memref<16384xf32, #tpu.memory_space<vmem>>, vector<16xf32>,
        tpu.vector_store %arg7[%swap3A_777], %gather3A_772 {add = true, strides = array<i32>} : memref<16384xf32, #tpu.memory_space<vmem>>, vector<16xf32>,
        %add3A_779 = arith.constant 48 : i32
        %add3A_780 = vector.broadcast %add3A_779 : i32 to vector<16xi32>
        %add3A_781 = arith.addi %iota3A, %add3A_780 : vector<16xi32>
        %add3A_782 = arith.addi %gather3A_745, %add3A_781 : vector<16xi32>
        %gather3A_783 = tpu.vector_load_idx %arg6[%add3A_782] : memref<64000xf32, #tpu.memory_space<vmem>>[vector<16xi32>], vector<16xf32>,
        %add3A_784 = arith.constant 768 : i32
        %add3A_785 = arith.addi %mul3A_168, %add3A_784 : i32
        %add3A_786 = arith.constant 48 : i32
        %add3A_787 = arith.addi %add3A_785, %add3A_786 : i32
        %swap3A_788 = arith.index_cast %add3A_787 : i32 to index
        %swap3A_789 = tpu.vector_load %arg7[%swap3A_788] {strides = array<i32>} : memref<16384xf32, #tpu.memory_space<vmem>>, vector<16xf32>,
        tpu.vector_store %arg7[%swap3A_788], %gather3A_783 {add = true, strides = array<i32>} : memref<16384xf32, #tpu.memory_space<vmem>>, vector<16xf32>,
        %broadcast_in_dim3A_790 = arith.constant 13 : i32
        %broadcast_in_dim3A_791 = vector.broadcast %broadcast_in_dim3A_790 : i32 to vector<16x1xi32>
        %gather3A_792 = vector.shape_cast %broadcast_in_dim3A_791 : vector<16x1xi32> to vector<16xi32>
        %gather3A_793 = tpu.dynamic_gather %mul3A_166[%gather3A_792] in [0] : vector<16xi32>, vector<16xi32> -> vector<16xi32>
        %add3A_794 = arith.constant 0 : i32
        %add3A_795 = vector.broadcast %add3A_794 : i32 to vector<16xi32>
        %add3A_796 = arith.addi %iota3A, %add3A_795 : vector<16xi32>
        %add3A_797 = arith.addi %gather3A_793, %add3A_796 : vector<16xi32>
        %gather3A_798 = tpu.vector_load_idx %arg6[%add3A_797] : memref<64000xf32, #tpu.memory_space<vmem>>[vector<16xi32>], vector<16xf32>,
        %add3A_799 = arith.constant 832 : i32
        %add3A_800 = arith.addi %mul3A_168, %add3A_799 : i32
        %add3A_801 = arith.constant 0 : i32
        %add3A_802 = arith.addi %add3A_800, %add3A_801 : i32
        %swap3A_803 = arith.index_cast %add3A_802 : i32 to index
        %swap3A_804 = tpu.vector_load %arg7[%swap3A_803] {strides = array<i32>} : memref<16384xf32, #tpu.memory_space<vmem>>, vector<16xf32>,
        tpu.vector_store %arg7[%swap3A_803], %gather3A_798 {add = true, strides = array<i32>} : memref<16384xf32, #tpu.memory_space<vmem>>, vector<16xf32>,
        %add3A_805 = arith.constant 16 : i32
        %add3A_806 = vector.broadcast %add3A_805 : i32 to vector<16xi32>
        %add3A_807 = arith.addi %iota3A, %add3A_806 : vector<16xi32>
        %add3A_808 = arith.addi %gather3A_793, %add3A_807 : vector<16xi32>
        %gather3A_809 = tpu.vector_load_idx %arg6[%add3A_808] : memref<64000xf32, #tpu.memory_space<vmem>>[vector<16xi32>], vector<16xf32>,
        %add3A_810 = arith.constant 832 : i32
        %add3A_811 = arith.addi %mul3A_168, %add3A_810 : i32
        %add3A_812 = arith.constant 16 : i32
        %add3A_813 = arith.addi %add3A_811, %add3A_812 : i32
        %swap3A_814 = arith.index_cast %add3A_813 : i32 to index
        %swap3A_815 = tpu.vector_load %arg7[%swap3A_814] {strides = array<i32>} : memref<16384xf32, #tpu.memory_space<vmem>>, vector<16xf32>,
        tpu.vector_store %arg7[%swap3A_814], %gather3A_809 {add = true, strides = array<i32>} : memref<16384xf32, #tpu.memory_space<vmem>>, vector<16xf32>,
        %add3A_816 = arith.constant 32 : i32
        %add3A_817 = vector.broadcast %add3A_816 : i32 to vector<16xi32>
        %add3A_818 = arith.addi %iota3A, %add3A_817 : vector<16xi32>
        %add3A_819 = arith.addi %gather3A_793, %add3A_818 : vector<16xi32>
        %gather3A_820 = tpu.vector_load_idx %arg6[%add3A_819] : memref<64000xf32, #tpu.memory_space<vmem>>[vector<16xi32>], vector<16xf32>,
        %add3A_821 = arith.constant 832 : i32
        %add3A_822 = arith.addi %mul3A_168, %add3A_821 : i32
        %add3A_823 = arith.constant 32 : i32
        %add3A_824 = arith.addi %add3A_822, %add3A_823 : i32
        %swap3A_825 = arith.index_cast %add3A_824 : i32 to index
        %swap3A_826 = tpu.vector_load %arg7[%swap3A_825] {strides = array<i32>} : memref<16384xf32, #tpu.memory_space<vmem>>, vector<16xf32>,
        tpu.vector_store %arg7[%swap3A_825], %gather3A_820 {add = true, strides = array<i32>} : memref<16384xf32, #tpu.memory_space<vmem>>, vector<16xf32>,
        %add3A_827 = arith.constant 48 : i32
        %add3A_828 = vector.broadcast %add3A_827 : i32 to vector<16xi32>
        %add3A_829 = arith.addi %iota3A, %add3A_828 : vector<16xi32>
        %add3A_830 = arith.addi %gather3A_793, %add3A_829 : vector<16xi32>
        %gather3A_831 = tpu.vector_load_idx %arg6[%add3A_830] : memref<64000xf32, #tpu.memory_space<vmem>>[vector<16xi32>], vector<16xf32>,
        %add3A_832 = arith.constant 832 : i32
        %add3A_833 = arith.addi %mul3A_168, %add3A_832 : i32
        %add3A_834 = arith.constant 48 : i32
        %add3A_835 = arith.addi %add3A_833, %add3A_834 : i32
        %swap3A_836 = arith.index_cast %add3A_835 : i32 to index
        %swap3A_837 = tpu.vector_load %arg7[%swap3A_836] {strides = array<i32>} : memref<16384xf32, #tpu.memory_space<vmem>>, vector<16xf32>,
        tpu.vector_store %arg7[%swap3A_836], %gather3A_831 {add = true, strides = array<i32>} : memref<16384xf32, #tpu.memory_space<vmem>>, vector<16xf32>,
        %broadcast_in_dim3A_838 = arith.constant 14 : i32
        %broadcast_in_dim3A_839 = vector.broadcast %broadcast_in_dim3A_838 : i32 to vector<16x1xi32>
        %gather3A_840 = vector.shape_cast %broadcast_in_dim3A_839 : vector<16x1xi32> to vector<16xi32>
        %gather3A_841 = tpu.dynamic_gather %mul3A_166[%gather3A_840] in [0] : vector<16xi32>, vector<16xi32> -> vector<16xi32>
        %add3A_842 = arith.constant 0 : i32
        %add3A_843 = vector.broadcast %add3A_842 : i32 to vector<16xi32>
        %add3A_844 = arith.addi %iota3A, %add3A_843 : vector<16xi32>
        %add3A_845 = arith.addi %gather3A_841, %add3A_844 : vector<16xi32>
        %gather3A_846 = tpu.vector_load_idx %arg6[%add3A_845] : memref<64000xf32, #tpu.memory_space<vmem>>[vector<16xi32>], vector<16xf32>,
        %add3A_847 = arith.constant 896 : i32
        %add3A_848 = arith.addi %mul3A_168, %add3A_847 : i32
        %add3A_849 = arith.constant 0 : i32
        %add3A_850 = arith.addi %add3A_848, %add3A_849 : i32
        %swap3A_851 = arith.index_cast %add3A_850 : i32 to index
        %swap3A_852 = tpu.vector_load %arg7[%swap3A_851] {strides = array<i32>} : memref<16384xf32, #tpu.memory_space<vmem>>, vector<16xf32>,
        tpu.vector_store %arg7[%swap3A_851], %gather3A_846 {add = true, strides = array<i32>} : memref<16384xf32, #tpu.memory_space<vmem>>, vector<16xf32>,
        %add3A_853 = arith.constant 16 : i32
        %add3A_854 = vector.broadcast %add3A_853 : i32 to vector<16xi32>
        %add3A_855 = arith.addi %iota3A, %add3A_854 : vector<16xi32>
        %add3A_856 = arith.addi %gather3A_841, %add3A_855 : vector<16xi32>
        %gather3A_857 = tpu.vector_load_idx %arg6[%add3A_856] : memref<64000xf32, #tpu.memory_space<vmem>>[vector<16xi32>], vector<16xf32>,
        %add3A_858 = arith.constant 896 : i32
        %add3A_859 = arith.addi %mul3A_168, %add3A_858 : i32
        %add3A_860 = arith.constant 16 : i32
        %add3A_861 = arith.addi %add3A_859, %add3A_860 : i32
        %swap3A_862 = arith.index_cast %add3A_861 : i32 to index
        %swap3A_863 = tpu.vector_load %arg7[%swap3A_862] {strides = array<i32>} : memref<16384xf32, #tpu.memory_space<vmem>>, vector<16xf32>,
        tpu.vector_store %arg7[%swap3A_862], %gather3A_857 {add = true, strides = array<i32>} : memref<16384xf32, #tpu.memory_space<vmem>>, vector<16xf32>,
        %add3A_864 = arith.constant 32 : i32
        %add3A_865 = vector.broadcast %add3A_864 : i32 to vector<16xi32>
        %add3A_866 = arith.addi %iota3A, %add3A_865 : vector<16xi32>
        %add3A_867 = arith.addi %gather3A_841, %add3A_866 : vector<16xi32>
        %gather3A_868 = tpu.vector_load_idx %arg6[%add3A_867] : memref<64000xf32, #tpu.memory_space<vmem>>[vector<16xi32>], vector<16xf32>,
        %add3A_869 = arith.constant 896 : i32
        %add3A_870 = arith.addi %mul3A_168, %add3A_869 : i32
        %add3A_871 = arith.constant 32 : i32
        %add3A_872 = arith.addi %add3A_870, %add3A_871 : i32
        %swap3A_873 = arith.index_cast %add3A_872 : i32 to index
        %swap3A_874 = tpu.vector_load %arg7[%swap3A_873] {strides = array<i32>} : memref<16384xf32, #tpu.memory_space<vmem>>, vector<16xf32>,
        tpu.vector_store %arg7[%swap3A_873], %gather3A_868 {add = true, strides = array<i32>} : memref<16384xf32, #tpu.memory_space<vmem>>, vector<16xf32>,
        %add3A_875 = arith.constant 48 : i32
        %add3A_876 = vector.broadcast %add3A_875 : i32 to vector<16xi32>
        %add3A_877 = arith.addi %iota3A, %add3A_876 : vector<16xi32>
        %add3A_878 = arith.addi %gather3A_841, %add3A_877 : vector<16xi32>
        %gather3A_879 = tpu.vector_load_idx %arg6[%add3A_878] : memref<64000xf32, #tpu.memory_space<vmem>>[vector<16xi32>], vector<16xf32>,
        %add3A_880 = arith.constant 896 : i32
        %add3A_881 = arith.addi %mul3A_168, %add3A_880 : i32
        %add3A_882 = arith.constant 48 : i32
        %add3A_883 = arith.addi %add3A_881, %add3A_882 : i32
        %swap3A_884 = arith.index_cast %add3A_883 : i32 to index
        %swap3A_885 = tpu.vector_load %arg7[%swap3A_884] {strides = array<i32>} : memref<16384xf32, #tpu.memory_space<vmem>>, vector<16xf32>,
        tpu.vector_store %arg7[%swap3A_884], %gather3A_879 {add = true, strides = array<i32>} : memref<16384xf32, #tpu.memory_space<vmem>>, vector<16xf32>,
        %broadcast_in_dim3A_886 = arith.constant 15 : i32
        %broadcast_in_dim3A_887 = vector.broadcast %broadcast_in_dim3A_886 : i32 to vector<16x1xi32>
        %gather3A_888 = vector.shape_cast %broadcast_in_dim3A_887 : vector<16x1xi32> to vector<16xi32>
        %gather3A_889 = tpu.dynamic_gather %mul3A_166[%gather3A_888] in [0] : vector<16xi32>, vector<16xi32> -> vector<16xi32>
        %add3A_890 = arith.constant 0 : i32
        %add3A_891 = vector.broadcast %add3A_890 : i32 to vector<16xi32>
        %add3A_892 = arith.addi %iota3A, %add3A_891 : vector<16xi32>
        %add3A_893 = arith.addi %gather3A_889, %add3A_892 : vector<16xi32>
        %gather3A_894 = tpu.vector_load_idx %arg6[%add3A_893] : memref<64000xf32, #tpu.memory_space<vmem>>[vector<16xi32>], vector<16xf32>,
        %add3A_895 = arith.constant 960 : i32
        %add3A_896 = arith.addi %mul3A_168, %add3A_895 : i32
        %add3A_897 = arith.constant 0 : i32
        %add3A_898 = arith.addi %add3A_896, %add3A_897 : i32
        %swap3A_899 = arith.index_cast %add3A_898 : i32 to index
        %swap3A_900 = tpu.vector_load %arg7[%swap3A_899] {strides = array<i32>} : memref<16384xf32, #tpu.memory_space<vmem>>, vector<16xf32>,
        tpu.vector_store %arg7[%swap3A_899], %gather3A_894 {add = true, strides = array<i32>} : memref<16384xf32, #tpu.memory_space<vmem>>, vector<16xf32>,
        %add3A_901 = arith.constant 16 : i32
        %add3A_902 = vector.broadcast %add3A_901 : i32 to vector<16xi32>
        %add3A_903 = arith.addi %iota3A, %add3A_902 : vector<16xi32>
        %add3A_904 = arith.addi %gather3A_889, %add3A_903 : vector<16xi32>
        %gather3A_905 = tpu.vector_load_idx %arg6[%add3A_904] : memref<64000xf32, #tpu.memory_space<vmem>>[vector<16xi32>], vector<16xf32>,
        %add3A_906 = arith.constant 960 : i32
        %add3A_907 = arith.addi %mul3A_168, %add3A_906 : i32
        %add3A_908 = arith.constant 16 : i32
        %add3A_909 = arith.addi %add3A_907, %add3A_908 : i32
        %swap3A_910 = arith.index_cast %add3A_909 : i32 to index
        %swap3A_911 = tpu.vector_load %arg7[%swap3A_910] {strides = array<i32>} : memref<16384xf32, #tpu.memory_space<vmem>>, vector<16xf32>,
        tpu.vector_store %arg7[%swap3A_910], %gather3A_905 {add = true, strides = array<i32>} : memref<16384xf32, #tpu.memory_space<vmem>>, vector<16xf32>,
        %add3A_912 = arith.constant 32 : i32
        %add3A_913 = vector.broadcast %add3A_912 : i32 to vector<16xi32>
        %add3A_914 = arith.addi %iota3A, %add3A_913 : vector<16xi32>
        %add3A_915 = arith.addi %gather3A_889, %add3A_914 : vector<16xi32>
        %gather3A_916 = tpu.vector_load_idx %arg6[%add3A_915] : memref<64000xf32, #tpu.memory_space<vmem>>[vector<16xi32>], vector<16xf32>,
        %add3A_917 = arith.constant 960 : i32
        %add3A_918 = arith.addi %mul3A_168, %add3A_917 : i32
        %add3A_919 = arith.constant 32 : i32
        %add3A_920 = arith.addi %add3A_918, %add3A_919 : i32
        %swap3A_921 = arith.index_cast %add3A_920 : i32 to index
        %swap3A_922 = tpu.vector_load %arg7[%swap3A_921] {strides = array<i32>} : memref<16384xf32, #tpu.memory_space<vmem>>, vector<16xf32>,
        tpu.vector_store %arg7[%swap3A_921], %gather3A_916 {add = true, strides = array<i32>} : memref<16384xf32, #tpu.memory_space<vmem>>, vector<16xf32>,
        %add3A_923 = arith.constant 48 : i32
        %add3A_924 = vector.broadcast %add3A_923 : i32 to vector<16xi32>
        %add3A_925 = arith.addi %iota3A, %add3A_924 : vector<16xi32>
        %add3A_926 = arith.addi %gather3A_889, %add3A_925 : vector<16xi32>
        %gather3A_927 = tpu.vector_load_idx %arg6[%add3A_926] : memref<64000xf32, #tpu.memory_space<vmem>>[vector<16xi32>], vector<16xf32>,
        %add3A_928 = arith.constant 960 : i32
        %add3A_929 = arith.addi %mul3A_168, %add3A_928 : i32
        %add3A_930 = arith.constant 48 : i32
        %add3A_931 = arith.addi %add3A_929, %add3A_930 : i32
        %swap3A_932 = arith.index_cast %add3A_931 : i32 to index
        %swap3A_933 = tpu.vector_load %arg7[%swap3A_932] {strides = array<i32>} : memref<16384xf32, #tpu.memory_space<vmem>>, vector<16xf32>,
        tpu.vector_store %arg7[%swap3A_932], %gather3A_927 {add = true, strides = array<i32>} : memref<16384xf32, #tpu.memory_space<vmem>>, vector<16xf32>,
      }
      %scan3A_49 = arith.constant 16 : i32
      %mul3A_50 = arith.constant 64 : i32
      %mul3A_51 = arith.muli %add3A_38, %mul3A_50 : i32
      %dma_start3A_52 = tpu.memref_slice %arg5[%mul3A_51] : memref<209715200xf32, #tpu.memory_space<hbm>> -> memref<16384xf32, #tpu.memory_space<hbm>>
      %dma_start3A_53 = tpu.memref_slice %arg5[%mul3A_51] : memref<209715200xf32, #tpu.memory_space<hbm>> -> memref<16384xf32, #tpu.memory_space<hbm>>
      tpu.enqueue_dma source(%arg7 : memref<16384xf32, #tpu.memory_space<vmem>>) target(%dma_start3A_53 : memref<16384xf32, #tpu.memory_space<hbm>>) target_semaphore(%arg23 : memref<!tpu.dma_semaphore, #tpu.memory_space<semaphore_mem>>)
      %ge3A = arith.constant 2 : i32
      %ge3A_54 = arith.cmpi sge, %add3A_35, %ge3A : i32
      %convert_element_type3A = arith.extui %ge3A_54 : i1 to i32
      %cond3A = arith.constant 0 : i32
      %cond3A_55 = arith.cmpi ne, %convert_element_type3A, %cond3A : i32
      scf.if %cond3A_55 {
        %dma_wait3A_158 = arith.constant 0 : i32
        %dma_wait3A_159 = tpu.memref_slice %arg5[%dma_wait3A_158] : memref<209715200xf32, #tpu.memory_space<hbm>> -> memref<16384xf32, #tpu.memory_space<hbm>>
        %dma_wait3A_160 = arith.constant 0 : i32
        %dma_wait3A_161 = tpu.memref_slice %arg5[%dma_wait3A_160] : memref<209715200xf32, #tpu.memory_space<hbm>> -> memref<16384xf32, #tpu.memory_space<hbm>>
        tpu.wait_dma2 semaphore(%arg25 : memref<!tpu.dma_semaphore, #tpu.memory_space<semaphore_mem>>) src(%arg9 : memref<16384xf32, #tpu.memory_space<vmem>>) dst(%dma_wait3A_161 : memref<16384xf32, #tpu.memory_space<hbm>>)
      } else {
      }
      %add3A_56 = arith.constant 2 : i32
      %add3A_57 = arith.addi %add3A_35, %add3A_56 : i32
      %lt3A = arith.constant 400 : i32
      %lt3A_58 = arith.cmpi slt, %add3A_57, %lt3A : i32
      %convert_element_type3A_59 = arith.extui %lt3A_58 : i1 to i32
      %cond3A_60 = arith.constant 0 : i32
      %cond3A_61 = arith.cmpi ne, %convert_element_type3A_59, %cond3A_60 : i32
      scf.if %cond3A_61 {
        %add3A_158 = arith.constant 2 : i32
        %add3A_159 = arith.addi %add3A_35, %add3A_158 : i32
        %mul3A_160 = arith.constant 256 : i32
        %mul3A_161 = arith.muli %add3A_159, %mul3A_160 : i32
        %add3A_162 = arith.addi %mul3A_2, %mul3A_161 : i32
        %dma_start3A_163 = tpu.memref_slice %arg3[%add3A_162] : memref<3276800xi32, #tpu.memory_space<hbm>> -> memref<256xi32, #tpu.memory_space<hbm>>
        %dma_start3A_164 = tpu.memref_slice %arg3[%add3A_162] : memref<3276800xi32, #tpu.memory_space<hbm>> -> memref<256xi32, #tpu.memory_space<hbm>>
        tpu.enqueue_dma source(%dma_start3A_164 : memref<256xi32, #tpu.memory_space<hbm>>) target(%arg13 : memref<256xi32, #tpu.memory_space<vmem>>) target_semaphore(%arg21 : memref<!tpu.dma_semaphore, #tpu.memory_space<semaphore_mem>>)
        %mul3A_165 = arith.constant 64 : i32
        %mul3A_166 = arith.muli %add3A_162, %mul3A_165 : i32
        %dma_start3A_167 = tpu.memref_slice %arg2[%mul3A_166] : memref<209715200xf32, #tpu.memory_space<hbm>> -> memref<16384xf32, #tpu.memory_space<hbm>>
        %dma_start3A_168 = tpu.memref_slice %arg2[%mul3A_166] : memref<209715200xf32, #tpu.memory_space<hbm>> -> memref<16384xf32, #tpu.memory_space<hbm>>
        tpu.enqueue_dma source(%dma_start3A_168 : memref<16384xf32, #tpu.memory_space<hbm>>) target(%arg9 : memref<16384xf32, #tpu.memory_space<vmem>>) target_semaphore(%arg17 : memref<!tpu.dma_semaphore, #tpu.memory_space<semaphore_mem>>)
      } else {
      }
      %add3A_62 = arith.constant 1 : i32
      %add3A_63 = arith.addi %add3A_33, %add3A_62 : i32
      %mul3A_64 = arith.constant 256 : i32
      %mul3A_65 = arith.muli %add3A_63, %mul3A_64 : i32
      %add3A_66 = arith.addi %mul3A_2, %mul3A_65 : i32
      %dma_wait3A_67 = tpu.memref_slice %arg3[%add3A_66] : memref<3276800xi32, #tpu.memory_space<hbm>> -> memref<256xi32, #tpu.memory_space<hbm>>
      %dma_wait3A_68 = tpu.memref_slice %arg3[%add3A_66] : memref<3276800xi32, #tpu.memory_space<hbm>> -> memref<256xi32, #tpu.memory_space<hbm>>
      tpu.wait_dma2 semaphore(%arg20 : memref<!tpu.dma_semaphore, #tpu.memory_space<semaphore_mem>>) src(%dma_wait3A_68 : memref<256xi32, #tpu.memory_space<hbm>>) dst(%arg12 : memref<256xi32, #tpu.memory_space<vmem>>)
      %mul3A_69 = arith.constant 64 : i32
      %mul3A_70 = arith.muli %add3A_66, %mul3A_69 : i32
      %dma_wait3A_71 = tpu.memref_slice %arg2[%mul3A_70] : memref<209715200xf32, #tpu.memory_space<hbm>> -> memref<16384xf32, #tpu.memory_space<hbm>>
      %dma_wait3A_72 = tpu.memref_slice %arg2[%mul3A_70] : memref<209715200xf32, #tpu.memory_space<hbm>> -> memref<16384xf32, #tpu.memory_space<hbm>>
      tpu.wait_dma2 semaphore(%arg16 : memref<!tpu.dma_semaphore, #tpu.memory_space<semaphore_mem>>) src(%dma_wait3A_72 : memref<16384xf32, #tpu.memory_space<hbm>>) dst(%arg8 : memref<16384xf32, #tpu.memory_space<vmem>>)
      %scan3A_73 = arith.constant 0 : i32
      %scan3A_74 = arith.constant 16 : i32
      %scan3A_75 = arith.addi %scan3A_73, %scan3A_74 : i32
      %scan3A_76 = arith.constant 1 : i32
      scf.for %scan3A_158 = %scan3A_73 to %scan3A_75 step %scan3A_76  : i32 {
        %mul3A_159 = arith.constant 16 : i32
        %mul3A_160 = arith.muli %scan3A_158, %mul3A_159 : i32
        %add3A_161 = arith.constant 0 : i32
        %add3A_162 = arith.addi %add3A_161, %mul3A_160 : i32
        %get3A = arith.index_cast %add3A_162 : i32 to index
        %get3A_163 = tpu.vector_load %arg12[%get3A] {strides = array<i32>} : memref<256xi32, #tpu.memory_space<vmem>>, vector<16xi32>,
        %mul3A_164 = arith.constant 64 : i32
        %mul3A_165 = vector.broadcast %mul3A_164 : i32 to vector<16xi32>
        %mul3A_166 = arith.muli %get3A_163, %mul3A_165 : vector<16xi32>
        %mul3A_167 = arith.constant 64 : i32
        %mul3A_168 = arith.muli %add3A_162, %mul3A_167 : i32
        %broadcast_in_dim3A = arith.constant 0 : i32
        %broadcast_in_dim3A_169 = vector.broadcast %broadcast_in_dim3A : i32 to vector<16x1xi32>
        %gather3A = vector.shape_cast %broadcast_in_dim3A_169 : vector<16x1xi32> to vector<16xi32>
        %gather3A_170 = tpu.dynamic_gather %mul3A_166[%gather3A] in [0] : vector<16xi32>, vector<16xi32> -> vector<16xi32>
        %add3A_171 = arith.constant 0 : i32
        %add3A_172 = vector.broadcast %add3A_171 : i32 to vector<16xi32>
        %add3A_173 = arith.addi %iota3A, %add3A_172 : vector<16xi32>
        %add3A_174 = arith.addi %gather3A_170, %add3A_173 : vector<16xi32>
        %gather3A_175 = tpu.vector_load_idx %arg6[%add3A_174] : memref<64000xf32, #tpu.memory_space<vmem>>[vector<16xi32>], vector<16xf32>,
        %add3A_176 = arith.constant 0 : i32
        %add3A_177 = arith.addi %mul3A_168, %add3A_176 : i32
        %add3A_178 = arith.constant 0 : i32
        %add3A_179 = arith.addi %add3A_177, %add3A_178 : i32
        %swap3A = arith.index_cast %add3A_179 : i32 to index
        %swap3A_180 = tpu.vector_load %arg8[%swap3A] {strides = array<i32>} : memref<16384xf32, #tpu.memory_space<vmem>>, vector<16xf32>,
        tpu.vector_store %arg8[%swap3A], %gather3A_175 {add = true, strides = array<i32>} : memref<16384xf32, #tpu.memory_space<vmem>>, vector<16xf32>,
        %add3A_181 = arith.constant 16 : i32
        %add3A_182 = vector.broadcast %add3A_181 : i32 to vector<16xi32>
        %add3A_183 = arith.addi %iota3A, %add3A_182 : vector<16xi32>
        %add3A_184 = arith.addi %gather3A_170, %add3A_183 : vector<16xi32>
        %gather3A_185 = tpu.vector_load_idx %arg6[%add3A_184] : memref<64000xf32, #tpu.memory_space<vmem>>[vector<16xi32>], vector<16xf32>,
        %add3A_186 = arith.constant 0 : i32
        %add3A_187 = arith.addi %mul3A_168, %add3A_186 : i32
        %add3A_188 = arith.constant 16 : i32
        %add3A_189 = arith.addi %add3A_187, %add3A_188 : i32
        %swap3A_190 = arith.index_cast %add3A_189 : i32 to index
        %swap3A_191 = tpu.vector_load %arg8[%swap3A_190] {strides = array<i32>} : memref<16384xf32, #tpu.memory_space<vmem>>, vector<16xf32>,
        tpu.vector_store %arg8[%swap3A_190], %gather3A_185 {add = true, strides = array<i32>} : memref<16384xf32, #tpu.memory_space<vmem>>, vector<16xf32>,
        %add3A_192 = arith.constant 32 : i32
        %add3A_193 = vector.broadcast %add3A_192 : i32 to vector<16xi32>
        %add3A_194 = arith.addi %iota3A, %add3A_193 : vector<16xi32>
        %add3A_195 = arith.addi %gather3A_170, %add3A_194 : vector<16xi32>
        %gather3A_196 = tpu.vector_load_idx %arg6[%add3A_195] : memref<64000xf32, #tpu.memory_space<vmem>>[vector<16xi32>], vector<16xf32>,
        %add3A_197 = arith.constant 0 : i32
        %add3A_198 = arith.addi %mul3A_168, %add3A_197 : i32
        %add3A_199 = arith.constant 32 : i32
        %add3A_200 = arith.addi %add3A_198, %add3A_199 : i32
        %swap3A_201 = arith.index_cast %add3A_200 : i32 to index
        %swap3A_202 = tpu.vector_load %arg8[%swap3A_201] {strides = array<i32>} : memref<16384xf32, #tpu.memory_space<vmem>>, vector<16xf32>,
        tpu.vector_store %arg8[%swap3A_201], %gather3A_196 {add = true, strides = array<i32>} : memref<16384xf32, #tpu.memory_space<vmem>>, vector<16xf32>,
        %add3A_203 = arith.constant 48 : i32
        %add3A_204 = vector.broadcast %add3A_203 : i32 to vector<16xi32>
        %add3A_205 = arith.addi %iota3A, %add3A_204 : vector<16xi32>
        %add3A_206 = arith.addi %gather3A_170, %add3A_205 : vector<16xi32>
        %gather3A_207 = tpu.vector_load_idx %arg6[%add3A_206] : memref<64000xf32, #tpu.memory_space<vmem>>[vector<16xi32>], vector<16xf32>,
        %add3A_208 = arith.constant 0 : i32
        %add3A_209 = arith.addi %mul3A_168, %add3A_208 : i32
        %add3A_210 = arith.constant 48 : i32
        %add3A_211 = arith.addi %add3A_209, %add3A_210 : i32
        %swap3A_212 = arith.index_cast %add3A_211 : i32 to index
        %swap3A_213 = tpu.vector_load %arg8[%swap3A_212] {strides = array<i32>} : memref<16384xf32, #tpu.memory_space<vmem>>, vector<16xf32>,
        tpu.vector_store %arg8[%swap3A_212], %gather3A_207 {add = true, strides = array<i32>} : memref<16384xf32, #tpu.memory_space<vmem>>, vector<16xf32>,
        %broadcast_in_dim3A_214 = arith.constant 1 : i32
        %broadcast_in_dim3A_215 = vector.broadcast %broadcast_in_dim3A_214 : i32 to vector<16x1xi32>
        %gather3A_216 = vector.shape_cast %broadcast_in_dim3A_215 : vector<16x1xi32> to vector<16xi32>
        %gather3A_217 = tpu.dynamic_gather %mul3A_166[%gather3A_216] in [0] : vector<16xi32>, vector<16xi32> -> vector<16xi32>
        %add3A_218 = arith.constant 0 : i32
        %add3A_219 = vector.broadcast %add3A_218 : i32 to vector<16xi32>
        %add3A_220 = arith.addi %iota3A, %add3A_219 : vector<16xi32>
        %add3A_221 = arith.addi %gather3A_217, %add3A_220 : vector<16xi32>
        %gather3A_222 = tpu.vector_load_idx %arg6[%add3A_221] : memref<64000xf32, #tpu.memory_space<vmem>>[vector<16xi32>], vector<16xf32>,
        %add3A_223 = arith.constant 64 : i32
        %add3A_224 = arith.addi %mul3A_168, %add3A_223 : i32
        %add3A_225 = arith.constant 0 : i32
        %add3A_226 = arith.addi %add3A_224, %add3A_225 : i32
        %swap3A_227 = arith.index_cast %add3A_226 : i32 to index
        %swap3A_228 = tpu.vector_load %arg8[%swap3A_227] {strides = array<i32>} : memref<16384xf32, #tpu.memory_space<vmem>>, vector<16xf32>,
        tpu.vector_store %arg8[%swap3A_227], %gather3A_222 {add = true, strides = array<i32>} : memref<16384xf32, #tpu.memory_space<vmem>>, vector<16xf32>,
        %add3A_229 = arith.constant 16 : i32
        %add3A_230 = vector.broadcast %add3A_229 : i32 to vector<16xi32>
        %add3A_231 = arith.addi %iota3A, %add3A_230 : vector<16xi32>
        %add3A_232 = arith.addi %gather3A_217, %add3A_231 : vector<16xi32>
        %gather3A_233 = tpu.vector_load_idx %arg6[%add3A_232] : memref<64000xf32, #tpu.memory_space<vmem>>[vector<16xi32>], vector<16xf32>,
        %add3A_234 = arith.constant 64 : i32
        %add3A_235 = arith.addi %mul3A_168, %add3A_234 : i32
        %add3A_236 = arith.constant 16 : i32
        %add3A_237 = arith.addi %add3A_235, %add3A_236 : i32
        %swap3A_238 = arith.index_cast %add3A_237 : i32 to index
        %swap3A_239 = tpu.vector_load %arg8[%swap3A_238] {strides = array<i32>} : memref<16384xf32, #tpu.memory_space<vmem>>, vector<16xf32>,
        tpu.vector_store %arg8[%swap3A_238], %gather3A_233 {add = true, strides = array<i32>} : memref<16384xf32, #tpu.memory_space<vmem>>, vector<16xf32>,
        %add3A_240 = arith.constant 32 : i32
        %add3A_241 = vector.broadcast %add3A_240 : i32 to vector<16xi32>
        %add3A_242 = arith.addi %iota3A, %add3A_241 : vector<16xi32>
        %add3A_243 = arith.addi %gather3A_217, %add3A_242 : vector<16xi32>
        %gather3A_244 = tpu.vector_load_idx %arg6[%add3A_243] : memref<64000xf32, #tpu.memory_space<vmem>>[vector<16xi32>], vector<16xf32>,
        %add3A_245 = arith.constant 64 : i32
        %add3A_246 = arith.addi %mul3A_168, %add3A_245 : i32
        %add3A_247 = arith.constant 32 : i32
        %add3A_248 = arith.addi %add3A_246, %add3A_247 : i32
        %swap3A_249 = arith.index_cast %add3A_248 : i32 to index
        %swap3A_250 = tpu.vector_load %arg8[%swap3A_249] {strides = array<i32>} : memref<16384xf32, #tpu.memory_space<vmem>>, vector<16xf32>,
        tpu.vector_store %arg8[%swap3A_249], %gather3A_244 {add = true, strides = array<i32>} : memref<16384xf32, #tpu.memory_space<vmem>>, vector<16xf32>,
        %add3A_251 = arith.constant 48 : i32
        %add3A_252 = vector.broadcast %add3A_251 : i32 to vector<16xi32>
        %add3A_253 = arith.addi %iota3A, %add3A_252 : vector<16xi32>
        %add3A_254 = arith.addi %gather3A_217, %add3A_253 : vector<16xi32>
        %gather3A_255 = tpu.vector_load_idx %arg6[%add3A_254] : memref<64000xf32, #tpu.memory_space<vmem>>[vector<16xi32>], vector<16xf32>,
        %add3A_256 = arith.constant 64 : i32
        %add3A_257 = arith.addi %mul3A_168, %add3A_256 : i32
        %add3A_258 = arith.constant 48 : i32
        %add3A_259 = arith.addi %add3A_257, %add3A_258 : i32
        %swap3A_260 = arith.index_cast %add3A_259 : i32 to index
        %swap3A_261 = tpu.vector_load %arg8[%swap3A_260] {strides = array<i32>} : memref<16384xf32, #tpu.memory_space<vmem>>, vector<16xf32>,
        tpu.vector_store %arg8[%swap3A_260], %gather3A_255 {add = true, strides = array<i32>} : memref<16384xf32, #tpu.memory_space<vmem>>, vector<16xf32>,
        %broadcast_in_dim3A_262 = arith.constant 2 : i32
        %broadcast_in_dim3A_263 = vector.broadcast %broadcast_in_dim3A_262 : i32 to vector<16x1xi32>
        %gather3A_264 = vector.shape_cast %broadcast_in_dim3A_263 : vector<16x1xi32> to vector<16xi32>
        %gather3A_265 = tpu.dynamic_gather %mul3A_166[%gather3A_264] in [0] : vector<16xi32>, vector<16xi32> -> vector<16xi32>
        %add3A_266 = arith.constant 0 : i32
        %add3A_267 = vector.broadcast %add3A_266 : i32 to vector<16xi32>
        %add3A_268 = arith.addi %iota3A, %add3A_267 : vector<16xi32>
        %add3A_269 = arith.addi %gather3A_265, %add3A_268 : vector<16xi32>
        %gather3A_270 = tpu.vector_load_idx %arg6[%add3A_269] : memref<64000xf32, #tpu.memory_space<vmem>>[vector<16xi32>], vector<16xf32>,
        %add3A_271 = arith.constant 128 : i32
        %add3A_272 = arith.addi %mul3A_168, %add3A_271 : i32
        %add3A_273 = arith.constant 0 : i32
        %add3A_274 = arith.addi %add3A_272, %add3A_273 : i32
        %swap3A_275 = arith.index_cast %add3A_274 : i32 to index
        %swap3A_276 = tpu.vector_load %arg8[%swap3A_275] {strides = array<i32>} : memref<16384xf32, #tpu.memory_space<vmem>>, vector<16xf32>,
        tpu.vector_store %arg8[%swap3A_275], %gather3A_270 {add = true, strides = array<i32>} : memref<16384xf32, #tpu.memory_space<vmem>>, vector<16xf32>,
        %add3A_277 = arith.constant 16 : i32
        %add3A_278 = vector.broadcast %add3A_277 : i32 to vector<16xi32>
        %add3A_279 = arith.addi %iota3A, %add3A_278 : vector<16xi32>
        %add3A_280 = arith.addi %gather3A_265, %add3A_279 : vector<16xi32>
        %gather3A_281 = tpu.vector_load_idx %arg6[%add3A_280] : memref<64000xf32, #tpu.memory_space<vmem>>[vector<16xi32>], vector<16xf32>,
        %add3A_282 = arith.constant 128 : i32
        %add3A_283 = arith.addi %mul3A_168, %add3A_282 : i32
        %add3A_284 = arith.constant 16 : i32
        %add3A_285 = arith.addi %add3A_283, %add3A_284 : i32
        %swap3A_286 = arith.index_cast %add3A_285 : i32 to index
        %swap3A_287 = tpu.vector_load %arg8[%swap3A_286] {strides = array<i32>} : memref<16384xf32, #tpu.memory_space<vmem>>, vector<16xf32>,
        tpu.vector_store %arg8[%swap3A_286], %gather3A_281 {add = true, strides = array<i32>} : memref<16384xf32, #tpu.memory_space<vmem>>, vector<16xf32>,
        %add3A_288 = arith.constant 32 : i32
        %add3A_289 = vector.broadcast %add3A_288 : i32 to vector<16xi32>
        %add3A_290 = arith.addi %iota3A, %add3A_289 : vector<16xi32>
        %add3A_291 = arith.addi %gather3A_265, %add3A_290 : vector<16xi32>
        %gather3A_292 = tpu.vector_load_idx %arg6[%add3A_291] : memref<64000xf32, #tpu.memory_space<vmem>>[vector<16xi32>], vector<16xf32>,
        %add3A_293 = arith.constant 128 : i32
        %add3A_294 = arith.addi %mul3A_168, %add3A_293 : i32
        %add3A_295 = arith.constant 32 : i32
        %add3A_296 = arith.addi %add3A_294, %add3A_295 : i32
        %swap3A_297 = arith.index_cast %add3A_296 : i32 to index
        %swap3A_298 = tpu.vector_load %arg8[%swap3A_297] {strides = array<i32>} : memref<16384xf32, #tpu.memory_space<vmem>>, vector<16xf32>,
        tpu.vector_store %arg8[%swap3A_297], %gather3A_292 {add = true, strides = array<i32>} : memref<16384xf32, #tpu.memory_space<vmem>>, vector<16xf32>,
        %add3A_299 = arith.constant 48 : i32
        %add3A_300 = vector.broadcast %add3A_299 : i32 to vector<16xi32>
        %add3A_301 = arith.addi %iota3A, %add3A_300 : vector<16xi32>
        %add3A_302 = arith.addi %gather3A_265, %add3A_301 : vector<16xi32>
        %gather3A_303 = tpu.vector_load_idx %arg6[%add3A_302] : memref<64000xf32, #tpu.memory_space<vmem>>[vector<16xi32>], vector<16xf32>,
        %add3A_304 = arith.constant 128 : i32
        %add3A_305 = arith.addi %mul3A_168, %add3A_304 : i32
        %add3A_306 = arith.constant 48 : i32
        %add3A_307 = arith.addi %add3A_305, %add3A_306 : i32
        %swap3A_308 = arith.index_cast %add3A_307 : i32 to index
        %swap3A_309 = tpu.vector_load %arg8[%swap3A_308] {strides = array<i32>} : memref<16384xf32, #tpu.memory_space<vmem>>, vector<16xf32>,
        tpu.vector_store %arg8[%swap3A_308], %gather3A_303 {add = true, strides = array<i32>} : memref<16384xf32, #tpu.memory_space<vmem>>, vector<16xf32>,
        %broadcast_in_dim3A_310 = arith.constant 3 : i32
        %broadcast_in_dim3A_311 = vector.broadcast %broadcast_in_dim3A_310 : i32 to vector<16x1xi32>
        %gather3A_312 = vector.shape_cast %broadcast_in_dim3A_311 : vector<16x1xi32> to vector<16xi32>
        %gather3A_313 = tpu.dynamic_gather %mul3A_166[%gather3A_312] in [0] : vector<16xi32>, vector<16xi32> -> vector<16xi32>
        %add3A_314 = arith.constant 0 : i32
        %add3A_315 = vector.broadcast %add3A_314 : i32 to vector<16xi32>
        %add3A_316 = arith.addi %iota3A, %add3A_315 : vector<16xi32>
        %add3A_317 = arith.addi %gather3A_313, %add3A_316 : vector<16xi32>
        %gather3A_318 = tpu.vector_load_idx %arg6[%add3A_317] : memref<64000xf32, #tpu.memory_space<vmem>>[vector<16xi32>], vector<16xf32>,
        %add3A_319 = arith.constant 192 : i32
        %add3A_320 = arith.addi %mul3A_168, %add3A_319 : i32
        %add3A_321 = arith.constant 0 : i32
        %add3A_322 = arith.addi %add3A_320, %add3A_321 : i32
        %swap3A_323 = arith.index_cast %add3A_322 : i32 to index
        %swap3A_324 = tpu.vector_load %arg8[%swap3A_323] {strides = array<i32>} : memref<16384xf32, #tpu.memory_space<vmem>>, vector<16xf32>,
        tpu.vector_store %arg8[%swap3A_323], %gather3A_318 {add = true, strides = array<i32>} : memref<16384xf32, #tpu.memory_space<vmem>>, vector<16xf32>,
        %add3A_325 = arith.constant 16 : i32
        %add3A_326 = vector.broadcast %add3A_325 : i32 to vector<16xi32>
        %add3A_327 = arith.addi %iota3A, %add3A_326 : vector<16xi32>
        %add3A_328 = arith.addi %gather3A_313, %add3A_327 : vector<16xi32>
        %gather3A_329 = tpu.vector_load_idx %arg6[%add3A_328] : memref<64000xf32, #tpu.memory_space<vmem>>[vector<16xi32>], vector<16xf32>,
        %add3A_330 = arith.constant 192 : i32
        %add3A_331 = arith.addi %mul3A_168, %add3A_330 : i32
        %add3A_332 = arith.constant 16 : i32
        %add3A_333 = arith.addi %add3A_331, %add3A_332 : i32
        %swap3A_334 = arith.index_cast %add3A_333 : i32 to index
        %swap3A_335 = tpu.vector_load %arg8[%swap3A_334] {strides = array<i32>} : memref<16384xf32, #tpu.memory_space<vmem>>, vector<16xf32>,
        tpu.vector_store %arg8[%swap3A_334], %gather3A_329 {add = true, strides = array<i32>} : memref<16384xf32, #tpu.memory_space<vmem>>, vector<16xf32>,
        %add3A_336 = arith.constant 32 : i32
        %add3A_337 = vector.broadcast %add3A_336 : i32 to vector<16xi32>
        %add3A_338 = arith.addi %iota3A, %add3A_337 : vector<16xi32>
        %add3A_339 = arith.addi %gather3A_313, %add3A_338 : vector<16xi32>
        %gather3A_340 = tpu.vector_load_idx %arg6[%add3A_339] : memref<64000xf32, #tpu.memory_space<vmem>>[vector<16xi32>], vector<16xf32>,
        %add3A_341 = arith.constant 192 : i32
        %add3A_342 = arith.addi %mul3A_168, %add3A_341 : i32
        %add3A_343 = arith.constant 32 : i32
        %add3A_344 = arith.addi %add3A_342, %add3A_343 : i32
        %swap3A_345 = arith.index_cast %add3A_344 : i32 to index
        %swap3A_346 = tpu.vector_load %arg8[%swap3A_345] {strides = array<i32>} : memref<16384xf32, #tpu.memory_space<vmem>>, vector<16xf32>,
        tpu.vector_store %arg8[%swap3A_345], %gather3A_340 {add = true, strides = array<i32>} : memref<16384xf32, #tpu.memory_space<vmem>>, vector<16xf32>,
        %add3A_347 = arith.constant 48 : i32
        %add3A_348 = vector.broadcast %add3A_347 : i32 to vector<16xi32>
        %add3A_349 = arith.addi %iota3A, %add3A_348 : vector<16xi32>
        %add3A_350 = arith.addi %gather3A_313, %add3A_349 : vector<16xi32>
        %gather3A_351 = tpu.vector_load_idx %arg6[%add3A_350] : memref<64000xf32, #tpu.memory_space<vmem>>[vector<16xi32>], vector<16xf32>,
        %add3A_352 = arith.constant 192 : i32
        %add3A_353 = arith.addi %mul3A_168, %add3A_352 : i32
        %add3A_354 = arith.constant 48 : i32
        %add3A_355 = arith.addi %add3A_353, %add3A_354 : i32
        %swap3A_356 = arith.index_cast %add3A_355 : i32 to index
        %swap3A_357 = tpu.vector_load %arg8[%swap3A_356] {strides = array<i32>} : memref<16384xf32, #tpu.memory_space<vmem>>, vector<16xf32>,
        tpu.vector_store %arg8[%swap3A_356], %gather3A_351 {add = true, strides = array<i32>} : memref<16384xf32, #tpu.memory_space<vmem>>, vector<16xf32>,
        %broadcast_in_dim3A_358 = arith.constant 4 : i32
        %broadcast_in_dim3A_359 = vector.broadcast %broadcast_in_dim3A_358 : i32 to vector<16x1xi32>
        %gather3A_360 = vector.shape_cast %broadcast_in_dim3A_359 : vector<16x1xi32> to vector<16xi32>
        %gather3A_361 = tpu.dynamic_gather %mul3A_166[%gather3A_360] in [0] : vector<16xi32>, vector<16xi32> -> vector<16xi32>
        %add3A_362 = arith.constant 0 : i32
        %add3A_363 = vector.broadcast %add3A_362 : i32 to vector<16xi32>
        %add3A_364 = arith.addi %iota3A, %add3A_363 : vector<16xi32>
        %add3A_365 = arith.addi %gather3A_361, %add3A_364 : vector<16xi32>
        %gather3A_366 = tpu.vector_load_idx %arg6[%add3A_365] : memref<64000xf32, #tpu.memory_space<vmem>>[vector<16xi32>], vector<16xf32>,
        %add3A_367 = arith.constant 256 : i32
        %add3A_368 = arith.addi %mul3A_168, %add3A_367 : i32
        %add3A_369 = arith.constant 0 : i32
        %add3A_370 = arith.addi %add3A_368, %add3A_369 : i32
        %swap3A_371 = arith.index_cast %add3A_370 : i32 to index
        %swap3A_372 = tpu.vector_load %arg8[%swap3A_371] {strides = array<i32>} : memref<16384xf32, #tpu.memory_space<vmem>>, vector<16xf32>,
        tpu.vector_store %arg8[%swap3A_371], %gather3A_366 {add = true, strides = array<i32>} : memref<16384xf32, #tpu.memory_space<vmem>>, vector<16xf32>,
        %add3A_373 = arith.constant 16 : i32
        %add3A_374 = vector.broadcast %add3A_373 : i32 to vector<16xi32>
        %add3A_375 = arith.addi %iota3A, %add3A_374 : vector<16xi32>
        %add3A_376 = arith.addi %gather3A_361, %add3A_375 : vector<16xi32>
        %gather3A_377 = tpu.vector_load_idx %arg6[%add3A_376] : memref<64000xf32, #tpu.memory_space<vmem>>[vector<16xi32>], vector<16xf32>,
        %add3A_378 = arith.constant 256 : i32
        %add3A_379 = arith.addi %mul3A_168, %add3A_378 : i32
        %add3A_380 = arith.constant 16 : i32
        %add3A_381 = arith.addi %add3A_379, %add3A_380 : i32
        %swap3A_382 = arith.index_cast %add3A_381 : i32 to index
        %swap3A_383 = tpu.vector_load %arg8[%swap3A_382] {strides = array<i32>} : memref<16384xf32, #tpu.memory_space<vmem>>, vector<16xf32>,
        tpu.vector_store %arg8[%swap3A_382], %gather3A_377 {add = true, strides = array<i32>} : memref<16384xf32, #tpu.memory_space<vmem>>, vector<16xf32>,
        %add3A_384 = arith.constant 32 : i32
        %add3A_385 = vector.broadcast %add3A_384 : i32 to vector<16xi32>
        %add3A_386 = arith.addi %iota3A, %add3A_385 : vector<16xi32>
        %add3A_387 = arith.addi %gather3A_361, %add3A_386 : vector<16xi32>
        %gather3A_388 = tpu.vector_load_idx %arg6[%add3A_387] : memref<64000xf32, #tpu.memory_space<vmem>>[vector<16xi32>], vector<16xf32>,
        %add3A_389 = arith.constant 256 : i32
        %add3A_390 = arith.addi %mul3A_168, %add3A_389 : i32
        %add3A_391 = arith.constant 32 : i32
        %add3A_392 = arith.addi %add3A_390, %add3A_391 : i32
        %swap3A_393 = arith.index_cast %add3A_392 : i32 to index
        %swap3A_394 = tpu.vector_load %arg8[%swap3A_393] {strides = array<i32>} : memref<16384xf32, #tpu.memory_space<vmem>>, vector<16xf32>,
        tpu.vector_store %arg8[%swap3A_393], %gather3A_388 {add = true, strides = array<i32>} : memref<16384xf32, #tpu.memory_space<vmem>>, vector<16xf32>,
        %add3A_395 = arith.constant 48 : i32
        %add3A_396 = vector.broadcast %add3A_395 : i32 to vector<16xi32>
        %add3A_397 = arith.addi %iota3A, %add3A_396 : vector<16xi32>
        %add3A_398 = arith.addi %gather3A_361, %add3A_397 : vector<16xi32>
        %gather3A_399 = tpu.vector_load_idx %arg6[%add3A_398] : memref<64000xf32, #tpu.memory_space<vmem>>[vector<16xi32>], vector<16xf32>,
        %add3A_400 = arith.constant 256 : i32
        %add3A_401 = arith.addi %mul3A_168, %add3A_400 : i32
        %add3A_402 = arith.constant 48 : i32
        %add3A_403 = arith.addi %add3A_401, %add3A_402 : i32
        %swap3A_404 = arith.index_cast %add3A_403 : i32 to index
        %swap3A_405 = tpu.vector_load %arg8[%swap3A_404] {strides = array<i32>} : memref<16384xf32, #tpu.memory_space<vmem>>, vector<16xf32>,
        tpu.vector_store %arg8[%swap3A_404], %gather3A_399 {add = true, strides = array<i32>} : memref<16384xf32, #tpu.memory_space<vmem>>, vector<16xf32>,
        %broadcast_in_dim3A_406 = arith.constant 5 : i32
        %broadcast_in_dim3A_407 = vector.broadcast %broadcast_in_dim3A_406 : i32 to vector<16x1xi32>
        %gather3A_408 = vector.shape_cast %broadcast_in_dim3A_407 : vector<16x1xi32> to vector<16xi32>
        %gather3A_409 = tpu.dynamic_gather %mul3A_166[%gather3A_408] in [0] : vector<16xi32>, vector<16xi32> -> vector<16xi32>
        %add3A_410 = arith.constant 0 : i32
        %add3A_411 = vector.broadcast %add3A_410 : i32 to vector<16xi32>
        %add3A_412 = arith.addi %iota3A, %add3A_411 : vector<16xi32>
        %add3A_413 = arith.addi %gather3A_409, %add3A_412 : vector<16xi32>
        %gather3A_414 = tpu.vector_load_idx %arg6[%add3A_413] : memref<64000xf32, #tpu.memory_space<vmem>>[vector<16xi32>], vector<16xf32>,
        %add3A_415 = arith.constant 320 : i32
        %add3A_416 = arith.addi %mul3A_168, %add3A_415 : i32
        %add3A_417 = arith.constant 0 : i32
        %add3A_418 = arith.addi %add3A_416, %add3A_417 : i32
        %swap3A_419 = arith.index_cast %add3A_418 : i32 to index
        %swap3A_420 = tpu.vector_load %arg8[%swap3A_419] {strides = array<i32>} : memref<16384xf32, #tpu.memory_space<vmem>>, vector<16xf32>,
        tpu.vector_store %arg8[%swap3A_419], %gather3A_414 {add = true, strides = array<i32>} : memref<16384xf32, #tpu.memory_space<vmem>>, vector<16xf32>,
        %add3A_421 = arith.constant 16 : i32
        %add3A_422 = vector.broadcast %add3A_421 : i32 to vector<16xi32>
        %add3A_423 = arith.addi %iota3A, %add3A_422 : vector<16xi32>
        %add3A_424 = arith.addi %gather3A_409, %add3A_423 : vector<16xi32>
        %gather3A_425 = tpu.vector_load_idx %arg6[%add3A_424] : memref<64000xf32, #tpu.memory_space<vmem>>[vector<16xi32>], vector<16xf32>,
        %add3A_426 = arith.constant 320 : i32
        %add3A_427 = arith.addi %mul3A_168, %add3A_426 : i32
        %add3A_428 = arith.constant 16 : i32
        %add3A_429 = arith.addi %add3A_427, %add3A_428 : i32
        %swap3A_430 = arith.index_cast %add3A_429 : i32 to index
        %swap3A_431 = tpu.vector_load %arg8[%swap3A_430] {strides = array<i32>} : memref<16384xf32, #tpu.memory_space<vmem>>, vector<16xf32>,
        tpu.vector_store %arg8[%swap3A_430], %gather3A_425 {add = true, strides = array<i32>} : memref<16384xf32, #tpu.memory_space<vmem>>, vector<16xf32>,
        %add3A_432 = arith.constant 32 : i32
        %add3A_433 = vector.broadcast %add3A_432 : i32 to vector<16xi32>
        %add3A_434 = arith.addi %iota3A, %add3A_433 : vector<16xi32>
        %add3A_435 = arith.addi %gather3A_409, %add3A_434 : vector<16xi32>
        %gather3A_436 = tpu.vector_load_idx %arg6[%add3A_435] : memref<64000xf32, #tpu.memory_space<vmem>>[vector<16xi32>], vector<16xf32>,
        %add3A_437 = arith.constant 320 : i32
        %add3A_438 = arith.addi %mul3A_168, %add3A_437 : i32
        %add3A_439 = arith.constant 32 : i32
        %add3A_440 = arith.addi %add3A_438, %add3A_439 : i32
        %swap3A_441 = arith.index_cast %add3A_440 : i32 to index
        %swap3A_442 = tpu.vector_load %arg8[%swap3A_441] {strides = array<i32>} : memref<16384xf32, #tpu.memory_space<vmem>>, vector<16xf32>,
        tpu.vector_store %arg8[%swap3A_441], %gather3A_436 {add = true, strides = array<i32>} : memref<16384xf32, #tpu.memory_space<vmem>>, vector<16xf32>,
        %add3A_443 = arith.constant 48 : i32
        %add3A_444 = vector.broadcast %add3A_443 : i32 to vector<16xi32>
        %add3A_445 = arith.addi %iota3A, %add3A_444 : vector<16xi32>
        %add3A_446 = arith.addi %gather3A_409, %add3A_445 : vector<16xi32>
        %gather3A_447 = tpu.vector_load_idx %arg6[%add3A_446] : memref<64000xf32, #tpu.memory_space<vmem>>[vector<16xi32>], vector<16xf32>,
        %add3A_448 = arith.constant 320 : i32
        %add3A_449 = arith.addi %mul3A_168, %add3A_448 : i32
        %add3A_450 = arith.constant 48 : i32
        %add3A_451 = arith.addi %add3A_449, %add3A_450 : i32
        %swap3A_452 = arith.index_cast %add3A_451 : i32 to index
        %swap3A_453 = tpu.vector_load %arg8[%swap3A_452] {strides = array<i32>} : memref<16384xf32, #tpu.memory_space<vmem>>, vector<16xf32>,
        tpu.vector_store %arg8[%swap3A_452], %gather3A_447 {add = true, strides = array<i32>} : memref<16384xf32, #tpu.memory_space<vmem>>, vector<16xf32>,
        %broadcast_in_dim3A_454 = arith.constant 6 : i32
        %broadcast_in_dim3A_455 = vector.broadcast %broadcast_in_dim3A_454 : i32 to vector<16x1xi32>
        %gather3A_456 = vector.shape_cast %broadcast_in_dim3A_455 : vector<16x1xi32> to vector<16xi32>
        %gather3A_457 = tpu.dynamic_gather %mul3A_166[%gather3A_456] in [0] : vector<16xi32>, vector<16xi32> -> vector<16xi32>
        %add3A_458 = arith.constant 0 : i32
        %add3A_459 = vector.broadcast %add3A_458 : i32 to vector<16xi32>
        %add3A_460 = arith.addi %iota3A, %add3A_459 : vector<16xi32>
        %add3A_461 = arith.addi %gather3A_457, %add3A_460 : vector<16xi32>
        %gather3A_462 = tpu.vector_load_idx %arg6[%add3A_461] : memref<64000xf32, #tpu.memory_space<vmem>>[vector<16xi32>], vector<16xf32>,
        %add3A_463 = arith.constant 384 : i32
        %add3A_464 = arith.addi %mul3A_168, %add3A_463 : i32
        %add3A_465 = arith.constant 0 : i32
        %add3A_466 = arith.addi %add3A_464, %add3A_465 : i32
        %swap3A_467 = arith.index_cast %add3A_466 : i32 to index
        %swap3A_468 = tpu.vector_load %arg8[%swap3A_467] {strides = array<i32>} : memref<16384xf32, #tpu.memory_space<vmem>>, vector<16xf32>,
        tpu.vector_store %arg8[%swap3A_467], %gather3A_462 {add = true, strides = array<i32>} : memref<16384xf32, #tpu.memory_space<vmem>>, vector<16xf32>,
        %add3A_469 = arith.constant 16 : i32
        %add3A_470 = vector.broadcast %add3A_469 : i32 to vector<16xi32>
        %add3A_471 = arith.addi %iota3A, %add3A_470 : vector<16xi32>
        %add3A_472 = arith.addi %gather3A_457, %add3A_471 : vector<16xi32>
        %gather3A_473 = tpu.vector_load_idx %arg6[%add3A_472] : memref<64000xf32, #tpu.memory_space<vmem>>[vector<16xi32>], vector<16xf32>,
        %add3A_474 = arith.constant 384 : i32
        %add3A_475 = arith.addi %mul3A_168, %add3A_474 : i32
        %add3A_476 = arith.constant 16 : i32
        %add3A_477 = arith.addi %add3A_475, %add3A_476 : i32
        %swap3A_478 = arith.index_cast %add3A_477 : i32 to index
        %swap3A_479 = tpu.vector_load %arg8[%swap3A_478] {strides = array<i32>} : memref<16384xf32, #tpu.memory_space<vmem>>, vector<16xf32>,
        tpu.vector_store %arg8[%swap3A_478], %gather3A_473 {add = true, strides = array<i32>} : memref<16384xf32, #tpu.memory_space<vmem>>, vector<16xf32>,
        %add3A_480 = arith.constant 32 : i32
        %add3A_481 = vector.broadcast %add3A_480 : i32 to vector<16xi32>
        %add3A_482 = arith.addi %iota3A, %add3A_481 : vector<16xi32>
        %add3A_483 = arith.addi %gather3A_457, %add3A_482 : vector<16xi32>
        %gather3A_484 = tpu.vector_load_idx %arg6[%add3A_483] : memref<64000xf32, #tpu.memory_space<vmem>>[vector<16xi32>], vector<16xf32>,
        %add3A_485 = arith.constant 384 : i32
        %add3A_486 = arith.addi %mul3A_168, %add3A_485 : i32
        %add3A_487 = arith.constant 32 : i32
        %add3A_488 = arith.addi %add3A_486, %add3A_487 : i32
        %swap3A_489 = arith.index_cast %add3A_488 : i32 to index
        %swap3A_490 = tpu.vector_load %arg8[%swap3A_489] {strides = array<i32>} : memref<16384xf32, #tpu.memory_space<vmem>>, vector<16xf32>,
        tpu.vector_store %arg8[%swap3A_489], %gather3A_484 {add = true, strides = array<i32>} : memref<16384xf32, #tpu.memory_space<vmem>>, vector<16xf32>,
        %add3A_491 = arith.constant 48 : i32
        %add3A_492 = vector.broadcast %add3A_491 : i32 to vector<16xi32>
        %add3A_493 = arith.addi %iota3A, %add3A_492 : vector<16xi32>
        %add3A_494 = arith.addi %gather3A_457, %add3A_493 : vector<16xi32>
        %gather3A_495 = tpu.vector_load_idx %arg6[%add3A_494] : memref<64000xf32, #tpu.memory_space<vmem>>[vector<16xi32>], vector<16xf32>,
        %add3A_496 = arith.constant 384 : i32
        %add3A_497 = arith.addi %mul3A_168, %add3A_496 : i32
        %add3A_498 = arith.constant 48 : i32
        %add3A_499 = arith.addi %add3A_497, %add3A_498 : i32
        %swap3A_500 = arith.index_cast %add3A_499 : i32 to index
        %swap3A_501 = tpu.vector_load %arg8[%swap3A_500] {strides = array<i32>} : memref<16384xf32, #tpu.memory_space<vmem>>, vector<16xf32>,
        tpu.vector_store %arg8[%swap3A_500], %gather3A_495 {add = true, strides = array<i32>} : memref<16384xf32, #tpu.memory_space<vmem>>, vector<16xf32>,
        %broadcast_in_dim3A_502 = arith.constant 7 : i32
        %broadcast_in_dim3A_503 = vector.broadcast %broadcast_in_dim3A_502 : i32 to vector<16x1xi32>
        %gather3A_504 = vector.shape_cast %broadcast_in_dim3A_503 : vector<16x1xi32> to vector<16xi32>
        %gather3A_505 = tpu.dynamic_gather %mul3A_166[%gather3A_504] in [0] : vector<16xi32>, vector<16xi32> -> vector<16xi32>
        %add3A_506 = arith.constant 0 : i32
        %add3A_507 = vector.broadcast %add3A_506 : i32 to vector<16xi32>
        %add3A_508 = arith.addi %iota3A, %add3A_507 : vector<16xi32>
        %add3A_509 = arith.addi %gather3A_505, %add3A_508 : vector<16xi32>
        %gather3A_510 = tpu.vector_load_idx %arg6[%add3A_509] : memref<64000xf32, #tpu.memory_space<vmem>>[vector<16xi32>], vector<16xf32>,
        %add3A_511 = arith.constant 448 : i32
        %add3A_512 = arith.addi %mul3A_168, %add3A_511 : i32
        %add3A_513 = arith.constant 0 : i32
        %add3A_514 = arith.addi %add3A_512, %add3A_513 : i32
        %swap3A_515 = arith.index_cast %add3A_514 : i32 to index
        %swap3A_516 = tpu.vector_load %arg8[%swap3A_515] {strides = array<i32>} : memref<16384xf32, #tpu.memory_space<vmem>>, vector<16xf32>,
        tpu.vector_store %arg8[%swap3A_515], %gather3A_510 {add = true, strides = array<i32>} : memref<16384xf32, #tpu.memory_space<vmem>>, vector<16xf32>,
        %add3A_517 = arith.constant 16 : i32
        %add3A_518 = vector.broadcast %add3A_517 : i32 to vector<16xi32>
        %add3A_519 = arith.addi %iota3A, %add3A_518 : vector<16xi32>
        %add3A_520 = arith.addi %gather3A_505, %add3A_519 : vector<16xi32>
        %gather3A_521 = tpu.vector_load_idx %arg6[%add3A_520] : memref<64000xf32, #tpu.memory_space<vmem>>[vector<16xi32>], vector<16xf32>,
        %add3A_522 = arith.constant 448 : i32
        %add3A_523 = arith.addi %mul3A_168, %add3A_522 : i32
        %add3A_524 = arith.constant 16 : i32
        %add3A_525 = arith.addi %add3A_523, %add3A_524 : i32
        %swap3A_526 = arith.index_cast %add3A_525 : i32 to index
        %swap3A_527 = tpu.vector_load %arg8[%swap3A_526] {strides = array<i32>} : memref<16384xf32, #tpu.memory_space<vmem>>, vector<16xf32>,
        tpu.vector_store %arg8[%swap3A_526], %gather3A_521 {add = true, strides = array<i32>} : memref<16384xf32, #tpu.memory_space<vmem>>, vector<16xf32>,
        %add3A_528 = arith.constant 32 : i32
        %add3A_529 = vector.broadcast %add3A_528 : i32 to vector<16xi32>
        %add3A_530 = arith.addi %iota3A, %add3A_529 : vector<16xi32>
        %add3A_531 = arith.addi %gather3A_505, %add3A_530 : vector<16xi32>
        %gather3A_532 = tpu.vector_load_idx %arg6[%add3A_531] : memref<64000xf32, #tpu.memory_space<vmem>>[vector<16xi32>], vector<16xf32>,
        %add3A_533 = arith.constant 448 : i32
        %add3A_534 = arith.addi %mul3A_168, %add3A_533 : i32
        %add3A_535 = arith.constant 32 : i32
        %add3A_536 = arith.addi %add3A_534, %add3A_535 : i32
        %swap3A_537 = arith.index_cast %add3A_536 : i32 to index
        %swap3A_538 = tpu.vector_load %arg8[%swap3A_537] {strides = array<i32>} : memref<16384xf32, #tpu.memory_space<vmem>>, vector<16xf32>,
        tpu.vector_store %arg8[%swap3A_537], %gather3A_532 {add = true, strides = array<i32>} : memref<16384xf32, #tpu.memory_space<vmem>>, vector<16xf32>,
        %add3A_539 = arith.constant 48 : i32
        %add3A_540 = vector.broadcast %add3A_539 : i32 to vector<16xi32>
        %add3A_541 = arith.addi %iota3A, %add3A_540 : vector<16xi32>
        %add3A_542 = arith.addi %gather3A_505, %add3A_541 : vector<16xi32>
        %gather3A_543 = tpu.vector_load_idx %arg6[%add3A_542] : memref<64000xf32, #tpu.memory_space<vmem>>[vector<16xi32>], vector<16xf32>,
        %add3A_544 = arith.constant 448 : i32
        %add3A_545 = arith.addi %mul3A_168, %add3A_544 : i32
        %add3A_546 = arith.constant 48 : i32
        %add3A_547 = arith.addi %add3A_545, %add3A_546 : i32
        %swap3A_548 = arith.index_cast %add3A_547 : i32 to index
        %swap3A_549 = tpu.vector_load %arg8[%swap3A_548] {strides = array<i32>} : memref<16384xf32, #tpu.memory_space<vmem>>, vector<16xf32>,
        tpu.vector_store %arg8[%swap3A_548], %gather3A_543 {add = true, strides = array<i32>} : memref<16384xf32, #tpu.memory_space<vmem>>, vector<16xf32>,
        %broadcast_in_dim3A_550 = arith.constant 8 : i32
        %broadcast_in_dim3A_551 = vector.broadcast %broadcast_in_dim3A_550 : i32 to vector<16x1xi32>
        %gather3A_552 = vector.shape_cast %broadcast_in_dim3A_551 : vector<16x1xi32> to vector<16xi32>
        %gather3A_553 = tpu.dynamic_gather %mul3A_166[%gather3A_552] in [0] : vector<16xi32>, vector<16xi32> -> vector<16xi32>
        %add3A_554 = arith.constant 0 : i32
        %add3A_555 = vector.broadcast %add3A_554 : i32 to vector<16xi32>
        %add3A_556 = arith.addi %iota3A, %add3A_555 : vector<16xi32>
        %add3A_557 = arith.addi %gather3A_553, %add3A_556 : vector<16xi32>
        %gather3A_558 = tpu.vector_load_idx %arg6[%add3A_557] : memref<64000xf32, #tpu.memory_space<vmem>>[vector<16xi32>], vector<16xf32>,
        %add3A_559 = arith.constant 512 : i32
        %add3A_560 = arith.addi %mul3A_168, %add3A_559 : i32
        %add3A_561 = arith.constant 0 : i32
        %add3A_562 = arith.addi %add3A_560, %add3A_561 : i32
        %swap3A_563 = arith.index_cast %add3A_562 : i32 to index
        %swap3A_564 = tpu.vector_load %arg8[%swap3A_563] {strides = array<i32>} : memref<16384xf32, #tpu.memory_space<vmem>>, vector<16xf32>,
        tpu.vector_store %arg8[%swap3A_563], %gather3A_558 {add = true, strides = array<i32>} : memref<16384xf32, #tpu.memory_space<vmem>>, vector<16xf32>,
        %add3A_565 = arith.constant 16 : i32
        %add3A_566 = vector.broadcast %add3A_565 : i32 to vector<16xi32>
        %add3A_567 = arith.addi %iota3A, %add3A_566 : vector<16xi32>
        %add3A_568 = arith.addi %gather3A_553, %add3A_567 : vector<16xi32>
        %gather3A_569 = tpu.vector_load_idx %arg6[%add3A_568] : memref<64000xf32, #tpu.memory_space<vmem>>[vector<16xi32>], vector<16xf32>,
        %add3A_570 = arith.constant 512 : i32
        %add3A_571 = arith.addi %mul3A_168, %add3A_570 : i32
        %add3A_572 = arith.constant 16 : i32
        %add3A_573 = arith.addi %add3A_571, %add3A_572 : i32
        %swap3A_574 = arith.index_cast %add3A_573 : i32 to index
        %swap3A_575 = tpu.vector_load %arg8[%swap3A_574] {strides = array<i32>} : memref<16384xf32, #tpu.memory_space<vmem>>, vector<16xf32>,
        tpu.vector_store %arg8[%swap3A_574], %gather3A_569 {add = true, strides = array<i32>} : memref<16384xf32, #tpu.memory_space<vmem>>, vector<16xf32>,
        %add3A_576 = arith.constant 32 : i32
        %add3A_577 = vector.broadcast %add3A_576 : i32 to vector<16xi32>
        %add3A_578 = arith.addi %iota3A, %add3A_577 : vector<16xi32>
        %add3A_579 = arith.addi %gather3A_553, %add3A_578 : vector<16xi32>
        %gather3A_580 = tpu.vector_load_idx %arg6[%add3A_579] : memref<64000xf32, #tpu.memory_space<vmem>>[vector<16xi32>], vector<16xf32>,
        %add3A_581 = arith.constant 512 : i32
        %add3A_582 = arith.addi %mul3A_168, %add3A_581 : i32
        %add3A_583 = arith.constant 32 : i32
        %add3A_584 = arith.addi %add3A_582, %add3A_583 : i32
        %swap3A_585 = arith.index_cast %add3A_584 : i32 to index
        %swap3A_586 = tpu.vector_load %arg8[%swap3A_585] {strides = array<i32>} : memref<16384xf32, #tpu.memory_space<vmem>>, vector<16xf32>,
        tpu.vector_store %arg8[%swap3A_585], %gather3A_580 {add = true, strides = array<i32>} : memref<16384xf32, #tpu.memory_space<vmem>>, vector<16xf32>,
        %add3A_587 = arith.constant 48 : i32
        %add3A_588 = vector.broadcast %add3A_587 : i32 to vector<16xi32>
        %add3A_589 = arith.addi %iota3A, %add3A_588 : vector<16xi32>
        %add3A_590 = arith.addi %gather3A_553, %add3A_589 : vector<16xi32>
        %gather3A_591 = tpu.vector_load_idx %arg6[%add3A_590] : memref<64000xf32, #tpu.memory_space<vmem>>[vector<16xi32>], vector<16xf32>,
        %add3A_592 = arith.constant 512 : i32
        %add3A_593 = arith.addi %mul3A_168, %add3A_592 : i32
        %add3A_594 = arith.constant 48 : i32
        %add3A_595 = arith.addi %add3A_593, %add3A_594 : i32
        %swap3A_596 = arith.index_cast %add3A_595 : i32 to index
        %swap3A_597 = tpu.vector_load %arg8[%swap3A_596] {strides = array<i32>} : memref<16384xf32, #tpu.memory_space<vmem>>, vector<16xf32>,
        tpu.vector_store %arg8[%swap3A_596], %gather3A_591 {add = true, strides = array<i32>} : memref<16384xf32, #tpu.memory_space<vmem>>, vector<16xf32>,
        %broadcast_in_dim3A_598 = arith.constant 9 : i32
        %broadcast_in_dim3A_599 = vector.broadcast %broadcast_in_dim3A_598 : i32 to vector<16x1xi32>
        %gather3A_600 = vector.shape_cast %broadcast_in_dim3A_599 : vector<16x1xi32> to vector<16xi32>
        %gather3A_601 = tpu.dynamic_gather %mul3A_166[%gather3A_600] in [0] : vector<16xi32>, vector<16xi32> -> vector<16xi32>
        %add3A_602 = arith.constant 0 : i32
        %add3A_603 = vector.broadcast %add3A_602 : i32 to vector<16xi32>
        %add3A_604 = arith.addi %iota3A, %add3A_603 : vector<16xi32>
        %add3A_605 = arith.addi %gather3A_601, %add3A_604 : vector<16xi32>
        %gather3A_606 = tpu.vector_load_idx %arg6[%add3A_605] : memref<64000xf32, #tpu.memory_space<vmem>>[vector<16xi32>], vector<16xf32>,
        %add3A_607 = arith.constant 576 : i32
        %add3A_608 = arith.addi %mul3A_168, %add3A_607 : i32
        %add3A_609 = arith.constant 0 : i32
        %add3A_610 = arith.addi %add3A_608, %add3A_609 : i32
        %swap3A_611 = arith.index_cast %add3A_610 : i32 to index
        %swap3A_612 = tpu.vector_load %arg8[%swap3A_611] {strides = array<i32>} : memref<16384xf32, #tpu.memory_space<vmem>>, vector<16xf32>,
        tpu.vector_store %arg8[%swap3A_611], %gather3A_606 {add = true, strides = array<i32>} : memref<16384xf32, #tpu.memory_space<vmem>>, vector<16xf32>,
        %add3A_613 = arith.constant 16 : i32
        %add3A_614 = vector.broadcast %add3A_613 : i32 to vector<16xi32>
        %add3A_615 = arith.addi %iota3A, %add3A_614 : vector<16xi32>
        %add3A_616 = arith.addi %gather3A_601, %add3A_615 : vector<16xi32>
        %gather3A_617 = tpu.vector_load_idx %arg6[%add3A_616] : memref<64000xf32, #tpu.memory_space<vmem>>[vector<16xi32>], vector<16xf32>,
        %add3A_618 = arith.constant 576 : i32
        %add3A_619 = arith.addi %mul3A_168, %add3A_618 : i32
        %add3A_620 = arith.constant 16 : i32
        %add3A_621 = arith.addi %add3A_619, %add3A_620 : i32
        %swap3A_622 = arith.index_cast %add3A_621 : i32 to index
        %swap3A_623 = tpu.vector_load %arg8[%swap3A_622] {strides = array<i32>} : memref<16384xf32, #tpu.memory_space<vmem>>, vector<16xf32>,
        tpu.vector_store %arg8[%swap3A_622], %gather3A_617 {add = true, strides = array<i32>} : memref<16384xf32, #tpu.memory_space<vmem>>, vector<16xf32>,
        %add3A_624 = arith.constant 32 : i32
        %add3A_625 = vector.broadcast %add3A_624 : i32 to vector<16xi32>
        %add3A_626 = arith.addi %iota3A, %add3A_625 : vector<16xi32>
        %add3A_627 = arith.addi %gather3A_601, %add3A_626 : vector<16xi32>
        %gather3A_628 = tpu.vector_load_idx %arg6[%add3A_627] : memref<64000xf32, #tpu.memory_space<vmem>>[vector<16xi32>], vector<16xf32>,
        %add3A_629 = arith.constant 576 : i32
        %add3A_630 = arith.addi %mul3A_168, %add3A_629 : i32
        %add3A_631 = arith.constant 32 : i32
        %add3A_632 = arith.addi %add3A_630, %add3A_631 : i32
        %swap3A_633 = arith.index_cast %add3A_632 : i32 to index
        %swap3A_634 = tpu.vector_load %arg8[%swap3A_633] {strides = array<i32>} : memref<16384xf32, #tpu.memory_space<vmem>>, vector<16xf32>,
        tpu.vector_store %arg8[%swap3A_633], %gather3A_628 {add = true, strides = array<i32>} : memref<16384xf32, #tpu.memory_space<vmem>>, vector<16xf32>,
        %add3A_635 = arith.constant 48 : i32
        %add3A_636 = vector.broadcast %add3A_635 : i32 to vector<16xi32>
        %add3A_637 = arith.addi %iota3A, %add3A_636 : vector<16xi32>
        %add3A_638 = arith.addi %gather3A_601, %add3A_637 : vector<16xi32>
        %gather3A_639 = tpu.vector_load_idx %arg6[%add3A_638] : memref<64000xf32, #tpu.memory_space<vmem>>[vector<16xi32>], vector<16xf32>,
        %add3A_640 = arith.constant 576 : i32
        %add3A_641 = arith.addi %mul3A_168, %add3A_640 : i32
        %add3A_642 = arith.constant 48 : i32
        %add3A_643 = arith.addi %add3A_641, %add3A_642 : i32
        %swap3A_644 = arith.index_cast %add3A_643 : i32 to index
        %swap3A_645 = tpu.vector_load %arg8[%swap3A_644] {strides = array<i32>} : memref<16384xf32, #tpu.memory_space<vmem>>, vector<16xf32>,
        tpu.vector_store %arg8[%swap3A_644], %gather3A_639 {add = true, strides = array<i32>} : memref<16384xf32, #tpu.memory_space<vmem>>, vector<16xf32>,
        %broadcast_in_dim3A_646 = arith.constant 10 : i32
        %broadcast_in_dim3A_647 = vector.broadcast %broadcast_in_dim3A_646 : i32 to vector<16x1xi32>
        %gather3A_648 = vector.shape_cast %broadcast_in_dim3A_647 : vector<16x1xi32> to vector<16xi32>
        %gather3A_649 = tpu.dynamic_gather %mul3A_166[%gather3A_648] in [0] : vector<16xi32>, vector<16xi32> -> vector<16xi32>
        %add3A_650 = arith.constant 0 : i32
        %add3A_651 = vector.broadcast %add3A_650 : i32 to vector<16xi32>
        %add3A_652 = arith.addi %iota3A, %add3A_651 : vector<16xi32>
        %add3A_653 = arith.addi %gather3A_649, %add3A_652 : vector<16xi32>
        %gather3A_654 = tpu.vector_load_idx %arg6[%add3A_653] : memref<64000xf32, #tpu.memory_space<vmem>>[vector<16xi32>], vector<16xf32>,
        %add3A_655 = arith.constant 640 : i32
        %add3A_656 = arith.addi %mul3A_168, %add3A_655 : i32
        %add3A_657 = arith.constant 0 : i32
        %add3A_658 = arith.addi %add3A_656, %add3A_657 : i32
        %swap3A_659 = arith.index_cast %add3A_658 : i32 to index
        %swap3A_660 = tpu.vector_load %arg8[%swap3A_659] {strides = array<i32>} : memref<16384xf32, #tpu.memory_space<vmem>>, vector<16xf32>,
        tpu.vector_store %arg8[%swap3A_659], %gather3A_654 {add = true, strides = array<i32>} : memref<16384xf32, #tpu.memory_space<vmem>>, vector<16xf32>,
        %add3A_661 = arith.constant 16 : i32
        %add3A_662 = vector.broadcast %add3A_661 : i32 to vector<16xi32>
        %add3A_663 = arith.addi %iota3A, %add3A_662 : vector<16xi32>
        %add3A_664 = arith.addi %gather3A_649, %add3A_663 : vector<16xi32>
        %gather3A_665 = tpu.vector_load_idx %arg6[%add3A_664] : memref<64000xf32, #tpu.memory_space<vmem>>[vector<16xi32>], vector<16xf32>,
        %add3A_666 = arith.constant 640 : i32
        %add3A_667 = arith.addi %mul3A_168, %add3A_666 : i32
        %add3A_668 = arith.constant 16 : i32
        %add3A_669 = arith.addi %add3A_667, %add3A_668 : i32
        %swap3A_670 = arith.index_cast %add3A_669 : i32 to index
        %swap3A_671 = tpu.vector_load %arg8[%swap3A_670] {strides = array<i32>} : memref<16384xf32, #tpu.memory_space<vmem>>, vector<16xf32>,
        tpu.vector_store %arg8[%swap3A_670], %gather3A_665 {add = true, strides = array<i32>} : memref<16384xf32, #tpu.memory_space<vmem>>, vector<16xf32>,
        %add3A_672 = arith.constant 32 : i32
        %add3A_673 = vector.broadcast %add3A_672 : i32 to vector<16xi32>
        %add3A_674 = arith.addi %iota3A, %add3A_673 : vector<16xi32>
        %add3A_675 = arith.addi %gather3A_649, %add3A_674 : vector<16xi32>
        %gather3A_676 = tpu.vector_load_idx %arg6[%add3A_675] : memref<64000xf32, #tpu.memory_space<vmem>>[vector<16xi32>], vector<16xf32>,
        %add3A_677 = arith.constant 640 : i32
        %add3A_678 = arith.addi %mul3A_168, %add3A_677 : i32
        %add3A_679 = arith.constant 32 : i32
        %add3A_680 = arith.addi %add3A_678, %add3A_679 : i32
        %swap3A_681 = arith.index_cast %add3A_680 : i32 to index
        %swap3A_682 = tpu.vector_load %arg8[%swap3A_681] {strides = array<i32>} : memref<16384xf32, #tpu.memory_space<vmem>>, vector<16xf32>,
        tpu.vector_store %arg8[%swap3A_681], %gather3A_676 {add = true, strides = array<i32>} : memref<16384xf32, #tpu.memory_space<vmem>>, vector<16xf32>,
        %add3A_683 = arith.constant 48 : i32
        %add3A_684 = vector.broadcast %add3A_683 : i32 to vector<16xi32>
        %add3A_685 = arith.addi %iota3A, %add3A_684 : vector<16xi32>
        %add3A_686 = arith.addi %gather3A_649, %add3A_685 : vector<16xi32>
        %gather3A_687 = tpu.vector_load_idx %arg6[%add3A_686] : memref<64000xf32, #tpu.memory_space<vmem>>[vector<16xi32>], vector<16xf32>,
        %add3A_688 = arith.constant 640 : i32
        %add3A_689 = arith.addi %mul3A_168, %add3A_688 : i32
        %add3A_690 = arith.constant 48 : i32
        %add3A_691 = arith.addi %add3A_689, %add3A_690 : i32
        %swap3A_692 = arith.index_cast %add3A_691 : i32 to index
        %swap3A_693 = tpu.vector_load %arg8[%swap3A_692] {strides = array<i32>} : memref<16384xf32, #tpu.memory_space<vmem>>, vector<16xf32>,
        tpu.vector_store %arg8[%swap3A_692], %gather3A_687 {add = true, strides = array<i32>} : memref<16384xf32, #tpu.memory_space<vmem>>, vector<16xf32>,
        %broadcast_in_dim3A_694 = arith.constant 11 : i32
        %broadcast_in_dim3A_695 = vector.broadcast %broadcast_in_dim3A_694 : i32 to vector<16x1xi32>
        %gather3A_696 = vector.shape_cast %broadcast_in_dim3A_695 : vector<16x1xi32> to vector<16xi32>
        %gather3A_697 = tpu.dynamic_gather %mul3A_166[%gather3A_696] in [0] : vector<16xi32>, vector<16xi32> -> vector<16xi32>
        %add3A_698 = arith.constant 0 : i32
        %add3A_699 = vector.broadcast %add3A_698 : i32 to vector<16xi32>
        %add3A_700 = arith.addi %iota3A, %add3A_699 : vector<16xi32>
        %add3A_701 = arith.addi %gather3A_697, %add3A_700 : vector<16xi32>
        %gather3A_702 = tpu.vector_load_idx %arg6[%add3A_701] : memref<64000xf32, #tpu.memory_space<vmem>>[vector<16xi32>], vector<16xf32>,
        %add3A_703 = arith.constant 704 : i32
        %add3A_704 = arith.addi %mul3A_168, %add3A_703 : i32
        %add3A_705 = arith.constant 0 : i32
        %add3A_706 = arith.addi %add3A_704, %add3A_705 : i32
        %swap3A_707 = arith.index_cast %add3A_706 : i32 to index
        %swap3A_708 = tpu.vector_load %arg8[%swap3A_707] {strides = array<i32>} : memref<16384xf32, #tpu.memory_space<vmem>>, vector<16xf32>,
        tpu.vector_store %arg8[%swap3A_707], %gather3A_702 {add = true, strides = array<i32>} : memref<16384xf32, #tpu.memory_space<vmem>>, vector<16xf32>,
        %add3A_709 = arith.constant 16 : i32
        %add3A_710 = vector.broadcast %add3A_709 : i32 to vector<16xi32>
        %add3A_711 = arith.addi %iota3A, %add3A_710 : vector<16xi32>
        %add3A_712 = arith.addi %gather3A_697, %add3A_711 : vector<16xi32>
        %gather3A_713 = tpu.vector_load_idx %arg6[%add3A_712] : memref<64000xf32, #tpu.memory_space<vmem>>[vector<16xi32>], vector<16xf32>,
        %add3A_714 = arith.constant 704 : i32
        %add3A_715 = arith.addi %mul3A_168, %add3A_714 : i32
        %add3A_716 = arith.constant 16 : i32
        %add3A_717 = arith.addi %add3A_715, %add3A_716 : i32
        %swap3A_718 = arith.index_cast %add3A_717 : i32 to index
        %swap3A_719 = tpu.vector_load %arg8[%swap3A_718] {strides = array<i32>} : memref<16384xf32, #tpu.memory_space<vmem>>, vector<16xf32>,
        tpu.vector_store %arg8[%swap3A_718], %gather3A_713 {add = true, strides = array<i32>} : memref<16384xf32, #tpu.memory_space<vmem>>, vector<16xf32>,
        %add3A_720 = arith.constant 32 : i32
        %add3A_721 = vector.broadcast %add3A_720 : i32 to vector<16xi32>
        %add3A_722 = arith.addi %iota3A, %add3A_721 : vector<16xi32>
        %add3A_723 = arith.addi %gather3A_697, %add3A_722 : vector<16xi32>
        %gather3A_724 = tpu.vector_load_idx %arg6[%add3A_723] : memref<64000xf32, #tpu.memory_space<vmem>>[vector<16xi32>], vector<16xf32>,
        %add3A_725 = arith.constant 704 : i32
        %add3A_726 = arith.addi %mul3A_168, %add3A_725 : i32
        %add3A_727 = arith.constant 32 : i32
        %add3A_728 = arith.addi %add3A_726, %add3A_727 : i32
        %swap3A_729 = arith.index_cast %add3A_728 : i32 to index
        %swap3A_730 = tpu.vector_load %arg8[%swap3A_729] {strides = array<i32>} : memref<16384xf32, #tpu.memory_space<vmem>>, vector<16xf32>,
        tpu.vector_store %arg8[%swap3A_729], %gather3A_724 {add = true, strides = array<i32>} : memref<16384xf32, #tpu.memory_space<vmem>>, vector<16xf32>,
        %add3A_731 = arith.constant 48 : i32
        %add3A_732 = vector.broadcast %add3A_731 : i32 to vector<16xi32>
        %add3A_733 = arith.addi %iota3A, %add3A_732 : vector<16xi32>
        %add3A_734 = arith.addi %gather3A_697, %add3A_733 : vector<16xi32>
        %gather3A_735 = tpu.vector_load_idx %arg6[%add3A_734] : memref<64000xf32, #tpu.memory_space<vmem>>[vector<16xi32>], vector<16xf32>,
        %add3A_736 = arith.constant 704 : i32
        %add3A_737 = arith.addi %mul3A_168, %add3A_736 : i32
        %add3A_738 = arith.constant 48 : i32
        %add3A_739 = arith.addi %add3A_737, %add3A_738 : i32
        %swap3A_740 = arith.index_cast %add3A_739 : i32 to index
        %swap3A_741 = tpu.vector_load %arg8[%swap3A_740] {strides = array<i32>} : memref<16384xf32, #tpu.memory_space<vmem>>, vector<16xf32>,
        tpu.vector_store %arg8[%swap3A_740], %gather3A_735 {add = true, strides = array<i32>} : memref<16384xf32, #tpu.memory_space<vmem>>, vector<16xf32>,
        %broadcast_in_dim3A_742 = arith.constant 12 : i32
        %broadcast_in_dim3A_743 = vector.broadcast %broadcast_in_dim3A_742 : i32 to vector<16x1xi32>
        %gather3A_744 = vector.shape_cast %broadcast_in_dim3A_743 : vector<16x1xi32> to vector<16xi32>
        %gather3A_745 = tpu.dynamic_gather %mul3A_166[%gather3A_744] in [0] : vector<16xi32>, vector<16xi32> -> vector<16xi32>
        %add3A_746 = arith.constant 0 : i32
        %add3A_747 = vector.broadcast %add3A_746 : i32 to vector<16xi32>
        %add3A_748 = arith.addi %iota3A, %add3A_747 : vector<16xi32>
        %add3A_749 = arith.addi %gather3A_745, %add3A_748 : vector<16xi32>
        %gather3A_750 = tpu.vector_load_idx %arg6[%add3A_749] : memref<64000xf32, #tpu.memory_space<vmem>>[vector<16xi32>], vector<16xf32>,
        %add3A_751 = arith.constant 768 : i32
        %add3A_752 = arith.addi %mul3A_168, %add3A_751 : i32
        %add3A_753 = arith.constant 0 : i32
        %add3A_754 = arith.addi %add3A_752, %add3A_753 : i32
        %swap3A_755 = arith.index_cast %add3A_754 : i32 to index
        %swap3A_756 = tpu.vector_load %arg8[%swap3A_755] {strides = array<i32>} : memref<16384xf32, #tpu.memory_space<vmem>>, vector<16xf32>,
        tpu.vector_store %arg8[%swap3A_755], %gather3A_750 {add = true, strides = array<i32>} : memref<16384xf32, #tpu.memory_space<vmem>>, vector<16xf32>,
        %add3A_757 = arith.constant 16 : i32
        %add3A_758 = vector.broadcast %add3A_757 : i32 to vector<16xi32>
        %add3A_759 = arith.addi %iota3A, %add3A_758 : vector<16xi32>
        %add3A_760 = arith.addi %gather3A_745, %add3A_759 : vector<16xi32>
        %gather3A_761 = tpu.vector_load_idx %arg6[%add3A_760] : memref<64000xf32, #tpu.memory_space<vmem>>[vector<16xi32>], vector<16xf32>,
        %add3A_762 = arith.constant 768 : i32
        %add3A_763 = arith.addi %mul3A_168, %add3A_762 : i32
        %add3A_764 = arith.constant 16 : i32
        %add3A_765 = arith.addi %add3A_763, %add3A_764 : i32
        %swap3A_766 = arith.index_cast %add3A_765 : i32 to index
        %swap3A_767 = tpu.vector_load %arg8[%swap3A_766] {strides = array<i32>} : memref<16384xf32, #tpu.memory_space<vmem>>, vector<16xf32>,
        tpu.vector_store %arg8[%swap3A_766], %gather3A_761 {add = true, strides = array<i32>} : memref<16384xf32, #tpu.memory_space<vmem>>, vector<16xf32>,
        %add3A_768 = arith.constant 32 : i32
        %add3A_769 = vector.broadcast %add3A_768 : i32 to vector<16xi32>
        %add3A_770 = arith.addi %iota3A, %add3A_769 : vector<16xi32>
        %add3A_771 = arith.addi %gather3A_745, %add3A_770 : vector<16xi32>
        %gather3A_772 = tpu.vector_load_idx %arg6[%add3A_771] : memref<64000xf32, #tpu.memory_space<vmem>>[vector<16xi32>], vector<16xf32>,
        %add3A_773 = arith.constant 768 : i32
        %add3A_774 = arith.addi %mul3A_168, %add3A_773 : i32
        %add3A_775 = arith.constant 32 : i32
        %add3A_776 = arith.addi %add3A_774, %add3A_775 : i32
        %swap3A_777 = arith.index_cast %add3A_776 : i32 to index
        %swap3A_778 = tpu.vector_load %arg8[%swap3A_777] {strides = array<i32>} : memref<16384xf32, #tpu.memory_space<vmem>>, vector<16xf32>,
        tpu.vector_store %arg8[%swap3A_777], %gather3A_772 {add = true, strides = array<i32>} : memref<16384xf32, #tpu.memory_space<vmem>>, vector<16xf32>,
        %add3A_779 = arith.constant 48 : i32
        %add3A_780 = vector.broadcast %add3A_779 : i32 to vector<16xi32>
        %add3A_781 = arith.addi %iota3A, %add3A_780 : vector<16xi32>
        %add3A_782 = arith.addi %gather3A_745, %add3A_781 : vector<16xi32>
        %gather3A_783 = tpu.vector_load_idx %arg6[%add3A_782] : memref<64000xf32, #tpu.memory_space<vmem>>[vector<16xi32>], vector<16xf32>,
        %add3A_784 = arith.constant 768 : i32
        %add3A_785 = arith.addi %mul3A_168, %add3A_784 : i32
        %add3A_786 = arith.constant 48 : i32
        %add3A_787 = arith.addi %add3A_785, %add3A_786 : i32
        %swap3A_788 = arith.index_cast %add3A_787 : i32 to index
        %swap3A_789 = tpu.vector_load %arg8[%swap3A_788] {strides = array<i32>} : memref<16384xf32, #tpu.memory_space<vmem>>, vector<16xf32>,
        tpu.vector_store %arg8[%swap3A_788], %gather3A_783 {add = true, strides = array<i32>} : memref<16384xf32, #tpu.memory_space<vmem>>, vector<16xf32>,
        %broadcast_in_dim3A_790 = arith.constant 13 : i32
        %broadcast_in_dim3A_791 = vector.broadcast %broadcast_in_dim3A_790 : i32 to vector<16x1xi32>
        %gather3A_792 = vector.shape_cast %broadcast_in_dim3A_791 : vector<16x1xi32> to vector<16xi32>
        %gather3A_793 = tpu.dynamic_gather %mul3A_166[%gather3A_792] in [0] : vector<16xi32>, vector<16xi32> -> vector<16xi32>
        %add3A_794 = arith.constant 0 : i32
        %add3A_795 = vector.broadcast %add3A_794 : i32 to vector<16xi32>
        %add3A_796 = arith.addi %iota3A, %add3A_795 : vector<16xi32>
        %add3A_797 = arith.addi %gather3A_793, %add3A_796 : vector<16xi32>
        %gather3A_798 = tpu.vector_load_idx %arg6[%add3A_797] : memref<64000xf32, #tpu.memory_space<vmem>>[vector<16xi32>], vector<16xf32>,
        %add3A_799 = arith.constant 832 : i32
        %add3A_800 = arith.addi %mul3A_168, %add3A_799 : i32
        %add3A_801 = arith.constant 0 : i32
        %add3A_802 = arith.addi %add3A_800, %add3A_801 : i32
        %swap3A_803 = arith.index_cast %add3A_802 : i32 to index
        %swap3A_804 = tpu.vector_load %arg8[%swap3A_803] {strides = array<i32>} : memref<16384xf32, #tpu.memory_space<vmem>>, vector<16xf32>,
        tpu.vector_store %arg8[%swap3A_803], %gather3A_798 {add = true, strides = array<i32>} : memref<16384xf32, #tpu.memory_space<vmem>>, vector<16xf32>,
        %add3A_805 = arith.constant 16 : i32
        %add3A_806 = vector.broadcast %add3A_805 : i32 to vector<16xi32>
        %add3A_807 = arith.addi %iota3A, %add3A_806 : vector<16xi32>
        %add3A_808 = arith.addi %gather3A_793, %add3A_807 : vector<16xi32>
        %gather3A_809 = tpu.vector_load_idx %arg6[%add3A_808] : memref<64000xf32, #tpu.memory_space<vmem>>[vector<16xi32>], vector<16xf32>,
        %add3A_810 = arith.constant 832 : i32
        %add3A_811 = arith.addi %mul3A_168, %add3A_810 : i32
        %add3A_812 = arith.constant 16 : i32
        %add3A_813 = arith.addi %add3A_811, %add3A_812 : i32
        %swap3A_814 = arith.index_cast %add3A_813 : i32 to index
        %swap3A_815 = tpu.vector_load %arg8[%swap3A_814] {strides = array<i32>} : memref<16384xf32, #tpu.memory_space<vmem>>, vector<16xf32>,
        tpu.vector_store %arg8[%swap3A_814], %gather3A_809 {add = true, strides = array<i32>} : memref<16384xf32, #tpu.memory_space<vmem>>, vector<16xf32>,
        %add3A_816 = arith.constant 32 : i32
        %add3A_817 = vector.broadcast %add3A_816 : i32 to vector<16xi32>
        %add3A_818 = arith.addi %iota3A, %add3A_817 : vector<16xi32>
        %add3A_819 = arith.addi %gather3A_793, %add3A_818 : vector<16xi32>
        %gather3A_820 = tpu.vector_load_idx %arg6[%add3A_819] : memref<64000xf32, #tpu.memory_space<vmem>>[vector<16xi32>], vector<16xf32>,
        %add3A_821 = arith.constant 832 : i32
        %add3A_822 = arith.addi %mul3A_168, %add3A_821 : i32
        %add3A_823 = arith.constant 32 : i32
        %add3A_824 = arith.addi %add3A_822, %add3A_823 : i32
        %swap3A_825 = arith.index_cast %add3A_824 : i32 to index
        %swap3A_826 = tpu.vector_load %arg8[%swap3A_825] {strides = array<i32>} : memref<16384xf32, #tpu.memory_space<vmem>>, vector<16xf32>,
        tpu.vector_store %arg8[%swap3A_825], %gather3A_820 {add = true, strides = array<i32>} : memref<16384xf32, #tpu.memory_space<vmem>>, vector<16xf32>,
        %add3A_827 = arith.constant 48 : i32
        %add3A_828 = vector.broadcast %add3A_827 : i32 to vector<16xi32>
        %add3A_829 = arith.addi %iota3A, %add3A_828 : vector<16xi32>
        %add3A_830 = arith.addi %gather3A_793, %add3A_829 : vector<16xi32>
        %gather3A_831 = tpu.vector_load_idx %arg6[%add3A_830] : memref<64000xf32, #tpu.memory_space<vmem>>[vector<16xi32>], vector<16xf32>,
        %add3A_832 = arith.constant 832 : i32
        %add3A_833 = arith.addi %mul3A_168, %add3A_832 : i32
        %add3A_834 = arith.constant 48 : i32
        %add3A_835 = arith.addi %add3A_833, %add3A_834 : i32
        %swap3A_836 = arith.index_cast %add3A_835 : i32 to index
        %swap3A_837 = tpu.vector_load %arg8[%swap3A_836] {strides = array<i32>} : memref<16384xf32, #tpu.memory_space<vmem>>, vector<16xf32>,
        tpu.vector_store %arg8[%swap3A_836], %gather3A_831 {add = true, strides = array<i32>} : memref<16384xf32, #tpu.memory_space<vmem>>, vector<16xf32>,
        %broadcast_in_dim3A_838 = arith.constant 14 : i32
        %broadcast_in_dim3A_839 = vector.broadcast %broadcast_in_dim3A_838 : i32 to vector<16x1xi32>
        %gather3A_840 = vector.shape_cast %broadcast_in_dim3A_839 : vector<16x1xi32> to vector<16xi32>
        %gather3A_841 = tpu.dynamic_gather %mul3A_166[%gather3A_840] in [0] : vector<16xi32>, vector<16xi32> -> vector<16xi32>
        %add3A_842 = arith.constant 0 : i32
        %add3A_843 = vector.broadcast %add3A_842 : i32 to vector<16xi32>
        %add3A_844 = arith.addi %iota3A, %add3A_843 : vector<16xi32>
        %add3A_845 = arith.addi %gather3A_841, %add3A_844 : vector<16xi32>
        %gather3A_846 = tpu.vector_load_idx %arg6[%add3A_845] : memref<64000xf32, #tpu.memory_space<vmem>>[vector<16xi32>], vector<16xf32>,
        %add3A_847 = arith.constant 896 : i32
        %add3A_848 = arith.addi %mul3A_168, %add3A_847 : i32
        %add3A_849 = arith.constant 0 : i32
        %add3A_850 = arith.addi %add3A_848, %add3A_849 : i32
        %swap3A_851 = arith.index_cast %add3A_850 : i32 to index
        %swap3A_852 = tpu.vector_load %arg8[%swap3A_851] {strides = array<i32>} : memref<16384xf32, #tpu.memory_space<vmem>>, vector<16xf32>,
        tpu.vector_store %arg8[%swap3A_851], %gather3A_846 {add = true, strides = array<i32>} : memref<16384xf32, #tpu.memory_space<vmem>>, vector<16xf32>,
        %add3A_853 = arith.constant 16 : i32
        %add3A_854 = vector.broadcast %add3A_853 : i32 to vector<16xi32>
        %add3A_855 = arith.addi %iota3A, %add3A_854 : vector<16xi32>
        %add3A_856 = arith.addi %gather3A_841, %add3A_855 : vector<16xi32>
        %gather3A_857 = tpu.vector_load_idx %arg6[%add3A_856] : memref<64000xf32, #tpu.memory_space<vmem>>[vector<16xi32>], vector<16xf32>,
        %add3A_858 = arith.constant 896 : i32
        %add3A_859 = arith.addi %mul3A_168, %add3A_858 : i32
        %add3A_860 = arith.constant 16 : i32
        %add3A_861 = arith.addi %add3A_859, %add3A_860 : i32
        %swap3A_862 = arith.index_cast %add3A_861 : i32 to index
        %swap3A_863 = tpu.vector_load %arg8[%swap3A_862] {strides = array<i32>} : memref<16384xf32, #tpu.memory_space<vmem>>, vector<16xf32>,
        tpu.vector_store %arg8[%swap3A_862], %gather3A_857 {add = true, strides = array<i32>} : memref<16384xf32, #tpu.memory_space<vmem>>, vector<16xf32>,
        %add3A_864 = arith.constant 32 : i32
        %add3A_865 = vector.broadcast %add3A_864 : i32 to vector<16xi32>
        %add3A_866 = arith.addi %iota3A, %add3A_865 : vector<16xi32>
        %add3A_867 = arith.addi %gather3A_841, %add3A_866 : vector<16xi32>
        %gather3A_868 = tpu.vector_load_idx %arg6[%add3A_867] : memref<64000xf32, #tpu.memory_space<vmem>>[vector<16xi32>], vector<16xf32>,
        %add3A_869 = arith.constant 896 : i32
        %add3A_870 = arith.addi %mul3A_168, %add3A_869 : i32
        %add3A_871 = arith.constant 32 : i32
        %add3A_872 = arith.addi %add3A_870, %add3A_871 : i32
        %swap3A_873 = arith.index_cast %add3A_872 : i32 to index
        %swap3A_874 = tpu.vector_load %arg8[%swap3A_873] {strides = array<i32>} : memref<16384xf32, #tpu.memory_space<vmem>>, vector<16xf32>,
        tpu.vector_store %arg8[%swap3A_873], %gather3A_868 {add = true, strides = array<i32>} : memref<16384xf32, #tpu.memory_space<vmem>>, vector<16xf32>,
        %add3A_875 = arith.constant 48 : i32
        %add3A_876 = vector.broadcast %add3A_875 : i32 to vector<16xi32>
        %add3A_877 = arith.addi %iota3A, %add3A_876 : vector<16xi32>
        %add3A_878 = arith.addi %gather3A_841, %add3A_877 : vector<16xi32>
        %gather3A_879 = tpu.vector_load_idx %arg6[%add3A_878] : memref<64000xf32, #tpu.memory_space<vmem>>[vector<16xi32>], vector<16xf32>,
        %add3A_880 = arith.constant 896 : i32
        %add3A_881 = arith.addi %mul3A_168, %add3A_880 : i32
        %add3A_882 = arith.constant 48 : i32
        %add3A_883 = arith.addi %add3A_881, %add3A_882 : i32
        %swap3A_884 = arith.index_cast %add3A_883 : i32 to index
        %swap3A_885 = tpu.vector_load %arg8[%swap3A_884] {strides = array<i32>} : memref<16384xf32, #tpu.memory_space<vmem>>, vector<16xf32>,
        tpu.vector_store %arg8[%swap3A_884], %gather3A_879 {add = true, strides = array<i32>} : memref<16384xf32, #tpu.memory_space<vmem>>, vector<16xf32>,
        %broadcast_in_dim3A_886 = arith.constant 15 : i32
        %broadcast_in_dim3A_887 = vector.broadcast %broadcast_in_dim3A_886 : i32 to vector<16x1xi32>
        %gather3A_888 = vector.shape_cast %broadcast_in_dim3A_887 : vector<16x1xi32> to vector<16xi32>
        %gather3A_889 = tpu.dynamic_gather %mul3A_166[%gather3A_888] in [0] : vector<16xi32>, vector<16xi32> -> vector<16xi32>
        %add3A_890 = arith.constant 0 : i32
        %add3A_891 = vector.broadcast %add3A_890 : i32 to vector<16xi32>
        %add3A_892 = arith.addi %iota3A, %add3A_891 : vector<16xi32>
        %add3A_893 = arith.addi %gather3A_889, %add3A_892 : vector<16xi32>
        %gather3A_894 = tpu.vector_load_idx %arg6[%add3A_893] : memref<64000xf32, #tpu.memory_space<vmem>>[vector<16xi32>], vector<16xf32>,
        %add3A_895 = arith.constant 960 : i32
        %add3A_896 = arith.addi %mul3A_168, %add3A_895 : i32
        %add3A_897 = arith.constant 0 : i32
        %add3A_898 = arith.addi %add3A_896, %add3A_897 : i32
        %swap3A_899 = arith.index_cast %add3A_898 : i32 to index
        %swap3A_900 = tpu.vector_load %arg8[%swap3A_899] {strides = array<i32>} : memref<16384xf32, #tpu.memory_space<vmem>>, vector<16xf32>,
        tpu.vector_store %arg8[%swap3A_899], %gather3A_894 {add = true, strides = array<i32>} : memref<16384xf32, #tpu.memory_space<vmem>>, vector<16xf32>,
        %add3A_901 = arith.constant 16 : i32
        %add3A_902 = vector.broadcast %add3A_901 : i32 to vector<16xi32>
        %add3A_903 = arith.addi %iota3A, %add3A_902 : vector<16xi32>
        %add3A_904 = arith.addi %gather3A_889, %add3A_903 : vector<16xi32>
        %gather3A_905 = tpu.vector_load_idx %arg6[%add3A_904] : memref<64000xf32, #tpu.memory_space<vmem>>[vector<16xi32>], vector<16xf32>,
        %add3A_906 = arith.constant 960 : i32
        %add3A_907 = arith.addi %mul3A_168, %add3A_906 : i32
        %add3A_908 = arith.constant 16 : i32
        %add3A_909 = arith.addi %add3A_907, %add3A_908 : i32
        %swap3A_910 = arith.index_cast %add3A_909 : i32 to index
        %swap3A_911 = tpu.vector_load %arg8[%swap3A_910] {strides = array<i32>} : memref<16384xf32, #tpu.memory_space<vmem>>, vector<16xf32>,
        tpu.vector_store %arg8[%swap3A_910], %gather3A_905 {add = true, strides = array<i32>} : memref<16384xf32, #tpu.memory_space<vmem>>, vector<16xf32>,
        %add3A_912 = arith.constant 32 : i32
        %add3A_913 = vector.broadcast %add3A_912 : i32 to vector<16xi32>
        %add3A_914 = arith.addi %iota3A, %add3A_913 : vector<16xi32>
        %add3A_915 = arith.addi %gather3A_889, %add3A_914 : vector<16xi32>
        %gather3A_916 = tpu.vector_load_idx %arg6[%add3A_915] : memref<64000xf32, #tpu.memory_space<vmem>>[vector<16xi32>], vector<16xf32>,
        %add3A_917 = arith.constant 960 : i32
        %add3A_918 = arith.addi %mul3A_168, %add3A_917 : i32
        %add3A_919 = arith.constant 32 : i32
        %add3A_920 = arith.addi %add3A_918, %add3A_919 : i32
        %swap3A_921 = arith.index_cast %add3A_920 : i32 to index
        %swap3A_922 = tpu.vector_load %arg8[%swap3A_921] {strides = array<i32>} : memref<16384xf32, #tpu.memory_space<vmem>>, vector<16xf32>,
        tpu.vector_store %arg8[%swap3A_921], %gather3A_916 {add = true, strides = array<i32>} : memref<16384xf32, #tpu.memory_space<vmem>>, vector<16xf32>,
        %add3A_923 = arith.constant 48 : i32
        %add3A_924 = vector.broadcast %add3A_923 : i32 to vector<16xi32>
        %add3A_925 = arith.addi %iota3A, %add3A_924 : vector<16xi32>
        %add3A_926 = arith.addi %gather3A_889, %add3A_925 : vector<16xi32>
        %gather3A_927 = tpu.vector_load_idx %arg6[%add3A_926] : memref<64000xf32, #tpu.memory_space<vmem>>[vector<16xi32>], vector<16xf32>,
        %add3A_928 = arith.constant 960 : i32
        %add3A_929 = arith.addi %mul3A_168, %add3A_928 : i32
        %add3A_930 = arith.constant 48 : i32
        %add3A_931 = arith.addi %add3A_929, %add3A_930 : i32
        %swap3A_932 = arith.index_cast %add3A_931 : i32 to index
        %swap3A_933 = tpu.vector_load %arg8[%swap3A_932] {strides = array<i32>} : memref<16384xf32, #tpu.memory_space<vmem>>, vector<16xf32>,
        tpu.vector_store %arg8[%swap3A_932], %gather3A_927 {add = true, strides = array<i32>} : memref<16384xf32, #tpu.memory_space<vmem>>, vector<16xf32>,
      }
      %scan3A_77 = arith.constant 16 : i32
      %mul3A_78 = arith.constant 64 : i32
      %mul3A_79 = arith.muli %add3A_66, %mul3A_78 : i32
      %dma_start3A_80 = tpu.memref_slice %arg5[%mul3A_79] : memref<209715200xf32, #tpu.memory_space<hbm>> -> memref<16384xf32, #tpu.memory_space<hbm>>
      %dma_start3A_81 = tpu.memref_slice %arg5[%mul3A_79] : memref<209715200xf32, #tpu.memory_space<hbm>> -> memref<16384xf32, #tpu.memory_space<hbm>>
      tpu.enqueue_dma source(%arg8 : memref<16384xf32, #tpu.memory_space<vmem>>) target(%dma_start3A_81 : memref<16384xf32, #tpu.memory_space<hbm>>) target_semaphore(%arg24 : memref<!tpu.dma_semaphore, #tpu.memory_space<semaphore_mem>>)
      %ge3A_82 = arith.constant 2 : i32
      %ge3A_83 = arith.cmpi sge, %add3A_63, %ge3A_82 : i32
      %convert_element_type3A_84 = arith.extui %ge3A_83 : i1 to i32
      %cond3A_85 = arith.constant 0 : i32
      %cond3A_86 = arith.cmpi ne, %convert_element_type3A_84, %cond3A_85 : i32
      scf.if %cond3A_86 {
        %dma_wait3A_158 = arith.constant 0 : i32
        %dma_wait3A_159 = tpu.memref_slice %arg5[%dma_wait3A_158] : memref<209715200xf32, #tpu.memory_space<hbm>> -> memref<16384xf32, #tpu.memory_space<hbm>>
        %dma_wait3A_160 = arith.constant 0 : i32
        %dma_wait3A_161 = tpu.memref_slice %arg5[%dma_wait3A_160] : memref<209715200xf32, #tpu.memory_space<hbm>> -> memref<16384xf32, #tpu.memory_space<hbm>>
        tpu.wait_dma2 semaphore(%arg26 : memref<!tpu.dma_semaphore, #tpu.memory_space<semaphore_mem>>) src(%arg10 : memref<16384xf32, #tpu.memory_space<vmem>>) dst(%dma_wait3A_161 : memref<16384xf32, #tpu.memory_space<hbm>>)
      } else {
      }
      %add3A_87 = arith.constant 2 : i32
      %add3A_88 = arith.addi %add3A_63, %add3A_87 : i32
      %lt3A_89 = arith.constant 400 : i32
      %lt3A_90 = arith.cmpi slt, %add3A_88, %lt3A_89 : i32
      %convert_element_type3A_91 = arith.extui %lt3A_90 : i1 to i32
      %cond3A_92 = arith.constant 0 : i32
      %cond3A_93 = arith.cmpi ne, %convert_element_type3A_91, %cond3A_92 : i32
      scf.if %cond3A_93 {
        %add3A_158 = arith.constant 2 : i32
        %add3A_159 = arith.addi %add3A_63, %add3A_158 : i32
        %mul3A_160 = arith.constant 256 : i32
        %mul3A_161 = arith.muli %add3A_159, %mul3A_160 : i32
        %add3A_162 = arith.addi %mul3A_2, %mul3A_161 : i32
        %dma_start3A_163 = tpu.memref_slice %arg3[%add3A_162] : memref<3276800xi32, #tpu.memory_space<hbm>> -> memref<256xi32, #tpu.memory_space<hbm>>
        %dma_start3A_164 = tpu.memref_slice %arg3[%add3A_162] : memref<3276800xi32, #tpu.memory_space<hbm>> -> memref<256xi32, #tpu.memory_space<hbm>>
        tpu.enqueue_dma source(%dma_start3A_164 : memref<256xi32, #tpu.memory_space<hbm>>) target(%arg14 : memref<256xi32, #tpu.memory_space<vmem>>) target_semaphore(%arg22 : memref<!tpu.dma_semaphore, #tpu.memory_space<semaphore_mem>>)
        %mul3A_165 = arith.constant 64 : i32
        %mul3A_166 = arith.muli %add3A_162, %mul3A_165 : i32
        %dma_start3A_167 = tpu.memref_slice %arg2[%mul3A_166] : memref<209715200xf32, #tpu.memory_space<hbm>> -> memref<16384xf32, #tpu.memory_space<hbm>>
        %dma_start3A_168 = tpu.memref_slice %arg2[%mul3A_166] : memref<209715200xf32, #tpu.memory_space<hbm>> -> memref<16384xf32, #tpu.memory_space<hbm>>
        tpu.enqueue_dma source(%dma_start3A_168 : memref<16384xf32, #tpu.memory_space<hbm>>) target(%arg10 : memref<16384xf32, #tpu.memory_space<vmem>>) target_semaphore(%arg18 : memref<!tpu.dma_semaphore, #tpu.memory_space<semaphore_mem>>)
      } else {
      }
      %add3A_94 = arith.constant 2 : i32
      %add3A_95 = arith.addi %add3A_33, %add3A_94 : i32
      %mul3A_96 = arith.constant 256 : i32
      %mul3A_97 = arith.muli %add3A_95, %mul3A_96 : i32
      %add3A_98 = arith.addi %mul3A_2, %mul3A_97 : i32
      %dma_wait3A_99 = tpu.memref_slice %arg3[%add3A_98] : memref<3276800xi32, #tpu.memory_space<hbm>> -> memref<256xi32, #tpu.memory_space<hbm>>
      %dma_wait3A_100 = tpu.memref_slice %arg3[%add3A_98] : memref<3276800xi32, #tpu.memory_space<hbm>> -> memref<256xi32, #tpu.memory_space<hbm>>
      tpu.wait_dma2 semaphore(%arg21 : memref<!tpu.dma_semaphore, #tpu.memory_space<semaphore_mem>>) src(%dma_wait3A_100 : memref<256xi32, #tpu.memory_space<hbm>>) dst(%arg13 : memref<256xi32, #tpu.memory_space<vmem>>)
      %mul3A_101 = arith.constant 64 : i32
      %mul3A_102 = arith.muli %add3A_98, %mul3A_101 : i32
      %dma_wait3A_103 = tpu.memref_slice %arg2[%mul3A_102] : memref<209715200xf32, #tpu.memory_space<hbm>> -> memref<16384xf32, #tpu.memory_space<hbm>>
      %dma_wait3A_104 = tpu.memref_slice %arg2[%mul3A_102] : memref<209715200xf32, #tpu.memory_space<hbm>> -> memref<16384xf32, #tpu.memory_space<hbm>>
      tpu.wait_dma2 semaphore(%arg17 : memref<!tpu.dma_semaphore, #tpu.memory_space<semaphore_mem>>) src(%dma_wait3A_104 : memref<16384xf32, #tpu.memory_space<hbm>>) dst(%arg9 : memref<16384xf32, #tpu.memory_space<vmem>>)
      %scan3A_105 = arith.constant 0 : i32
      %scan3A_106 = arith.constant 16 : i32
      %scan3A_107 = arith.addi %scan3A_105, %scan3A_106 : i32
      %scan3A_108 = arith.constant 1 : i32
      scf.for %scan3A_158 = %scan3A_105 to %scan3A_107 step %scan3A_108  : i32 {
        %mul3A_159 = arith.constant 16 : i32
        %mul3A_160 = arith.muli %scan3A_158, %mul3A_159 : i32
        %add3A_161 = arith.constant 0 : i32
        %add3A_162 = arith.addi %add3A_161, %mul3A_160 : i32
        %get3A = arith.index_cast %add3A_162 : i32 to index
        %get3A_163 = tpu.vector_load %arg13[%get3A] {strides = array<i32>} : memref<256xi32, #tpu.memory_space<vmem>>, vector<16xi32>,
        %mul3A_164 = arith.constant 64 : i32
        %mul3A_165 = vector.broadcast %mul3A_164 : i32 to vector<16xi32>
        %mul3A_166 = arith.muli %get3A_163, %mul3A_165 : vector<16xi32>
        %mul3A_167 = arith.constant 64 : i32
        %mul3A_168 = arith.muli %add3A_162, %mul3A_167 : i32
        %broadcast_in_dim3A = arith.constant 0 : i32
        %broadcast_in_dim3A_169 = vector.broadcast %broadcast_in_dim3A : i32 to vector<16x1xi32>
        %gather3A = vector.shape_cast %broadcast_in_dim3A_169 : vector<16x1xi32> to vector<16xi32>
        %gather3A_170 = tpu.dynamic_gather %mul3A_166[%gather3A] in [0] : vector<16xi32>, vector<16xi32> -> vector<16xi32>
        %add3A_171 = arith.constant 0 : i32
        %add3A_172 = vector.broadcast %add3A_171 : i32 to vector<16xi32>
        %add3A_173 = arith.addi %iota3A, %add3A_172 : vector<16xi32>
        %add3A_174 = arith.addi %gather3A_170, %add3A_173 : vector<16xi32>
        %gather3A_175 = tpu.vector_load_idx %arg6[%add3A_174] : memref<64000xf32, #tpu.memory_space<vmem>>[vector<16xi32>], vector<16xf32>,
        %add3A_176 = arith.constant 0 : i32
        %add3A_177 = arith.addi %mul3A_168, %add3A_176 : i32
        %add3A_178 = arith.constant 0 : i32
        %add3A_179 = arith.addi %add3A_177, %add3A_178 : i32
        %swap3A = arith.index_cast %add3A_179 : i32 to index
        %swap3A_180 = tpu.vector_load %arg9[%swap3A] {strides = array<i32>} : memref<16384xf32, #tpu.memory_space<vmem>>, vector<16xf32>,
        tpu.vector_store %arg9[%swap3A], %gather3A_175 {add = true, strides = array<i32>} : memref<16384xf32, #tpu.memory_space<vmem>>, vector<16xf32>,
        %add3A_181 = arith.constant 16 : i32
        %add3A_182 = vector.broadcast %add3A_181 : i32 to vector<16xi32>
        %add3A_183 = arith.addi %iota3A, %add3A_182 : vector<16xi32>
        %add3A_184 = arith.addi %gather3A_170, %add3A_183 : vector<16xi32>
        %gather3A_185 = tpu.vector_load_idx %arg6[%add3A_184] : memref<64000xf32, #tpu.memory_space<vmem>>[vector<16xi32>], vector<16xf32>,
        %add3A_186 = arith.constant 0 : i32
        %add3A_187 = arith.addi %mul3A_168, %add3A_186 : i32
        %add3A_188 = arith.constant 16 : i32
        %add3A_189 = arith.addi %add3A_187, %add3A_188 : i32
        %swap3A_190 = arith.index_cast %add3A_189 : i32 to index
        %swap3A_191 = tpu.vector_load %arg9[%swap3A_190] {strides = array<i32>} : memref<16384xf32, #tpu.memory_space<vmem>>, vector<16xf32>,
        tpu.vector_store %arg9[%swap3A_190], %gather3A_185 {add = true, strides = array<i32>} : memref<16384xf32, #tpu.memory_space<vmem>>, vector<16xf32>,
        %add3A_192 = arith.constant 32 : i32
        %add3A_193 = vector.broadcast %add3A_192 : i32 to vector<16xi32>
        %add3A_194 = arith.addi %iota3A, %add3A_193 : vector<16xi32>
        %add3A_195 = arith.addi %gather3A_170, %add3A_194 : vector<16xi32>
        %gather3A_196 = tpu.vector_load_idx %arg6[%add3A_195] : memref<64000xf32, #tpu.memory_space<vmem>>[vector<16xi32>], vector<16xf32>,
        %add3A_197 = arith.constant 0 : i32
        %add3A_198 = arith.addi %mul3A_168, %add3A_197 : i32
        %add3A_199 = arith.constant 32 : i32
        %add3A_200 = arith.addi %add3A_198, %add3A_199 : i32
        %swap3A_201 = arith.index_cast %add3A_200 : i32 to index
        %swap3A_202 = tpu.vector_load %arg9[%swap3A_201] {strides = array<i32>} : memref<16384xf32, #tpu.memory_space<vmem>>, vector<16xf32>,
        tpu.vector_store %arg9[%swap3A_201], %gather3A_196 {add = true, strides = array<i32>} : memref<16384xf32, #tpu.memory_space<vmem>>, vector<16xf32>,
        %add3A_203 = arith.constant 48 : i32
        %add3A_204 = vector.broadcast %add3A_203 : i32 to vector<16xi32>
        %add3A_205 = arith.addi %iota3A, %add3A_204 : vector<16xi32>
        %add3A_206 = arith.addi %gather3A_170, %add3A_205 : vector<16xi32>
        %gather3A_207 = tpu.vector_load_idx %arg6[%add3A_206] : memref<64000xf32, #tpu.memory_space<vmem>>[vector<16xi32>], vector<16xf32>,
        %add3A_208 = arith.constant 0 : i32
        %add3A_209 = arith.addi %mul3A_168, %add3A_208 : i32
        %add3A_210 = arith.constant 48 : i32
        %add3A_211 = arith.addi %add3A_209, %add3A_210 : i32
        %swap3A_212 = arith.index_cast %add3A_211 : i32 to index
        %swap3A_213 = tpu.vector_load %arg9[%swap3A_212] {strides = array<i32>} : memref<16384xf32, #tpu.memory_space<vmem>>, vector<16xf32>,
        tpu.vector_store %arg9[%swap3A_212], %gather3A_207 {add = true, strides = array<i32>} : memref<16384xf32, #tpu.memory_space<vmem>>, vector<16xf32>,
        %broadcast_in_dim3A_214 = arith.constant 1 : i32
        %broadcast_in_dim3A_215 = vector.broadcast %broadcast_in_dim3A_214 : i32 to vector<16x1xi32>
        %gather3A_216 = vector.shape_cast %broadcast_in_dim3A_215 : vector<16x1xi32> to vector<16xi32>
        %gather3A_217 = tpu.dynamic_gather %mul3A_166[%gather3A_216] in [0] : vector<16xi32>, vector<16xi32> -> vector<16xi32>
        %add3A_218 = arith.constant 0 : i32
        %add3A_219 = vector.broadcast %add3A_218 : i32 to vector<16xi32>
        %add3A_220 = arith.addi %iota3A, %add3A_219 : vector<16xi32>
        %add3A_221 = arith.addi %gather3A_217, %add3A_220 : vector<16xi32>
        %gather3A_222 = tpu.vector_load_idx %arg6[%add3A_221] : memref<64000xf32, #tpu.memory_space<vmem>>[vector<16xi32>], vector<16xf32>,
        %add3A_223 = arith.constant 64 : i32
        %add3A_224 = arith.addi %mul3A_168, %add3A_223 : i32
        %add3A_225 = arith.constant 0 : i32
        %add3A_226 = arith.addi %add3A_224, %add3A_225 : i32
        %swap3A_227 = arith.index_cast %add3A_226 : i32 to index
        %swap3A_228 = tpu.vector_load %arg9[%swap3A_227] {strides = array<i32>} : memref<16384xf32, #tpu.memory_space<vmem>>, vector<16xf32>,
        tpu.vector_store %arg9[%swap3A_227], %gather3A_222 {add = true, strides = array<i32>} : memref<16384xf32, #tpu.memory_space<vmem>>, vector<16xf32>,
        %add3A_229 = arith.constant 16 : i32
        %add3A_230 = vector.broadcast %add3A_229 : i32 to vector<16xi32>
        %add3A_231 = arith.addi %iota3A, %add3A_230 : vector<16xi32>
        %add3A_232 = arith.addi %gather3A_217, %add3A_231 : vector<16xi32>
        %gather3A_233 = tpu.vector_load_idx %arg6[%add3A_232] : memref<64000xf32, #tpu.memory_space<vmem>>[vector<16xi32>], vector<16xf32>,
        %add3A_234 = arith.constant 64 : i32
        %add3A_235 = arith.addi %mul3A_168, %add3A_234 : i32
        %add3A_236 = arith.constant 16 : i32
        %add3A_237 = arith.addi %add3A_235, %add3A_236 : i32
        %swap3A_238 = arith.index_cast %add3A_237 : i32 to index
        %swap3A_239 = tpu.vector_load %arg9[%swap3A_238] {strides = array<i32>} : memref<16384xf32, #tpu.memory_space<vmem>>, vector<16xf32>,
        tpu.vector_store %arg9[%swap3A_238], %gather3A_233 {add = true, strides = array<i32>} : memref<16384xf32, #tpu.memory_space<vmem>>, vector<16xf32>,
        %add3A_240 = arith.constant 32 : i32
        %add3A_241 = vector.broadcast %add3A_240 : i32 to vector<16xi32>
        %add3A_242 = arith.addi %iota3A, %add3A_241 : vector<16xi32>
        %add3A_243 = arith.addi %gather3A_217, %add3A_242 : vector<16xi32>
        %gather3A_244 = tpu.vector_load_idx %arg6[%add3A_243] : memref<64000xf32, #tpu.memory_space<vmem>>[vector<16xi32>], vector<16xf32>,
        %add3A_245 = arith.constant 64 : i32
        %add3A_246 = arith.addi %mul3A_168, %add3A_245 : i32
        %add3A_247 = arith.constant 32 : i32
        %add3A_248 = arith.addi %add3A_246, %add3A_247 : i32
        %swap3A_249 = arith.index_cast %add3A_248 : i32 to index
        %swap3A_250 = tpu.vector_load %arg9[%swap3A_249] {strides = array<i32>} : memref<16384xf32, #tpu.memory_space<vmem>>, vector<16xf32>,
        tpu.vector_store %arg9[%swap3A_249], %gather3A_244 {add = true, strides = array<i32>} : memref<16384xf32, #tpu.memory_space<vmem>>, vector<16xf32>,
        %add3A_251 = arith.constant 48 : i32
        %add3A_252 = vector.broadcast %add3A_251 : i32 to vector<16xi32>
        %add3A_253 = arith.addi %iota3A, %add3A_252 : vector<16xi32>
        %add3A_254 = arith.addi %gather3A_217, %add3A_253 : vector<16xi32>
        %gather3A_255 = tpu.vector_load_idx %arg6[%add3A_254] : memref<64000xf32, #tpu.memory_space<vmem>>[vector<16xi32>], vector<16xf32>,
        %add3A_256 = arith.constant 64 : i32
        %add3A_257 = arith.addi %mul3A_168, %add3A_256 : i32
        %add3A_258 = arith.constant 48 : i32
        %add3A_259 = arith.addi %add3A_257, %add3A_258 : i32
        %swap3A_260 = arith.index_cast %add3A_259 : i32 to index
        %swap3A_261 = tpu.vector_load %arg9[%swap3A_260] {strides = array<i32>} : memref<16384xf32, #tpu.memory_space<vmem>>, vector<16xf32>,
        tpu.vector_store %arg9[%swap3A_260], %gather3A_255 {add = true, strides = array<i32>} : memref<16384xf32, #tpu.memory_space<vmem>>, vector<16xf32>,
        %broadcast_in_dim3A_262 = arith.constant 2 : i32
        %broadcast_in_dim3A_263 = vector.broadcast %broadcast_in_dim3A_262 : i32 to vector<16x1xi32>
        %gather3A_264 = vector.shape_cast %broadcast_in_dim3A_263 : vector<16x1xi32> to vector<16xi32>
        %gather3A_265 = tpu.dynamic_gather %mul3A_166[%gather3A_264] in [0] : vector<16xi32>, vector<16xi32> -> vector<16xi32>
        %add3A_266 = arith.constant 0 : i32
        %add3A_267 = vector.broadcast %add3A_266 : i32 to vector<16xi32>
        %add3A_268 = arith.addi %iota3A, %add3A_267 : vector<16xi32>
        %add3A_269 = arith.addi %gather3A_265, %add3A_268 : vector<16xi32>
        %gather3A_270 = tpu.vector_load_idx %arg6[%add3A_269] : memref<64000xf32, #tpu.memory_space<vmem>>[vector<16xi32>], vector<16xf32>,
        %add3A_271 = arith.constant 128 : i32
        %add3A_272 = arith.addi %mul3A_168, %add3A_271 : i32
        %add3A_273 = arith.constant 0 : i32
        %add3A_274 = arith.addi %add3A_272, %add3A_273 : i32
        %swap3A_275 = arith.index_cast %add3A_274 : i32 to index
        %swap3A_276 = tpu.vector_load %arg9[%swap3A_275] {strides = array<i32>} : memref<16384xf32, #tpu.memory_space<vmem>>, vector<16xf32>,
        tpu.vector_store %arg9[%swap3A_275], %gather3A_270 {add = true, strides = array<i32>} : memref<16384xf32, #tpu.memory_space<vmem>>, vector<16xf32>,
        %add3A_277 = arith.constant 16 : i32
        %add3A_278 = vector.broadcast %add3A_277 : i32 to vector<16xi32>
        %add3A_279 = arith.addi %iota3A, %add3A_278 : vector<16xi32>
        %add3A_280 = arith.addi %gather3A_265, %add3A_279 : vector<16xi32>
        %gather3A_281 = tpu.vector_load_idx %arg6[%add3A_280] : memref<64000xf32, #tpu.memory_space<vmem>>[vector<16xi32>], vector<16xf32>,
        %add3A_282 = arith.constant 128 : i32
        %add3A_283 = arith.addi %mul3A_168, %add3A_282 : i32
        %add3A_284 = arith.constant 16 : i32
        %add3A_285 = arith.addi %add3A_283, %add3A_284 : i32
        %swap3A_286 = arith.index_cast %add3A_285 : i32 to index
        %swap3A_287 = tpu.vector_load %arg9[%swap3A_286] {strides = array<i32>} : memref<16384xf32, #tpu.memory_space<vmem>>, vector<16xf32>,
        tpu.vector_store %arg9[%swap3A_286], %gather3A_281 {add = true, strides = array<i32>} : memref<16384xf32, #tpu.memory_space<vmem>>, vector<16xf32>,
        %add3A_288 = arith.constant 32 : i32
        %add3A_289 = vector.broadcast %add3A_288 : i32 to vector<16xi32>
        %add3A_290 = arith.addi %iota3A, %add3A_289 : vector<16xi32>
        %add3A_291 = arith.addi %gather3A_265, %add3A_290 : vector<16xi32>
        %gather3A_292 = tpu.vector_load_idx %arg6[%add3A_291] : memref<64000xf32, #tpu.memory_space<vmem>>[vector<16xi32>], vector<16xf32>,
        %add3A_293 = arith.constant 128 : i32
        %add3A_294 = arith.addi %mul3A_168, %add3A_293 : i32
        %add3A_295 = arith.constant 32 : i32
        %add3A_296 = arith.addi %add3A_294, %add3A_295 : i32
        %swap3A_297 = arith.index_cast %add3A_296 : i32 to index
        %swap3A_298 = tpu.vector_load %arg9[%swap3A_297] {strides = array<i32>} : memref<16384xf32, #tpu.memory_space<vmem>>, vector<16xf32>,
        tpu.vector_store %arg9[%swap3A_297], %gather3A_292 {add = true, strides = array<i32>} : memref<16384xf32, #tpu.memory_space<vmem>>, vector<16xf32>,
        %add3A_299 = arith.constant 48 : i32
        %add3A_300 = vector.broadcast %add3A_299 : i32 to vector<16xi32>
        %add3A_301 = arith.addi %iota3A, %add3A_300 : vector<16xi32>
        %add3A_302 = arith.addi %gather3A_265, %add3A_301 : vector<16xi32>
        %gather3A_303 = tpu.vector_load_idx %arg6[%add3A_302] : memref<64000xf32, #tpu.memory_space<vmem>>[vector<16xi32>], vector<16xf32>,
        %add3A_304 = arith.constant 128 : i32
        %add3A_305 = arith.addi %mul3A_168, %add3A_304 : i32
        %add3A_306 = arith.constant 48 : i32
        %add3A_307 = arith.addi %add3A_305, %add3A_306 : i32
        %swap3A_308 = arith.index_cast %add3A_307 : i32 to index
        %swap3A_309 = tpu.vector_load %arg9[%swap3A_308] {strides = array<i32>} : memref<16384xf32, #tpu.memory_space<vmem>>, vector<16xf32>,
        tpu.vector_store %arg9[%swap3A_308], %gather3A_303 {add = true, strides = array<i32>} : memref<16384xf32, #tpu.memory_space<vmem>>, vector<16xf32>,
        %broadcast_in_dim3A_310 = arith.constant 3 : i32
        %broadcast_in_dim3A_311 = vector.broadcast %broadcast_in_dim3A_310 : i32 to vector<16x1xi32>
        %gather3A_312 = vector.shape_cast %broadcast_in_dim3A_311 : vector<16x1xi32> to vector<16xi32>
        %gather3A_313 = tpu.dynamic_gather %mul3A_166[%gather3A_312] in [0] : vector<16xi32>, vector<16xi32> -> vector<16xi32>
        %add3A_314 = arith.constant 0 : i32
        %add3A_315 = vector.broadcast %add3A_314 : i32 to vector<16xi32>
        %add3A_316 = arith.addi %iota3A, %add3A_315 : vector<16xi32>
        %add3A_317 = arith.addi %gather3A_313, %add3A_316 : vector<16xi32>
        %gather3A_318 = tpu.vector_load_idx %arg6[%add3A_317] : memref<64000xf32, #tpu.memory_space<vmem>>[vector<16xi32>], vector<16xf32>,
        %add3A_319 = arith.constant 192 : i32
        %add3A_320 = arith.addi %mul3A_168, %add3A_319 : i32
        %add3A_321 = arith.constant 0 : i32
        %add3A_322 = arith.addi %add3A_320, %add3A_321 : i32
        %swap3A_323 = arith.index_cast %add3A_322 : i32 to index
        %swap3A_324 = tpu.vector_load %arg9[%swap3A_323] {strides = array<i32>} : memref<16384xf32, #tpu.memory_space<vmem>>, vector<16xf32>,
        tpu.vector_store %arg9[%swap3A_323], %gather3A_318 {add = true, strides = array<i32>} : memref<16384xf32, #tpu.memory_space<vmem>>, vector<16xf32>,
        %add3A_325 = arith.constant 16 : i32
        %add3A_326 = vector.broadcast %add3A_325 : i32 to vector<16xi32>
        %add3A_327 = arith.addi %iota3A, %add3A_326 : vector<16xi32>
        %add3A_328 = arith.addi %gather3A_313, %add3A_327 : vector<16xi32>
        %gather3A_329 = tpu.vector_load_idx %arg6[%add3A_328] : memref<64000xf32, #tpu.memory_space<vmem>>[vector<16xi32>], vector<16xf32>,
        %add3A_330 = arith.constant 192 : i32
        %add3A_331 = arith.addi %mul3A_168, %add3A_330 : i32
        %add3A_332 = arith.constant 16 : i32
        %add3A_333 = arith.addi %add3A_331, %add3A_332 : i32
        %swap3A_334 = arith.index_cast %add3A_333 : i32 to index
        %swap3A_335 = tpu.vector_load %arg9[%swap3A_334] {strides = array<i32>} : memref<16384xf32, #tpu.memory_space<vmem>>, vector<16xf32>,
        tpu.vector_store %arg9[%swap3A_334], %gather3A_329 {add = true, strides = array<i32>} : memref<16384xf32, #tpu.memory_space<vmem>>, vector<16xf32>,
        %add3A_336 = arith.constant 32 : i32
        %add3A_337 = vector.broadcast %add3A_336 : i32 to vector<16xi32>
        %add3A_338 = arith.addi %iota3A, %add3A_337 : vector<16xi32>
        %add3A_339 = arith.addi %gather3A_313, %add3A_338 : vector<16xi32>
        %gather3A_340 = tpu.vector_load_idx %arg6[%add3A_339] : memref<64000xf32, #tpu.memory_space<vmem>>[vector<16xi32>], vector<16xf32>,
        %add3A_341 = arith.constant 192 : i32
        %add3A_342 = arith.addi %mul3A_168, %add3A_341 : i32
        %add3A_343 = arith.constant 32 : i32
        %add3A_344 = arith.addi %add3A_342, %add3A_343 : i32
        %swap3A_345 = arith.index_cast %add3A_344 : i32 to index
        %swap3A_346 = tpu.vector_load %arg9[%swap3A_345] {strides = array<i32>} : memref<16384xf32, #tpu.memory_space<vmem>>, vector<16xf32>,
        tpu.vector_store %arg9[%swap3A_345], %gather3A_340 {add = true, strides = array<i32>} : memref<16384xf32, #tpu.memory_space<vmem>>, vector<16xf32>,
        %add3A_347 = arith.constant 48 : i32
        %add3A_348 = vector.broadcast %add3A_347 : i32 to vector<16xi32>
        %add3A_349 = arith.addi %iota3A, %add3A_348 : vector<16xi32>
        %add3A_350 = arith.addi %gather3A_313, %add3A_349 : vector<16xi32>
        %gather3A_351 = tpu.vector_load_idx %arg6[%add3A_350] : memref<64000xf32, #tpu.memory_space<vmem>>[vector<16xi32>], vector<16xf32>,
        %add3A_352 = arith.constant 192 : i32
        %add3A_353 = arith.addi %mul3A_168, %add3A_352 : i32
        %add3A_354 = arith.constant 48 : i32
        %add3A_355 = arith.addi %add3A_353, %add3A_354 : i32
        %swap3A_356 = arith.index_cast %add3A_355 : i32 to index
        %swap3A_357 = tpu.vector_load %arg9[%swap3A_356] {strides = array<i32>} : memref<16384xf32, #tpu.memory_space<vmem>>, vector<16xf32>,
        tpu.vector_store %arg9[%swap3A_356], %gather3A_351 {add = true, strides = array<i32>} : memref<16384xf32, #tpu.memory_space<vmem>>, vector<16xf32>,
        %broadcast_in_dim3A_358 = arith.constant 4 : i32
        %broadcast_in_dim3A_359 = vector.broadcast %broadcast_in_dim3A_358 : i32 to vector<16x1xi32>
        %gather3A_360 = vector.shape_cast %broadcast_in_dim3A_359 : vector<16x1xi32> to vector<16xi32>
        %gather3A_361 = tpu.dynamic_gather %mul3A_166[%gather3A_360] in [0] : vector<16xi32>, vector<16xi32> -> vector<16xi32>
        %add3A_362 = arith.constant 0 : i32
        %add3A_363 = vector.broadcast %add3A_362 : i32 to vector<16xi32>
        %add3A_364 = arith.addi %iota3A, %add3A_363 : vector<16xi32>
        %add3A_365 = arith.addi %gather3A_361, %add3A_364 : vector<16xi32>
        %gather3A_366 = tpu.vector_load_idx %arg6[%add3A_365] : memref<64000xf32, #tpu.memory_space<vmem>>[vector<16xi32>], vector<16xf32>,
        %add3A_367 = arith.constant 256 : i32
        %add3A_368 = arith.addi %mul3A_168, %add3A_367 : i32
        %add3A_369 = arith.constant 0 : i32
        %add3A_370 = arith.addi %add3A_368, %add3A_369 : i32
        %swap3A_371 = arith.index_cast %add3A_370 : i32 to index
        %swap3A_372 = tpu.vector_load %arg9[%swap3A_371] {strides = array<i32>} : memref<16384xf32, #tpu.memory_space<vmem>>, vector<16xf32>,
        tpu.vector_store %arg9[%swap3A_371], %gather3A_366 {add = true, strides = array<i32>} : memref<16384xf32, #tpu.memory_space<vmem>>, vector<16xf32>,
        %add3A_373 = arith.constant 16 : i32
        %add3A_374 = vector.broadcast %add3A_373 : i32 to vector<16xi32>
        %add3A_375 = arith.addi %iota3A, %add3A_374 : vector<16xi32>
        %add3A_376 = arith.addi %gather3A_361, %add3A_375 : vector<16xi32>
        %gather3A_377 = tpu.vector_load_idx %arg6[%add3A_376] : memref<64000xf32, #tpu.memory_space<vmem>>[vector<16xi32>], vector<16xf32>,
        %add3A_378 = arith.constant 256 : i32
        %add3A_379 = arith.addi %mul3A_168, %add3A_378 : i32
        %add3A_380 = arith.constant 16 : i32
        %add3A_381 = arith.addi %add3A_379, %add3A_380 : i32
        %swap3A_382 = arith.index_cast %add3A_381 : i32 to index
        %swap3A_383 = tpu.vector_load %arg9[%swap3A_382] {strides = array<i32>} : memref<16384xf32, #tpu.memory_space<vmem>>, vector<16xf32>,
        tpu.vector_store %arg9[%swap3A_382], %gather3A_377 {add = true, strides = array<i32>} : memref<16384xf32, #tpu.memory_space<vmem>>, vector<16xf32>,
        %add3A_384 = arith.constant 32 : i32
        %add3A_385 = vector.broadcast %add3A_384 : i32 to vector<16xi32>
        %add3A_386 = arith.addi %iota3A, %add3A_385 : vector<16xi32>
        %add3A_387 = arith.addi %gather3A_361, %add3A_386 : vector<16xi32>
        %gather3A_388 = tpu.vector_load_idx %arg6[%add3A_387] : memref<64000xf32, #tpu.memory_space<vmem>>[vector<16xi32>], vector<16xf32>,
        %add3A_389 = arith.constant 256 : i32
        %add3A_390 = arith.addi %mul3A_168, %add3A_389 : i32
        %add3A_391 = arith.constant 32 : i32
        %add3A_392 = arith.addi %add3A_390, %add3A_391 : i32
        %swap3A_393 = arith.index_cast %add3A_392 : i32 to index
        %swap3A_394 = tpu.vector_load %arg9[%swap3A_393] {strides = array<i32>} : memref<16384xf32, #tpu.memory_space<vmem>>, vector<16xf32>,
        tpu.vector_store %arg9[%swap3A_393], %gather3A_388 {add = true, strides = array<i32>} : memref<16384xf32, #tpu.memory_space<vmem>>, vector<16xf32>,
        %add3A_395 = arith.constant 48 : i32
        %add3A_396 = vector.broadcast %add3A_395 : i32 to vector<16xi32>
        %add3A_397 = arith.addi %iota3A, %add3A_396 : vector<16xi32>
        %add3A_398 = arith.addi %gather3A_361, %add3A_397 : vector<16xi32>
        %gather3A_399 = tpu.vector_load_idx %arg6[%add3A_398] : memref<64000xf32, #tpu.memory_space<vmem>>[vector<16xi32>], vector<16xf32>,
        %add3A_400 = arith.constant 256 : i32
        %add3A_401 = arith.addi %mul3A_168, %add3A_400 : i32
        %add3A_402 = arith.constant 48 : i32
        %add3A_403 = arith.addi %add3A_401, %add3A_402 : i32
        %swap3A_404 = arith.index_cast %add3A_403 : i32 to index
        %swap3A_405 = tpu.vector_load %arg9[%swap3A_404] {strides = array<i32>} : memref<16384xf32, #tpu.memory_space<vmem>>, vector<16xf32>,
        tpu.vector_store %arg9[%swap3A_404], %gather3A_399 {add = true, strides = array<i32>} : memref<16384xf32, #tpu.memory_space<vmem>>, vector<16xf32>,
        %broadcast_in_dim3A_406 = arith.constant 5 : i32
        %broadcast_in_dim3A_407 = vector.broadcast %broadcast_in_dim3A_406 : i32 to vector<16x1xi32>
        %gather3A_408 = vector.shape_cast %broadcast_in_dim3A_407 : vector<16x1xi32> to vector<16xi32>
        %gather3A_409 = tpu.dynamic_gather %mul3A_166[%gather3A_408] in [0] : vector<16xi32>, vector<16xi32> -> vector<16xi32>
        %add3A_410 = arith.constant 0 : i32
        %add3A_411 = vector.broadcast %add3A_410 : i32 to vector<16xi32>
        %add3A_412 = arith.addi %iota3A, %add3A_411 : vector<16xi32>
        %add3A_413 = arith.addi %gather3A_409, %add3A_412 : vector<16xi32>
        %gather3A_414 = tpu.vector_load_idx %arg6[%add3A_413] : memref<64000xf32, #tpu.memory_space<vmem>>[vector<16xi32>], vector<16xf32>,
        %add3A_415 = arith.constant 320 : i32
        %add3A_416 = arith.addi %mul3A_168, %add3A_415 : i32
        %add3A_417 = arith.constant 0 : i32
        %add3A_418 = arith.addi %add3A_416, %add3A_417 : i32
        %swap3A_419 = arith.index_cast %add3A_418 : i32 to index
        %swap3A_420 = tpu.vector_load %arg9[%swap3A_419] {strides = array<i32>} : memref<16384xf32, #tpu.memory_space<vmem>>, vector<16xf32>,
        tpu.vector_store %arg9[%swap3A_419], %gather3A_414 {add = true, strides = array<i32>} : memref<16384xf32, #tpu.memory_space<vmem>>, vector<16xf32>,
        %add3A_421 = arith.constant 16 : i32
        %add3A_422 = vector.broadcast %add3A_421 : i32 to vector<16xi32>
        %add3A_423 = arith.addi %iota3A, %add3A_422 : vector<16xi32>
        %add3A_424 = arith.addi %gather3A_409, %add3A_423 : vector<16xi32>
        %gather3A_425 = tpu.vector_load_idx %arg6[%add3A_424] : memref<64000xf32, #tpu.memory_space<vmem>>[vector<16xi32>], vector<16xf32>,
        %add3A_426 = arith.constant 320 : i32
        %add3A_427 = arith.addi %mul3A_168, %add3A_426 : i32
        %add3A_428 = arith.constant 16 : i32
        %add3A_429 = arith.addi %add3A_427, %add3A_428 : i32
        %swap3A_430 = arith.index_cast %add3A_429 : i32 to index
        %swap3A_431 = tpu.vector_load %arg9[%swap3A_430] {strides = array<i32>} : memref<16384xf32, #tpu.memory_space<vmem>>, vector<16xf32>,
        tpu.vector_store %arg9[%swap3A_430], %gather3A_425 {add = true, strides = array<i32>} : memref<16384xf32, #tpu.memory_space<vmem>>, vector<16xf32>,
        %add3A_432 = arith.constant 32 : i32
        %add3A_433 = vector.broadcast %add3A_432 : i32 to vector<16xi32>
        %add3A_434 = arith.addi %iota3A, %add3A_433 : vector<16xi32>
        %add3A_435 = arith.addi %gather3A_409, %add3A_434 : vector<16xi32>
        %gather3A_436 = tpu.vector_load_idx %arg6[%add3A_435] : memref<64000xf32, #tpu.memory_space<vmem>>[vector<16xi32>], vector<16xf32>,
        %add3A_437 = arith.constant 320 : i32
        %add3A_438 = arith.addi %mul3A_168, %add3A_437 : i32
        %add3A_439 = arith.constant 32 : i32
        %add3A_440 = arith.addi %add3A_438, %add3A_439 : i32
        %swap3A_441 = arith.index_cast %add3A_440 : i32 to index
        %swap3A_442 = tpu.vector_load %arg9[%swap3A_441] {strides = array<i32>} : memref<16384xf32, #tpu.memory_space<vmem>>, vector<16xf32>,
        tpu.vector_store %arg9[%swap3A_441], %gather3A_436 {add = true, strides = array<i32>} : memref<16384xf32, #tpu.memory_space<vmem>>, vector<16xf32>,
        %add3A_443 = arith.constant 48 : i32
        %add3A_444 = vector.broadcast %add3A_443 : i32 to vector<16xi32>
        %add3A_445 = arith.addi %iota3A, %add3A_444 : vector<16xi32>
        %add3A_446 = arith.addi %gather3A_409, %add3A_445 : vector<16xi32>
        %gather3A_447 = tpu.vector_load_idx %arg6[%add3A_446] : memref<64000xf32, #tpu.memory_space<vmem>>[vector<16xi32>], vector<16xf32>,
        %add3A_448 = arith.constant 320 : i32
        %add3A_449 = arith.addi %mul3A_168, %add3A_448 : i32
        %add3A_450 = arith.constant 48 : i32
        %add3A_451 = arith.addi %add3A_449, %add3A_450 : i32
        %swap3A_452 = arith.index_cast %add3A_451 : i32 to index
        %swap3A_453 = tpu.vector_load %arg9[%swap3A_452] {strides = array<i32>} : memref<16384xf32, #tpu.memory_space<vmem>>, vector<16xf32>,
        tpu.vector_store %arg9[%swap3A_452], %gather3A_447 {add = true, strides = array<i32>} : memref<16384xf32, #tpu.memory_space<vmem>>, vector<16xf32>,
        %broadcast_in_dim3A_454 = arith.constant 6 : i32
        %broadcast_in_dim3A_455 = vector.broadcast %broadcast_in_dim3A_454 : i32 to vector<16x1xi32>
        %gather3A_456 = vector.shape_cast %broadcast_in_dim3A_455 : vector<16x1xi32> to vector<16xi32>
        %gather3A_457 = tpu.dynamic_gather %mul3A_166[%gather3A_456] in [0] : vector<16xi32>, vector<16xi32> -> vector<16xi32>
        %add3A_458 = arith.constant 0 : i32
        %add3A_459 = vector.broadcast %add3A_458 : i32 to vector<16xi32>
        %add3A_460 = arith.addi %iota3A, %add3A_459 : vector<16xi32>
        %add3A_461 = arith.addi %gather3A_457, %add3A_460 : vector<16xi32>
        %gather3A_462 = tpu.vector_load_idx %arg6[%add3A_461] : memref<64000xf32, #tpu.memory_space<vmem>>[vector<16xi32>], vector<16xf32>,
        %add3A_463 = arith.constant 384 : i32
        %add3A_464 = arith.addi %mul3A_168, %add3A_463 : i32
        %add3A_465 = arith.constant 0 : i32
        %add3A_466 = arith.addi %add3A_464, %add3A_465 : i32
        %swap3A_467 = arith.index_cast %add3A_466 : i32 to index
        %swap3A_468 = tpu.vector_load %arg9[%swap3A_467] {strides = array<i32>} : memref<16384xf32, #tpu.memory_space<vmem>>, vector<16xf32>,
        tpu.vector_store %arg9[%swap3A_467], %gather3A_462 {add = true, strides = array<i32>} : memref<16384xf32, #tpu.memory_space<vmem>>, vector<16xf32>,
        %add3A_469 = arith.constant 16 : i32
        %add3A_470 = vector.broadcast %add3A_469 : i32 to vector<16xi32>
        %add3A_471 = arith.addi %iota3A, %add3A_470 : vector<16xi32>
        %add3A_472 = arith.addi %gather3A_457, %add3A_471 : vector<16xi32>
        %gather3A_473 = tpu.vector_load_idx %arg6[%add3A_472] : memref<64000xf32, #tpu.memory_space<vmem>>[vector<16xi32>], vector<16xf32>,
        %add3A_474 = arith.constant 384 : i32
        %add3A_475 = arith.addi %mul3A_168, %add3A_474 : i32
        %add3A_476 = arith.constant 16 : i32
        %add3A_477 = arith.addi %add3A_475, %add3A_476 : i32
        %swap3A_478 = arith.index_cast %add3A_477 : i32 to index
        %swap3A_479 = tpu.vector_load %arg9[%swap3A_478] {strides = array<i32>} : memref<16384xf32, #tpu.memory_space<vmem>>, vector<16xf32>,
        tpu.vector_store %arg9[%swap3A_478], %gather3A_473 {add = true, strides = array<i32>} : memref<16384xf32, #tpu.memory_space<vmem>>, vector<16xf32>,
        %add3A_480 = arith.constant 32 : i32
        %add3A_481 = vector.broadcast %add3A_480 : i32 to vector<16xi32>
        %add3A_482 = arith.addi %iota3A, %add3A_481 : vector<16xi32>
        %add3A_483 = arith.addi %gather3A_457, %add3A_482 : vector<16xi32>
        %gather3A_484 = tpu.vector_load_idx %arg6[%add3A_483] : memref<64000xf32, #tpu.memory_space<vmem>>[vector<16xi32>], vector<16xf32>,
        %add3A_485 = arith.constant 384 : i32
        %add3A_486 = arith.addi %mul3A_168, %add3A_485 : i32
        %add3A_487 = arith.constant 32 : i32
        %add3A_488 = arith.addi %add3A_486, %add3A_487 : i32
        %swap3A_489 = arith.index_cast %add3A_488 : i32 to index
        %swap3A_490 = tpu.vector_load %arg9[%swap3A_489] {strides = array<i32>} : memref<16384xf32, #tpu.memory_space<vmem>>, vector<16xf32>,
        tpu.vector_store %arg9[%swap3A_489], %gather3A_484 {add = true, strides = array<i32>} : memref<16384xf32, #tpu.memory_space<vmem>>, vector<16xf32>,
        %add3A_491 = arith.constant 48 : i32
        %add3A_492 = vector.broadcast %add3A_491 : i32 to vector<16xi32>
        %add3A_493 = arith.addi %iota3A, %add3A_492 : vector<16xi32>
        %add3A_494 = arith.addi %gather3A_457, %add3A_493 : vector<16xi32>
        %gather3A_495 = tpu.vector_load_idx %arg6[%add3A_494] : memref<64000xf32, #tpu.memory_space<vmem>>[vector<16xi32>], vector<16xf32>,
        %add3A_496 = arith.constant 384 : i32
        %add3A_497 = arith.addi %mul3A_168, %add3A_496 : i32
        %add3A_498 = arith.constant 48 : i32
        %add3A_499 = arith.addi %add3A_497, %add3A_498 : i32
        %swap3A_500 = arith.index_cast %add3A_499 : i32 to index
        %swap3A_501 = tpu.vector_load %arg9[%swap3A_500] {strides = array<i32>} : memref<16384xf32, #tpu.memory_space<vmem>>, vector<16xf32>,
        tpu.vector_store %arg9[%swap3A_500], %gather3A_495 {add = true, strides = array<i32>} : memref<16384xf32, #tpu.memory_space<vmem>>, vector<16xf32>,
        %broadcast_in_dim3A_502 = arith.constant 7 : i32
        %broadcast_in_dim3A_503 = vector.broadcast %broadcast_in_dim3A_502 : i32 to vector<16x1xi32>
        %gather3A_504 = vector.shape_cast %broadcast_in_dim3A_503 : vector<16x1xi32> to vector<16xi32>
        %gather3A_505 = tpu.dynamic_gather %mul3A_166[%gather3A_504] in [0] : vector<16xi32>, vector<16xi32> -> vector<16xi32>
        %add3A_506 = arith.constant 0 : i32
        %add3A_507 = vector.broadcast %add3A_506 : i32 to vector<16xi32>
        %add3A_508 = arith.addi %iota3A, %add3A_507 : vector<16xi32>
        %add3A_509 = arith.addi %gather3A_505, %add3A_508 : vector<16xi32>
        %gather3A_510 = tpu.vector_load_idx %arg6[%add3A_509] : memref<64000xf32, #tpu.memory_space<vmem>>[vector<16xi32>], vector<16xf32>,
        %add3A_511 = arith.constant 448 : i32
        %add3A_512 = arith.addi %mul3A_168, %add3A_511 : i32
        %add3A_513 = arith.constant 0 : i32
        %add3A_514 = arith.addi %add3A_512, %add3A_513 : i32
        %swap3A_515 = arith.index_cast %add3A_514 : i32 to index
        %swap3A_516 = tpu.vector_load %arg9[%swap3A_515] {strides = array<i32>} : memref<16384xf32, #tpu.memory_space<vmem>>, vector<16xf32>,
        tpu.vector_store %arg9[%swap3A_515], %gather3A_510 {add = true, strides = array<i32>} : memref<16384xf32, #tpu.memory_space<vmem>>, vector<16xf32>,
        %add3A_517 = arith.constant 16 : i32
        %add3A_518 = vector.broadcast %add3A_517 : i32 to vector<16xi32>
        %add3A_519 = arith.addi %iota3A, %add3A_518 : vector<16xi32>
        %add3A_520 = arith.addi %gather3A_505, %add3A_519 : vector<16xi32>
        %gather3A_521 = tpu.vector_load_idx %arg6[%add3A_520] : memref<64000xf32, #tpu.memory_space<vmem>>[vector<16xi32>], vector<16xf32>,
        %add3A_522 = arith.constant 448 : i32
        %add3A_523 = arith.addi %mul3A_168, %add3A_522 : i32
        %add3A_524 = arith.constant 16 : i32
        %add3A_525 = arith.addi %add3A_523, %add3A_524 : i32
        %swap3A_526 = arith.index_cast %add3A_525 : i32 to index
        %swap3A_527 = tpu.vector_load %arg9[%swap3A_526] {strides = array<i32>} : memref<16384xf32, #tpu.memory_space<vmem>>, vector<16xf32>,
        tpu.vector_store %arg9[%swap3A_526], %gather3A_521 {add = true, strides = array<i32>} : memref<16384xf32, #tpu.memory_space<vmem>>, vector<16xf32>,
        %add3A_528 = arith.constant 32 : i32
        %add3A_529 = vector.broadcast %add3A_528 : i32 to vector<16xi32>
        %add3A_530 = arith.addi %iota3A, %add3A_529 : vector<16xi32>
        %add3A_531 = arith.addi %gather3A_505, %add3A_530 : vector<16xi32>
        %gather3A_532 = tpu.vector_load_idx %arg6[%add3A_531] : memref<64000xf32, #tpu.memory_space<vmem>>[vector<16xi32>], vector<16xf32>,
        %add3A_533 = arith.constant 448 : i32
        %add3A_534 = arith.addi %mul3A_168, %add3A_533 : i32
        %add3A_535 = arith.constant 32 : i32
        %add3A_536 = arith.addi %add3A_534, %add3A_535 : i32
        %swap3A_537 = arith.index_cast %add3A_536 : i32 to index
        %swap3A_538 = tpu.vector_load %arg9[%swap3A_537] {strides = array<i32>} : memref<16384xf32, #tpu.memory_space<vmem>>, vector<16xf32>,
        tpu.vector_store %arg9[%swap3A_537], %gather3A_532 {add = true, strides = array<i32>} : memref<16384xf32, #tpu.memory_space<vmem>>, vector<16xf32>,
        %add3A_539 = arith.constant 48 : i32
        %add3A_540 = vector.broadcast %add3A_539 : i32 to vector<16xi32>
        %add3A_541 = arith.addi %iota3A, %add3A_540 : vector<16xi32>
        %add3A_542 = arith.addi %gather3A_505, %add3A_541 : vector<16xi32>
        %gather3A_543 = tpu.vector_load_idx %arg6[%add3A_542] : memref<64000xf32, #tpu.memory_space<vmem>>[vector<16xi32>], vector<16xf32>,
        %add3A_544 = arith.constant 448 : i32
        %add3A_545 = arith.addi %mul3A_168, %add3A_544 : i32
        %add3A_546 = arith.constant 48 : i32
        %add3A_547 = arith.addi %add3A_545, %add3A_546 : i32
        %swap3A_548 = arith.index_cast %add3A_547 : i32 to index
        %swap3A_549 = tpu.vector_load %arg9[%swap3A_548] {strides = array<i32>} : memref<16384xf32, #tpu.memory_space<vmem>>, vector<16xf32>,
        tpu.vector_store %arg9[%swap3A_548], %gather3A_543 {add = true, strides = array<i32>} : memref<16384xf32, #tpu.memory_space<vmem>>, vector<16xf32>,
        %broadcast_in_dim3A_550 = arith.constant 8 : i32
        %broadcast_in_dim3A_551 = vector.broadcast %broadcast_in_dim3A_550 : i32 to vector<16x1xi32>
        %gather3A_552 = vector.shape_cast %broadcast_in_dim3A_551 : vector<16x1xi32> to vector<16xi32>
        %gather3A_553 = tpu.dynamic_gather %mul3A_166[%gather3A_552] in [0] : vector<16xi32>, vector<16xi32> -> vector<16xi32>
        %add3A_554 = arith.constant 0 : i32
        %add3A_555 = vector.broadcast %add3A_554 : i32 to vector<16xi32>
        %add3A_556 = arith.addi %iota3A, %add3A_555 : vector<16xi32>
        %add3A_557 = arith.addi %gather3A_553, %add3A_556 : vector<16xi32>
        %gather3A_558 = tpu.vector_load_idx %arg6[%add3A_557] : memref<64000xf32, #tpu.memory_space<vmem>>[vector<16xi32>], vector<16xf32>,
        %add3A_559 = arith.constant 512 : i32
        %add3A_560 = arith.addi %mul3A_168, %add3A_559 : i32
        %add3A_561 = arith.constant 0 : i32
        %add3A_562 = arith.addi %add3A_560, %add3A_561 : i32
        %swap3A_563 = arith.index_cast %add3A_562 : i32 to index
        %swap3A_564 = tpu.vector_load %arg9[%swap3A_563] {strides = array<i32>} : memref<16384xf32, #tpu.memory_space<vmem>>, vector<16xf32>,
        tpu.vector_store %arg9[%swap3A_563], %gather3A_558 {add = true, strides = array<i32>} : memref<16384xf32, #tpu.memory_space<vmem>>, vector<16xf32>,
        %add3A_565 = arith.constant 16 : i32
        %add3A_566 = vector.broadcast %add3A_565 : i32 to vector<16xi32>
        %add3A_567 = arith.addi %iota3A, %add3A_566 : vector<16xi32>
        %add3A_568 = arith.addi %gather3A_553, %add3A_567 : vector<16xi32>
        %gather3A_569 = tpu.vector_load_idx %arg6[%add3A_568] : memref<64000xf32, #tpu.memory_space<vmem>>[vector<16xi32>], vector<16xf32>,
        %add3A_570 = arith.constant 512 : i32
        %add3A_571 = arith.addi %mul3A_168, %add3A_570 : i32
        %add3A_572 = arith.constant 16 : i32
        %add3A_573 = arith.addi %add3A_571, %add3A_572 : i32
        %swap3A_574 = arith.index_cast %add3A_573 : i32 to index
        %swap3A_575 = tpu.vector_load %arg9[%swap3A_574] {strides = array<i32>} : memref<16384xf32, #tpu.memory_space<vmem>>, vector<16xf32>,
        tpu.vector_store %arg9[%swap3A_574], %gather3A_569 {add = true, strides = array<i32>} : memref<16384xf32, #tpu.memory_space<vmem>>, vector<16xf32>,
        %add3A_576 = arith.constant 32 : i32
        %add3A_577 = vector.broadcast %add3A_576 : i32 to vector<16xi32>
        %add3A_578 = arith.addi %iota3A, %add3A_577 : vector<16xi32>
        %add3A_579 = arith.addi %gather3A_553, %add3A_578 : vector<16xi32>
        %gather3A_580 = tpu.vector_load_idx %arg6[%add3A_579] : memref<64000xf32, #tpu.memory_space<vmem>>[vector<16xi32>], vector<16xf32>,
        %add3A_581 = arith.constant 512 : i32
        %add3A_582 = arith.addi %mul3A_168, %add3A_581 : i32
        %add3A_583 = arith.constant 32 : i32
        %add3A_584 = arith.addi %add3A_582, %add3A_583 : i32
        %swap3A_585 = arith.index_cast %add3A_584 : i32 to index
        %swap3A_586 = tpu.vector_load %arg9[%swap3A_585] {strides = array<i32>} : memref<16384xf32, #tpu.memory_space<vmem>>, vector<16xf32>,
        tpu.vector_store %arg9[%swap3A_585], %gather3A_580 {add = true, strides = array<i32>} : memref<16384xf32, #tpu.memory_space<vmem>>, vector<16xf32>,
        %add3A_587 = arith.constant 48 : i32
        %add3A_588 = vector.broadcast %add3A_587 : i32 to vector<16xi32>
        %add3A_589 = arith.addi %iota3A, %add3A_588 : vector<16xi32>
        %add3A_590 = arith.addi %gather3A_553, %add3A_589 : vector<16xi32>
        %gather3A_591 = tpu.vector_load_idx %arg6[%add3A_590] : memref<64000xf32, #tpu.memory_space<vmem>>[vector<16xi32>], vector<16xf32>,
        %add3A_592 = arith.constant 512 : i32
        %add3A_593 = arith.addi %mul3A_168, %add3A_592 : i32
        %add3A_594 = arith.constant 48 : i32
        %add3A_595 = arith.addi %add3A_593, %add3A_594 : i32
        %swap3A_596 = arith.index_cast %add3A_595 : i32 to index
        %swap3A_597 = tpu.vector_load %arg9[%swap3A_596] {strides = array<i32>} : memref<16384xf32, #tpu.memory_space<vmem>>, vector<16xf32>,
        tpu.vector_store %arg9[%swap3A_596], %gather3A_591 {add = true, strides = array<i32>} : memref<16384xf32, #tpu.memory_space<vmem>>, vector<16xf32>,
        %broadcast_in_dim3A_598 = arith.constant 9 : i32
        %broadcast_in_dim3A_599 = vector.broadcast %broadcast_in_dim3A_598 : i32 to vector<16x1xi32>
        %gather3A_600 = vector.shape_cast %broadcast_in_dim3A_599 : vector<16x1xi32> to vector<16xi32>
        %gather3A_601 = tpu.dynamic_gather %mul3A_166[%gather3A_600] in [0] : vector<16xi32>, vector<16xi32> -> vector<16xi32>
        %add3A_602 = arith.constant 0 : i32
        %add3A_603 = vector.broadcast %add3A_602 : i32 to vector<16xi32>
        %add3A_604 = arith.addi %iota3A, %add3A_603 : vector<16xi32>
        %add3A_605 = arith.addi %gather3A_601, %add3A_604 : vector<16xi32>
        %gather3A_606 = tpu.vector_load_idx %arg6[%add3A_605] : memref<64000xf32, #tpu.memory_space<vmem>>[vector<16xi32>], vector<16xf32>,
        %add3A_607 = arith.constant 576 : i32
        %add3A_608 = arith.addi %mul3A_168, %add3A_607 : i32
        %add3A_609 = arith.constant 0 : i32
        %add3A_610 = arith.addi %add3A_608, %add3A_609 : i32
        %swap3A_611 = arith.index_cast %add3A_610 : i32 to index
        %swap3A_612 = tpu.vector_load %arg9[%swap3A_611] {strides = array<i32>} : memref<16384xf32, #tpu.memory_space<vmem>>, vector<16xf32>,
        tpu.vector_store %arg9[%swap3A_611], %gather3A_606 {add = true, strides = array<i32>} : memref<16384xf32, #tpu.memory_space<vmem>>, vector<16xf32>,
        %add3A_613 = arith.constant 16 : i32
        %add3A_614 = vector.broadcast %add3A_613 : i32 to vector<16xi32>
        %add3A_615 = arith.addi %iota3A, %add3A_614 : vector<16xi32>
        %add3A_616 = arith.addi %gather3A_601, %add3A_615 : vector<16xi32>
        %gather3A_617 = tpu.vector_load_idx %arg6[%add3A_616] : memref<64000xf32, #tpu.memory_space<vmem>>[vector<16xi32>], vector<16xf32>,
        %add3A_618 = arith.constant 576 : i32
        %add3A_619 = arith.addi %mul3A_168, %add3A_618 : i32
        %add3A_620 = arith.constant 16 : i32
        %add3A_621 = arith.addi %add3A_619, %add3A_620 : i32
        %swap3A_622 = arith.index_cast %add3A_621 : i32 to index
        %swap3A_623 = tpu.vector_load %arg9[%swap3A_622] {strides = array<i32>} : memref<16384xf32, #tpu.memory_space<vmem>>, vector<16xf32>,
        tpu.vector_store %arg9[%swap3A_622], %gather3A_617 {add = true, strides = array<i32>} : memref<16384xf32, #tpu.memory_space<vmem>>, vector<16xf32>,
        %add3A_624 = arith.constant 32 : i32
        %add3A_625 = vector.broadcast %add3A_624 : i32 to vector<16xi32>
        %add3A_626 = arith.addi %iota3A, %add3A_625 : vector<16xi32>
        %add3A_627 = arith.addi %gather3A_601, %add3A_626 : vector<16xi32>
        %gather3A_628 = tpu.vector_load_idx %arg6[%add3A_627] : memref<64000xf32, #tpu.memory_space<vmem>>[vector<16xi32>], vector<16xf32>,
        %add3A_629 = arith.constant 576 : i32
        %add3A_630 = arith.addi %mul3A_168, %add3A_629 : i32
        %add3A_631 = arith.constant 32 : i32
        %add3A_632 = arith.addi %add3A_630, %add3A_631 : i32
        %swap3A_633 = arith.index_cast %add3A_632 : i32 to index
        %swap3A_634 = tpu.vector_load %arg9[%swap3A_633] {strides = array<i32>} : memref<16384xf32, #tpu.memory_space<vmem>>, vector<16xf32>,
        tpu.vector_store %arg9[%swap3A_633], %gather3A_628 {add = true, strides = array<i32>} : memref<16384xf32, #tpu.memory_space<vmem>>, vector<16xf32>,
        %add3A_635 = arith.constant 48 : i32
        %add3A_636 = vector.broadcast %add3A_635 : i32 to vector<16xi32>
        %add3A_637 = arith.addi %iota3A, %add3A_636 : vector<16xi32>
        %add3A_638 = arith.addi %gather3A_601, %add3A_637 : vector<16xi32>
        %gather3A_639 = tpu.vector_load_idx %arg6[%add3A_638] : memref<64000xf32, #tpu.memory_space<vmem>>[vector<16xi32>], vector<16xf32>,
        %add3A_640 = arith.constant 576 : i32
        %add3A_641 = arith.addi %mul3A_168, %add3A_640 : i32
        %add3A_642 = arith.constant 48 : i32
        %add3A_643 = arith.addi %add3A_641, %add3A_642 : i32
        %swap3A_644 = arith.index_cast %add3A_643 : i32 to index
        %swap3A_645 = tpu.vector_load %arg9[%swap3A_644] {strides = array<i32>} : memref<16384xf32, #tpu.memory_space<vmem>>, vector<16xf32>,
        tpu.vector_store %arg9[%swap3A_644], %gather3A_639 {add = true, strides = array<i32>} : memref<16384xf32, #tpu.memory_space<vmem>>, vector<16xf32>,
        %broadcast_in_dim3A_646 = arith.constant 10 : i32
        %broadcast_in_dim3A_647 = vector.broadcast %broadcast_in_dim3A_646 : i32 to vector<16x1xi32>
        %gather3A_648 = vector.shape_cast %broadcast_in_dim3A_647 : vector<16x1xi32> to vector<16xi32>
        %gather3A_649 = tpu.dynamic_gather %mul3A_166[%gather3A_648] in [0] : vector<16xi32>, vector<16xi32> -> vector<16xi32>
        %add3A_650 = arith.constant 0 : i32
        %add3A_651 = vector.broadcast %add3A_650 : i32 to vector<16xi32>
        %add3A_652 = arith.addi %iota3A, %add3A_651 : vector<16xi32>
        %add3A_653 = arith.addi %gather3A_649, %add3A_652 : vector<16xi32>
        %gather3A_654 = tpu.vector_load_idx %arg6[%add3A_653] : memref<64000xf32, #tpu.memory_space<vmem>>[vector<16xi32>], vector<16xf32>,
        %add3A_655 = arith.constant 640 : i32
        %add3A_656 = arith.addi %mul3A_168, %add3A_655 : i32
        %add3A_657 = arith.constant 0 : i32
        %add3A_658 = arith.addi %add3A_656, %add3A_657 : i32
        %swap3A_659 = arith.index_cast %add3A_658 : i32 to index
        %swap3A_660 = tpu.vector_load %arg9[%swap3A_659] {strides = array<i32>} : memref<16384xf32, #tpu.memory_space<vmem>>, vector<16xf32>,
        tpu.vector_store %arg9[%swap3A_659], %gather3A_654 {add = true, strides = array<i32>} : memref<16384xf32, #tpu.memory_space<vmem>>, vector<16xf32>,
        %add3A_661 = arith.constant 16 : i32
        %add3A_662 = vector.broadcast %add3A_661 : i32 to vector<16xi32>
        %add3A_663 = arith.addi %iota3A, %add3A_662 : vector<16xi32>
        %add3A_664 = arith.addi %gather3A_649, %add3A_663 : vector<16xi32>
        %gather3A_665 = tpu.vector_load_idx %arg6[%add3A_664] : memref<64000xf32, #tpu.memory_space<vmem>>[vector<16xi32>], vector<16xf32>,
        %add3A_666 = arith.constant 640 : i32
        %add3A_667 = arith.addi %mul3A_168, %add3A_666 : i32
        %add3A_668 = arith.constant 16 : i32
        %add3A_669 = arith.addi %add3A_667, %add3A_668 : i32
        %swap3A_670 = arith.index_cast %add3A_669 : i32 to index
        %swap3A_671 = tpu.vector_load %arg9[%swap3A_670] {strides = array<i32>} : memref<16384xf32, #tpu.memory_space<vmem>>, vector<16xf32>,
        tpu.vector_store %arg9[%swap3A_670], %gather3A_665 {add = true, strides = array<i32>} : memref<16384xf32, #tpu.memory_space<vmem>>, vector<16xf32>,
        %add3A_672 = arith.constant 32 : i32
        %add3A_673 = vector.broadcast %add3A_672 : i32 to vector<16xi32>
        %add3A_674 = arith.addi %iota3A, %add3A_673 : vector<16xi32>
        %add3A_675 = arith.addi %gather3A_649, %add3A_674 : vector<16xi32>
        %gather3A_676 = tpu.vector_load_idx %arg6[%add3A_675] : memref<64000xf32, #tpu.memory_space<vmem>>[vector<16xi32>], vector<16xf32>,
        %add3A_677 = arith.constant 640 : i32
        %add3A_678 = arith.addi %mul3A_168, %add3A_677 : i32
        %add3A_679 = arith.constant 32 : i32
        %add3A_680 = arith.addi %add3A_678, %add3A_679 : i32
        %swap3A_681 = arith.index_cast %add3A_680 : i32 to index
        %swap3A_682 = tpu.vector_load %arg9[%swap3A_681] {strides = array<i32>} : memref<16384xf32, #tpu.memory_space<vmem>>, vector<16xf32>,
        tpu.vector_store %arg9[%swap3A_681], %gather3A_676 {add = true, strides = array<i32>} : memref<16384xf32, #tpu.memory_space<vmem>>, vector<16xf32>,
        %add3A_683 = arith.constant 48 : i32
        %add3A_684 = vector.broadcast %add3A_683 : i32 to vector<16xi32>
        %add3A_685 = arith.addi %iota3A, %add3A_684 : vector<16xi32>
        %add3A_686 = arith.addi %gather3A_649, %add3A_685 : vector<16xi32>
        %gather3A_687 = tpu.vector_load_idx %arg6[%add3A_686] : memref<64000xf32, #tpu.memory_space<vmem>>[vector<16xi32>], vector<16xf32>,
        %add3A_688 = arith.constant 640 : i32
        %add3A_689 = arith.addi %mul3A_168, %add3A_688 : i32
        %add3A_690 = arith.constant 48 : i32
        %add3A_691 = arith.addi %add3A_689, %add3A_690 : i32
        %swap3A_692 = arith.index_cast %add3A_691 : i32 to index
        %swap3A_693 = tpu.vector_load %arg9[%swap3A_692] {strides = array<i32>} : memref<16384xf32, #tpu.memory_space<vmem>>, vector<16xf32>,
        tpu.vector_store %arg9[%swap3A_692], %gather3A_687 {add = true, strides = array<i32>} : memref<16384xf32, #tpu.memory_space<vmem>>, vector<16xf32>,
        %broadcast_in_dim3A_694 = arith.constant 11 : i32
        %broadcast_in_dim3A_695 = vector.broadcast %broadcast_in_dim3A_694 : i32 to vector<16x1xi32>
        %gather3A_696 = vector.shape_cast %broadcast_in_dim3A_695 : vector<16x1xi32> to vector<16xi32>
        %gather3A_697 = tpu.dynamic_gather %mul3A_166[%gather3A_696] in [0] : vector<16xi32>, vector<16xi32> -> vector<16xi32>
        %add3A_698 = arith.constant 0 : i32
        %add3A_699 = vector.broadcast %add3A_698 : i32 to vector<16xi32>
        %add3A_700 = arith.addi %iota3A, %add3A_699 : vector<16xi32>
        %add3A_701 = arith.addi %gather3A_697, %add3A_700 : vector<16xi32>
        %gather3A_702 = tpu.vector_load_idx %arg6[%add3A_701] : memref<64000xf32, #tpu.memory_space<vmem>>[vector<16xi32>], vector<16xf32>,
        %add3A_703 = arith.constant 704 : i32
        %add3A_704 = arith.addi %mul3A_168, %add3A_703 : i32
        %add3A_705 = arith.constant 0 : i32
        %add3A_706 = arith.addi %add3A_704, %add3A_705 : i32
        %swap3A_707 = arith.index_cast %add3A_706 : i32 to index
        %swap3A_708 = tpu.vector_load %arg9[%swap3A_707] {strides = array<i32>} : memref<16384xf32, #tpu.memory_space<vmem>>, vector<16xf32>,
        tpu.vector_store %arg9[%swap3A_707], %gather3A_702 {add = true, strides = array<i32>} : memref<16384xf32, #tpu.memory_space<vmem>>, vector<16xf32>,
        %add3A_709 = arith.constant 16 : i32
        %add3A_710 = vector.broadcast %add3A_709 : i32 to vector<16xi32>
        %add3A_711 = arith.addi %iota3A, %add3A_710 : vector<16xi32>
        %add3A_712 = arith.addi %gather3A_697, %add3A_711 : vector<16xi32>
        %gather3A_713 = tpu.vector_load_idx %arg6[%add3A_712] : memref<64000xf32, #tpu.memory_space<vmem>>[vector<16xi32>], vector<16xf32>,
        %add3A_714 = arith.constant 704 : i32
        %add3A_715 = arith.addi %mul3A_168, %add3A_714 : i32
        %add3A_716 = arith.constant 16 : i32
        %add3A_717 = arith.addi %add3A_715, %add3A_716 : i32
        %swap3A_718 = arith.index_cast %add3A_717 : i32 to index
        %swap3A_719 = tpu.vector_load %arg9[%swap3A_718] {strides = array<i32>} : memref<16384xf32, #tpu.memory_space<vmem>>, vector<16xf32>,
        tpu.vector_store %arg9[%swap3A_718], %gather3A_713 {add = true, strides = array<i32>} : memref<16384xf32, #tpu.memory_space<vmem>>, vector<16xf32>,
        %add3A_720 = arith.constant 32 : i32
        %add3A_721 = vector.broadcast %add3A_720 : i32 to vector<16xi32>
        %add3A_722 = arith.addi %iota3A, %add3A_721 : vector<16xi32>
        %add3A_723 = arith.addi %gather3A_697, %add3A_722 : vector<16xi32>
        %gather3A_724 = tpu.vector_load_idx %arg6[%add3A_723] : memref<64000xf32, #tpu.memory_space<vmem>>[vector<16xi32>], vector<16xf32>,
        %add3A_725 = arith.constant 704 : i32
        %add3A_726 = arith.addi %mul3A_168, %add3A_725 : i32
        %add3A_727 = arith.constant 32 : i32
        %add3A_728 = arith.addi %add3A_726, %add3A_727 : i32
        %swap3A_729 = arith.index_cast %add3A_728 : i32 to index
        %swap3A_730 = tpu.vector_load %arg9[%swap3A_729] {strides = array<i32>} : memref<16384xf32, #tpu.memory_space<vmem>>, vector<16xf32>,
        tpu.vector_store %arg9[%swap3A_729], %gather3A_724 {add = true, strides = array<i32>} : memref<16384xf32, #tpu.memory_space<vmem>>, vector<16xf32>,
        %add3A_731 = arith.constant 48 : i32
        %add3A_732 = vector.broadcast %add3A_731 : i32 to vector<16xi32>
        %add3A_733 = arith.addi %iota3A, %add3A_732 : vector<16xi32>
        %add3A_734 = arith.addi %gather3A_697, %add3A_733 : vector<16xi32>
        %gather3A_735 = tpu.vector_load_idx %arg6[%add3A_734] : memref<64000xf32, #tpu.memory_space<vmem>>[vector<16xi32>], vector<16xf32>,
        %add3A_736 = arith.constant 704 : i32
        %add3A_737 = arith.addi %mul3A_168, %add3A_736 : i32
        %add3A_738 = arith.constant 48 : i32
        %add3A_739 = arith.addi %add3A_737, %add3A_738 : i32
        %swap3A_740 = arith.index_cast %add3A_739 : i32 to index
        %swap3A_741 = tpu.vector_load %arg9[%swap3A_740] {strides = array<i32>} : memref<16384xf32, #tpu.memory_space<vmem>>, vector<16xf32>,
        tpu.vector_store %arg9[%swap3A_740], %gather3A_735 {add = true, strides = array<i32>} : memref<16384xf32, #tpu.memory_space<vmem>>, vector<16xf32>,
        %broadcast_in_dim3A_742 = arith.constant 12 : i32
        %broadcast_in_dim3A_743 = vector.broadcast %broadcast_in_dim3A_742 : i32 to vector<16x1xi32>
        %gather3A_744 = vector.shape_cast %broadcast_in_dim3A_743 : vector<16x1xi32> to vector<16xi32>
        %gather3A_745 = tpu.dynamic_gather %mul3A_166[%gather3A_744] in [0] : vector<16xi32>, vector<16xi32> -> vector<16xi32>
        %add3A_746 = arith.constant 0 : i32
        %add3A_747 = vector.broadcast %add3A_746 : i32 to vector<16xi32>
        %add3A_748 = arith.addi %iota3A, %add3A_747 : vector<16xi32>
        %add3A_749 = arith.addi %gather3A_745, %add3A_748 : vector<16xi32>
        %gather3A_750 = tpu.vector_load_idx %arg6[%add3A_749] : memref<64000xf32, #tpu.memory_space<vmem>>[vector<16xi32>], vector<16xf32>,
        %add3A_751 = arith.constant 768 : i32
        %add3A_752 = arith.addi %mul3A_168, %add3A_751 : i32
        %add3A_753 = arith.constant 0 : i32
        %add3A_754 = arith.addi %add3A_752, %add3A_753 : i32
        %swap3A_755 = arith.index_cast %add3A_754 : i32 to index
        %swap3A_756 = tpu.vector_load %arg9[%swap3A_755] {strides = array<i32>} : memref<16384xf32, #tpu.memory_space<vmem>>, vector<16xf32>,
        tpu.vector_store %arg9[%swap3A_755], %gather3A_750 {add = true, strides = array<i32>} : memref<16384xf32, #tpu.memory_space<vmem>>, vector<16xf32>,
        %add3A_757 = arith.constant 16 : i32
        %add3A_758 = vector.broadcast %add3A_757 : i32 to vector<16xi32>
        %add3A_759 = arith.addi %iota3A, %add3A_758 : vector<16xi32>
        %add3A_760 = arith.addi %gather3A_745, %add3A_759 : vector<16xi32>
        %gather3A_761 = tpu.vector_load_idx %arg6[%add3A_760] : memref<64000xf32, #tpu.memory_space<vmem>>[vector<16xi32>], vector<16xf32>,
        %add3A_762 = arith.constant 768 : i32
        %add3A_763 = arith.addi %mul3A_168, %add3A_762 : i32
        %add3A_764 = arith.constant 16 : i32
        %add3A_765 = arith.addi %add3A_763, %add3A_764 : i32
        %swap3A_766 = arith.index_cast %add3A_765 : i32 to index
        %swap3A_767 = tpu.vector_load %arg9[%swap3A_766] {strides = array<i32>} : memref<16384xf32, #tpu.memory_space<vmem>>, vector<16xf32>,
        tpu.vector_store %arg9[%swap3A_766], %gather3A_761 {add = true, strides = array<i32>} : memref<16384xf32, #tpu.memory_space<vmem>>, vector<16xf32>,
        %add3A_768 = arith.constant 32 : i32
        %add3A_769 = vector.broadcast %add3A_768 : i32 to vector<16xi32>
        %add3A_770 = arith.addi %iota3A, %add3A_769 : vector<16xi32>
        %add3A_771 = arith.addi %gather3A_745, %add3A_770 : vector<16xi32>
        %gather3A_772 = tpu.vector_load_idx %arg6[%add3A_771] : memref<64000xf32, #tpu.memory_space<vmem>>[vector<16xi32>], vector<16xf32>,
        %add3A_773 = arith.constant 768 : i32
        %add3A_774 = arith.addi %mul3A_168, %add3A_773 : i32
        %add3A_775 = arith.constant 32 : i32
        %add3A_776 = arith.addi %add3A_774, %add3A_775 : i32
        %swap3A_777 = arith.index_cast %add3A_776 : i32 to index
        %swap3A_778 = tpu.vector_load %arg9[%swap3A_777] {strides = array<i32>} : memref<16384xf32, #tpu.memory_space<vmem>>, vector<16xf32>,
        tpu.vector_store %arg9[%swap3A_777], %gather3A_772 {add = true, strides = array<i32>} : memref<16384xf32, #tpu.memory_space<vmem>>, vector<16xf32>,
        %add3A_779 = arith.constant 48 : i32
        %add3A_780 = vector.broadcast %add3A_779 : i32 to vector<16xi32>
        %add3A_781 = arith.addi %iota3A, %add3A_780 : vector<16xi32>
        %add3A_782 = arith.addi %gather3A_745, %add3A_781 : vector<16xi32>
        %gather3A_783 = tpu.vector_load_idx %arg6[%add3A_782] : memref<64000xf32, #tpu.memory_space<vmem>>[vector<16xi32>], vector<16xf32>,
        %add3A_784 = arith.constant 768 : i32
        %add3A_785 = arith.addi %mul3A_168, %add3A_784 : i32
        %add3A_786 = arith.constant 48 : i32
        %add3A_787 = arith.addi %add3A_785, %add3A_786 : i32
        %swap3A_788 = arith.index_cast %add3A_787 : i32 to index
        %swap3A_789 = tpu.vector_load %arg9[%swap3A_788] {strides = array<i32>} : memref<16384xf32, #tpu.memory_space<vmem>>, vector<16xf32>,
        tpu.vector_store %arg9[%swap3A_788], %gather3A_783 {add = true, strides = array<i32>} : memref<16384xf32, #tpu.memory_space<vmem>>, vector<16xf32>,
        %broadcast_in_dim3A_790 = arith.constant 13 : i32
        %broadcast_in_dim3A_791 = vector.broadcast %broadcast_in_dim3A_790 : i32 to vector<16x1xi32>
        %gather3A_792 = vector.shape_cast %broadcast_in_dim3A_791 : vector<16x1xi32> to vector<16xi32>
        %gather3A_793 = tpu.dynamic_gather %mul3A_166[%gather3A_792] in [0] : vector<16xi32>, vector<16xi32> -> vector<16xi32>
        %add3A_794 = arith.constant 0 : i32
        %add3A_795 = vector.broadcast %add3A_794 : i32 to vector<16xi32>
        %add3A_796 = arith.addi %iota3A, %add3A_795 : vector<16xi32>
        %add3A_797 = arith.addi %gather3A_793, %add3A_796 : vector<16xi32>
        %gather3A_798 = tpu.vector_load_idx %arg6[%add3A_797] : memref<64000xf32, #tpu.memory_space<vmem>>[vector<16xi32>], vector<16xf32>,
        %add3A_799 = arith.constant 832 : i32
        %add3A_800 = arith.addi %mul3A_168, %add3A_799 : i32
        %add3A_801 = arith.constant 0 : i32
        %add3A_802 = arith.addi %add3A_800, %add3A_801 : i32
        %swap3A_803 = arith.index_cast %add3A_802 : i32 to index
        %swap3A_804 = tpu.vector_load %arg9[%swap3A_803] {strides = array<i32>} : memref<16384xf32, #tpu.memory_space<vmem>>, vector<16xf32>,
        tpu.vector_store %arg9[%swap3A_803], %gather3A_798 {add = true, strides = array<i32>} : memref<16384xf32, #tpu.memory_space<vmem>>, vector<16xf32>,
        %add3A_805 = arith.constant 16 : i32
        %add3A_806 = vector.broadcast %add3A_805 : i32 to vector<16xi32>
        %add3A_807 = arith.addi %iota3A, %add3A_806 : vector<16xi32>
        %add3A_808 = arith.addi %gather3A_793, %add3A_807 : vector<16xi32>
        %gather3A_809 = tpu.vector_load_idx %arg6[%add3A_808] : memref<64000xf32, #tpu.memory_space<vmem>>[vector<16xi32>], vector<16xf32>,
        %add3A_810 = arith.constant 832 : i32
        %add3A_811 = arith.addi %mul3A_168, %add3A_810 : i32
        %add3A_812 = arith.constant 16 : i32
        %add3A_813 = arith.addi %add3A_811, %add3A_812 : i32
        %swap3A_814 = arith.index_cast %add3A_813 : i32 to index
        %swap3A_815 = tpu.vector_load %arg9[%swap3A_814] {strides = array<i32>} : memref<16384xf32, #tpu.memory_space<vmem>>, vector<16xf32>,
        tpu.vector_store %arg9[%swap3A_814], %gather3A_809 {add = true, strides = array<i32>} : memref<16384xf32, #tpu.memory_space<vmem>>, vector<16xf32>,
        %add3A_816 = arith.constant 32 : i32
        %add3A_817 = vector.broadcast %add3A_816 : i32 to vector<16xi32>
        %add3A_818 = arith.addi %iota3A, %add3A_817 : vector<16xi32>
        %add3A_819 = arith.addi %gather3A_793, %add3A_818 : vector<16xi32>
        %gather3A_820 = tpu.vector_load_idx %arg6[%add3A_819] : memref<64000xf32, #tpu.memory_space<vmem>>[vector<16xi32>], vector<16xf32>,
        %add3A_821 = arith.constant 832 : i32
        %add3A_822 = arith.addi %mul3A_168, %add3A_821 : i32
        %add3A_823 = arith.constant 32 : i32
        %add3A_824 = arith.addi %add3A_822, %add3A_823 : i32
        %swap3A_825 = arith.index_cast %add3A_824 : i32 to index
        %swap3A_826 = tpu.vector_load %arg9[%swap3A_825] {strides = array<i32>} : memref<16384xf32, #tpu.memory_space<vmem>>, vector<16xf32>,
        tpu.vector_store %arg9[%swap3A_825], %gather3A_820 {add = true, strides = array<i32>} : memref<16384xf32, #tpu.memory_space<vmem>>, vector<16xf32>,
        %add3A_827 = arith.constant 48 : i32
        %add3A_828 = vector.broadcast %add3A_827 : i32 to vector<16xi32>
        %add3A_829 = arith.addi %iota3A, %add3A_828 : vector<16xi32>
        %add3A_830 = arith.addi %gather3A_793, %add3A_829 : vector<16xi32>
        %gather3A_831 = tpu.vector_load_idx %arg6[%add3A_830] : memref<64000xf32, #tpu.memory_space<vmem>>[vector<16xi32>], vector<16xf32>,
        %add3A_832 = arith.constant 832 : i32
        %add3A_833 = arith.addi %mul3A_168, %add3A_832 : i32
        %add3A_834 = arith.constant 48 : i32
        %add3A_835 = arith.addi %add3A_833, %add3A_834 : i32
        %swap3A_836 = arith.index_cast %add3A_835 : i32 to index
        %swap3A_837 = tpu.vector_load %arg9[%swap3A_836] {strides = array<i32>} : memref<16384xf32, #tpu.memory_space<vmem>>, vector<16xf32>,
        tpu.vector_store %arg9[%swap3A_836], %gather3A_831 {add = true, strides = array<i32>} : memref<16384xf32, #tpu.memory_space<vmem>>, vector<16xf32>,
        %broadcast_in_dim3A_838 = arith.constant 14 : i32
        %broadcast_in_dim3A_839 = vector.broadcast %broadcast_in_dim3A_838 : i32 to vector<16x1xi32>
        %gather3A_840 = vector.shape_cast %broadcast_in_dim3A_839 : vector<16x1xi32> to vector<16xi32>
        %gather3A_841 = tpu.dynamic_gather %mul3A_166[%gather3A_840] in [0] : vector<16xi32>, vector<16xi32> -> vector<16xi32>
        %add3A_842 = arith.constant 0 : i32
        %add3A_843 = vector.broadcast %add3A_842 : i32 to vector<16xi32>
        %add3A_844 = arith.addi %iota3A, %add3A_843 : vector<16xi32>
        %add3A_845 = arith.addi %gather3A_841, %add3A_844 : vector<16xi32>
        %gather3A_846 = tpu.vector_load_idx %arg6[%add3A_845] : memref<64000xf32, #tpu.memory_space<vmem>>[vector<16xi32>], vector<16xf32>,
        %add3A_847 = arith.constant 896 : i32
        %add3A_848 = arith.addi %mul3A_168, %add3A_847 : i32
        %add3A_849 = arith.constant 0 : i32
        %add3A_850 = arith.addi %add3A_848, %add3A_849 : i32
        %swap3A_851 = arith.index_cast %add3A_850 : i32 to index
        %swap3A_852 = tpu.vector_load %arg9[%swap3A_851] {strides = array<i32>} : memref<16384xf32, #tpu.memory_space<vmem>>, vector<16xf32>,
        tpu.vector_store %arg9[%swap3A_851], %gather3A_846 {add = true, strides = array<i32>} : memref<16384xf32, #tpu.memory_space<vmem>>, vector<16xf32>,
        %add3A_853 = arith.constant 16 : i32
        %add3A_854 = vector.broadcast %add3A_853 : i32 to vector<16xi32>
        %add3A_855 = arith.addi %iota3A, %add3A_854 : vector<16xi32>
        %add3A_856 = arith.addi %gather3A_841, %add3A_855 : vector<16xi32>
        %gather3A_857 = tpu.vector_load_idx %arg6[%add3A_856] : memref<64000xf32, #tpu.memory_space<vmem>>[vector<16xi32>], vector<16xf32>,
        %add3A_858 = arith.constant 896 : i32
        %add3A_859 = arith.addi %mul3A_168, %add3A_858 : i32
        %add3A_860 = arith.constant 16 : i32
        %add3A_861 = arith.addi %add3A_859, %add3A_860 : i32
        %swap3A_862 = arith.index_cast %add3A_861 : i32 to index
        %swap3A_863 = tpu.vector_load %arg9[%swap3A_862] {strides = array<i32>} : memref<16384xf32, #tpu.memory_space<vmem>>, vector<16xf32>,
        tpu.vector_store %arg9[%swap3A_862], %gather3A_857 {add = true, strides = array<i32>} : memref<16384xf32, #tpu.memory_space<vmem>>, vector<16xf32>,
        %add3A_864 = arith.constant 32 : i32
        %add3A_865 = vector.broadcast %add3A_864 : i32 to vector<16xi32>
        %add3A_866 = arith.addi %iota3A, %add3A_865 : vector<16xi32>
        %add3A_867 = arith.addi %gather3A_841, %add3A_866 : vector<16xi32>
        %gather3A_868 = tpu.vector_load_idx %arg6[%add3A_867] : memref<64000xf32, #tpu.memory_space<vmem>>[vector<16xi32>], vector<16xf32>,
        %add3A_869 = arith.constant 896 : i32
        %add3A_870 = arith.addi %mul3A_168, %add3A_869 : i32
        %add3A_871 = arith.constant 32 : i32
        %add3A_872 = arith.addi %add3A_870, %add3A_871 : i32
        %swap3A_873 = arith.index_cast %add3A_872 : i32 to index
        %swap3A_874 = tpu.vector_load %arg9[%swap3A_873] {strides = array<i32>} : memref<16384xf32, #tpu.memory_space<vmem>>, vector<16xf32>,
        tpu.vector_store %arg9[%swap3A_873], %gather3A_868 {add = true, strides = array<i32>} : memref<16384xf32, #tpu.memory_space<vmem>>, vector<16xf32>,
        %add3A_875 = arith.constant 48 : i32
        %add3A_876 = vector.broadcast %add3A_875 : i32 to vector<16xi32>
        %add3A_877 = arith.addi %iota3A, %add3A_876 : vector<16xi32>
        %add3A_878 = arith.addi %gather3A_841, %add3A_877 : vector<16xi32>
        %gather3A_879 = tpu.vector_load_idx %arg6[%add3A_878] : memref<64000xf32, #tpu.memory_space<vmem>>[vector<16xi32>], vector<16xf32>,
        %add3A_880 = arith.constant 896 : i32
        %add3A_881 = arith.addi %mul3A_168, %add3A_880 : i32
        %add3A_882 = arith.constant 48 : i32
        %add3A_883 = arith.addi %add3A_881, %add3A_882 : i32
        %swap3A_884 = arith.index_cast %add3A_883 : i32 to index
        %swap3A_885 = tpu.vector_load %arg9[%swap3A_884] {strides = array<i32>} : memref<16384xf32, #tpu.memory_space<vmem>>, vector<16xf32>,
        tpu.vector_store %arg9[%swap3A_884], %gather3A_879 {add = true, strides = array<i32>} : memref<16384xf32, #tpu.memory_space<vmem>>, vector<16xf32>,
        %broadcast_in_dim3A_886 = arith.constant 15 : i32
        %broadcast_in_dim3A_887 = vector.broadcast %broadcast_in_dim3A_886 : i32 to vector<16x1xi32>
        %gather3A_888 = vector.shape_cast %broadcast_in_dim3A_887 : vector<16x1xi32> to vector<16xi32>
        %gather3A_889 = tpu.dynamic_gather %mul3A_166[%gather3A_888] in [0] : vector<16xi32>, vector<16xi32> -> vector<16xi32>
        %add3A_890 = arith.constant 0 : i32
        %add3A_891 = vector.broadcast %add3A_890 : i32 to vector<16xi32>
        %add3A_892 = arith.addi %iota3A, %add3A_891 : vector<16xi32>
        %add3A_893 = arith.addi %gather3A_889, %add3A_892 : vector<16xi32>
        %gather3A_894 = tpu.vector_load_idx %arg6[%add3A_893] : memref<64000xf32, #tpu.memory_space<vmem>>[vector<16xi32>], vector<16xf32>,
        %add3A_895 = arith.constant 960 : i32
        %add3A_896 = arith.addi %mul3A_168, %add3A_895 : i32
        %add3A_897 = arith.constant 0 : i32
        %add3A_898 = arith.addi %add3A_896, %add3A_897 : i32
        %swap3A_899 = arith.index_cast %add3A_898 : i32 to index
        %swap3A_900 = tpu.vector_load %arg9[%swap3A_899] {strides = array<i32>} : memref<16384xf32, #tpu.memory_space<vmem>>, vector<16xf32>,
        tpu.vector_store %arg9[%swap3A_899], %gather3A_894 {add = true, strides = array<i32>} : memref<16384xf32, #tpu.memory_space<vmem>>, vector<16xf32>,
        %add3A_901 = arith.constant 16 : i32
        %add3A_902 = vector.broadcast %add3A_901 : i32 to vector<16xi32>
        %add3A_903 = arith.addi %iota3A, %add3A_902 : vector<16xi32>
        %add3A_904 = arith.addi %gather3A_889, %add3A_903 : vector<16xi32>
        %gather3A_905 = tpu.vector_load_idx %arg6[%add3A_904] : memref<64000xf32, #tpu.memory_space<vmem>>[vector<16xi32>], vector<16xf32>,
        %add3A_906 = arith.constant 960 : i32
        %add3A_907 = arith.addi %mul3A_168, %add3A_906 : i32
        %add3A_908 = arith.constant 16 : i32
        %add3A_909 = arith.addi %add3A_907, %add3A_908 : i32
        %swap3A_910 = arith.index_cast %add3A_909 : i32 to index
        %swap3A_911 = tpu.vector_load %arg9[%swap3A_910] {strides = array<i32>} : memref<16384xf32, #tpu.memory_space<vmem>>, vector<16xf32>,
        tpu.vector_store %arg9[%swap3A_910], %gather3A_905 {add = true, strides = array<i32>} : memref<16384xf32, #tpu.memory_space<vmem>>, vector<16xf32>,
        %add3A_912 = arith.constant 32 : i32
        %add3A_913 = vector.broadcast %add3A_912 : i32 to vector<16xi32>
        %add3A_914 = arith.addi %iota3A, %add3A_913 : vector<16xi32>
        %add3A_915 = arith.addi %gather3A_889, %add3A_914 : vector<16xi32>
        %gather3A_916 = tpu.vector_load_idx %arg6[%add3A_915] : memref<64000xf32, #tpu.memory_space<vmem>>[vector<16xi32>], vector<16xf32>,
        %add3A_917 = arith.constant 960 : i32
        %add3A_918 = arith.addi %mul3A_168, %add3A_917 : i32
        %add3A_919 = arith.constant 32 : i32
        %add3A_920 = arith.addi %add3A_918, %add3A_919 : i32
        %swap3A_921 = arith.index_cast %add3A_920 : i32 to index
        %swap3A_922 = tpu.vector_load %arg9[%swap3A_921] {strides = array<i32>} : memref<16384xf32, #tpu.memory_space<vmem>>, vector<16xf32>,
        tpu.vector_store %arg9[%swap3A_921], %gather3A_916 {add = true, strides = array<i32>} : memref<16384xf32, #tpu.memory_space<vmem>>, vector<16xf32>,
        %add3A_923 = arith.constant 48 : i32
        %add3A_924 = vector.broadcast %add3A_923 : i32 to vector<16xi32>
        %add3A_925 = arith.addi %iota3A, %add3A_924 : vector<16xi32>
        %add3A_926 = arith.addi %gather3A_889, %add3A_925 : vector<16xi32>
        %gather3A_927 = tpu.vector_load_idx %arg6[%add3A_926] : memref<64000xf32, #tpu.memory_space<vmem>>[vector<16xi32>], vector<16xf32>,
        %add3A_928 = arith.constant 960 : i32
        %add3A_929 = arith.addi %mul3A_168, %add3A_928 : i32
        %add3A_930 = arith.constant 48 : i32
        %add3A_931 = arith.addi %add3A_929, %add3A_930 : i32
        %swap3A_932 = arith.index_cast %add3A_931 : i32 to index
        %swap3A_933 = tpu.vector_load %arg9[%swap3A_932] {strides = array<i32>} : memref<16384xf32, #tpu.memory_space<vmem>>, vector<16xf32>,
        tpu.vector_store %arg9[%swap3A_932], %gather3A_927 {add = true, strides = array<i32>} : memref<16384xf32, #tpu.memory_space<vmem>>, vector<16xf32>,
      }
      %scan3A_109 = arith.constant 16 : i32
      %mul3A_110 = arith.constant 64 : i32
      %mul3A_111 = arith.muli %add3A_98, %mul3A_110 : i32
      %dma_start3A_112 = tpu.memref_slice %arg5[%mul3A_111] : memref<209715200xf32, #tpu.memory_space<hbm>> -> memref<16384xf32, #tpu.memory_space<hbm>>
      %dma_start3A_113 = tpu.memref_slice %arg5[%mul3A_111] : memref<209715200xf32, #tpu.memory_space<hbm>> -> memref<16384xf32, #tpu.memory_space<hbm>>
      tpu.enqueue_dma source(%arg9 : memref<16384xf32, #tpu.memory_space<vmem>>) target(%dma_start3A_113 : memref<16384xf32, #tpu.memory_space<hbm>>) target_semaphore(%arg25 : memref<!tpu.dma_semaphore, #tpu.memory_space<semaphore_mem>>)
      %ge3A_114 = arith.constant 2 : i32
      %ge3A_115 = arith.cmpi sge, %add3A_95, %ge3A_114 : i32
      %convert_element_type3A_116 = arith.extui %ge3A_115 : i1 to i32
      %cond3A_117 = arith.constant 0 : i32
      %cond3A_118 = arith.cmpi ne, %convert_element_type3A_116, %cond3A_117 : i32
      scf.if %cond3A_118 {
        %dma_wait3A_158 = arith.constant 0 : i32
        %dma_wait3A_159 = tpu.memref_slice %arg5[%dma_wait3A_158] : memref<209715200xf32, #tpu.memory_space<hbm>> -> memref<16384xf32, #tpu.memory_space<hbm>>
        %dma_wait3A_160 = arith.constant 0 : i32
        %dma_wait3A_161 = tpu.memref_slice %arg5[%dma_wait3A_160] : memref<209715200xf32, #tpu.memory_space<hbm>> -> memref<16384xf32, #tpu.memory_space<hbm>>
        tpu.wait_dma2 semaphore(%arg23 : memref<!tpu.dma_semaphore, #tpu.memory_space<semaphore_mem>>) src(%arg7 : memref<16384xf32, #tpu.memory_space<vmem>>) dst(%dma_wait3A_161 : memref<16384xf32, #tpu.memory_space<hbm>>)
      } else {
      }
      %add3A_119 = arith.constant 2 : i32
      %add3A_120 = arith.addi %add3A_95, %add3A_119 : i32
      %lt3A_121 = arith.constant 400 : i32
      %lt3A_122 = arith.cmpi slt, %add3A_120, %lt3A_121 : i32
      %convert_element_type3A_123 = arith.extui %lt3A_122 : i1 to i32
      %cond3A_124 = arith.constant 0 : i32
      %cond3A_125 = arith.cmpi ne, %convert_element_type3A_123, %cond3A_124 : i32
      scf.if %cond3A_125 {
        %add3A_158 = arith.constant 2 : i32
        %add3A_159 = arith.addi %add3A_95, %add3A_158 : i32
        %mul3A_160 = arith.constant 256 : i32
        %mul3A_161 = arith.muli %add3A_159, %mul3A_160 : i32
        %add3A_162 = arith.addi %mul3A_2, %mul3A_161 : i32
        %dma_start3A_163 = tpu.memref_slice %arg3[%add3A_162] : memref<3276800xi32, #tpu.memory_space<hbm>> -> memref<256xi32, #tpu.memory_space<hbm>>
        %dma_start3A_164 = tpu.memref_slice %arg3[%add3A_162] : memref<3276800xi32, #tpu.memory_space<hbm>> -> memref<256xi32, #tpu.memory_space<hbm>>
        tpu.enqueue_dma source(%dma_start3A_164 : memref<256xi32, #tpu.memory_space<hbm>>) target(%arg11 : memref<256xi32, #tpu.memory_space<vmem>>) target_semaphore(%arg19 : memref<!tpu.dma_semaphore, #tpu.memory_space<semaphore_mem>>)
        %mul3A_165 = arith.constant 64 : i32
        %mul3A_166 = arith.muli %add3A_162, %mul3A_165 : i32
        %dma_start3A_167 = tpu.memref_slice %arg2[%mul3A_166] : memref<209715200xf32, #tpu.memory_space<hbm>> -> memref<16384xf32, #tpu.memory_space<hbm>>
        %dma_start3A_168 = tpu.memref_slice %arg2[%mul3A_166] : memref<209715200xf32, #tpu.memory_space<hbm>> -> memref<16384xf32, #tpu.memory_space<hbm>>
        tpu.enqueue_dma source(%dma_start3A_168 : memref<16384xf32, #tpu.memory_space<hbm>>) target(%arg7 : memref<16384xf32, #tpu.memory_space<vmem>>) target_semaphore(%arg15 : memref<!tpu.dma_semaphore, #tpu.memory_space<semaphore_mem>>)
      } else {
      }
      %add3A_126 = arith.constant 3 : i32
      %add3A_127 = arith.addi %add3A_33, %add3A_126 : i32
      %mul3A_128 = arith.constant 256 : i32
      %mul3A_129 = arith.muli %add3A_127, %mul3A_128 : i32
      %add3A_130 = arith.addi %mul3A_2, %mul3A_129 : i32
      %dma_wait3A_131 = tpu.memref_slice %arg3[%add3A_130] : memref<3276800xi32, #tpu.memory_space<hbm>> -> memref<256xi32, #tpu.memory_space<hbm>>
      %dma_wait3A_132 = tpu.memref_slice %arg3[%add3A_130] : memref<3276800xi32, #tpu.memory_space<hbm>> -> memref<256xi32, #tpu.memory_space<hbm>>
      tpu.wait_dma2 semaphore(%arg22 : memref<!tpu.dma_semaphore, #tpu.memory_space<semaphore_mem>>) src(%dma_wait3A_132 : memref<256xi32, #tpu.memory_space<hbm>>) dst(%arg14 : memref<256xi32, #tpu.memory_space<vmem>>)
      %mul3A_133 = arith.constant 64 : i32
      %mul3A_134 = arith.muli %add3A_130, %mul3A_133 : i32
      %dma_wait3A_135 = tpu.memref_slice %arg2[%mul3A_134] : memref<209715200xf32, #tpu.memory_space<hbm>> -> memref<16384xf32, #tpu.memory_space<hbm>>
      %dma_wait3A_136 = tpu.memref_slice %arg2[%mul3A_134] : memref<209715200xf32, #tpu.memory_space<hbm>> -> memref<16384xf32, #tpu.memory_space<hbm>>
      tpu.wait_dma2 semaphore(%arg18 : memref<!tpu.dma_semaphore, #tpu.memory_space<semaphore_mem>>) src(%dma_wait3A_136 : memref<16384xf32, #tpu.memory_space<hbm>>) dst(%arg10 : memref<16384xf32, #tpu.memory_space<vmem>>)
      %scan3A_137 = arith.constant 0 : i32
      %scan3A_138 = arith.constant 16 : i32
      %scan3A_139 = arith.addi %scan3A_137, %scan3A_138 : i32
      %scan3A_140 = arith.constant 1 : i32
      scf.for %scan3A_158 = %scan3A_137 to %scan3A_139 step %scan3A_140  : i32 {
        %mul3A_159 = arith.constant 16 : i32
        %mul3A_160 = arith.muli %scan3A_158, %mul3A_159 : i32
        %add3A_161 = arith.constant 0 : i32
        %add3A_162 = arith.addi %add3A_161, %mul3A_160 : i32
        %get3A = arith.index_cast %add3A_162 : i32 to index
        %get3A_163 = tpu.vector_load %arg14[%get3A] {strides = array<i32>} : memref<256xi32, #tpu.memory_space<vmem>>, vector<16xi32>,
        %mul3A_164 = arith.constant 64 : i32
        %mul3A_165 = vector.broadcast %mul3A_164 : i32 to vector<16xi32>
        %mul3A_166 = arith.muli %get3A_163, %mul3A_165 : vector<16xi32>
        %mul3A_167 = arith.constant 64 : i32
        %mul3A_168 = arith.muli %add3A_162, %mul3A_167 : i32
        %broadcast_in_dim3A = arith.constant 0 : i32
        %broadcast_in_dim3A_169 = vector.broadcast %broadcast_in_dim3A : i32 to vector<16x1xi32>
        %gather3A = vector.shape_cast %broadcast_in_dim3A_169 : vector<16x1xi32> to vector<16xi32>
        %gather3A_170 = tpu.dynamic_gather %mul3A_166[%gather3A] in [0] : vector<16xi32>, vector<16xi32> -> vector<16xi32>
        %add3A_171 = arith.constant 0 : i32
        %add3A_172 = vector.broadcast %add3A_171 : i32 to vector<16xi32>
        %add3A_173 = arith.addi %iota3A, %add3A_172 : vector<16xi32>
        %add3A_174 = arith.addi %gather3A_170, %add3A_173 : vector<16xi32>
        %gather3A_175 = tpu.vector_load_idx %arg6[%add3A_174] : memref<64000xf32, #tpu.memory_space<vmem>>[vector<16xi32>], vector<16xf32>,
        %add3A_176 = arith.constant 0 : i32
        %add3A_177 = arith.addi %mul3A_168, %add3A_176 : i32
        %add3A_178 = arith.constant 0 : i32
        %add3A_179 = arith.addi %add3A_177, %add3A_178 : i32
        %swap3A = arith.index_cast %add3A_179 : i32 to index
        %swap3A_180 = tpu.vector_load %arg10[%swap3A] {strides = array<i32>} : memref<16384xf32, #tpu.memory_space<vmem>>, vector<16xf32>,
        tpu.vector_store %arg10[%swap3A], %gather3A_175 {add = true, strides = array<i32>} : memref<16384xf32, #tpu.memory_space<vmem>>, vector<16xf32>,
        %add3A_181 = arith.constant 16 : i32
        %add3A_182 = vector.broadcast %add3A_181 : i32 to vector<16xi32>
        %add3A_183 = arith.addi %iota3A, %add3A_182 : vector<16xi32>
        %add3A_184 = arith.addi %gather3A_170, %add3A_183 : vector<16xi32>
        %gather3A_185 = tpu.vector_load_idx %arg6[%add3A_184] : memref<64000xf32, #tpu.memory_space<vmem>>[vector<16xi32>], vector<16xf32>,
        %add3A_186 = arith.constant 0 : i32
        %add3A_187 = arith.addi %mul3A_168, %add3A_186 : i32
        %add3A_188 = arith.constant 16 : i32
        %add3A_189 = arith.addi %add3A_187, %add3A_188 : i32
        %swap3A_190 = arith.index_cast %add3A_189 : i32 to index
        %swap3A_191 = tpu.vector_load %arg10[%swap3A_190] {strides = array<i32>} : memref<16384xf32, #tpu.memory_space<vmem>>, vector<16xf32>,
        tpu.vector_store %arg10[%swap3A_190], %gather3A_185 {add = true, strides = array<i32>} : memref<16384xf32, #tpu.memory_space<vmem>>, vector<16xf32>,
        %add3A_192 = arith.constant 32 : i32
        %add3A_193 = vector.broadcast %add3A_192 : i32 to vector<16xi32>
        %add3A_194 = arith.addi %iota3A, %add3A_193 : vector<16xi32>
        %add3A_195 = arith.addi %gather3A_170, %add3A_194 : vector<16xi32>
        %gather3A_196 = tpu.vector_load_idx %arg6[%add3A_195] : memref<64000xf32, #tpu.memory_space<vmem>>[vector<16xi32>], vector<16xf32>,
        %add3A_197 = arith.constant 0 : i32
        %add3A_198 = arith.addi %mul3A_168, %add3A_197 : i32
        %add3A_199 = arith.constant 32 : i32
        %add3A_200 = arith.addi %add3A_198, %add3A_199 : i32
        %swap3A_201 = arith.index_cast %add3A_200 : i32 to index
        %swap3A_202 = tpu.vector_load %arg10[%swap3A_201] {strides = array<i32>} : memref<16384xf32, #tpu.memory_space<vmem>>, vector<16xf32>,
        tpu.vector_store %arg10[%swap3A_201], %gather3A_196 {add = true, strides = array<i32>} : memref<16384xf32, #tpu.memory_space<vmem>>, vector<16xf32>,
        %add3A_203 = arith.constant 48 : i32
        %add3A_204 = vector.broadcast %add3A_203 : i32 to vector<16xi32>
        %add3A_205 = arith.addi %iota3A, %add3A_204 : vector<16xi32>
        %add3A_206 = arith.addi %gather3A_170, %add3A_205 : vector<16xi32>
        %gather3A_207 = tpu.vector_load_idx %arg6[%add3A_206] : memref<64000xf32, #tpu.memory_space<vmem>>[vector<16xi32>], vector<16xf32>,
        %add3A_208 = arith.constant 0 : i32
        %add3A_209 = arith.addi %mul3A_168, %add3A_208 : i32
        %add3A_210 = arith.constant 48 : i32
        %add3A_211 = arith.addi %add3A_209, %add3A_210 : i32
        %swap3A_212 = arith.index_cast %add3A_211 : i32 to index
        %swap3A_213 = tpu.vector_load %arg10[%swap3A_212] {strides = array<i32>} : memref<16384xf32, #tpu.memory_space<vmem>>, vector<16xf32>,
        tpu.vector_store %arg10[%swap3A_212], %gather3A_207 {add = true, strides = array<i32>} : memref<16384xf32, #tpu.memory_space<vmem>>, vector<16xf32>,
        %broadcast_in_dim3A_214 = arith.constant 1 : i32
        %broadcast_in_dim3A_215 = vector.broadcast %broadcast_in_dim3A_214 : i32 to vector<16x1xi32>
        %gather3A_216 = vector.shape_cast %broadcast_in_dim3A_215 : vector<16x1xi32> to vector<16xi32>
        %gather3A_217 = tpu.dynamic_gather %mul3A_166[%gather3A_216] in [0] : vector<16xi32>, vector<16xi32> -> vector<16xi32>
        %add3A_218 = arith.constant 0 : i32
        %add3A_219 = vector.broadcast %add3A_218 : i32 to vector<16xi32>
        %add3A_220 = arith.addi %iota3A, %add3A_219 : vector<16xi32>
        %add3A_221 = arith.addi %gather3A_217, %add3A_220 : vector<16xi32>
        %gather3A_222 = tpu.vector_load_idx %arg6[%add3A_221] : memref<64000xf32, #tpu.memory_space<vmem>>[vector<16xi32>], vector<16xf32>,
        %add3A_223 = arith.constant 64 : i32
        %add3A_224 = arith.addi %mul3A_168, %add3A_223 : i32
        %add3A_225 = arith.constant 0 : i32
        %add3A_226 = arith.addi %add3A_224, %add3A_225 : i32
        %swap3A_227 = arith.index_cast %add3A_226 : i32 to index
        %swap3A_228 = tpu.vector_load %arg10[%swap3A_227] {strides = array<i32>} : memref<16384xf32, #tpu.memory_space<vmem>>, vector<16xf32>,
        tpu.vector_store %arg10[%swap3A_227], %gather3A_222 {add = true, strides = array<i32>} : memref<16384xf32, #tpu.memory_space<vmem>>, vector<16xf32>,
        %add3A_229 = arith.constant 16 : i32
        %add3A_230 = vector.broadcast %add3A_229 : i32 to vector<16xi32>
        %add3A_231 = arith.addi %iota3A, %add3A_230 : vector<16xi32>
        %add3A_232 = arith.addi %gather3A_217, %add3A_231 : vector<16xi32>
        %gather3A_233 = tpu.vector_load_idx %arg6[%add3A_232] : memref<64000xf32, #tpu.memory_space<vmem>>[vector<16xi32>], vector<16xf32>,
        %add3A_234 = arith.constant 64 : i32
        %add3A_235 = arith.addi %mul3A_168, %add3A_234 : i32
        %add3A_236 = arith.constant 16 : i32
        %add3A_237 = arith.addi %add3A_235, %add3A_236 : i32
        %swap3A_238 = arith.index_cast %add3A_237 : i32 to index
        %swap3A_239 = tpu.vector_load %arg10[%swap3A_238] {strides = array<i32>} : memref<16384xf32, #tpu.memory_space<vmem>>, vector<16xf32>,
        tpu.vector_store %arg10[%swap3A_238], %gather3A_233 {add = true, strides = array<i32>} : memref<16384xf32, #tpu.memory_space<vmem>>, vector<16xf32>,
        %add3A_240 = arith.constant 32 : i32
        %add3A_241 = vector.broadcast %add3A_240 : i32 to vector<16xi32>
        %add3A_242 = arith.addi %iota3A, %add3A_241 : vector<16xi32>
        %add3A_243 = arith.addi %gather3A_217, %add3A_242 : vector<16xi32>
        %gather3A_244 = tpu.vector_load_idx %arg6[%add3A_243] : memref<64000xf32, #tpu.memory_space<vmem>>[vector<16xi32>], vector<16xf32>,
        %add3A_245 = arith.constant 64 : i32
        %add3A_246 = arith.addi %mul3A_168, %add3A_245 : i32
        %add3A_247 = arith.constant 32 : i32
        %add3A_248 = arith.addi %add3A_246, %add3A_247 : i32
        %swap3A_249 = arith.index_cast %add3A_248 : i32 to index
        %swap3A_250 = tpu.vector_load %arg10[%swap3A_249] {strides = array<i32>} : memref<16384xf32, #tpu.memory_space<vmem>>, vector<16xf32>,
        tpu.vector_store %arg10[%swap3A_249], %gather3A_244 {add = true, strides = array<i32>} : memref<16384xf32, #tpu.memory_space<vmem>>, vector<16xf32>,
        %add3A_251 = arith.constant 48 : i32
        %add3A_252 = vector.broadcast %add3A_251 : i32 to vector<16xi32>
        %add3A_253 = arith.addi %iota3A, %add3A_252 : vector<16xi32>
        %add3A_254 = arith.addi %gather3A_217, %add3A_253 : vector<16xi32>
        %gather3A_255 = tpu.vector_load_idx %arg6[%add3A_254] : memref<64000xf32, #tpu.memory_space<vmem>>[vector<16xi32>], vector<16xf32>,
        %add3A_256 = arith.constant 64 : i32
        %add3A_257 = arith.addi %mul3A_168, %add3A_256 : i32
        %add3A_258 = arith.constant 48 : i32
        %add3A_259 = arith.addi %add3A_257, %add3A_258 : i32
        %swap3A_260 = arith.index_cast %add3A_259 : i32 to index
        %swap3A_261 = tpu.vector_load %arg10[%swap3A_260] {strides = array<i32>} : memref<16384xf32, #tpu.memory_space<vmem>>, vector<16xf32>,
        tpu.vector_store %arg10[%swap3A_260], %gather3A_255 {add = true, strides = array<i32>} : memref<16384xf32, #tpu.memory_space<vmem>>, vector<16xf32>,
        %broadcast_in_dim3A_262 = arith.constant 2 : i32
        %broadcast_in_dim3A_263 = vector.broadcast %broadcast_in_dim3A_262 : i32 to vector<16x1xi32>
        %gather3A_264 = vector.shape_cast %broadcast_in_dim3A_263 : vector<16x1xi32> to vector<16xi32>
        %gather3A_265 = tpu.dynamic_gather %mul3A_166[%gather3A_264] in [0] : vector<16xi32>, vector<16xi32> -> vector<16xi32>
        %add3A_266 = arith.constant 0 : i32
        %add3A_267 = vector.broadcast %add3A_266 : i32 to vector<16xi32>
        %add3A_268 = arith.addi %iota3A, %add3A_267 : vector<16xi32>
        %add3A_269 = arith.addi %gather3A_265, %add3A_268 : vector<16xi32>
        %gather3A_270 = tpu.vector_load_idx %arg6[%add3A_269] : memref<64000xf32, #tpu.memory_space<vmem>>[vector<16xi32>], vector<16xf32>,
        %add3A_271 = arith.constant 128 : i32
        %add3A_272 = arith.addi %mul3A_168, %add3A_271 : i32
        %add3A_273 = arith.constant 0 : i32
        %add3A_274 = arith.addi %add3A_272, %add3A_273 : i32
        %swap3A_275 = arith.index_cast %add3A_274 : i32 to index
        %swap3A_276 = tpu.vector_load %arg10[%swap3A_275] {strides = array<i32>} : memref<16384xf32, #tpu.memory_space<vmem>>, vector<16xf32>,
        tpu.vector_store %arg10[%swap3A_275], %gather3A_270 {add = true, strides = array<i32>} : memref<16384xf32, #tpu.memory_space<vmem>>, vector<16xf32>,
        %add3A_277 = arith.constant 16 : i32
        %add3A_278 = vector.broadcast %add3A_277 : i32 to vector<16xi32>
        %add3A_279 = arith.addi %iota3A, %add3A_278 : vector<16xi32>
        %add3A_280 = arith.addi %gather3A_265, %add3A_279 : vector<16xi32>
        %gather3A_281 = tpu.vector_load_idx %arg6[%add3A_280] : memref<64000xf32, #tpu.memory_space<vmem>>[vector<16xi32>], vector<16xf32>,
        %add3A_282 = arith.constant 128 : i32
        %add3A_283 = arith.addi %mul3A_168, %add3A_282 : i32
        %add3A_284 = arith.constant 16 : i32
        %add3A_285 = arith.addi %add3A_283, %add3A_284 : i32
        %swap3A_286 = arith.index_cast %add3A_285 : i32 to index
        %swap3A_287 = tpu.vector_load %arg10[%swap3A_286] {strides = array<i32>} : memref<16384xf32, #tpu.memory_space<vmem>>, vector<16xf32>,
        tpu.vector_store %arg10[%swap3A_286], %gather3A_281 {add = true, strides = array<i32>} : memref<16384xf32, #tpu.memory_space<vmem>>, vector<16xf32>,
        %add3A_288 = arith.constant 32 : i32
        %add3A_289 = vector.broadcast %add3A_288 : i32 to vector<16xi32>
        %add3A_290 = arith.addi %iota3A, %add3A_289 : vector<16xi32>
        %add3A_291 = arith.addi %gather3A_265, %add3A_290 : vector<16xi32>
        %gather3A_292 = tpu.vector_load_idx %arg6[%add3A_291] : memref<64000xf32, #tpu.memory_space<vmem>>[vector<16xi32>], vector<16xf32>,
        %add3A_293 = arith.constant 128 : i32
        %add3A_294 = arith.addi %mul3A_168, %add3A_293 : i32
        %add3A_295 = arith.constant 32 : i32
        %add3A_296 = arith.addi %add3A_294, %add3A_295 : i32
        %swap3A_297 = arith.index_cast %add3A_296 : i32 to index
        %swap3A_298 = tpu.vector_load %arg10[%swap3A_297] {strides = array<i32>} : memref<16384xf32, #tpu.memory_space<vmem>>, vector<16xf32>,
        tpu.vector_store %arg10[%swap3A_297], %gather3A_292 {add = true, strides = array<i32>} : memref<16384xf32, #tpu.memory_space<vmem>>, vector<16xf32>,
        %add3A_299 = arith.constant 48 : i32
        %add3A_300 = vector.broadcast %add3A_299 : i32 to vector<16xi32>
        %add3A_301 = arith.addi %iota3A, %add3A_300 : vector<16xi32>
        %add3A_302 = arith.addi %gather3A_265, %add3A_301 : vector<16xi32>
        %gather3A_303 = tpu.vector_load_idx %arg6[%add3A_302] : memref<64000xf32, #tpu.memory_space<vmem>>[vector<16xi32>], vector<16xf32>,
        %add3A_304 = arith.constant 128 : i32
        %add3A_305 = arith.addi %mul3A_168, %add3A_304 : i32
        %add3A_306 = arith.constant 48 : i32
        %add3A_307 = arith.addi %add3A_305, %add3A_306 : i32
        %swap3A_308 = arith.index_cast %add3A_307 : i32 to index
        %swap3A_309 = tpu.vector_load %arg10[%swap3A_308] {strides = array<i32>} : memref<16384xf32, #tpu.memory_space<vmem>>, vector<16xf32>,
        tpu.vector_store %arg10[%swap3A_308], %gather3A_303 {add = true, strides = array<i32>} : memref<16384xf32, #tpu.memory_space<vmem>>, vector<16xf32>,
        %broadcast_in_dim3A_310 = arith.constant 3 : i32
        %broadcast_in_dim3A_311 = vector.broadcast %broadcast_in_dim3A_310 : i32 to vector<16x1xi32>
        %gather3A_312 = vector.shape_cast %broadcast_in_dim3A_311 : vector<16x1xi32> to vector<16xi32>
        %gather3A_313 = tpu.dynamic_gather %mul3A_166[%gather3A_312] in [0] : vector<16xi32>, vector<16xi32> -> vector<16xi32>
        %add3A_314 = arith.constant 0 : i32
        %add3A_315 = vector.broadcast %add3A_314 : i32 to vector<16xi32>
        %add3A_316 = arith.addi %iota3A, %add3A_315 : vector<16xi32>
        %add3A_317 = arith.addi %gather3A_313, %add3A_316 : vector<16xi32>
        %gather3A_318 = tpu.vector_load_idx %arg6[%add3A_317] : memref<64000xf32, #tpu.memory_space<vmem>>[vector<16xi32>], vector<16xf32>,
        %add3A_319 = arith.constant 192 : i32
        %add3A_320 = arith.addi %mul3A_168, %add3A_319 : i32
        %add3A_321 = arith.constant 0 : i32
        %add3A_322 = arith.addi %add3A_320, %add3A_321 : i32
        %swap3A_323 = arith.index_cast %add3A_322 : i32 to index
        %swap3A_324 = tpu.vector_load %arg10[%swap3A_323] {strides = array<i32>} : memref<16384xf32, #tpu.memory_space<vmem>>, vector<16xf32>,
        tpu.vector_store %arg10[%swap3A_323], %gather3A_318 {add = true, strides = array<i32>} : memref<16384xf32, #tpu.memory_space<vmem>>, vector<16xf32>,
        %add3A_325 = arith.constant 16 : i32
        %add3A_326 = vector.broadcast %add3A_325 : i32 to vector<16xi32>
        %add3A_327 = arith.addi %iota3A, %add3A_326 : vector<16xi32>
        %add3A_328 = arith.addi %gather3A_313, %add3A_327 : vector<16xi32>
        %gather3A_329 = tpu.vector_load_idx %arg6[%add3A_328] : memref<64000xf32, #tpu.memory_space<vmem>>[vector<16xi32>], vector<16xf32>,
        %add3A_330 = arith.constant 192 : i32
        %add3A_331 = arith.addi %mul3A_168, %add3A_330 : i32
        %add3A_332 = arith.constant 16 : i32
        %add3A_333 = arith.addi %add3A_331, %add3A_332 : i32
        %swap3A_334 = arith.index_cast %add3A_333 : i32 to index
        %swap3A_335 = tpu.vector_load %arg10[%swap3A_334] {strides = array<i32>} : memref<16384xf32, #tpu.memory_space<vmem>>, vector<16xf32>,
        tpu.vector_store %arg10[%swap3A_334], %gather3A_329 {add = true, strides = array<i32>} : memref<16384xf32, #tpu.memory_space<vmem>>, vector<16xf32>,
        %add3A_336 = arith.constant 32 : i32
        %add3A_337 = vector.broadcast %add3A_336 : i32 to vector<16xi32>
        %add3A_338 = arith.addi %iota3A, %add3A_337 : vector<16xi32>
        %add3A_339 = arith.addi %gather3A_313, %add3A_338 : vector<16xi32>
        %gather3A_340 = tpu.vector_load_idx %arg6[%add3A_339] : memref<64000xf32, #tpu.memory_space<vmem>>[vector<16xi32>], vector<16xf32>,
        %add3A_341 = arith.constant 192 : i32
        %add3A_342 = arith.addi %mul3A_168, %add3A_341 : i32
        %add3A_343 = arith.constant 32 : i32
        %add3A_344 = arith.addi %add3A_342, %add3A_343 : i32
        %swap3A_345 = arith.index_cast %add3A_344 : i32 to index
        %swap3A_346 = tpu.vector_load %arg10[%swap3A_345] {strides = array<i32>} : memref<16384xf32, #tpu.memory_space<vmem>>, vector<16xf32>,
        tpu.vector_store %arg10[%swap3A_345], %gather3A_340 {add = true, strides = array<i32>} : memref<16384xf32, #tpu.memory_space<vmem>>, vector<16xf32>,
        %add3A_347 = arith.constant 48 : i32
        %add3A_348 = vector.broadcast %add3A_347 : i32 to vector<16xi32>
        %add3A_349 = arith.addi %iota3A, %add3A_348 : vector<16xi32>
        %add3A_350 = arith.addi %gather3A_313, %add3A_349 : vector<16xi32>
        %gather3A_351 = tpu.vector_load_idx %arg6[%add3A_350] : memref<64000xf32, #tpu.memory_space<vmem>>[vector<16xi32>], vector<16xf32>,
        %add3A_352 = arith.constant 192 : i32
        %add3A_353 = arith.addi %mul3A_168, %add3A_352 : i32
        %add3A_354 = arith.constant 48 : i32
        %add3A_355 = arith.addi %add3A_353, %add3A_354 : i32
        %swap3A_356 = arith.index_cast %add3A_355 : i32 to index
        %swap3A_357 = tpu.vector_load %arg10[%swap3A_356] {strides = array<i32>} : memref<16384xf32, #tpu.memory_space<vmem>>, vector<16xf32>,
        tpu.vector_store %arg10[%swap3A_356], %gather3A_351 {add = true, strides = array<i32>} : memref<16384xf32, #tpu.memory_space<vmem>>, vector<16xf32>,
        %broadcast_in_dim3A_358 = arith.constant 4 : i32
        %broadcast_in_dim3A_359 = vector.broadcast %broadcast_in_dim3A_358 : i32 to vector<16x1xi32>
        %gather3A_360 = vector.shape_cast %broadcast_in_dim3A_359 : vector<16x1xi32> to vector<16xi32>
        %gather3A_361 = tpu.dynamic_gather %mul3A_166[%gather3A_360] in [0] : vector<16xi32>, vector<16xi32> -> vector<16xi32>
        %add3A_362 = arith.constant 0 : i32
        %add3A_363 = vector.broadcast %add3A_362 : i32 to vector<16xi32>
        %add3A_364 = arith.addi %iota3A, %add3A_363 : vector<16xi32>
        %add3A_365 = arith.addi %gather3A_361, %add3A_364 : vector<16xi32>
        %gather3A_366 = tpu.vector_load_idx %arg6[%add3A_365] : memref<64000xf32, #tpu.memory_space<vmem>>[vector<16xi32>], vector<16xf32>,
        %add3A_367 = arith.constant 256 : i32
        %add3A_368 = arith.addi %mul3A_168, %add3A_367 : i32
        %add3A_369 = arith.constant 0 : i32
        %add3A_370 = arith.addi %add3A_368, %add3A_369 : i32
        %swap3A_371 = arith.index_cast %add3A_370 : i32 to index
        %swap3A_372 = tpu.vector_load %arg10[%swap3A_371] {strides = array<i32>} : memref<16384xf32, #tpu.memory_space<vmem>>, vector<16xf32>,
        tpu.vector_store %arg10[%swap3A_371], %gather3A_366 {add = true, strides = array<i32>} : memref<16384xf32, #tpu.memory_space<vmem>>, vector<16xf32>,
        %add3A_373 = arith.constant 16 : i32
        %add3A_374 = vector.broadcast %add3A_373 : i32 to vector<16xi32>
        %add3A_375 = arith.addi %iota3A, %add3A_374 : vector<16xi32>
        %add3A_376 = arith.addi %gather3A_361, %add3A_375 : vector<16xi32>
        %gather3A_377 = tpu.vector_load_idx %arg6[%add3A_376] : memref<64000xf32, #tpu.memory_space<vmem>>[vector<16xi32>], vector<16xf32>,
        %add3A_378 = arith.constant 256 : i32
        %add3A_379 = arith.addi %mul3A_168, %add3A_378 : i32
        %add3A_380 = arith.constant 16 : i32
        %add3A_381 = arith.addi %add3A_379, %add3A_380 : i32
        %swap3A_382 = arith.index_cast %add3A_381 : i32 to index
        %swap3A_383 = tpu.vector_load %arg10[%swap3A_382] {strides = array<i32>} : memref<16384xf32, #tpu.memory_space<vmem>>, vector<16xf32>,
        tpu.vector_store %arg10[%swap3A_382], %gather3A_377 {add = true, strides = array<i32>} : memref<16384xf32, #tpu.memory_space<vmem>>, vector<16xf32>,
        %add3A_384 = arith.constant 32 : i32
        %add3A_385 = vector.broadcast %add3A_384 : i32 to vector<16xi32>
        %add3A_386 = arith.addi %iota3A, %add3A_385 : vector<16xi32>
        %add3A_387 = arith.addi %gather3A_361, %add3A_386 : vector<16xi32>
        %gather3A_388 = tpu.vector_load_idx %arg6[%add3A_387] : memref<64000xf32, #tpu.memory_space<vmem>>[vector<16xi32>], vector<16xf32>,
        %add3A_389 = arith.constant 256 : i32
        %add3A_390 = arith.addi %mul3A_168, %add3A_389 : i32
        %add3A_391 = arith.constant 32 : i32
        %add3A_392 = arith.addi %add3A_390, %add3A_391 : i32
        %swap3A_393 = arith.index_cast %add3A_392 : i32 to index
        %swap3A_394 = tpu.vector_load %arg10[%swap3A_393] {strides = array<i32>} : memref<16384xf32, #tpu.memory_space<vmem>>, vector<16xf32>,
        tpu.vector_store %arg10[%swap3A_393], %gather3A_388 {add = true, strides = array<i32>} : memref<16384xf32, #tpu.memory_space<vmem>>, vector<16xf32>,
        %add3A_395 = arith.constant 48 : i32
        %add3A_396 = vector.broadcast %add3A_395 : i32 to vector<16xi32>
        %add3A_397 = arith.addi %iota3A, %add3A_396 : vector<16xi32>
        %add3A_398 = arith.addi %gather3A_361, %add3A_397 : vector<16xi32>
        %gather3A_399 = tpu.vector_load_idx %arg6[%add3A_398] : memref<64000xf32, #tpu.memory_space<vmem>>[vector<16xi32>], vector<16xf32>,
        %add3A_400 = arith.constant 256 : i32
        %add3A_401 = arith.addi %mul3A_168, %add3A_400 : i32
        %add3A_402 = arith.constant 48 : i32
        %add3A_403 = arith.addi %add3A_401, %add3A_402 : i32
        %swap3A_404 = arith.index_cast %add3A_403 : i32 to index
        %swap3A_405 = tpu.vector_load %arg10[%swap3A_404] {strides = array<i32>} : memref<16384xf32, #tpu.memory_space<vmem>>, vector<16xf32>,
        tpu.vector_store %arg10[%swap3A_404], %gather3A_399 {add = true, strides = array<i32>} : memref<16384xf32, #tpu.memory_space<vmem>>, vector<16xf32>,
        %broadcast_in_dim3A_406 = arith.constant 5 : i32
        %broadcast_in_dim3A_407 = vector.broadcast %broadcast_in_dim3A_406 : i32 to vector<16x1xi32>
        %gather3A_408 = vector.shape_cast %broadcast_in_dim3A_407 : vector<16x1xi32> to vector<16xi32>
        %gather3A_409 = tpu.dynamic_gather %mul3A_166[%gather3A_408] in [0] : vector<16xi32>, vector<16xi32> -> vector<16xi32>
        %add3A_410 = arith.constant 0 : i32
        %add3A_411 = vector.broadcast %add3A_410 : i32 to vector<16xi32>
        %add3A_412 = arith.addi %iota3A, %add3A_411 : vector<16xi32>
        %add3A_413 = arith.addi %gather3A_409, %add3A_412 : vector<16xi32>
        %gather3A_414 = tpu.vector_load_idx %arg6[%add3A_413] : memref<64000xf32, #tpu.memory_space<vmem>>[vector<16xi32>], vector<16xf32>,
        %add3A_415 = arith.constant 320 : i32
        %add3A_416 = arith.addi %mul3A_168, %add3A_415 : i32
        %add3A_417 = arith.constant 0 : i32
        %add3A_418 = arith.addi %add3A_416, %add3A_417 : i32
        %swap3A_419 = arith.index_cast %add3A_418 : i32 to index
        %swap3A_420 = tpu.vector_load %arg10[%swap3A_419] {strides = array<i32>} : memref<16384xf32, #tpu.memory_space<vmem>>, vector<16xf32>,
        tpu.vector_store %arg10[%swap3A_419], %gather3A_414 {add = true, strides = array<i32>} : memref<16384xf32, #tpu.memory_space<vmem>>, vector<16xf32>,
        %add3A_421 = arith.constant 16 : i32
        %add3A_422 = vector.broadcast %add3A_421 : i32 to vector<16xi32>
        %add3A_423 = arith.addi %iota3A, %add3A_422 : vector<16xi32>
        %add3A_424 = arith.addi %gather3A_409, %add3A_423 : vector<16xi32>
        %gather3A_425 = tpu.vector_load_idx %arg6[%add3A_424] : memref<64000xf32, #tpu.memory_space<vmem>>[vector<16xi32>], vector<16xf32>,
        %add3A_426 = arith.constant 320 : i32
        %add3A_427 = arith.addi %mul3A_168, %add3A_426 : i32
        %add3A_428 = arith.constant 16 : i32
        %add3A_429 = arith.addi %add3A_427, %add3A_428 : i32
        %swap3A_430 = arith.index_cast %add3A_429 : i32 to index
        %swap3A_431 = tpu.vector_load %arg10[%swap3A_430] {strides = array<i32>} : memref<16384xf32, #tpu.memory_space<vmem>>, vector<16xf32>,
        tpu.vector_store %arg10[%swap3A_430], %gather3A_425 {add = true, strides = array<i32>} : memref<16384xf32, #tpu.memory_space<vmem>>, vector<16xf32>,
        %add3A_432 = arith.constant 32 : i32
        %add3A_433 = vector.broadcast %add3A_432 : i32 to vector<16xi32>
        %add3A_434 = arith.addi %iota3A, %add3A_433 : vector<16xi32>
        %add3A_435 = arith.addi %gather3A_409, %add3A_434 : vector<16xi32>
        %gather3A_436 = tpu.vector_load_idx %arg6[%add3A_435] : memref<64000xf32, #tpu.memory_space<vmem>>[vector<16xi32>], vector<16xf32>,
        %add3A_437 = arith.constant 320 : i32
        %add3A_438 = arith.addi %mul3A_168, %add3A_437 : i32
        %add3A_439 = arith.constant 32 : i32
        %add3A_440 = arith.addi %add3A_438, %add3A_439 : i32
        %swap3A_441 = arith.index_cast %add3A_440 : i32 to index
        %swap3A_442 = tpu.vector_load %arg10[%swap3A_441] {strides = array<i32>} : memref<16384xf32, #tpu.memory_space<vmem>>, vector<16xf32>,
        tpu.vector_store %arg10[%swap3A_441], %gather3A_436 {add = true, strides = array<i32>} : memref<16384xf32, #tpu.memory_space<vmem>>, vector<16xf32>,
        %add3A_443 = arith.constant 48 : i32
        %add3A_444 = vector.broadcast %add3A_443 : i32 to vector<16xi32>
        %add3A_445 = arith.addi %iota3A, %add3A_444 : vector<16xi32>
        %add3A_446 = arith.addi %gather3A_409, %add3A_445 : vector<16xi32>
        %gather3A_447 = tpu.vector_load_idx %arg6[%add3A_446] : memref<64000xf32, #tpu.memory_space<vmem>>[vector<16xi32>], vector<16xf32>,
        %add3A_448 = arith.constant 320 : i32
        %add3A_449 = arith.addi %mul3A_168, %add3A_448 : i32
        %add3A_450 = arith.constant 48 : i32
        %add3A_451 = arith.addi %add3A_449, %add3A_450 : i32
        %swap3A_452 = arith.index_cast %add3A_451 : i32 to index
        %swap3A_453 = tpu.vector_load %arg10[%swap3A_452] {strides = array<i32>} : memref<16384xf32, #tpu.memory_space<vmem>>, vector<16xf32>,
        tpu.vector_store %arg10[%swap3A_452], %gather3A_447 {add = true, strides = array<i32>} : memref<16384xf32, #tpu.memory_space<vmem>>, vector<16xf32>,
        %broadcast_in_dim3A_454 = arith.constant 6 : i32
        %broadcast_in_dim3A_455 = vector.broadcast %broadcast_in_dim3A_454 : i32 to vector<16x1xi32>
        %gather3A_456 = vector.shape_cast %broadcast_in_dim3A_455 : vector<16x1xi32> to vector<16xi32>
        %gather3A_457 = tpu.dynamic_gather %mul3A_166[%gather3A_456] in [0] : vector<16xi32>, vector<16xi32> -> vector<16xi32>
        %add3A_458 = arith.constant 0 : i32
        %add3A_459 = vector.broadcast %add3A_458 : i32 to vector<16xi32>
        %add3A_460 = arith.addi %iota3A, %add3A_459 : vector<16xi32>
        %add3A_461 = arith.addi %gather3A_457, %add3A_460 : vector<16xi32>
        %gather3A_462 = tpu.vector_load_idx %arg6[%add3A_461] : memref<64000xf32, #tpu.memory_space<vmem>>[vector<16xi32>], vector<16xf32>,
        %add3A_463 = arith.constant 384 : i32
        %add3A_464 = arith.addi %mul3A_168, %add3A_463 : i32
        %add3A_465 = arith.constant 0 : i32
        %add3A_466 = arith.addi %add3A_464, %add3A_465 : i32
        %swap3A_467 = arith.index_cast %add3A_466 : i32 to index
        %swap3A_468 = tpu.vector_load %arg10[%swap3A_467] {strides = array<i32>} : memref<16384xf32, #tpu.memory_space<vmem>>, vector<16xf32>,
        tpu.vector_store %arg10[%swap3A_467], %gather3A_462 {add = true, strides = array<i32>} : memref<16384xf32, #tpu.memory_space<vmem>>, vector<16xf32>,
        %add3A_469 = arith.constant 16 : i32
        %add3A_470 = vector.broadcast %add3A_469 : i32 to vector<16xi32>
        %add3A_471 = arith.addi %iota3A, %add3A_470 : vector<16xi32>
        %add3A_472 = arith.addi %gather3A_457, %add3A_471 : vector<16xi32>
        %gather3A_473 = tpu.vector_load_idx %arg6[%add3A_472] : memref<64000xf32, #tpu.memory_space<vmem>>[vector<16xi32>], vector<16xf32>,
        %add3A_474 = arith.constant 384 : i32
        %add3A_475 = arith.addi %mul3A_168, %add3A_474 : i32
        %add3A_476 = arith.constant 16 : i32
        %add3A_477 = arith.addi %add3A_475, %add3A_476 : i32
        %swap3A_478 = arith.index_cast %add3A_477 : i32 to index
        %swap3A_479 = tpu.vector_load %arg10[%swap3A_478] {strides = array<i32>} : memref<16384xf32, #tpu.memory_space<vmem>>, vector<16xf32>,
        tpu.vector_store %arg10[%swap3A_478], %gather3A_473 {add = true, strides = array<i32>} : memref<16384xf32, #tpu.memory_space<vmem>>, vector<16xf32>,
        %add3A_480 = arith.constant 32 : i32
        %add3A_481 = vector.broadcast %add3A_480 : i32 to vector<16xi32>
        %add3A_482 = arith.addi %iota3A, %add3A_481 : vector<16xi32>
        %add3A_483 = arith.addi %gather3A_457, %add3A_482 : vector<16xi32>
        %gather3A_484 = tpu.vector_load_idx %arg6[%add3A_483] : memref<64000xf32, #tpu.memory_space<vmem>>[vector<16xi32>], vector<16xf32>,
        %add3A_485 = arith.constant 384 : i32
        %add3A_486 = arith.addi %mul3A_168, %add3A_485 : i32
        %add3A_487 = arith.constant 32 : i32
        %add3A_488 = arith.addi %add3A_486, %add3A_487 : i32
        %swap3A_489 = arith.index_cast %add3A_488 : i32 to index
        %swap3A_490 = tpu.vector_load %arg10[%swap3A_489] {strides = array<i32>} : memref<16384xf32, #tpu.memory_space<vmem>>, vector<16xf32>,
        tpu.vector_store %arg10[%swap3A_489], %gather3A_484 {add = true, strides = array<i32>} : memref<16384xf32, #tpu.memory_space<vmem>>, vector<16xf32>,
        %add3A_491 = arith.constant 48 : i32
        %add3A_492 = vector.broadcast %add3A_491 : i32 to vector<16xi32>
        %add3A_493 = arith.addi %iota3A, %add3A_492 : vector<16xi32>
        %add3A_494 = arith.addi %gather3A_457, %add3A_493 : vector<16xi32>
        %gather3A_495 = tpu.vector_load_idx %arg6[%add3A_494] : memref<64000xf32, #tpu.memory_space<vmem>>[vector<16xi32>], vector<16xf32>,
        %add3A_496 = arith.constant 384 : i32
        %add3A_497 = arith.addi %mul3A_168, %add3A_496 : i32
        %add3A_498 = arith.constant 48 : i32
        %add3A_499 = arith.addi %add3A_497, %add3A_498 : i32
        %swap3A_500 = arith.index_cast %add3A_499 : i32 to index
        %swap3A_501 = tpu.vector_load %arg10[%swap3A_500] {strides = array<i32>} : memref<16384xf32, #tpu.memory_space<vmem>>, vector<16xf32>,
        tpu.vector_store %arg10[%swap3A_500], %gather3A_495 {add = true, strides = array<i32>} : memref<16384xf32, #tpu.memory_space<vmem>>, vector<16xf32>,
        %broadcast_in_dim3A_502 = arith.constant 7 : i32
        %broadcast_in_dim3A_503 = vector.broadcast %broadcast_in_dim3A_502 : i32 to vector<16x1xi32>
        %gather3A_504 = vector.shape_cast %broadcast_in_dim3A_503 : vector<16x1xi32> to vector<16xi32>
        %gather3A_505 = tpu.dynamic_gather %mul3A_166[%gather3A_504] in [0] : vector<16xi32>, vector<16xi32> -> vector<16xi32>
        %add3A_506 = arith.constant 0 : i32
        %add3A_507 = vector.broadcast %add3A_506 : i32 to vector<16xi32>
        %add3A_508 = arith.addi %iota3A, %add3A_507 : vector<16xi32>
        %add3A_509 = arith.addi %gather3A_505, %add3A_508 : vector<16xi32>
        %gather3A_510 = tpu.vector_load_idx %arg6[%add3A_509] : memref<64000xf32, #tpu.memory_space<vmem>>[vector<16xi32>], vector<16xf32>,
        %add3A_511 = arith.constant 448 : i32
        %add3A_512 = arith.addi %mul3A_168, %add3A_511 : i32
        %add3A_513 = arith.constant 0 : i32
        %add3A_514 = arith.addi %add3A_512, %add3A_513 : i32
        %swap3A_515 = arith.index_cast %add3A_514 : i32 to index
        %swap3A_516 = tpu.vector_load %arg10[%swap3A_515] {strides = array<i32>} : memref<16384xf32, #tpu.memory_space<vmem>>, vector<16xf32>,
        tpu.vector_store %arg10[%swap3A_515], %gather3A_510 {add = true, strides = array<i32>} : memref<16384xf32, #tpu.memory_space<vmem>>, vector<16xf32>,
        %add3A_517 = arith.constant 16 : i32
        %add3A_518 = vector.broadcast %add3A_517 : i32 to vector<16xi32>
        %add3A_519 = arith.addi %iota3A, %add3A_518 : vector<16xi32>
        %add3A_520 = arith.addi %gather3A_505, %add3A_519 : vector<16xi32>
        %gather3A_521 = tpu.vector_load_idx %arg6[%add3A_520] : memref<64000xf32, #tpu.memory_space<vmem>>[vector<16xi32>], vector<16xf32>,
        %add3A_522 = arith.constant 448 : i32
        %add3A_523 = arith.addi %mul3A_168, %add3A_522 : i32
        %add3A_524 = arith.constant 16 : i32
        %add3A_525 = arith.addi %add3A_523, %add3A_524 : i32
        %swap3A_526 = arith.index_cast %add3A_525 : i32 to index
        %swap3A_527 = tpu.vector_load %arg10[%swap3A_526] {strides = array<i32>} : memref<16384xf32, #tpu.memory_space<vmem>>, vector<16xf32>,
        tpu.vector_store %arg10[%swap3A_526], %gather3A_521 {add = true, strides = array<i32>} : memref<16384xf32, #tpu.memory_space<vmem>>, vector<16xf32>,
        %add3A_528 = arith.constant 32 : i32
        %add3A_529 = vector.broadcast %add3A_528 : i32 to vector<16xi32>
        %add3A_530 = arith.addi %iota3A, %add3A_529 : vector<16xi32>
        %add3A_531 = arith.addi %gather3A_505, %add3A_530 : vector<16xi32>
        %gather3A_532 = tpu.vector_load_idx %arg6[%add3A_531] : memref<64000xf32, #tpu.memory_space<vmem>>[vector<16xi32>], vector<16xf32>,
        %add3A_533 = arith.constant 448 : i32
        %add3A_534 = arith.addi %mul3A_168, %add3A_533 : i32
        %add3A_535 = arith.constant 32 : i32
        %add3A_536 = arith.addi %add3A_534, %add3A_535 : i32
        %swap3A_537 = arith.index_cast %add3A_536 : i32 to index
        %swap3A_538 = tpu.vector_load %arg10[%swap3A_537] {strides = array<i32>} : memref<16384xf32, #tpu.memory_space<vmem>>, vector<16xf32>,
        tpu.vector_store %arg10[%swap3A_537], %gather3A_532 {add = true, strides = array<i32>} : memref<16384xf32, #tpu.memory_space<vmem>>, vector<16xf32>,
        %add3A_539 = arith.constant 48 : i32
        %add3A_540 = vector.broadcast %add3A_539 : i32 to vector<16xi32>
        %add3A_541 = arith.addi %iota3A, %add3A_540 : vector<16xi32>
        %add3A_542 = arith.addi %gather3A_505, %add3A_541 : vector<16xi32>
        %gather3A_543 = tpu.vector_load_idx %arg6[%add3A_542] : memref<64000xf32, #tpu.memory_space<vmem>>[vector<16xi32>], vector<16xf32>,
        %add3A_544 = arith.constant 448 : i32
        %add3A_545 = arith.addi %mul3A_168, %add3A_544 : i32
        %add3A_546 = arith.constant 48 : i32
        %add3A_547 = arith.addi %add3A_545, %add3A_546 : i32
        %swap3A_548 = arith.index_cast %add3A_547 : i32 to index
        %swap3A_549 = tpu.vector_load %arg10[%swap3A_548] {strides = array<i32>} : memref<16384xf32, #tpu.memory_space<vmem>>, vector<16xf32>,
        tpu.vector_store %arg10[%swap3A_548], %gather3A_543 {add = true, strides = array<i32>} : memref<16384xf32, #tpu.memory_space<vmem>>, vector<16xf32>,
        %broadcast_in_dim3A_550 = arith.constant 8 : i32
        %broadcast_in_dim3A_551 = vector.broadcast %broadcast_in_dim3A_550 : i32 to vector<16x1xi32>
        %gather3A_552 = vector.shape_cast %broadcast_in_dim3A_551 : vector<16x1xi32> to vector<16xi32>
        %gather3A_553 = tpu.dynamic_gather %mul3A_166[%gather3A_552] in [0] : vector<16xi32>, vector<16xi32> -> vector<16xi32>
        %add3A_554 = arith.constant 0 : i32
        %add3A_555 = vector.broadcast %add3A_554 : i32 to vector<16xi32>
        %add3A_556 = arith.addi %iota3A, %add3A_555 : vector<16xi32>
        %add3A_557 = arith.addi %gather3A_553, %add3A_556 : vector<16xi32>
        %gather3A_558 = tpu.vector_load_idx %arg6[%add3A_557] : memref<64000xf32, #tpu.memory_space<vmem>>[vector<16xi32>], vector<16xf32>,
        %add3A_559 = arith.constant 512 : i32
        %add3A_560 = arith.addi %mul3A_168, %add3A_559 : i32
        %add3A_561 = arith.constant 0 : i32
        %add3A_562 = arith.addi %add3A_560, %add3A_561 : i32
        %swap3A_563 = arith.index_cast %add3A_562 : i32 to index
        %swap3A_564 = tpu.vector_load %arg10[%swap3A_563] {strides = array<i32>} : memref<16384xf32, #tpu.memory_space<vmem>>, vector<16xf32>,
        tpu.vector_store %arg10[%swap3A_563], %gather3A_558 {add = true, strides = array<i32>} : memref<16384xf32, #tpu.memory_space<vmem>>, vector<16xf32>,
        %add3A_565 = arith.constant 16 : i32
        %add3A_566 = vector.broadcast %add3A_565 : i32 to vector<16xi32>
        %add3A_567 = arith.addi %iota3A, %add3A_566 : vector<16xi32>
        %add3A_568 = arith.addi %gather3A_553, %add3A_567 : vector<16xi32>
        %gather3A_569 = tpu.vector_load_idx %arg6[%add3A_568] : memref<64000xf32, #tpu.memory_space<vmem>>[vector<16xi32>], vector<16xf32>,
        %add3A_570 = arith.constant 512 : i32
        %add3A_571 = arith.addi %mul3A_168, %add3A_570 : i32
        %add3A_572 = arith.constant 16 : i32
        %add3A_573 = arith.addi %add3A_571, %add3A_572 : i32
        %swap3A_574 = arith.index_cast %add3A_573 : i32 to index
        %swap3A_575 = tpu.vector_load %arg10[%swap3A_574] {strides = array<i32>} : memref<16384xf32, #tpu.memory_space<vmem>>, vector<16xf32>,
        tpu.vector_store %arg10[%swap3A_574], %gather3A_569 {add = true, strides = array<i32>} : memref<16384xf32, #tpu.memory_space<vmem>>, vector<16xf32>,
        %add3A_576 = arith.constant 32 : i32
        %add3A_577 = vector.broadcast %add3A_576 : i32 to vector<16xi32>
        %add3A_578 = arith.addi %iota3A, %add3A_577 : vector<16xi32>
        %add3A_579 = arith.addi %gather3A_553, %add3A_578 : vector<16xi32>
        %gather3A_580 = tpu.vector_load_idx %arg6[%add3A_579] : memref<64000xf32, #tpu.memory_space<vmem>>[vector<16xi32>], vector<16xf32>,
        %add3A_581 = arith.constant 512 : i32
        %add3A_582 = arith.addi %mul3A_168, %add3A_581 : i32
        %add3A_583 = arith.constant 32 : i32
        %add3A_584 = arith.addi %add3A_582, %add3A_583 : i32
        %swap3A_585 = arith.index_cast %add3A_584 : i32 to index
        %swap3A_586 = tpu.vector_load %arg10[%swap3A_585] {strides = array<i32>} : memref<16384xf32, #tpu.memory_space<vmem>>, vector<16xf32>,
        tpu.vector_store %arg10[%swap3A_585], %gather3A_580 {add = true, strides = array<i32>} : memref<16384xf32, #tpu.memory_space<vmem>>, vector<16xf32>,
        %add3A_587 = arith.constant 48 : i32
        %add3A_588 = vector.broadcast %add3A_587 : i32 to vector<16xi32>
        %add3A_589 = arith.addi %iota3A, %add3A_588 : vector<16xi32>
        %add3A_590 = arith.addi %gather3A_553, %add3A_589 : vector<16xi32>
        %gather3A_591 = tpu.vector_load_idx %arg6[%add3A_590] : memref<64000xf32, #tpu.memory_space<vmem>>[vector<16xi32>], vector<16xf32>,
        %add3A_592 = arith.constant 512 : i32
        %add3A_593 = arith.addi %mul3A_168, %add3A_592 : i32
        %add3A_594 = arith.constant 48 : i32
        %add3A_595 = arith.addi %add3A_593, %add3A_594 : i32
        %swap3A_596 = arith.index_cast %add3A_595 : i32 to index
        %swap3A_597 = tpu.vector_load %arg10[%swap3A_596] {strides = array<i32>} : memref<16384xf32, #tpu.memory_space<vmem>>, vector<16xf32>,
        tpu.vector_store %arg10[%swap3A_596], %gather3A_591 {add = true, strides = array<i32>} : memref<16384xf32, #tpu.memory_space<vmem>>, vector<16xf32>,
        %broadcast_in_dim3A_598 = arith.constant 9 : i32
        %broadcast_in_dim3A_599 = vector.broadcast %broadcast_in_dim3A_598 : i32 to vector<16x1xi32>
        %gather3A_600 = vector.shape_cast %broadcast_in_dim3A_599 : vector<16x1xi32> to vector<16xi32>
        %gather3A_601 = tpu.dynamic_gather %mul3A_166[%gather3A_600] in [0] : vector<16xi32>, vector<16xi32> -> vector<16xi32>
        %add3A_602 = arith.constant 0 : i32
        %add3A_603 = vector.broadcast %add3A_602 : i32 to vector<16xi32>
        %add3A_604 = arith.addi %iota3A, %add3A_603 : vector<16xi32>
        %add3A_605 = arith.addi %gather3A_601, %add3A_604 : vector<16xi32>
        %gather3A_606 = tpu.vector_load_idx %arg6[%add3A_605] : memref<64000xf32, #tpu.memory_space<vmem>>[vector<16xi32>], vector<16xf32>,
        %add3A_607 = arith.constant 576 : i32
        %add3A_608 = arith.addi %mul3A_168, %add3A_607 : i32
        %add3A_609 = arith.constant 0 : i32
        %add3A_610 = arith.addi %add3A_608, %add3A_609 : i32
        %swap3A_611 = arith.index_cast %add3A_610 : i32 to index
        %swap3A_612 = tpu.vector_load %arg10[%swap3A_611] {strides = array<i32>} : memref<16384xf32, #tpu.memory_space<vmem>>, vector<16xf32>,
        tpu.vector_store %arg10[%swap3A_611], %gather3A_606 {add = true, strides = array<i32>} : memref<16384xf32, #tpu.memory_space<vmem>>, vector<16xf32>,
        %add3A_613 = arith.constant 16 : i32
        %add3A_614 = vector.broadcast %add3A_613 : i32 to vector<16xi32>
        %add3A_615 = arith.addi %iota3A, %add3A_614 : vector<16xi32>
        %add3A_616 = arith.addi %gather3A_601, %add3A_615 : vector<16xi32>
        %gather3A_617 = tpu.vector_load_idx %arg6[%add3A_616] : memref<64000xf32, #tpu.memory_space<vmem>>[vector<16xi32>], vector<16xf32>,
        %add3A_618 = arith.constant 576 : i32
        %add3A_619 = arith.addi %mul3A_168, %add3A_618 : i32
        %add3A_620 = arith.constant 16 : i32
        %add3A_621 = arith.addi %add3A_619, %add3A_620 : i32
        %swap3A_622 = arith.index_cast %add3A_621 : i32 to index
        %swap3A_623 = tpu.vector_load %arg10[%swap3A_622] {strides = array<i32>} : memref<16384xf32, #tpu.memory_space<vmem>>, vector<16xf32>,
        tpu.vector_store %arg10[%swap3A_622], %gather3A_617 {add = true, strides = array<i32>} : memref<16384xf32, #tpu.memory_space<vmem>>, vector<16xf32>,
        %add3A_624 = arith.constant 32 : i32
        %add3A_625 = vector.broadcast %add3A_624 : i32 to vector<16xi32>
        %add3A_626 = arith.addi %iota3A, %add3A_625 : vector<16xi32>
        %add3A_627 = arith.addi %gather3A_601, %add3A_626 : vector<16xi32>
        %gather3A_628 = tpu.vector_load_idx %arg6[%add3A_627] : memref<64000xf32, #tpu.memory_space<vmem>>[vector<16xi32>], vector<16xf32>,
        %add3A_629 = arith.constant 576 : i32
        %add3A_630 = arith.addi %mul3A_168, %add3A_629 : i32
        %add3A_631 = arith.constant 32 : i32
        %add3A_632 = arith.addi %add3A_630, %add3A_631 : i32
        %swap3A_633 = arith.index_cast %add3A_632 : i32 to index
        %swap3A_634 = tpu.vector_load %arg10[%swap3A_633] {strides = array<i32>} : memref<16384xf32, #tpu.memory_space<vmem>>, vector<16xf32>,
        tpu.vector_store %arg10[%swap3A_633], %gather3A_628 {add = true, strides = array<i32>} : memref<16384xf32, #tpu.memory_space<vmem>>, vector<16xf32>,
        %add3A_635 = arith.constant 48 : i32
        %add3A_636 = vector.broadcast %add3A_635 : i32 to vector<16xi32>
        %add3A_637 = arith.addi %iota3A, %add3A_636 : vector<16xi32>
        %add3A_638 = arith.addi %gather3A_601, %add3A_637 : vector<16xi32>
        %gather3A_639 = tpu.vector_load_idx %arg6[%add3A_638] : memref<64000xf32, #tpu.memory_space<vmem>>[vector<16xi32>], vector<16xf32>,
        %add3A_640 = arith.constant 576 : i32
        %add3A_641 = arith.addi %mul3A_168, %add3A_640 : i32
        %add3A_642 = arith.constant 48 : i32
        %add3A_643 = arith.addi %add3A_641, %add3A_642 : i32
        %swap3A_644 = arith.index_cast %add3A_643 : i32 to index
        %swap3A_645 = tpu.vector_load %arg10[%swap3A_644] {strides = array<i32>} : memref<16384xf32, #tpu.memory_space<vmem>>, vector<16xf32>,
        tpu.vector_store %arg10[%swap3A_644], %gather3A_639 {add = true, strides = array<i32>} : memref<16384xf32, #tpu.memory_space<vmem>>, vector<16xf32>,
        %broadcast_in_dim3A_646 = arith.constant 10 : i32
        %broadcast_in_dim3A_647 = vector.broadcast %broadcast_in_dim3A_646 : i32 to vector<16x1xi32>
        %gather3A_648 = vector.shape_cast %broadcast_in_dim3A_647 : vector<16x1xi32> to vector<16xi32>
        %gather3A_649 = tpu.dynamic_gather %mul3A_166[%gather3A_648] in [0] : vector<16xi32>, vector<16xi32> -> vector<16xi32>
        %add3A_650 = arith.constant 0 : i32
        %add3A_651 = vector.broadcast %add3A_650 : i32 to vector<16xi32>
        %add3A_652 = arith.addi %iota3A, %add3A_651 : vector<16xi32>
        %add3A_653 = arith.addi %gather3A_649, %add3A_652 : vector<16xi32>
        %gather3A_654 = tpu.vector_load_idx %arg6[%add3A_653] : memref<64000xf32, #tpu.memory_space<vmem>>[vector<16xi32>], vector<16xf32>,
        %add3A_655 = arith.constant 640 : i32
        %add3A_656 = arith.addi %mul3A_168, %add3A_655 : i32
        %add3A_657 = arith.constant 0 : i32
        %add3A_658 = arith.addi %add3A_656, %add3A_657 : i32
        %swap3A_659 = arith.index_cast %add3A_658 : i32 to index
        %swap3A_660 = tpu.vector_load %arg10[%swap3A_659] {strides = array<i32>} : memref<16384xf32, #tpu.memory_space<vmem>>, vector<16xf32>,
        tpu.vector_store %arg10[%swap3A_659], %gather3A_654 {add = true, strides = array<i32>} : memref<16384xf32, #tpu.memory_space<vmem>>, vector<16xf32>,
        %add3A_661 = arith.constant 16 : i32
        %add3A_662 = vector.broadcast %add3A_661 : i32 to vector<16xi32>
        %add3A_663 = arith.addi %iota3A, %add3A_662 : vector<16xi32>
        %add3A_664 = arith.addi %gather3A_649, %add3A_663 : vector<16xi32>
        %gather3A_665 = tpu.vector_load_idx %arg6[%add3A_664] : memref<64000xf32, #tpu.memory_space<vmem>>[vector<16xi32>], vector<16xf32>,
        %add3A_666 = arith.constant 640 : i32
        %add3A_667 = arith.addi %mul3A_168, %add3A_666 : i32
        %add3A_668 = arith.constant 16 : i32
        %add3A_669 = arith.addi %add3A_667, %add3A_668 : i32
        %swap3A_670 = arith.index_cast %add3A_669 : i32 to index
        %swap3A_671 = tpu.vector_load %arg10[%swap3A_670] {strides = array<i32>} : memref<16384xf32, #tpu.memory_space<vmem>>, vector<16xf32>,
        tpu.vector_store %arg10[%swap3A_670], %gather3A_665 {add = true, strides = array<i32>} : memref<16384xf32, #tpu.memory_space<vmem>>, vector<16xf32>,
        %add3A_672 = arith.constant 32 : i32
        %add3A_673 = vector.broadcast %add3A_672 : i32 to vector<16xi32>
        %add3A_674 = arith.addi %iota3A, %add3A_673 : vector<16xi32>
        %add3A_675 = arith.addi %gather3A_649, %add3A_674 : vector<16xi32>
        %gather3A_676 = tpu.vector_load_idx %arg6[%add3A_675] : memref<64000xf32, #tpu.memory_space<vmem>>[vector<16xi32>], vector<16xf32>,
        %add3A_677 = arith.constant 640 : i32
        %add3A_678 = arith.addi %mul3A_168, %add3A_677 : i32
        %add3A_679 = arith.constant 32 : i32
        %add3A_680 = arith.addi %add3A_678, %add3A_679 : i32
        %swap3A_681 = arith.index_cast %add3A_680 : i32 to index
        %swap3A_682 = tpu.vector_load %arg10[%swap3A_681] {strides = array<i32>} : memref<16384xf32, #tpu.memory_space<vmem>>, vector<16xf32>,
        tpu.vector_store %arg10[%swap3A_681], %gather3A_676 {add = true, strides = array<i32>} : memref<16384xf32, #tpu.memory_space<vmem>>, vector<16xf32>,
        %add3A_683 = arith.constant 48 : i32
        %add3A_684 = vector.broadcast %add3A_683 : i32 to vector<16xi32>
        %add3A_685 = arith.addi %iota3A, %add3A_684 : vector<16xi32>
        %add3A_686 = arith.addi %gather3A_649, %add3A_685 : vector<16xi32>
        %gather3A_687 = tpu.vector_load_idx %arg6[%add3A_686] : memref<64000xf32, #tpu.memory_space<vmem>>[vector<16xi32>], vector<16xf32>,
        %add3A_688 = arith.constant 640 : i32
        %add3A_689 = arith.addi %mul3A_168, %add3A_688 : i32
        %add3A_690 = arith.constant 48 : i32
        %add3A_691 = arith.addi %add3A_689, %add3A_690 : i32
        %swap3A_692 = arith.index_cast %add3A_691 : i32 to index
        %swap3A_693 = tpu.vector_load %arg10[%swap3A_692] {strides = array<i32>} : memref<16384xf32, #tpu.memory_space<vmem>>, vector<16xf32>,
        tpu.vector_store %arg10[%swap3A_692], %gather3A_687 {add = true, strides = array<i32>} : memref<16384xf32, #tpu.memory_space<vmem>>, vector<16xf32>,
        %broadcast_in_dim3A_694 = arith.constant 11 : i32
        %broadcast_in_dim3A_695 = vector.broadcast %broadcast_in_dim3A_694 : i32 to vector<16x1xi32>
        %gather3A_696 = vector.shape_cast %broadcast_in_dim3A_695 : vector<16x1xi32> to vector<16xi32>
        %gather3A_697 = tpu.dynamic_gather %mul3A_166[%gather3A_696] in [0] : vector<16xi32>, vector<16xi32> -> vector<16xi32>
        %add3A_698 = arith.constant 0 : i32
        %add3A_699 = vector.broadcast %add3A_698 : i32 to vector<16xi32>
        %add3A_700 = arith.addi %iota3A, %add3A_699 : vector<16xi32>
        %add3A_701 = arith.addi %gather3A_697, %add3A_700 : vector<16xi32>
        %gather3A_702 = tpu.vector_load_idx %arg6[%add3A_701] : memref<64000xf32, #tpu.memory_space<vmem>>[vector<16xi32>], vector<16xf32>,
        %add3A_703 = arith.constant 704 : i32
        %add3A_704 = arith.addi %mul3A_168, %add3A_703 : i32
        %add3A_705 = arith.constant 0 : i32
        %add3A_706 = arith.addi %add3A_704, %add3A_705 : i32
        %swap3A_707 = arith.index_cast %add3A_706 : i32 to index
        %swap3A_708 = tpu.vector_load %arg10[%swap3A_707] {strides = array<i32>} : memref<16384xf32, #tpu.memory_space<vmem>>, vector<16xf32>,
        tpu.vector_store %arg10[%swap3A_707], %gather3A_702 {add = true, strides = array<i32>} : memref<16384xf32, #tpu.memory_space<vmem>>, vector<16xf32>,
        %add3A_709 = arith.constant 16 : i32
        %add3A_710 = vector.broadcast %add3A_709 : i32 to vector<16xi32>
        %add3A_711 = arith.addi %iota3A, %add3A_710 : vector<16xi32>
        %add3A_712 = arith.addi %gather3A_697, %add3A_711 : vector<16xi32>
        %gather3A_713 = tpu.vector_load_idx %arg6[%add3A_712] : memref<64000xf32, #tpu.memory_space<vmem>>[vector<16xi32>], vector<16xf32>,
        %add3A_714 = arith.constant 704 : i32
        %add3A_715 = arith.addi %mul3A_168, %add3A_714 : i32
        %add3A_716 = arith.constant 16 : i32
        %add3A_717 = arith.addi %add3A_715, %add3A_716 : i32
        %swap3A_718 = arith.index_cast %add3A_717 : i32 to index
        %swap3A_719 = tpu.vector_load %arg10[%swap3A_718] {strides = array<i32>} : memref<16384xf32, #tpu.memory_space<vmem>>, vector<16xf32>,
        tpu.vector_store %arg10[%swap3A_718], %gather3A_713 {add = true, strides = array<i32>} : memref<16384xf32, #tpu.memory_space<vmem>>, vector<16xf32>,
        %add3A_720 = arith.constant 32 : i32
        %add3A_721 = vector.broadcast %add3A_720 : i32 to vector<16xi32>
        %add3A_722 = arith.addi %iota3A, %add3A_721 : vector<16xi32>
        %add3A_723 = arith.addi %gather3A_697, %add3A_722 : vector<16xi32>
        %gather3A_724 = tpu.vector_load_idx %arg6[%add3A_723] : memref<64000xf32, #tpu.memory_space<vmem>>[vector<16xi32>], vector<16xf32>,
        %add3A_725 = arith.constant 704 : i32
        %add3A_726 = arith.addi %mul3A_168, %add3A_725 : i32
        %add3A_727 = arith.constant 32 : i32
        %add3A_728 = arith.addi %add3A_726, %add3A_727 : i32
        %swap3A_729 = arith.index_cast %add3A_728 : i32 to index
        %swap3A_730 = tpu.vector_load %arg10[%swap3A_729] {strides = array<i32>} : memref<16384xf32, #tpu.memory_space<vmem>>, vector<16xf32>,
        tpu.vector_store %arg10[%swap3A_729], %gather3A_724 {add = true, strides = array<i32>} : memref<16384xf32, #tpu.memory_space<vmem>>, vector<16xf32>,
        %add3A_731 = arith.constant 48 : i32
        %add3A_732 = vector.broadcast %add3A_731 : i32 to vector<16xi32>
        %add3A_733 = arith.addi %iota3A, %add3A_732 : vector<16xi32>
        %add3A_734 = arith.addi %gather3A_697, %add3A_733 : vector<16xi32>
        %gather3A_735 = tpu.vector_load_idx %arg6[%add3A_734] : memref<64000xf32, #tpu.memory_space<vmem>>[vector<16xi32>], vector<16xf32>,
        %add3A_736 = arith.constant 704 : i32
        %add3A_737 = arith.addi %mul3A_168, %add3A_736 : i32
        %add3A_738 = arith.constant 48 : i32
        %add3A_739 = arith.addi %add3A_737, %add3A_738 : i32
        %swap3A_740 = arith.index_cast %add3A_739 : i32 to index
        %swap3A_741 = tpu.vector_load %arg10[%swap3A_740] {strides = array<i32>} : memref<16384xf32, #tpu.memory_space<vmem>>, vector<16xf32>,
        tpu.vector_store %arg10[%swap3A_740], %gather3A_735 {add = true, strides = array<i32>} : memref<16384xf32, #tpu.memory_space<vmem>>, vector<16xf32>,
        %broadcast_in_dim3A_742 = arith.constant 12 : i32
        %broadcast_in_dim3A_743 = vector.broadcast %broadcast_in_dim3A_742 : i32 to vector<16x1xi32>
        %gather3A_744 = vector.shape_cast %broadcast_in_dim3A_743 : vector<16x1xi32> to vector<16xi32>
        %gather3A_745 = tpu.dynamic_gather %mul3A_166[%gather3A_744] in [0] : vector<16xi32>, vector<16xi32> -> vector<16xi32>
        %add3A_746 = arith.constant 0 : i32
        %add3A_747 = vector.broadcast %add3A_746 : i32 to vector<16xi32>
        %add3A_748 = arith.addi %iota3A, %add3A_747 : vector<16xi32>
        %add3A_749 = arith.addi %gather3A_745, %add3A_748 : vector<16xi32>
        %gather3A_750 = tpu.vector_load_idx %arg6[%add3A_749] : memref<64000xf32, #tpu.memory_space<vmem>>[vector<16xi32>], vector<16xf32>,
        %add3A_751 = arith.constant 768 : i32
        %add3A_752 = arith.addi %mul3A_168, %add3A_751 : i32
        %add3A_753 = arith.constant 0 : i32
        %add3A_754 = arith.addi %add3A_752, %add3A_753 : i32
        %swap3A_755 = arith.index_cast %add3A_754 : i32 to index
        %swap3A_756 = tpu.vector_load %arg10[%swap3A_755] {strides = array<i32>} : memref<16384xf32, #tpu.memory_space<vmem>>, vector<16xf32>,
        tpu.vector_store %arg10[%swap3A_755], %gather3A_750 {add = true, strides = array<i32>} : memref<16384xf32, #tpu.memory_space<vmem>>, vector<16xf32>,
        %add3A_757 = arith.constant 16 : i32
        %add3A_758 = vector.broadcast %add3A_757 : i32 to vector<16xi32>
        %add3A_759 = arith.addi %iota3A, %add3A_758 : vector<16xi32>
        %add3A_760 = arith.addi %gather3A_745, %add3A_759 : vector<16xi32>
        %gather3A_761 = tpu.vector_load_idx %arg6[%add3A_760] : memref<64000xf32, #tpu.memory_space<vmem>>[vector<16xi32>], vector<16xf32>,
        %add3A_762 = arith.constant 768 : i32
        %add3A_763 = arith.addi %mul3A_168, %add3A_762 : i32
        %add3A_764 = arith.constant 16 : i32
        %add3A_765 = arith.addi %add3A_763, %add3A_764 : i32
        %swap3A_766 = arith.index_cast %add3A_765 : i32 to index
        %swap3A_767 = tpu.vector_load %arg10[%swap3A_766] {strides = array<i32>} : memref<16384xf32, #tpu.memory_space<vmem>>, vector<16xf32>,
        tpu.vector_store %arg10[%swap3A_766], %gather3A_761 {add = true, strides = array<i32>} : memref<16384xf32, #tpu.memory_space<vmem>>, vector<16xf32>,
        %add3A_768 = arith.constant 32 : i32
        %add3A_769 = vector.broadcast %add3A_768 : i32 to vector<16xi32>
        %add3A_770 = arith.addi %iota3A, %add3A_769 : vector<16xi32>
        %add3A_771 = arith.addi %gather3A_745, %add3A_770 : vector<16xi32>
        %gather3A_772 = tpu.vector_load_idx %arg6[%add3A_771] : memref<64000xf32, #tpu.memory_space<vmem>>[vector<16xi32>], vector<16xf32>,
        %add3A_773 = arith.constant 768 : i32
        %add3A_774 = arith.addi %mul3A_168, %add3A_773 : i32
        %add3A_775 = arith.constant 32 : i32
        %add3A_776 = arith.addi %add3A_774, %add3A_775 : i32
        %swap3A_777 = arith.index_cast %add3A_776 : i32 to index
        %swap3A_778 = tpu.vector_load %arg10[%swap3A_777] {strides = array<i32>} : memref<16384xf32, #tpu.memory_space<vmem>>, vector<16xf32>,
        tpu.vector_store %arg10[%swap3A_777], %gather3A_772 {add = true, strides = array<i32>} : memref<16384xf32, #tpu.memory_space<vmem>>, vector<16xf32>,
        %add3A_779 = arith.constant 48 : i32
        %add3A_780 = vector.broadcast %add3A_779 : i32 to vector<16xi32>
        %add3A_781 = arith.addi %iota3A, %add3A_780 : vector<16xi32>
        %add3A_782 = arith.addi %gather3A_745, %add3A_781 : vector<16xi32>
        %gather3A_783 = tpu.vector_load_idx %arg6[%add3A_782] : memref<64000xf32, #tpu.memory_space<vmem>>[vector<16xi32>], vector<16xf32>,
        %add3A_784 = arith.constant 768 : i32
        %add3A_785 = arith.addi %mul3A_168, %add3A_784 : i32
        %add3A_786 = arith.constant 48 : i32
        %add3A_787 = arith.addi %add3A_785, %add3A_786 : i32
        %swap3A_788 = arith.index_cast %add3A_787 : i32 to index
        %swap3A_789 = tpu.vector_load %arg10[%swap3A_788] {strides = array<i32>} : memref<16384xf32, #tpu.memory_space<vmem>>, vector<16xf32>,
        tpu.vector_store %arg10[%swap3A_788], %gather3A_783 {add = true, strides = array<i32>} : memref<16384xf32, #tpu.memory_space<vmem>>, vector<16xf32>,
        %broadcast_in_dim3A_790 = arith.constant 13 : i32
        %broadcast_in_dim3A_791 = vector.broadcast %broadcast_in_dim3A_790 : i32 to vector<16x1xi32>
        %gather3A_792 = vector.shape_cast %broadcast_in_dim3A_791 : vector<16x1xi32> to vector<16xi32>
        %gather3A_793 = tpu.dynamic_gather %mul3A_166[%gather3A_792] in [0] : vector<16xi32>, vector<16xi32> -> vector<16xi32>
        %add3A_794 = arith.constant 0 : i32
        %add3A_795 = vector.broadcast %add3A_794 : i32 to vector<16xi32>
        %add3A_796 = arith.addi %iota3A, %add3A_795 : vector<16xi32>
        %add3A_797 = arith.addi %gather3A_793, %add3A_796 : vector<16xi32>
        %gather3A_798 = tpu.vector_load_idx %arg6[%add3A_797] : memref<64000xf32, #tpu.memory_space<vmem>>[vector<16xi32>], vector<16xf32>,
        %add3A_799 = arith.constant 832 : i32
        %add3A_800 = arith.addi %mul3A_168, %add3A_799 : i32
        %add3A_801 = arith.constant 0 : i32
        %add3A_802 = arith.addi %add3A_800, %add3A_801 : i32
        %swap3A_803 = arith.index_cast %add3A_802 : i32 to index
        %swap3A_804 = tpu.vector_load %arg10[%swap3A_803] {strides = array<i32>} : memref<16384xf32, #tpu.memory_space<vmem>>, vector<16xf32>,
        tpu.vector_store %arg10[%swap3A_803], %gather3A_798 {add = true, strides = array<i32>} : memref<16384xf32, #tpu.memory_space<vmem>>, vector<16xf32>,
        %add3A_805 = arith.constant 16 : i32
        %add3A_806 = vector.broadcast %add3A_805 : i32 to vector<16xi32>
        %add3A_807 = arith.addi %iota3A, %add3A_806 : vector<16xi32>
        %add3A_808 = arith.addi %gather3A_793, %add3A_807 : vector<16xi32>
        %gather3A_809 = tpu.vector_load_idx %arg6[%add3A_808] : memref<64000xf32, #tpu.memory_space<vmem>>[vector<16xi32>], vector<16xf32>,
        %add3A_810 = arith.constant 832 : i32
        %add3A_811 = arith.addi %mul3A_168, %add3A_810 : i32
        %add3A_812 = arith.constant 16 : i32
        %add3A_813 = arith.addi %add3A_811, %add3A_812 : i32
        %swap3A_814 = arith.index_cast %add3A_813 : i32 to index
        %swap3A_815 = tpu.vector_load %arg10[%swap3A_814] {strides = array<i32>} : memref<16384xf32, #tpu.memory_space<vmem>>, vector<16xf32>,
        tpu.vector_store %arg10[%swap3A_814], %gather3A_809 {add = true, strides = array<i32>} : memref<16384xf32, #tpu.memory_space<vmem>>, vector<16xf32>,
        %add3A_816 = arith.constant 32 : i32
        %add3A_817 = vector.broadcast %add3A_816 : i32 to vector<16xi32>
        %add3A_818 = arith.addi %iota3A, %add3A_817 : vector<16xi32>
        %add3A_819 = arith.addi %gather3A_793, %add3A_818 : vector<16xi32>
        %gather3A_820 = tpu.vector_load_idx %arg6[%add3A_819] : memref<64000xf32, #tpu.memory_space<vmem>>[vector<16xi32>], vector<16xf32>,
        %add3A_821 = arith.constant 832 : i32
        %add3A_822 = arith.addi %mul3A_168, %add3A_821 : i32
        %add3A_823 = arith.constant 32 : i32
        %add3A_824 = arith.addi %add3A_822, %add3A_823 : i32
        %swap3A_825 = arith.index_cast %add3A_824 : i32 to index
        %swap3A_826 = tpu.vector_load %arg10[%swap3A_825] {strides = array<i32>} : memref<16384xf32, #tpu.memory_space<vmem>>, vector<16xf32>,
        tpu.vector_store %arg10[%swap3A_825], %gather3A_820 {add = true, strides = array<i32>} : memref<16384xf32, #tpu.memory_space<vmem>>, vector<16xf32>,
        %add3A_827 = arith.constant 48 : i32
        %add3A_828 = vector.broadcast %add3A_827 : i32 to vector<16xi32>
        %add3A_829 = arith.addi %iota3A, %add3A_828 : vector<16xi32>
        %add3A_830 = arith.addi %gather3A_793, %add3A_829 : vector<16xi32>
        %gather3A_831 = tpu.vector_load_idx %arg6[%add3A_830] : memref<64000xf32, #tpu.memory_space<vmem>>[vector<16xi32>], vector<16xf32>,
        %add3A_832 = arith.constant 832 : i32
        %add3A_833 = arith.addi %mul3A_168, %add3A_832 : i32
        %add3A_834 = arith.constant 48 : i32
        %add3A_835 = arith.addi %add3A_833, %add3A_834 : i32
        %swap3A_836 = arith.index_cast %add3A_835 : i32 to index
        %swap3A_837 = tpu.vector_load %arg10[%swap3A_836] {strides = array<i32>} : memref<16384xf32, #tpu.memory_space<vmem>>, vector<16xf32>,
        tpu.vector_store %arg10[%swap3A_836], %gather3A_831 {add = true, strides = array<i32>} : memref<16384xf32, #tpu.memory_space<vmem>>, vector<16xf32>,
        %broadcast_in_dim3A_838 = arith.constant 14 : i32
        %broadcast_in_dim3A_839 = vector.broadcast %broadcast_in_dim3A_838 : i32 to vector<16x1xi32>
        %gather3A_840 = vector.shape_cast %broadcast_in_dim3A_839 : vector<16x1xi32> to vector<16xi32>
        %gather3A_841 = tpu.dynamic_gather %mul3A_166[%gather3A_840] in [0] : vector<16xi32>, vector<16xi32> -> vector<16xi32>
        %add3A_842 = arith.constant 0 : i32
        %add3A_843 = vector.broadcast %add3A_842 : i32 to vector<16xi32>
        %add3A_844 = arith.addi %iota3A, %add3A_843 : vector<16xi32>
        %add3A_845 = arith.addi %gather3A_841, %add3A_844 : vector<16xi32>
        %gather3A_846 = tpu.vector_load_idx %arg6[%add3A_845] : memref<64000xf32, #tpu.memory_space<vmem>>[vector<16xi32>], vector<16xf32>,
        %add3A_847 = arith.constant 896 : i32
        %add3A_848 = arith.addi %mul3A_168, %add3A_847 : i32
        %add3A_849 = arith.constant 0 : i32
        %add3A_850 = arith.addi %add3A_848, %add3A_849 : i32
        %swap3A_851 = arith.index_cast %add3A_850 : i32 to index
        %swap3A_852 = tpu.vector_load %arg10[%swap3A_851] {strides = array<i32>} : memref<16384xf32, #tpu.memory_space<vmem>>, vector<16xf32>,
        tpu.vector_store %arg10[%swap3A_851], %gather3A_846 {add = true, strides = array<i32>} : memref<16384xf32, #tpu.memory_space<vmem>>, vector<16xf32>,
        %add3A_853 = arith.constant 16 : i32
        %add3A_854 = vector.broadcast %add3A_853 : i32 to vector<16xi32>
        %add3A_855 = arith.addi %iota3A, %add3A_854 : vector<16xi32>
        %add3A_856 = arith.addi %gather3A_841, %add3A_855 : vector<16xi32>
        %gather3A_857 = tpu.vector_load_idx %arg6[%add3A_856] : memref<64000xf32, #tpu.memory_space<vmem>>[vector<16xi32>], vector<16xf32>,
        %add3A_858 = arith.constant 896 : i32
        %add3A_859 = arith.addi %mul3A_168, %add3A_858 : i32
        %add3A_860 = arith.constant 16 : i32
        %add3A_861 = arith.addi %add3A_859, %add3A_860 : i32
        %swap3A_862 = arith.index_cast %add3A_861 : i32 to index
        %swap3A_863 = tpu.vector_load %arg10[%swap3A_862] {strides = array<i32>} : memref<16384xf32, #tpu.memory_space<vmem>>, vector<16xf32>,
        tpu.vector_store %arg10[%swap3A_862], %gather3A_857 {add = true, strides = array<i32>} : memref<16384xf32, #tpu.memory_space<vmem>>, vector<16xf32>,
        %add3A_864 = arith.constant 32 : i32
        %add3A_865 = vector.broadcast %add3A_864 : i32 to vector<16xi32>
        %add3A_866 = arith.addi %iota3A, %add3A_865 : vector<16xi32>
        %add3A_867 = arith.addi %gather3A_841, %add3A_866 : vector<16xi32>
        %gather3A_868 = tpu.vector_load_idx %arg6[%add3A_867] : memref<64000xf32, #tpu.memory_space<vmem>>[vector<16xi32>], vector<16xf32>,
        %add3A_869 = arith.constant 896 : i32
        %add3A_870 = arith.addi %mul3A_168, %add3A_869 : i32
        %add3A_871 = arith.constant 32 : i32
        %add3A_872 = arith.addi %add3A_870, %add3A_871 : i32
        %swap3A_873 = arith.index_cast %add3A_872 : i32 to index
        %swap3A_874 = tpu.vector_load %arg10[%swap3A_873] {strides = array<i32>} : memref<16384xf32, #tpu.memory_space<vmem>>, vector<16xf32>,
        tpu.vector_store %arg10[%swap3A_873], %gather3A_868 {add = true, strides = array<i32>} : memref<16384xf32, #tpu.memory_space<vmem>>, vector<16xf32>,
        %add3A_875 = arith.constant 48 : i32
        %add3A_876 = vector.broadcast %add3A_875 : i32 to vector<16xi32>
        %add3A_877 = arith.addi %iota3A, %add3A_876 : vector<16xi32>
        %add3A_878 = arith.addi %gather3A_841, %add3A_877 : vector<16xi32>
        %gather3A_879 = tpu.vector_load_idx %arg6[%add3A_878] : memref<64000xf32, #tpu.memory_space<vmem>>[vector<16xi32>], vector<16xf32>,
        %add3A_880 = arith.constant 896 : i32
        %add3A_881 = arith.addi %mul3A_168, %add3A_880 : i32
        %add3A_882 = arith.constant 48 : i32
        %add3A_883 = arith.addi %add3A_881, %add3A_882 : i32
        %swap3A_884 = arith.index_cast %add3A_883 : i32 to index
        %swap3A_885 = tpu.vector_load %arg10[%swap3A_884] {strides = array<i32>} : memref<16384xf32, #tpu.memory_space<vmem>>, vector<16xf32>,
        tpu.vector_store %arg10[%swap3A_884], %gather3A_879 {add = true, strides = array<i32>} : memref<16384xf32, #tpu.memory_space<vmem>>, vector<16xf32>,
        %broadcast_in_dim3A_886 = arith.constant 15 : i32
        %broadcast_in_dim3A_887 = vector.broadcast %broadcast_in_dim3A_886 : i32 to vector<16x1xi32>
        %gather3A_888 = vector.shape_cast %broadcast_in_dim3A_887 : vector<16x1xi32> to vector<16xi32>
        %gather3A_889 = tpu.dynamic_gather %mul3A_166[%gather3A_888] in [0] : vector<16xi32>, vector<16xi32> -> vector<16xi32>
        %add3A_890 = arith.constant 0 : i32
        %add3A_891 = vector.broadcast %add3A_890 : i32 to vector<16xi32>
        %add3A_892 = arith.addi %iota3A, %add3A_891 : vector<16xi32>
        %add3A_893 = arith.addi %gather3A_889, %add3A_892 : vector<16xi32>
        %gather3A_894 = tpu.vector_load_idx %arg6[%add3A_893] : memref<64000xf32, #tpu.memory_space<vmem>>[vector<16xi32>], vector<16xf32>,
        %add3A_895 = arith.constant 960 : i32
        %add3A_896 = arith.addi %mul3A_168, %add3A_895 : i32
        %add3A_897 = arith.constant 0 : i32
        %add3A_898 = arith.addi %add3A_896, %add3A_897 : i32
        %swap3A_899 = arith.index_cast %add3A_898 : i32 to index
        %swap3A_900 = tpu.vector_load %arg10[%swap3A_899] {strides = array<i32>} : memref<16384xf32, #tpu.memory_space<vmem>>, vector<16xf32>,
        tpu.vector_store %arg10[%swap3A_899], %gather3A_894 {add = true, strides = array<i32>} : memref<16384xf32, #tpu.memory_space<vmem>>, vector<16xf32>,
        %add3A_901 = arith.constant 16 : i32
        %add3A_902 = vector.broadcast %add3A_901 : i32 to vector<16xi32>
        %add3A_903 = arith.addi %iota3A, %add3A_902 : vector<16xi32>
        %add3A_904 = arith.addi %gather3A_889, %add3A_903 : vector<16xi32>
        %gather3A_905 = tpu.vector_load_idx %arg6[%add3A_904] : memref<64000xf32, #tpu.memory_space<vmem>>[vector<16xi32>], vector<16xf32>,
        %add3A_906 = arith.constant 960 : i32
        %add3A_907 = arith.addi %mul3A_168, %add3A_906 : i32
        %add3A_908 = arith.constant 16 : i32
        %add3A_909 = arith.addi %add3A_907, %add3A_908 : i32
        %swap3A_910 = arith.index_cast %add3A_909 : i32 to index
        %swap3A_911 = tpu.vector_load %arg10[%swap3A_910] {strides = array<i32>} : memref<16384xf32, #tpu.memory_space<vmem>>, vector<16xf32>,
        tpu.vector_store %arg10[%swap3A_910], %gather3A_905 {add = true, strides = array<i32>} : memref<16384xf32, #tpu.memory_space<vmem>>, vector<16xf32>,
        %add3A_912 = arith.constant 32 : i32
        %add3A_913 = vector.broadcast %add3A_912 : i32 to vector<16xi32>
        %add3A_914 = arith.addi %iota3A, %add3A_913 : vector<16xi32>
        %add3A_915 = arith.addi %gather3A_889, %add3A_914 : vector<16xi32>
        %gather3A_916 = tpu.vector_load_idx %arg6[%add3A_915] : memref<64000xf32, #tpu.memory_space<vmem>>[vector<16xi32>], vector<16xf32>,
        %add3A_917 = arith.constant 960 : i32
        %add3A_918 = arith.addi %mul3A_168, %add3A_917 : i32
        %add3A_919 = arith.constant 32 : i32
        %add3A_920 = arith.addi %add3A_918, %add3A_919 : i32
        %swap3A_921 = arith.index_cast %add3A_920 : i32 to index
        %swap3A_922 = tpu.vector_load %arg10[%swap3A_921] {strides = array<i32>} : memref<16384xf32, #tpu.memory_space<vmem>>, vector<16xf32>,
        tpu.vector_store %arg10[%swap3A_921], %gather3A_916 {add = true, strides = array<i32>} : memref<16384xf32, #tpu.memory_space<vmem>>, vector<16xf32>,
        %add3A_923 = arith.constant 48 : i32
        %add3A_924 = vector.broadcast %add3A_923 : i32 to vector<16xi32>
        %add3A_925 = arith.addi %iota3A, %add3A_924 : vector<16xi32>
        %add3A_926 = arith.addi %gather3A_889, %add3A_925 : vector<16xi32>
        %gather3A_927 = tpu.vector_load_idx %arg6[%add3A_926] : memref<64000xf32, #tpu.memory_space<vmem>>[vector<16xi32>], vector<16xf32>,
        %add3A_928 = arith.constant 960 : i32
        %add3A_929 = arith.addi %mul3A_168, %add3A_928 : i32
        %add3A_930 = arith.constant 48 : i32
        %add3A_931 = arith.addi %add3A_929, %add3A_930 : i32
        %swap3A_932 = arith.index_cast %add3A_931 : i32 to index
        %swap3A_933 = tpu.vector_load %arg10[%swap3A_932] {strides = array<i32>} : memref<16384xf32, #tpu.memory_space<vmem>>, vector<16xf32>,
        tpu.vector_store %arg10[%swap3A_932], %gather3A_927 {add = true, strides = array<i32>} : memref<16384xf32, #tpu.memory_space<vmem>>, vector<16xf32>,
      }
      %scan3A_141 = arith.constant 16 : i32
      %mul3A_142 = arith.constant 64 : i32
      %mul3A_143 = arith.muli %add3A_130, %mul3A_142 : i32
      %dma_start3A_144 = tpu.memref_slice %arg5[%mul3A_143] : memref<209715200xf32, #tpu.memory_space<hbm>> -> memref<16384xf32, #tpu.memory_space<hbm>>
      %dma_start3A_145 = tpu.memref_slice %arg5[%mul3A_143] : memref<209715200xf32, #tpu.memory_space<hbm>> -> memref<16384xf32, #tpu.memory_space<hbm>>
      tpu.enqueue_dma source(%arg10 : memref<16384xf32, #tpu.memory_space<vmem>>) target(%dma_start3A_145 : memref<16384xf32, #tpu.memory_space<hbm>>) target_semaphore(%arg26 : memref<!tpu.dma_semaphore, #tpu.memory_space<semaphore_mem>>)
      %ge3A_146 = arith.constant 2 : i32
      %ge3A_147 = arith.cmpi sge, %add3A_127, %ge3A_146 : i32
      %convert_element_type3A_148 = arith.extui %ge3A_147 : i1 to i32
      %cond3A_149 = arith.constant 0 : i32
      %cond3A_150 = arith.cmpi ne, %convert_element_type3A_148, %cond3A_149 : i32
      scf.if %cond3A_150 {
        %dma_wait3A_158 = arith.constant 0 : i32
        %dma_wait3A_159 = tpu.memref_slice %arg5[%dma_wait3A_158] : memref<209715200xf32, #tpu.memory_space<hbm>> -> memref<16384xf32, #tpu.memory_space<hbm>>
        %dma_wait3A_160 = arith.constant 0 : i32
        %dma_wait3A_161 = tpu.memref_slice %arg5[%dma_wait3A_160] : memref<209715200xf32, #tpu.memory_space<hbm>> -> memref<16384xf32, #tpu.memory_space<hbm>>
        tpu.wait_dma2 semaphore(%arg24 : memref<!tpu.dma_semaphore, #tpu.memory_space<semaphore_mem>>) src(%arg8 : memref<16384xf32, #tpu.memory_space<vmem>>) dst(%dma_wait3A_161 : memref<16384xf32, #tpu.memory_space<hbm>>)
      } else {
      }
      %add3A_151 = arith.constant 2 : i32
      %add3A_152 = arith.addi %add3A_127, %add3A_151 : i32
      %lt3A_153 = arith.constant 400 : i32
      %lt3A_154 = arith.cmpi slt, %add3A_152, %lt3A_153 : i32
      %convert_element_type3A_155 = arith.extui %lt3A_154 : i1 to i32
      %cond3A_156 = arith.constant 0 : i32
      %cond3A_157 = arith.cmpi ne, %convert_element_type3A_155, %cond3A_156 : i32
      scf.if %cond3A_157 {
        %add3A_158 = arith.constant 2 : i32
        %add3A_159 = arith.addi %add3A_127, %add3A_158 : i32
        %mul3A_160 = arith.constant 256 : i32
        %mul3A_161 = arith.muli %add3A_159, %mul3A_160 : i32
        %add3A_162 = arith.addi %mul3A_2, %mul3A_161 : i32
        %dma_start3A_163 = tpu.memref_slice %arg3[%add3A_162] : memref<3276800xi32, #tpu.memory_space<hbm>> -> memref<256xi32, #tpu.memory_space<hbm>>
        %dma_start3A_164 = tpu.memref_slice %arg3[%add3A_162] : memref<3276800xi32, #tpu.memory_space<hbm>> -> memref<256xi32, #tpu.memory_space<hbm>>
        tpu.enqueue_dma source(%dma_start3A_164 : memref<256xi32, #tpu.memory_space<hbm>>) target(%arg12 : memref<256xi32, #tpu.memory_space<vmem>>) target_semaphore(%arg20 : memref<!tpu.dma_semaphore, #tpu.memory_space<semaphore_mem>>)
        %mul3A_165 = arith.constant 64 : i32
        %mul3A_166 = arith.muli %add3A_162, %mul3A_165 : i32
        %dma_start3A_167 = tpu.memref_slice %arg2[%mul3A_166] : memref<209715200xf32, #tpu.memory_space<hbm>> -> memref<16384xf32, #tpu.memory_space<hbm>>
        %dma_start3A_168 = tpu.memref_slice %arg2[%mul3A_166] : memref<209715200xf32, #tpu.memory_space<hbm>> -> memref<16384xf32, #tpu.memory_space<hbm>>
        tpu.enqueue_dma source(%dma_start3A_168 : memref<16384xf32, #tpu.memory_space<hbm>>) target(%arg8 : memref<16384xf32, #tpu.memory_space<vmem>>) target_semaphore(%arg16 : memref<!tpu.dma_semaphore, #tpu.memory_space<semaphore_mem>>)
      } else {
      }
    }
    %scan3A_21 = arith.constant 100 : i32
    %dma_wait3A = arith.constant 0 : i32
    %dma_wait3A_22 = tpu.memref_slice %arg5[%dma_wait3A] : memref<209715200xf32, #tpu.memory_space<hbm>> -> memref<16384xf32, #tpu.memory_space<hbm>>
    %dma_wait3A_23 = arith.constant 0 : i32
    %dma_wait3A_24 = tpu.memref_slice %arg5[%dma_wait3A_23] : memref<209715200xf32, #tpu.memory_space<hbm>> -> memref<16384xf32, #tpu.memory_space<hbm>>
    tpu.wait_dma2 semaphore(%arg25 : memref<!tpu.dma_semaphore, #tpu.memory_space<semaphore_mem>>) src(%arg9 : memref<16384xf32, #tpu.memory_space<vmem>>) dst(%dma_wait3A_24 : memref<16384xf32, #tpu.memory_space<hbm>>)
    %dma_wait3A_25 = arith.constant 0 : i32
    %dma_wait3A_26 = tpu.memref_slice %arg5[%dma_wait3A_25] : memref<209715200xf32, #tpu.memory_space<hbm>> -> memref<16384xf32, #tpu.memory_space<hbm>>
    %dma_wait3A_27 = arith.constant 0 : i32
    %dma_wait3A_28 = tpu.memref_slice %arg5[%dma_wait3A_27] : memref<209715200xf32, #tpu.memory_space<hbm>> -> memref<16384xf32, #tpu.memory_space<hbm>>
    tpu.wait_dma2 semaphore(%arg26 : memref<!tpu.dma_semaphore, #tpu.memory_space<semaphore_mem>>) src(%arg10 : memref<16384xf32, #tpu.memory_space<vmem>>) dst(%dma_wait3A_28 : memref<16384xf32, #tpu.memory_space<hbm>>)
    return
  }
}

</mosaic_0001>

<sc_bundles>
// kernel: kernel.3.cloned.1.call-start
scs
__scs_entry_jumppad:
0x0: {  	(pc) =	sbr.rel $0x88, $3  }
0x1: {  	(tag) =	ssettag $0x0;
	lr =	simm.s32 $0x1  }
0x2: {  	[smem:$0x3F9E] =	sst lr;
	_ =	strace $0xD0000000  }
0x3: {  	_ = 	snop  }
0x4: {  	_ = 	snop  }
0x5: {  	_ = 	snop  }
0x6: {  	_ = 	snop  }
0x7: {  	_ = 	snop  }
__scs_overlays_trampoline_lowered:
0x8: {  	[smem:$0x3FAD] =	sst s0  }
0x9: {  	[smem:$0x3FAE] =	sst s1  }
0xa: {  	[smem:$0x3FAF] =	sst s2  }
0xb: {  	[smem:$0x3FB0] =	sst s3  }
0xc: {  	[smem:$0x3FB1] =	sst s4  }
0xd: {  	[smem:$0x3FB2] =	sst s5  }
0xe: {  	[smem:$0x3FB3] =	sst s6  }
0xf: {  	[smem:$0x3FB4] =	sst s7  }
0x10: {  	[smem:$0x3FB5] =	sst s8  }
0x11: {  	[smem:$0x3FB6] =	sst s9;
	s0 =	simm.s32 @!p0 $0x0  }
0x12: {  	s1 =	sld [smem:$0x3F9C];
	s0 =	simm.s32 @p0 $0x1  }
0x13: {  	[smem:$0x3FB7] =	sst s0;
	s0 =	simm.s32 @!p1 $0x0  }
0x14: {  	s2 =	sld [smem:$0x3F9B];
	s0 =	simm.s32 @p1 $0x1  }
0x15: {  	[smem:$0x3FB8] =	sst s0;
	s0 =	simm.s32 @!p2 $0x0  }
0x16: {  	s3 =	sld [smem:$0x3FDB];
	s0 =	simm.s32 @p2 $0x1  }
0x17: {  	s4 =	simm.s32 $0x1BF5;
	[smem:$0x3FBA] =	sst s0  }
0x18: {  	s0 =	sld [smem:$0x3F9D];
	_ =	swait.ge [sflag:s4], $0x0  }
0x19: {  	s7 =	sld [smem:$0x3F9E]  }
0x1a: {  	s8 =	sadd.s32 $0xFFFFE003, lr  }
0x1b: {  	s9 =	sadd.s32 $0xFFFFFEF7, lr;
	s5 =	simm.s32 $0xFFFFFFFF;
	p2 =	slt.u32 s8, $0xFFFFF086  }
0x1c: {  	p1 =	slt.u32 s9, $0xF7A;
	s5 =	simm.s32 @!p2 $0x0  }
0x1d: {  	s5 =	simm.s32 @p1 $0x1;
	p0 =	seq.s32 s7, s2  }
0x1e: {  	s7 =	smul.u32 @!p0 $0xF7A, s2;
	p2 =	seq.s32 @!p0 s5, $0x0  }
0x1f: {  	s9 =	smul.u32 $0xF7A, s1;
	s8 =	simm.s32 @!p0 $0x1BF5;
	p2 =	por !p2, p0  }
0x20: {  	[sflag:s8] =	ssyncset.s32 @!p0 $0xFFFFF086;
	s6 =	sadd.s32 @!p0 s3, s7;
	s7 =	simm.s32 @!p0 $0x108  }
0x21: {  	s3 =	sadd.s32 s3, s9;
	s6 =	sadd.s32 @!p0 $0x88, s6;
	s7 =	simm.s32 @p2 $0x1082  }
0x22: {  	[simem:s7], [sflag:s8] =	dma.local @!p0 [hbm:s6], $0xF7A  }
0x23: {  	s9 =	sor.u32 $0xD0000000, s2;
	s6 =	simm.s32 $0x108;
	_ =	swait.ge @!p0 [sflag:s8], $0x0  }
0x24: {  	s3 =	sadd.s32 $0x88, s3;
	s6 =	simm.s32 @!p1 $0x1082;
	[sflag:s4] =	ssyncset.s32 $0xFFFFF086  }
0x25: {  	[simem:s6], [sflag:s4] =	dma.local [hbm:s3], $0xF7A  }
0x26: {  	[smem:$0x3F9E] =	sst s1;
	(tag) =	ssettag s2;
	_ =	strace s9  }
0x27: {  	s1 =	sld [smem:$0x3FAE]  }
0x28: {  	s2 =	sld [smem:$0x3FAF]  }
0x29: {  	s4 =	sld [smem:$0x3FB1]  }
0x2a: {  	p0 =	seq.s32 s5, $0x0;
	s5 =	sld [smem:$0x3FB2]  }
0x2b: {  	s6 =	sld [smem:$0x3FB3]  }
0x2c: {  	s7 =	sld [smem:$0x3FB4]  }
0x2d: {  	s3 =	simm.s32 $0x108;
	s8 =	sld [smem:$0x3FB5]  }
0x2e: {  	s3 =	simm.s32 @!p0 $0x1082;
	s9 =	sld [smem:$0x3FB6]  }
0x2f: {  	lr =	sadd.s32 s0, s3;
	s0 =	sld [smem:$0x3FAD]  }
0x30: {  	s3 =	sld [smem:$0x3FB0]  }
0x31: {  	[smem:$0x3FB9] =	sst s10  }
0x32: {  	s10 =	sld [smem:$0x3FB7];
	_ =	sdelay $0x3  }
0x33: {  	p0 =	seq.s32 s10, $0x1;
	s10 =	sld [smem:$0x3FB9];
	_ =	sdelay $0x3  }
0x34: {  	[smem:$0x3FB9] =	sst s10  }
0x35: {  	s10 =	sld [smem:$0x3FB8];
	_ =	sdelay $0x3  }
0x36: {  	p1 =	seq.s32 s10, $0x1;
	s10 =	sld [smem:$0x3FB9];
	_ =	sdelay $0x3  }
0x37: {  	[smem:$0x3FB9] =	sst s10  }
0x38: {  	s10 =	sld [smem:$0x3FBA]  }
0x39: {  	_ = 	snop;
	(pc) =	sbr.ind lr, $3  }
0x3a: {  	_ = 	snop  }
0x3b: {  	_ = 	snop  }
0x3c: {  	p2 =	seq.s32 s10, $0x1;
	s10 =	sld [smem:$0x3FB9]  }
0x3d: {  	_ =	shalt  }
0x3e: {  	_ =	shalt  }
0x3f: {  	_ =	shalt  }
0x40: {  	_ =	shalt  }
0x41: {  	_ =	shalt  }
0x42: {  	_ =	shalt  }
0x43: {  	_ =	shalt  }
0x44: {  	_ =	shalt  }
0x45: {  	_ =	shalt  }
0x46: {  	_ =	shalt  }
0x47: {  	_ =	shalt  }
0x48: {  	_ =	shalt  }
0x49: {  	_ =	shalt  }
0x4a: {  	_ =	shalt  }
0x4b: {  	_ =	shalt  }
0x4c: {  	_ =	shalt  }
0x4d: {  	_ =	shalt  }
0x4e: {  	_ =	shalt  }
0x4f: {  	_ =	shalt  }
0x50: {  	_ =	shalt  }
0x51: {  	_ =	shalt  }
0x52: {  	_ =	shalt  }
0x53: {  	_ =	shalt  }
0x54: {  	_ =	shalt  }
0x55: {  	_ =	shalt  }
0x56: {  	_ =	shalt  }
0x57: {  	_ =	shalt  }
0x58: {  	_ =	shalt  }
0x59: {  	_ =	shalt  }
0x5a: {  	_ =	shalt  }
0x5b: {  	_ =	shalt  }
0x5c: {  	_ =	shalt  }
0x5d: {  	_ =	shalt  }
0x5e: {  	_ =	shalt  }
0x5f: {  	_ =	shalt  }
0x60: {  	_ =	shalt  }
0x61: {  	_ =	shalt  }
0x62: {  	_ =	shalt  }
0x63: {  	_ =	shalt  }
0x64: {  	_ =	shalt  }
0x65: {  	_ =	shalt  }
0x66: {  	_ =	shalt  }
0x67: {  	_ =	shalt  }
0x68: {  	_ =	shalt  }
0x69: {  	_ =	shalt  }
0x6a: {  	_ =	shalt  }
0x6b: {  	_ =	shalt  }
0x6c: {  	_ =	shalt  }
0x6d: {  	_ =	shalt  }
0x6e: {  	_ =	shalt  }
0x6f: {  	_ =	shalt  }
0x70: {  	_ =	shalt  }
0x71: {  	_ =	shalt  }
0x72: {  	_ =	shalt  }
0x73: {  	_ =	shalt  }
0x74: {  	_ =	shalt  }
0x75: {  	_ =	shalt  }
0x76: {  	_ =	shalt  }
0x77: {  	_ =	shalt  }
0x78: {  	_ =	shalt  }
0x79: {  	_ =	shalt  }
0x7a: {  	_ =	shalt  }
0x7b: {  	_ =	shalt  }
0x7c: {  	_ =	shalt  }
0x7d: {  	_ =	shalt  }
0x7e: {  	_ =	shalt  }
0x7f: {  	_ =	shalt  }
0x80: {  	_ =	shalt  }
0x81: {  	_ =	shalt  }
0x82: {  	_ =	shalt  }
0x83: {  	_ =	shalt  }
0x84: {  	_ =	shalt  }
0x85: {  	_ =	shalt  }
0x86: {  	_ =	shalt  }
0x87: {  	_ =	shalt  }
.Lfunc_end0:
.L_simem_size_0:
called_computation.1_lowered:
.L_overlay_start_0:
0x88: {  	s2 =	sld [smem:$0x3FD9]  }
0x89: {  	s3 =	sld [smem:$0x3FFE];
	_ =	sdelay $0x1  }
0x8a: {  	s1 =	srdreg.scid  }
0x8b: {  	s0 =	sand.u32 $0x1, s1  }
0x8c: {  	s17 =	sshll.u32 s0, $0xA;
	s2 =	sadd.s32 s3, s2  }
0x8d: {  	s2 =	sadd.s32 s2, s17  }
0x8e: {  	[smem:$0x3FC5] =	sst s2  }
0x8f: {  	_ = 	snop  }
0x90: {  	s2 =	sld [smem:$0x3FD0];
	(tm) =	ssettm $0x1  }
0x91: {  	s18 =	sld [smem:$0x3FFB];
	_ =	sdelay $0x3  }
0x92: {  	_ =	strace s18  }
0x93: {  	s3 =	sld [smem:$0x3FFC];
	_ =	sdelay $0x3  }
0x94: {  	_ =	strace s3  }
0x95: {  	s3 =	sld [smem:$0x3FFD];
	_ =	sdelay $0x3  }
0x96: {  	_ =	strace s3  }
0x97: {  	_ =	strace $0x8FFFFFFF  }
0x98: {  	s19 =	sld [smem:$0x3FDB];
	_ =	sdelay $0x1  }
0x99: {  	s4 =	simm.s32 $_scs_section_size  }
0x9a: {  	s5 =	simm.s32 $_size__tile_overlayer_lowered;
	s6 =	simm.s32 $_tile_overlayer_lowered  }
0x9b: {  	s22 =	simm.s32 $0x1BFF;
	s21 =	sshll.u32 s6, $0x1;
	s3 =	sadd.s32 s4, s19  }
0x9c: {  	s7 =	simm.s32 $0x0;
	s20 =	sshll.u32 s5, $0x1;
	s5 =	sadd.s32 s21, s3  }
0x9d: {  	[timem:s7], [sflag:s22] =	dma.local [hbm:s5], s20  }
0x9e: {  	_ =	swait.ge [sflag:s22], s20  }
0x9f: {  	s4 =	ssub.s32 $0x0, s20;
	[sflag:s22] =	ssyncset.done $0x0  }
0xa0: {  	[sflag:s22] =	ssyncadd.s32 s4;
	_ =	sdelay $0x1  }
0xa1: {  	s23 =	simm.s32 $0x1B8B  }
0xa2: {  	_ =	swait.ge [sflag:s23], $0x1  }
0xa3: {  	[sflag:s23] =	ssyncset.done $0x0  }
0xa4: {  	s25 =	simm.s32 $0x1B8E;
	s24 =	sld [smem:$0x3FFE];
	[sflag:s23] =	ssyncadd.s32 $0xFFFFFFFF  }
0xa5: {  	s26 =	simm.s32 $execute0_lowered;
	[smem:$0x3FD2] =	sst s25  }
0xa6: {  	s5 =	sshll.u32 s26, $0x1;
	_ =	strace $0x80000046;
	[dreg:$0x1] =	wrdreg $0xFFFFFFFF  }
0xa7: {  	s28 =	simm.s32 $_size_execute0_lowered;
	s3 =	sadd.s32 s3, s5;
	[dreg:$0x0] =	wrdreg $0x0  }
0xa8: {  	s5 =	sshll.u32 s28, $0x1;
	[dreg:$0x2] =	wrdreg s3  }
0xa9: {  	[dreg:$0x3] =	wrdreg s5  }
0xaa: {  	[dreg:$0x4] =	wrdreg $0xC0  }
0xab: {  	_ =	task [dreg:s7], $0x5FFFF  }
0xac: {  	[dreg:$0x1] =	wrdreg $0xFFFFFFFF  }
0xad: {  	[dreg:$0x0] =	wrdreg $0x60  }
0xae: {  	[dreg:$0x2] =	wrdreg s2  }
0xaf: {  	[dreg:$0x3] =	wrdreg s24  }
0xb0: {  	[dreg:$0x4] =	wrdreg $0x9  }
0xb1: {  	_ =	task.clear_ibuf [dreg:s7], $0x5FFFF;
	_ =	strace $0x90000046  }
0xb2: {  	s29 =	simm.s32 $0x9;
	_ =	strace $0x80000048  }
0xb3: {  	_ =	swait.ge [sflag:s29], $0x1  }
0xb4: {  	[sflag:s29] =	ssyncadd.s32 $0xFFFFFFFF  }
0xb5: {  	_ =	strace $0x90000048  }
0xb6: {  	_ =	sfence  }
0xb7: {  	s30 =	sld [smem:$0x0];
	_ =	sdelay $0x2  }
0xb8: {  	s31 =	sshll.u32 s1, $0xD;
	s1 =	sshrl.u32 s1, $0x2  }
0xb9: {  	s3 =	sand.u32 $0x4000, s31;
	s1 =	sadd.s32 s1, s30  }
0xba: {  	s0 =	sor.u32 s3, s0;
	s1 =	sshll.u32 s1, $0x11  }
0xbb: {  	s0 =	sor.u32 s1, s0  }
0xbc: {  	s0 =	sadd.s32 $0x8F2B, s0  }
0xbd: {  	[sflag:s0] =	ssyncadd.remote.s32 $0x1  }
0xbe: {  	_ =	sfence.sel $0xFFFF  }
0xbf: {  	[dreg:$0x0] =	wrdreg $0xFFFFFFFF;
	(pc) =	sbr.abs _section_cstart, $3  }
0xc0: {  	[dreg:$0x1] =	wrdreg $0xFFFFFFFF  }
0xc1: {  	_ =	task.clear_ibuf [dreg:s7], $0x2FFFF;
	_ =	strace $0x9FFFFFFF  }
0xc2: {  	(tm) =	ssettm $0x7FFFFFFF  }
0xc3: {  	_ =	shalt  }
tec
execute0_lowered:
.L_overlay_start_1:
0x0: {  	(tag) =	ssettag $0x1  }
0x1: {  	s1 =	rddreg [dreg:$0x0]  }
0x2: {  	s0 =	rddreg [dreg:$0x1];
	s3 =	simm.s32 $0x0  }
0x3: {  	s2 =	srdreg.scid;
	s4 =	stileid.u32;
	s19 =	simm.s32 $0xFA00  }
0x4: {  	s28 =	simm.s32 $0x2;
	s30 =	simm.s32 $0x1BA00;
	s31 =	simm.s32 $0x7  }
0x5: {  	s18 =	simm.s32 $0x8;
	s12 =	simm.s32 $0x0;
	s29 =	simm.s32 $0x1FC00  }
0x6: {  	[smem:$0x7FF] =	sst s3;
	s2 =	sand.u32 $0x1, s2;
	s4 =	sshll.u32 s4, $0x1  }
0x7: {  	s7 =	sadd.s32 $0x64C00, s0;
	s6 =	ssub.s32 $0x2, s2;
	s2 =	sor.u32 s2, s4  }
0x8: {  	_ =	strace $0x80000047;
	s4 =	sadd.s32 $0xC00, s0;
	s5 =	smul.u32 $0x19000, s2  }
0x9: {  	[dreg:$0x3] =	wrdreg s7;
	s8 =	sshrl.u32 s6, $0x1;
	s22 =	smul.u32 $0xC8000, s2  }
0xa: {  	s7 =	sadd.s32 $0x66C00, s0;
	s9 =	smul.u32 $0x640000, s2;
	s20 =	ssub.s32 s6, s8  }
0xb: {  	s8 =	simm.s32 $0xA;
	s21 =	sshrl.u32 s5, $0x3;
	s10 =	sor.u32 $0x100, s5  }
0xc: {  	s24 =	sadd.s32 s1, s22;
	s13 =	sor.u32 $0x4000, s9;
	s14 =	sor.u32 $0x400, s5  }
0xd: {  	v0 =	vimm.s32 $0x6;
	v1 =	vlaneseq.u32;
	s15 =	sor.u32 $0x500, s5;
	s0 =	smax.u32 s20, $0x1;
	s22 =	simm.s32 $0x5  }
0xe: {  	v2 =	vimm.s32 $0x0;
	v6 =	vimm.s32 $0x1;
	v7 =	vimm.s32 $0x2;
	s6 =	sadd.s32 s4, s21;
	s23 =	sshrl.u32 s10, $0x3;
	[dreg:$0x5] =	wrdreg s24  }
.Ltmp0:
0xf: {  	v8 =	vimm.s32 $0x3;
	v9 =	vimm.s32 $0x4;
	v10 =	vimm.s32 $0x5;
	s26 =	sshll.u32 s10, $0x3;
	[dreg:$0x8] =	wrdreg s0;
	(pc) =	sbr.rel .LBB2_1-.Ltmp0, $4  }
0x10: {  	v11 =	vimm.s32 $0x7;
	v12 =	vimm.s32 $0x8;
	v13 =	vimm.s32 $0x9;
	s21 =	simm.s32 $0x13A00;
	s0 =	simm.s32 $0x3;
	[dreg:$0x4] =	wrdreg s6  }
0x11: {  	v14 =	vimm.s32 $0xA;
	v15 =	vimm.s32 $0xB;
	v16 =	vimm.s32 $0xC;
	s25 =	sadd.s32 s4, s23;
	s2 =	sadd.s32 s1, s26;
	s23 =	simm.s32 $0x1  }
0x12: {  	v17 =	vimm.s32 $0xD;
	v18 =	vimm.s32 $0xE;
	v19 =	vimm.s32 $0xF;
	s26 =	simm.s32 $0x6;
	s6 =	simm.s32 $0x4;
	[dreg:$0x6] =	wrdreg s25  }
0x13: {  	v3 =	vor.u32 $0x10, v1;
	v4 =	vor.u32 $0x20, v1;
	v5 =	vor.u32 $0x30, v1;
	[dreg:$0x7] =	wrdreg s2;
	s25 =	simm.s32 $0x17A00;
	s2 =	simm.s32 $0x9  }
.LBB2_12:
0x14: {  	s10 =	simm.s32 $0xB  }
0x15: {  	_ =	swait.ge [sflag:s10], $0x4000  }
0x16: {  	[sflag:s10] =	ssyncset.done $0x0  }
0x17: {  	s11 =	simm.s32 $0xC;
	[sflag:s10] =	ssyncadd.s32 $0xFFFFC000  }
0x18: {  	_ =	swait.ge [sflag:s11], $0x4000  }
0x19: {  	s12 =	rddreg [dreg:$0x9]  }
0x1a: {  	s24 =	rddreg [dreg:$0x8];
	s12 =	sadd.s32 $0x1, s12  }
0x1b: {  	p0 =	sne.s32 s12, s24  }
.Ltmp1:
0x1c: {  	_ = 	snop;
	(pc) =	sbr.rel @!p0 .LBB2_13-.Ltmp1, $3  }
0x1d: {  	_ =	sdelay $0x1  }
0x1e: {  	[sflag:s11] =	ssyncset.done $0x0  }
0x1f: {  	[sflag:s11] =	ssyncadd.s32 $0xFFFFC000  }
.LBB2_1:
0x20: {  	[dreg:$0x9] =	wrdreg s12  }
0x21: {  	s10 =	rddreg [dreg:$0x3];
	s11 =	simm.s32 $0xD  }
0x22: {  	[tilespmem:s3], [sflag:$0xD] =	stream.linear.gather [hbm4b:s10+s3], $0xFA00, $0x38;
	[tilespmem:$0x1FE00] =	vst v63  }
0x23: {  	_ =	swait.ge [sflag:s11], $0xFA00  }
0x24: {  	[sflag:s11] =	ssyncset.done $0x0  }
0x25: {  	s12 =	rddreg [dreg:$0x4];
	[sflag:s11] =	ssyncadd.s32 $0xFFFF0600;
	s11 =	simm.s32 $0x1FA00  }
0x26: {  	[tilespmem:s11], [sflag:$0x5] =	stream.linear.gather [hbm4b:s12+s3], $0x100, $0x38;
	[tilespmem:$0x1FE00] =	vst v63  }
0x27: {  	s16 =	rddreg [dreg:$0x5]  }
0x28: {  	[tilespmem:s19], [sflag:$0x1] =	stream.linear.gather [hbm4b:s16+s3], $0x4000, $0x38;
	[tilespmem:$0x1FE00] =	vst v63  }
0x29: {  	s20 =	simm.s32 $0x1FB00;
	s17 =	rddreg [dreg:$0x6]  }
0x2a: {  	[tilespmem:s20], [sflag:$0x6] =	stream.linear.gather [hbm4b:s17+s3], $0x100, $0x38;
	[tilespmem:$0x1FE00] =	vst v63  }
0x2b: {  	s24 =	rddreg [dreg:$0x7];
	s16 =	simm.s32 $0x0  }
0x2c: {  	[tilespmem:s21], [sflag:$0x2] =	stream.linear.gather [hbm4b:s24+s3], $0x4000, $0x38;
	[tilespmem:$0x1FE00] =	vst v63  }
.LBB2_2:
0x2d: {  	_ =	swait.ge [sflag:s22], $0x100  }
0x2e: {  	[sflag:s22] =	ssyncset.done $0x0  }
0x2f: {  	[sflag:s22] =	ssyncadd.s32 $0xFFFFFF00  }
0x30: {  	_ =	swait.ge [sflag:s23], $0x4000  }
0x31: {  	[sflag:s23] =	ssyncset.done $0x0  }
0x32: {  	s10 =	simm.s32 $0x0;
	s11 =	simm.s32 $0x1FA00;
	[sflag:s23] =	ssyncadd.s32 $0xFFFFC000  }
.LBB2_3:
0x33: {  	v20 =	vld [tilespmem:s11+$0x0];
	_ =	sdelay $0x4  }
0x34: {  	v20 =	vshll.u32 v20, $0x6  }
0x35: {  	v21 =	vperm.xlane v20, v2;
	_ =	sdelay $0x1  }
0x36: {  	v22 =	vadd.s32 v1, v21;
	_ =	sdelay $0x4  }
0x37: {  	v22 =	vld.idx.msk [tilespmem:v22+s3+$0x0], $0xffff  }
0x38: {  	v23 =	vadd.s32 v3, v21;
	_ =	sdelay $0x2  }
0x39: {  	s12 =	sshra.s32 s10, $0x2  }
0x3a: {  	[tilespmem:s12+$0xFA00] =	vst.add.f32.msk $0xffff, v22  }
0x3b: {  	v22 =	vld.idx.msk [tilespmem:v23+s3+$0x0], $0xffff  }
0x3c: {  	v44 =	vadd.s32 v4, v21;
	_ =	sdelay $0x3  }
0x3d: {  	[tilespmem:s12+$0xFA10] =	vst.add.f32.msk $0xffff, v22  }
0x3e: {  	v22 =	vld.idx.msk [tilespmem:v44+s3+$0x0], $0xffff  }
0x3f: {  	v21 =	vadd.s32 v5, v21;
	_ =	sdelay $0x3  }
0x40: {  	v45 =	vperm.xlane v20, v6;
	[tilespmem:s12+$0xFA20] =	vst.add.f32.msk $0xffff, v22  }
0x41: {  	v21 =	vld.idx.msk [tilespmem:v21+s3+$0x0], $0xffff  }
0x42: {  	v46 =	vadd.s32 v1, v45;
	_ =	sdelay $0x3  }
0x43: {  	[tilespmem:s12+$0xFA30] =	vst.add.f32.msk $0xffff, v21  }
0x44: {  	v21 =	vld.idx.msk [tilespmem:v46+s3+$0x0], $0xffff  }
0x45: {  	v47 =	vadd.s32 v3, v45;
	_ =	sdelay $0x3  }
0x46: {  	[tilespmem:s12+$0xFA40] =	vst.add.f32.msk $0xffff, v21  }
0x47: {  	v21 =	vld.idx.msk [tilespmem:v47+s3+$0x0], $0xffff  }
0x48: {  	v48 =	vadd.s32 v4, v45;
	_ =	sdelay $0x3  }
0x49: {  	[tilespmem:s12+$0xFA50] =	vst.add.f32.msk $0xffff, v21  }
0x4a: {  	v21 =	vld.idx.msk [tilespmem:v48+s3+$0x0], $0xffff  }
0x4b: {  	v22 =	vadd.s32 v5, v45;
	_ =	sdelay $0x3  }
0x4c: {  	v49 =	vperm.xlane v20, v7;
	[tilespmem:s12+$0xFA60] =	vst.add.f32.msk $0xffff, v21  }
0x4d: {  	v22 =	vld.idx.msk [tilespmem:v22+s3+$0x0], $0xffff  }
0x4e: {  	v50 =	vadd.s32 v1, v49;
	_ =	sdelay $0x3  }
0x4f: {  	[tilespmem:s12+$0xFA70] =	vst.add.f32.msk $0xffff, v22  }
0x50: {  	v22 =	vld.idx.msk [tilespmem:v50+s3+$0x0], $0xffff  }
0x51: {  	v51 =	vadd.s32 v3, v49;
	_ =	sdelay $0x3  }
0x52: {  	[tilespmem:s12+$0xFA80] =	vst.add.f32.msk $0xffff, v22  }
0x53: {  	v22 =	vld.idx.msk [tilespmem:v51+s3+$0x0], $0xffff  }
0x54: {  	v52 =	vadd.s32 v4, v49;
	_ =	sdelay $0x3  }
0x55: {  	[tilespmem:s12+$0xFA90] =	vst.add.f32.msk $0xffff, v22  }
0x56: {  	v22 =	vld.idx.msk [tilespmem:v52+s3+$0x0], $0xffff  }
0x57: {  	v21 =	vadd.s32 v5, v49;
	_ =	sdelay $0x3  }
0x58: {  	v53 =	vperm.xlane v20, v8;
	[tilespmem:s12+$0xFAA0] =	vst.add.f32.msk $0xffff, v22  }
0x59: {  	v21 =	vld.idx.msk [tilespmem:v21+s3+$0x0], $0xffff  }
0x5a: {  	v54 =	vadd.s32 v1, v53;
	_ =	sdelay $0x3  }
0x5b: {  	[tilespmem:s12+$0xFAB0] =	vst.add.f32.msk $0xffff, v21  }
0x5c: {  	v21 =	vld.idx.msk [tilespmem:v54+s3+$0x0], $0xffff  }
0x5d: {  	v55 =	vadd.s32 v3, v53;
	_ =	sdelay $0x3  }
0x5e: {  	[tilespmem:s12+$0xFAC0] =	vst.add.f32.msk $0xffff, v21  }
0x5f: {  	v21 =	vld.idx.msk [tilespmem:v55+s3+$0x0], $0xffff  }
0x60: {  	v56 =	vadd.s32 v4, v53;
	_ =	sdelay $0x3  }
0x61: {  	[tilespmem:s12+$0xFAD0] =	vst.add.f32.msk $0xffff, v21  }
0x62: {  	v21 =	vld.idx.msk [tilespmem:v56+s3+$0x0], $0xffff  }
0x63: {  	v22 =	vadd.s32 v5, v53;
	_ =	sdelay $0x3  }
0x64: {  	v57 =	vperm.xlane v20, v9;
	[tilespmem:s12+$0xFAE0] =	vst.add.f32.msk $0xffff, v21  }
0x65: {  	v22 =	vld.idx.msk [tilespmem:v22+s3+$0x0], $0xffff  }
0x66: {  	v58 =	vadd.s32 v1, v57;
	_ =	sdelay $0x3  }
0x67: {  	[tilespmem:s12+$0xFAF0] =	vst.add.f32.msk $0xffff, v22  }
0x68: {  	v22 =	vld.idx.msk [tilespmem:v58+s3+$0x0], $0xffff  }
0x69: {  	v59 =	vadd.s32 v3, v57;
	_ =	sdelay $0x3  }
0x6a: {  	[tilespmem:s12+$0xFB00] =	vst.add.f32.msk $0xffff, v22  }
0x6b: {  	v22 =	vld.idx.msk [tilespmem:v59+s3+$0x0], $0xffff  }
0x6c: {  	v60 =	vadd.s32 v4, v57;
	_ =	sdelay $0x3  }
0x6d: {  	[tilespmem:s12+$0xFB10] =	vst.add.f32.msk $0xffff, v22  }
0x6e: {  	v22 =	vld.idx.msk [tilespmem:v60+s3+$0x0], $0xffff  }
0x6f: {  	v21 =	vadd.s32 v5, v57;
	_ =	sdelay $0x3  }
0x70: {  	v61 =	vperm.xlane v20, v10;
	[tilespmem:s12+$0xFB20] =	vst.add.f32.msk $0xffff, v22  }
0x71: {  	v21 =	vld.idx.msk [tilespmem:v21+s3+$0x0], $0xffff  }
0x72: {  	v62 =	vadd.s32 v1, v61;
	_ =	sdelay $0x3  }
0x73: {  	[tilespmem:s12+$0xFB30] =	vst.add.f32.msk $0xffff, v21  }
0x74: {  	v21 =	vld.idx.msk [tilespmem:v62+s3+$0x0], $0xffff  }
0x75: {  	v63 =	vadd.s32 v3, v61;
	_ =	sdelay $0x3  }
0x76: {  	[tilespmem:s12+$0xFB40] =	vst.add.f32.msk $0xffff, v21  }
0x77: {  	v21 =	vld.idx.msk [tilespmem:v63+s3+$0x0], $0xffff  }
0x78: {  	v24 =	vadd.s32 v4, v61;
	_ =	sdelay $0x3  }
0x79: {  	[tilespmem:s12+$0xFB50] =	vst.add.f32.msk $0xffff, v21  }
0x7a: {  	v21 =	vld.idx.msk [tilespmem:v24+s3+$0x0], $0xffff  }
0x7b: {  	v22 =	vadd.s32 v5, v61;
	_ =	sdelay $0x3  }
0x7c: {  	v25 =	vperm.xlane v20, v0;
	[tilespmem:s12+$0xFB60] =	vst.add.f32.msk $0xffff, v21  }
0x7d: {  	v22 =	vld.idx.msk [tilespmem:v22+s3+$0x0], $0xffff  }
0x7e: {  	v26 =	vadd.s32 v1, v25;
	_ =	sdelay $0x3  }
0x7f: {  	[tilespmem:s12+$0xFB70] =	vst.add.f32.msk $0xffff, v22  }
0x80: {  	v22 =	vld.idx.msk [tilespmem:v26+s3+$0x0], $0xffff  }
0x81: {  	v27 =	vadd.s32 v3, v25;
	_ =	sdelay $0x3  }
0x82: {  	[tilespmem:s12+$0xFB80] =	vst.add.f32.msk $0xffff, v22  }
0x83: {  	v22 =	vld.idx.msk [tilespmem:v27+s3+$0x0], $0xffff  }
0x84: {  	v28 =	vadd.s32 v4, v25;
	_ =	sdelay $0x3  }
0x85: {  	[tilespmem:s12+$0xFB90] =	vst.add.f32.msk $0xffff, v22  }
0x86: {  	v22 =	vld.idx.msk [tilespmem:v28+s3+$0x0], $0xffff  }
0x87: {  	v21 =	vadd.s32 v5, v25;
	_ =	sdelay $0x3  }
0x88: {  	v29 =	vperm.xlane v20, v11;
	[tilespmem:s12+$0xFBA0] =	vst.add.f32.msk $0xffff, v22  }
0x89: {  	v21 =	vld.idx.msk [tilespmem:v21+s3+$0x0], $0xffff  }
0x8a: {  	v30 =	vadd.s32 v1, v29;
	_ =	sdelay $0x3  }
0x8b: {  	[tilespmem:s12+$0xFBB0] =	vst.add.f32.msk $0xffff, v21  }
0x8c: {  	v21 =	vld.idx.msk [tilespmem:v30+s3+$0x0], $0xffff  }
0x8d: {  	v31 =	vadd.s32 v3, v29;
	_ =	sdelay $0x3  }
0x8e: {  	[tilespmem:s12+$0xFBC0] =	vst.add.f32.msk $0xffff, v21  }
0x8f: {  	v21 =	vld.idx.msk [tilespmem:v31+s3+$0x0], $0xffff  }
0x90: {  	v32 =	vadd.s32 v4, v29;
	_ =	sdelay $0x3  }
0x91: {  	[tilespmem:s12+$0xFBD0] =	vst.add.f32.msk $0xffff, v21  }
0x92: {  	v21 =	vld.idx.msk [tilespmem:v32+s3+$0x0], $0xffff  }
0x93: {  	v22 =	vadd.s32 v5, v29;
	_ =	sdelay $0x3  }
0x94: {  	v33 =	vperm.xlane v20, v12;
	[tilespmem:s12+$0xFBE0] =	vst.add.f32.msk $0xffff, v21  }
0x95: {  	v22 =	vld.idx.msk [tilespmem:v22+s3+$0x0], $0xffff  }
0x96: {  	v34 =	vadd.s32 v1, v33;
	_ =	sdelay $0x3  }
0x97: {  	[tilespmem:s12+$0xFBF0] =	vst.add.f32.msk $0xffff, v22  }
0x98: {  	v22 =	vld.idx.msk [tilespmem:v34+s3+$0x0], $0xffff  }
0x99: {  	v35 =	vadd.s32 v3, v33;
	_ =	sdelay $0x3  }
0x9a: {  	[tilespmem:s12+$0xFC00] =	vst.add.f32.msk $0xffff, v22  }
0x9b: {  	v22 =	vld.idx.msk [tilespmem:v35+s3+$0x0], $0xffff  }
0x9c: {  	v36 =	vadd.s32 v4, v33;
	_ =	sdelay $0x3  }
0x9d: {  	[tilespmem:s12+$0xFC10] =	vst.add.f32.msk $0xffff, v22  }
0x9e: {  	v22 =	vld.idx.msk [tilespmem:v36+s3+$0x0], $0xffff  }
0x9f: {  	v21 =	vadd.s32 v5, v33;
	_ =	sdelay $0x3  }
0xa0: {  	v37 =	vperm.xlane v20, v13;
	[tilespmem:s12+$0xFC20] =	vst.add.f32.msk $0xffff, v22  }
0xa1: {  	v21 =	vld.idx.msk [tilespmem:v21+s3+$0x0], $0xffff  }
0xa2: {  	v38 =	vadd.s32 v1, v37;
	_ =	sdelay $0x3  }
0xa3: {  	[tilespmem:s12+$0xFC30] =	vst.add.f32.msk $0xffff, v21  }
0xa4: {  	v21 =	vld.idx.msk [tilespmem:v38+s3+$0x0], $0xffff  }
0xa5: {  	v39 =	vadd.s32 v3, v37;
	_ =	sdelay $0x3  }
0xa6: {  	[tilespmem:s12+$0xFC40] =	vst.add.f32.msk $0xffff, v21  }
0xa7: {  	v21 =	vld.idx.msk [tilespmem:v39+s3+$0x0], $0xffff  }
0xa8: {  	v40 =	vadd.s32 v4, v37;
	_ =	sdelay $0x3  }
0xa9: {  	[tilespmem:s12+$0xFC50] =	vst.add.f32.msk $0xffff, v21  }
0xaa: {  	v21 =	vld.idx.msk [tilespmem:v40+s3+$0x0], $0xffff  }
0xab: {  	v22 =	vadd.s32 v5, v37;
	_ =	sdelay $0x3  }
0xac: {  	v41 =	vperm.xlane v20, v14;
	[tilespmem:s12+$0xFC60] =	vst.add.f32.msk $0xffff, v21  }
0xad: {  	v22 =	vld.idx.msk [tilespmem:v22+s3+$0x0], $0xffff  }
0xae: {  	v42 =	vadd.s32 v1, v41;
	_ =	sdelay $0x3  }
0xaf: {  	[tilespmem:s12+$0xFC70] =	vst.add.f32.msk $0xffff, v22  }
0xb0: {  	v22 =	vld.idx.msk [tilespmem:v42+s3+$0x0], $0xffff  }
0xb1: {  	v43 =	vadd.s32 v3, v41;
	_ =	sdelay $0x3  }
0xb2: {  	[tilespmem:s12+$0xFC80] =	vst.add.f32.msk $0xffff, v22  }
0xb3: {  	v22 =	vld.idx.msk [tilespmem:v43+s3+$0x0], $0xffff  }
0xb4: {  	v44 =	vadd.s32 v4, v41;
	_ =	sdelay $0x3  }
0xb5: {  	[tilespmem:s12+$0xFC90] =	vst.add.f32.msk $0xffff, v22  }
0xb6: {  	v22 =	vld.idx.msk [tilespmem:v44+s3+$0x0], $0xffff  }
0xb7: {  	v21 =	vadd.s32 v5, v41;
	_ =	sdelay $0x3  }
0xb8: {  	v45 =	vperm.xlane v20, v15;
	[tilespmem:s12+$0xFCA0] =	vst.add.f32.msk $0xffff, v22  }
0xb9: {  	v21 =	vld.idx.msk [tilespmem:v21+s3+$0x0], $0xffff  }
0xba: {  	v46 =	vadd.s32 v1, v45;
	_ =	sdelay $0x3  }
0xbb: {  	[tilespmem:s12+$0xFCB0] =	vst.add.f32.msk $0xffff, v21  }
0xbc: {  	v21 =	vld.idx.msk [tilespmem:v46+s3+$0x0], $0xffff  }
0xbd: {  	v47 =	vadd.s32 v3, v45;
	_ =	sdelay $0x3  }
0xbe: {  	[tilespmem:s12+$0xFCC0] =	vst.add.f32.msk $0xffff, v21  }
0xbf: {  	v21 =	vld.idx.msk [tilespmem:v47+s3+$0x0], $0xffff  }
0xc0: {  	v48 =	vadd.s32 v4, v45;
	_ =	sdelay $0x3  }
0xc1: {  	[tilespmem:s12+$0xFCD0] =	vst.add.f32.msk $0xffff, v21  }
0xc2: {  	v21 =	vld.idx.msk [tilespmem:v48+s3+$0x0], $0xffff  }
0xc3: {  	v22 =	vadd.s32 v5, v45;
	_ =	sdelay $0x3  }
0xc4: {  	v49 =	vperm.xlane v20, v16;
	[tilespmem:s12+$0xFCE0] =	vst.add.f32.msk $0xffff, v21  }
0xc5: {  	v22 =	vld.idx.msk [tilespmem:v22+s3+$0x0], $0xffff  }
0xc6: {  	v50 =	vadd.s32 v1, v49;
	_ =	sdelay $0x3  }
0xc7: {  	[tilespmem:s12+$0xFCF0] =	vst.add.f32.msk $0xffff, v22  }
0xc8: {  	v22 =	vld.idx.msk [tilespmem:v50+s3+$0x0], $0xffff  }
0xc9: {  	v51 =	vadd.s32 v3, v49;
	_ =	sdelay $0x3  }
0xca: {  	[tilespmem:s12+$0xFD00] =	vst.add.f32.msk $0xffff, v22  }
0xcb: {  	v22 =	vld.idx.msk [tilespmem:v51+s3+$0x0], $0xffff  }
0xcc: {  	v52 =	vadd.s32 v4, v49;
	_ =	sdelay $0x3  }
0xcd: {  	[tilespmem:s12+$0xFD10] =	vst.add.f32.msk $0xffff, v22  }
0xce: {  	v22 =	vld.idx.msk [tilespmem:v52+s3+$0x0], $0xffff  }
0xcf: {  	v21 =	vadd.s32 v5, v49;
	_ =	sdelay $0x3  }
0xd0: {  	v53 =	vperm.xlane v20, v17;
	[tilespmem:s12+$0xFD20] =	vst.add.f32.msk $0xffff, v22  }
0xd1: {  	v21 =	vld.idx.msk [tilespmem:v21+s3+$0x0], $0xffff  }
0xd2: {  	v54 =	vadd.s32 v1, v53;
	_ =	sdelay $0x3  }
0xd3: {  	[tilespmem:s12+$0xFD30] =	vst.add.f32.msk $0xffff, v21  }
0xd4: {  	v21 =	vld.idx.msk [tilespmem:v54+s3+$0x0], $0xffff  }
0xd5: {  	v55 =	vadd.s32 v3, v53;
	_ =	sdelay $0x3  }
0xd6: {  	[tilespmem:s12+$0xFD40] =	vst.add.f32.msk $0xffff, v21  }
0xd7: {  	v21 =	vld.idx.msk [tilespmem:v55+s3+$0x0], $0xffff  }
0xd8: {  	v56 =	vadd.s32 v4, v53;
	_ =	sdelay $0x3  }
0xd9: {  	[tilespmem:s12+$0xFD50] =	vst.add.f32.msk $0xffff, v21  }
0xda: {  	v21 =	vld.idx.msk [tilespmem:v56+s3+$0x0], $0xffff  }
0xdb: {  	v22 =	vadd.s32 v5, v53;
	_ =	sdelay $0x3  }
0xdc: {  	v57 =	vperm.xlane v20, v18;
	[tilespmem:s12+$0xFD60] =	vst.add.f32.msk $0xffff, v21  }
0xdd: {  	v22 =	vld.idx.msk [tilespmem:v22+s3+$0x0], $0xffff  }
0xde: {  	v58 =	vadd.s32 v1, v57;
	_ =	sdelay $0x3  }
0xdf: {  	[tilespmem:s12+$0xFD70] =	vst.add.f32.msk $0xffff, v22  }
0xe0: {  	v22 =	vld.idx.msk [tilespmem:v58+s3+$0x0], $0xffff  }
0xe1: {  	v59 =	vadd.s32 v3, v57;
	_ =	sdelay $0x3  }
0xe2: {  	[tilespmem:s12+$0xFD80] =	vst.add.f32.msk $0xffff, v22  }
0xe3: {  	v22 =	vld.idx.msk [tilespmem:v59+s3+$0x0], $0xffff  }
0xe4: {  	v60 =	vadd.s32 v4, v57;
	_ =	sdelay $0x3  }
0xe5: {  	[tilespmem:s12+$0xFD90] =	vst.add.f32.msk $0xffff, v22  }
0xe6: {  	v22 =	vld.idx.msk [tilespmem:v60+s3+$0x0], $0xffff  }
0xe7: {  	v21 =	vadd.s32 v5, v57;
	_ =	sdelay $0x3  }
0xe8: {  	v20 =	vperm.xlane v20, v19;
	[tilespmem:s12+$0xFDA0] =	vst.add.f32.msk $0xffff, v22  }
0xe9: {  	v21 =	vld.idx.msk [tilespmem:v21+s3+$0x0], $0xffff  }
0xea: {  	v61 =	vadd.s32 v1, v20;
	_ =	sdelay $0x3  }
0xeb: {  	[tilespmem:s12+$0xFDB0] =	vst.add.f32.msk $0xffff, v21  }
0xec: {  	v21 =	vld.idx.msk [tilespmem:v61+s3+$0x0], $0xffff  }
0xed: {  	v62 =	vadd.s32 v3, v20;
	_ =	sdelay $0x3  }
0xee: {  	[tilespmem:s12+$0xFDC0] =	vst.add.f32.msk $0xffff, v21  }
0xef: {  	v21 =	vld.idx.msk [tilespmem:v62+s3+$0x0], $0xffff  }
0xf0: {  	v63 =	vadd.s32 v4, v20;
	_ =	sdelay $0x3  }
0xf1: {  	[tilespmem:s12+$0xFDD0] =	vst.add.f32.msk $0xffff, v21  }
0xf2: {  	v21 =	vld.idx.msk [tilespmem:v63+s3+$0x0], $0xffff  }
0xf3: {  	v20 =	vadd.s32 v5, v20;
	_ =	sdelay $0x3  }
0xf4: {  	[tilespmem:s12+$0xFDE0] =	vst.add.f32.msk $0xffff, v21  }
0xf5: {  	p0 =	sne.s32 s10, $0xF000;
	v20 =	vld.idx.msk [tilespmem:v20+s3+$0x0], $0xffff  }
.Ltmp2:
0xf6: {  	_ = 	snop;
	(pc) =	sbr.rel @p0 .LBB2_3-.Ltmp2, $2  }
0xf7: {  	_ =	sdelay $0x2  }
0xf8: {  	s11 =	sadd.s32 $0x10, s11;
	s10 =	sadd.s32 $0x1000, s10;
	[tilespmem:s12+$0xFDF0] =	vst.add.f32.msk $0xffff, v20  }
0xf9: {  	s11 =	sshll.u32 s16, $0x10  }
0xfa: {  	s10 =	sadd.s32 s9, s11  }
0xfb: {  	s10 =	sshrl.u32 s10, $0x3  }
0xfc: {  	s17 =	sshll.u32 s16, $0x2;
	p0 =	seq.s32 s16, $0x0;
	s10 =	sadd.s32 s7, s10  }
0xfd: {  	[hbm4b:s10+s3] =	stream.linear.scatter [tilespmem:s19], [sflag:$0x9], $0x4000, $0x38;
	[tilespmem:$0x1FE00] =	vst v63  }
0xfe: {  	s12 =	simm.s32 @!p0 $0xB;
	s10 =	sor.u32 $0x2, s17  }
0xff: {  	s20 =	sshll.u32 s10, $0x8;
	_ =	swait.ge @!p0 [sflag:s12], $0x4000  }
0x100: {  	s20 =	sadd.s32 s5, s20;
	[sflag:s12] =	ssyncset.done @!p0 $0x0  }
0x101: {  	s24 =	sshrl.u32 s20, $0x3;
	[sflag:s12] =	ssyncadd.s32 @!p0 $0xFFFFC000;
	s20 =	sshll.u32 s20, $0x3  }
0x102: {  	s12 =	simm.s32 $0x0;
	s24 =	sadd.s32 s4, s24;
	s20 =	sand.u32 $0x1FFFF000, s20  }
0x103: {  	[tilespmem:s29], [sflag:$0x7] =	stream.linear.gather [hbm4b:s24+s12], $0x100, $0x38;
	[tilespmem:$0x1FE00] =	vst v63  }
0x104: {  	s20 =	sadd.s32 s1, s20  }
0x105: {  	[tilespmem:s25], [sflag:$0x3] =	stream.linear.gather [hbm4b:s20+s12], $0x4000, $0x38;
	[tilespmem:$0x1FE00] =	vst v63  }
0x106: {  	_ =	swait.ge [sflag:s26], $0x100  }
0x107: {  	[sflag:s26] =	ssyncset.done $0x0  }
0x108: {  	[sflag:s26] =	ssyncadd.s32 $0xFFFFFF00  }
0x109: {  	_ =	swait.ge [sflag:s28], $0x4000  }
0x10a: {  	[sflag:s28] =	ssyncset.done $0x0  }
0x10b: {  	s20 =	simm.s32 $0x1FB00;
	[sflag:s28] =	ssyncadd.s32 $0xFFFFC000  }
.LBB2_5:
0x10c: {  	v20 =	vld [tilespmem:s20+$0x0];
	_ =	sdelay $0x4  }
0x10d: {  	v20 =	vshll.u32 v20, $0x6  }
0x10e: {  	v21 =	vperm.xlane v20, v2;
	_ =	sdelay $0x1  }
0x10f: {  	v22 =	vadd.s32 v1, v21;
	_ =	sdelay $0x4  }
0x110: {  	v22 =	vld.idx.msk [tilespmem:v22+s3+$0x0], $0xffff  }
0x111: {  	v23 =	vadd.s32 v3, v21;
	_ =	sdelay $0x2  }
0x112: {  	s24 =	sshra.s32 s12, $0x2  }
0x113: {  	[tilespmem:s24+$0x13A00] =	vst.add.f32.msk $0xffff, v22  }
0x114: {  	v22 =	vld.idx.msk [tilespmem:v23+s3+$0x0], $0xffff  }
0x115: {  	v44 =	vadd.s32 v4, v21;
	_ =	sdelay $0x3  }
0x116: {  	[tilespmem:s24+$0x13A10] =	vst.add.f32.msk $0xffff, v22  }
0x117: {  	v22 =	vld.idx.msk [tilespmem:v44+s3+$0x0], $0xffff  }
0x118: {  	v21 =	vadd.s32 v5, v21;
	_ =	sdelay $0x3  }
0x119: {  	v45 =	vperm.xlane v20, v6;
	[tilespmem:s24+$0x13A20] =	vst.add.f32.msk $0xffff, v22  }
0x11a: {  	v21 =	vld.idx.msk [tilespmem:v21+s3+$0x0], $0xffff  }
0x11b: {  	v46 =	vadd.s32 v1, v45;
	_ =	sdelay $0x3  }
0x11c: {  	[tilespmem:s24+$0x13A30] =	vst.add.f32.msk $0xffff, v21  }
0x11d: {  	v21 =	vld.idx.msk [tilespmem:v46+s3+$0x0], $0xffff  }
0x11e: {  	v47 =	vadd.s32 v3, v45;
	_ =	sdelay $0x3  }
0x11f: {  	[tilespmem:s24+$0x13A40] =	vst.add.f32.msk $0xffff, v21  }
0x120: {  	v21 =	vld.idx.msk [tilespmem:v47+s3+$0x0], $0xffff  }
0x121: {  	v48 =	vadd.s32 v4, v45;
	_ =	sdelay $0x3  }
0x122: {  	[tilespmem:s24+$0x13A50] =	vst.add.f32.msk $0xffff, v21  }
0x123: {  	v21 =	vld.idx.msk [tilespmem:v48+s3+$0x0], $0xffff  }
0x124: {  	v22 =	vadd.s32 v5, v45;
	_ =	sdelay $0x3  }
0x125: {  	v49 =	vperm.xlane v20, v7;
	[tilespmem:s24+$0x13A60] =	vst.add.f32.msk $0xffff, v21  }
0x126: {  	v22 =	vld.idx.msk [tilespmem:v22+s3+$0x0], $0xffff  }
0x127: {  	v50 =	vadd.s32 v1, v49;
	_ =	sdelay $0x3  }
0x128: {  	[tilespmem:s24+$0x13A70] =	vst.add.f32.msk $0xffff, v22  }
0x129: {  	v22 =	vld.idx.msk [tilespmem:v50+s3+$0x0], $0xffff  }
0x12a: {  	v51 =	vadd.s32 v3, v49;
	_ =	sdelay $0x3  }
0x12b: {  	[tilespmem:s24+$0x13A80] =	vst.add.f32.msk $0xffff, v22  }
0x12c: {  	v22 =	vld.idx.msk [tilespmem:v51+s3+$0x0], $0xffff  }
0x12d: {  	v52 =	vadd.s32 v4, v49;
	_ =	sdelay $0x3  }
0x12e: {  	[tilespmem:s24+$0x13A90] =	vst.add.f32.msk $0xffff, v22  }
0x12f: {  	v22 =	vld.idx.msk [tilespmem:v52+s3+$0x0], $0xffff  }
0x130: {  	v21 =	vadd.s32 v5, v49;
	_ =	sdelay $0x3  }
0x131: {  	v53 =	vperm.xlane v20, v8;
	[tilespmem:s24+$0x13AA0] =	vst.add.f32.msk $0xffff, v22  }
0x132: {  	v21 =	vld.idx.msk [tilespmem:v21+s3+$0x0], $0xffff  }
0x133: {  	v54 =	vadd.s32 v1, v53;
	_ =	sdelay $0x3  }
0x134: {  	[tilespmem:s24+$0x13AB0] =	vst.add.f32.msk $0xffff, v21  }
0x135: {  	v21 =	vld.idx.msk [tilespmem:v54+s3+$0x0], $0xffff  }
0x136: {  	v55 =	vadd.s32 v3, v53;
	_ =	sdelay $0x3  }
0x137: {  	[tilespmem:s24+$0x13AC0] =	vst.add.f32.msk $0xffff, v21  }
0x138: {  	v21 =	vld.idx.msk [tilespmem:v55+s3+$0x0], $0xffff  }
0x139: {  	v56 =	vadd.s32 v4, v53;
	_ =	sdelay $0x3  }
0x13a: {  	[tilespmem:s24+$0x13AD0] =	vst.add.f32.msk $0xffff, v21  }
0x13b: {  	v21 =	vld.idx.msk [tilespmem:v56+s3+$0x0], $0xffff  }
0x13c: {  	v22 =	vadd.s32 v5, v53;
	_ =	sdelay $0x3  }
0x13d: {  	v57 =	vperm.xlane v20, v9;
	[tilespmem:s24+$0x13AE0] =	vst.add.f32.msk $0xffff, v21  }
0x13e: {  	v22 =	vld.idx.msk [tilespmem:v22+s3+$0x0], $0xffff  }
0x13f: {  	v58 =	vadd.s32 v1, v57;
	_ =	sdelay $0x3  }
0x140: {  	[tilespmem:s24+$0x13AF0] =	vst.add.f32.msk $0xffff, v22  }
0x141: {  	v22 =	vld.idx.msk [tilespmem:v58+s3+$0x0], $0xffff  }
0x142: {  	v59 =	vadd.s32 v3, v57;
	_ =	sdelay $0x3  }
0x143: {  	[tilespmem:s24+$0x13B00] =	vst.add.f32.msk $0xffff, v22  }
0x144: {  	v22 =	vld.idx.msk [tilespmem:v59+s3+$0x0], $0xffff  }
0x145: {  	v60 =	vadd.s32 v4, v57;
	_ =	sdelay $0x3  }
0x146: {  	[tilespmem:s24+$0x13B10] =	vst.add.f32.msk $0xffff, v22  }
0x147: {  	v22 =	vld.idx.msk [tilespmem:v60+s3+$0x0], $0xffff  }
0x148: {  	v21 =	vadd.s32 v5, v57;
	_ =	sdelay $0x3  }
0x149: {  	v61 =	vperm.xlane v20, v10;
	[tilespmem:s24+$0x13B20] =	vst.add.f32.msk $0xffff, v22  }
0x14a: {  	v21 =	vld.idx.msk [tilespmem:v21+s3+$0x0], $0xffff  }
0x14b: {  	v62 =	vadd.s32 v1, v61;
	_ =	sdelay $0x3  }
0x14c: {  	[tilespmem:s24+$0x13B30] =	vst.add.f32.msk $0xffff, v21  }
0x14d: {  	v21 =	vld.idx.msk [tilespmem:v62+s3+$0x0], $0xffff  }
0x14e: {  	v63 =	vadd.s32 v3, v61;
	_ =	sdelay $0x3  }
0x14f: {  	[tilespmem:s24+$0x13B40] =	vst.add.f32.msk $0xffff, v21  }
0x150: {  	v21 =	vld.idx.msk [tilespmem:v63+s3+$0x0], $0xffff  }
0x151: {  	v24 =	vadd.s32 v4, v61;
	_ =	sdelay $0x3  }
0x152: {  	[tilespmem:s24+$0x13B50] =	vst.add.f32.msk $0xffff, v21  }
0x153: {  	v21 =	vld.idx.msk [tilespmem:v24+s3+$0x0], $0xffff  }
0x154: {  	v22 =	vadd.s32 v5, v61;
	_ =	sdelay $0x3  }
0x155: {  	v25 =	vperm.xlane v20, v0;
	[tilespmem:s24+$0x13B60] =	vst.add.f32.msk $0xffff, v21  }
0x156: {  	v22 =	vld.idx.msk [tilespmem:v22+s3+$0x0], $0xffff  }
0x157: {  	v26 =	vadd.s32 v1, v25;
	_ =	sdelay $0x3  }
0x158: {  	[tilespmem:s24+$0x13B70] =	vst.add.f32.msk $0xffff, v22  }
0x159: {  	v22 =	vld.idx.msk [tilespmem:v26+s3+$0x0], $0xffff  }
0x15a: {  	v27 =	vadd.s32 v3, v25;
	_ =	sdelay $0x3  }
0x15b: {  	[tilespmem:s24+$0x13B80] =	vst.add.f32.msk $0xffff, v22  }
0x15c: {  	v22 =	vld.idx.msk [tilespmem:v27+s3+$0x0], $0xffff  }
0x15d: {  	v28 =	vadd.s32 v4, v25;
	_ =	sdelay $0x3  }
0x15e: {  	[tilespmem:s24+$0x13B90] =	vst.add.f32.msk $0xffff, v22  }
0x15f: {  	v22 =	vld.idx.msk [tilespmem:v28+s3+$0x0], $0xffff  }
0x160: {  	v21 =	vadd.s32 v5, v25;
	_ =	sdelay $0x3  }
0x161: {  	v29 =	vperm.xlane v20, v11;
	[tilespmem:s24+$0x13BA0] =	vst.add.f32.msk $0xffff, v22  }
0x162: {  	v21 =	vld.idx.msk [tilespmem:v21+s3+$0x0], $0xffff  }
0x163: {  	v30 =	vadd.s32 v1, v29;
	_ =	sdelay $0x3  }
0x164: {  	[tilespmem:s24+$0x13BB0] =	vst.add.f32.msk $0xffff, v21  }
0x165: {  	v21 =	vld.idx.msk [tilespmem:v30+s3+$0x0], $0xffff  }
0x166: {  	v31 =	vadd.s32 v3, v29;
	_ =	sdelay $0x3  }
0x167: {  	[tilespmem:s24+$0x13BC0] =	vst.add.f32.msk $0xffff, v21  }
0x168: {  	v21 =	vld.idx.msk [tilespmem:v31+s3+$0x0], $0xffff  }
0x169: {  	v32 =	vadd.s32 v4, v29;
	_ =	sdelay $0x3  }
0x16a: {  	[tilespmem:s24+$0x13BD0] =	vst.add.f32.msk $0xffff, v21  }
0x16b: {  	v21 =	vld.idx.msk [tilespmem:v32+s3+$0x0], $0xffff  }
0x16c: {  	v22 =	vadd.s32 v5, v29;
	_ =	sdelay $0x3  }
0x16d: {  	v33 =	vperm.xlane v20, v12;
	[tilespmem:s24+$0x13BE0] =	vst.add.f32.msk $0xffff, v21  }
0x16e: {  	v22 =	vld.idx.msk [tilespmem:v22+s3+$0x0], $0xffff  }
0x16f: {  	v34 =	vadd.s32 v1, v33;
	_ =	sdelay $0x3  }
0x170: {  	[tilespmem:s24+$0x13BF0] =	vst.add.f32.msk $0xffff, v22  }
0x171: {  	v22 =	vld.idx.msk [tilespmem:v34+s3+$0x0], $0xffff  }
0x172: {  	v35 =	vadd.s32 v3, v33;
	_ =	sdelay $0x3  }
0x173: {  	[tilespmem:s24+$0x13C00] =	vst.add.f32.msk $0xffff, v22  }
0x174: {  	v22 =	vld.idx.msk [tilespmem:v35+s3+$0x0], $0xffff  }
0x175: {  	v36 =	vadd.s32 v4, v33;
	_ =	sdelay $0x3  }
0x176: {  	[tilespmem:s24+$0x13C10] =	vst.add.f32.msk $0xffff, v22  }
0x177: {  	v22 =	vld.idx.msk [tilespmem:v36+s3+$0x0], $0xffff  }
0x178: {  	v21 =	vadd.s32 v5, v33;
	_ =	sdelay $0x3  }
0x179: {  	v37 =	vperm.xlane v20, v13;
	[tilespmem:s24+$0x13C20] =	vst.add.f32.msk $0xffff, v22  }
0x17a: {  	v21 =	vld.idx.msk [tilespmem:v21+s3+$0x0], $0xffff  }
0x17b: {  	v38 =	vadd.s32 v1, v37;
	_ =	sdelay $0x3  }
0x17c: {  	[tilespmem:s24+$0x13C30] =	vst.add.f32.msk $0xffff, v21  }
0x17d: {  	v21 =	vld.idx.msk [tilespmem:v38+s3+$0x0], $0xffff  }
0x17e: {  	v39 =	vadd.s32 v3, v37;
	_ =	sdelay $0x3  }
0x17f: {  	[tilespmem:s24+$0x13C40] =	vst.add.f32.msk $0xffff, v21  }
0x180: {  	v21 =	vld.idx.msk [tilespmem:v39+s3+$0x0], $0xffff  }
0x181: {  	v40 =	vadd.s32 v4, v37;
	_ =	sdelay $0x3  }
0x182: {  	[tilespmem:s24+$0x13C50] =	vst.add.f32.msk $0xffff, v21  }
0x183: {  	v21 =	vld.idx.msk [tilespmem:v40+s3+$0x0], $0xffff  }
0x184: {  	v22 =	vadd.s32 v5, v37;
	_ =	sdelay $0x3  }
0x185: {  	v41 =	vperm.xlane v20, v14;
	[tilespmem:s24+$0x13C60] =	vst.add.f32.msk $0xffff, v21  }
0x186: {  	v22 =	vld.idx.msk [tilespmem:v22+s3+$0x0], $0xffff  }
0x187: {  	v42 =	vadd.s32 v1, v41;
	_ =	sdelay $0x3  }
0x188: {  	[tilespmem:s24+$0x13C70] =	vst.add.f32.msk $0xffff, v22  }
0x189: {  	v22 =	vld.idx.msk [tilespmem:v42+s3+$0x0], $0xffff  }
0x18a: {  	v43 =	vadd.s32 v3, v41;
	_ =	sdelay $0x3  }
0x18b: {  	[tilespmem:s24+$0x13C80] =	vst.add.f32.msk $0xffff, v22  }
0x18c: {  	v22 =	vld.idx.msk [tilespmem:v43+s3+$0x0], $0xffff  }
0x18d: {  	v44 =	vadd.s32 v4, v41;
	_ =	sdelay $0x3  }
0x18e: {  	[tilespmem:s24+$0x13C90] =	vst.add.f32.msk $0xffff, v22  }
0x18f: {  	v22 =	vld.idx.msk [tilespmem:v44+s3+$0x0], $0xffff  }
0x190: {  	v21 =	vadd.s32 v5, v41;
	_ =	sdelay $0x3  }
0x191: {  	v45 =	vperm.xlane v20, v15;
	[tilespmem:s24+$0x13CA0] =	vst.add.f32.msk $0xffff, v22  }
0x192: {  	v21 =	vld.idx.msk [tilespmem:v21+s3+$0x0], $0xffff  }
0x193: {  	v46 =	vadd.s32 v1, v45;
	_ =	sdelay $0x3  }
0x194: {  	[tilespmem:s24+$0x13CB0] =	vst.add.f32.msk $0xffff, v21  }
0x195: {  	v21 =	vld.idx.msk [tilespmem:v46+s3+$0x0], $0xffff  }
0x196: {  	v47 =	vadd.s32 v3, v45;
	_ =	sdelay $0x3  }
0x197: {  	[tilespmem:s24+$0x13CC0] =	vst.add.f32.msk $0xffff, v21  }
0x198: {  	v21 =	vld.idx.msk [tilespmem:v47+s3+$0x0], $0xffff  }
0x199: {  	v48 =	vadd.s32 v4, v45;
	_ =	sdelay $0x3  }
0x19a: {  	[tilespmem:s24+$0x13CD0] =	vst.add.f32.msk $0xffff, v21  }
0x19b: {  	v21 =	vld.idx.msk [tilespmem:v48+s3+$0x0], $0xffff  }
0x19c: {  	v22 =	vadd.s32 v5, v45;
	_ =	sdelay $0x3  }
0x19d: {  	v49 =	vperm.xlane v20, v16;
	[tilespmem:s24+$0x13CE0] =	vst.add.f32.msk $0xffff, v21  }
0x19e: {  	v22 =	vld.idx.msk [tilespmem:v22+s3+$0x0], $0xffff  }
0x19f: {  	v50 =	vadd.s32 v1, v49;
	_ =	sdelay $0x3  }
0x1a0: {  	[tilespmem:s24+$0x13CF0] =	vst.add.f32.msk $0xffff, v22  }
0x1a1: {  	v22 =	vld.idx.msk [tilespmem:v50+s3+$0x0], $0xffff  }
0x1a2: {  	v51 =	vadd.s32 v3, v49;
	_ =	sdelay $0x3  }
0x1a3: {  	[tilespmem:s24+$0x13D00] =	vst.add.f32.msk $0xffff, v22  }
0x1a4: {  	v22 =	vld.idx.msk [tilespmem:v51+s3+$0x0], $0xffff  }
0x1a5: {  	v52 =	vadd.s32 v4, v49;
	_ =	sdelay $0x3  }
0x1a6: {  	[tilespmem:s24+$0x13D10] =	vst.add.f32.msk $0xffff, v22  }
0x1a7: {  	v22 =	vld.idx.msk [tilespmem:v52+s3+$0x0], $0xffff  }
0x1a8: {  	v21 =	vadd.s32 v5, v49;
	_ =	sdelay $0x3  }
0x1a9: {  	v53 =	vperm.xlane v20, v17;
	[tilespmem:s24+$0x13D20] =	vst.add.f32.msk $0xffff, v22  }
0x1aa: {  	v21 =	vld.idx.msk [tilespmem:v21+s3+$0x0], $0xffff  }
0x1ab: {  	v54 =	vadd.s32 v1, v53;
	_ =	sdelay $0x3  }
0x1ac: {  	[tilespmem:s24+$0x13D30] =	vst.add.f32.msk $0xffff, v21  }
0x1ad: {  	v21 =	vld.idx.msk [tilespmem:v54+s3+$0x0], $0xffff  }
0x1ae: {  	v55 =	vadd.s32 v3, v53;
	_ =	sdelay $0x3  }
0x1af: {  	[tilespmem:s24+$0x13D40] =	vst.add.f32.msk $0xffff, v21  }
0x1b0: {  	v21 =	vld.idx.msk [tilespmem:v55+s3+$0x0], $0xffff  }
0x1b1: {  	v56 =	vadd.s32 v4, v53;
	_ =	sdelay $0x3  }
0x1b2: {  	[tilespmem:s24+$0x13D50] =	vst.add.f32.msk $0xffff, v21  }
0x1b3: {  	v21 =	vld.idx.msk [tilespmem:v56+s3+$0x0], $0xffff  }
0x1b4: {  	v22 =	vadd.s32 v5, v53;
	_ =	sdelay $0x3  }
0x1b5: {  	v57 =	vperm.xlane v20, v18;
	[tilespmem:s24+$0x13D60] =	vst.add.f32.msk $0xffff, v21  }
0x1b6: {  	v22 =	vld.idx.msk [tilespmem:v22+s3+$0x0], $0xffff  }
0x1b7: {  	v58 =	vadd.s32 v1, v57;
	_ =	sdelay $0x3  }
0x1b8: {  	[tilespmem:s24+$0x13D70] =	vst.add.f32.msk $0xffff, v22  }
0x1b9: {  	v22 =	vld.idx.msk [tilespmem:v58+s3+$0x0], $0xffff  }
0x1ba: {  	v59 =	vadd.s32 v3, v57;
	_ =	sdelay $0x3  }
0x1bb: {  	[tilespmem:s24+$0x13D80] =	vst.add.f32.msk $0xffff, v22  }
0x1bc: {  	v22 =	vld.idx.msk [tilespmem:v59+s3+$0x0], $0xffff  }
0x1bd: {  	v60 =	vadd.s32 v4, v57;
	_ =	sdelay $0x3  }
0x1be: {  	[tilespmem:s24+$0x13D90] =	vst.add.f32.msk $0xffff, v22  }
0x1bf: {  	v22 =	vld.idx.msk [tilespmem:v60+s3+$0x0], $0xffff  }
0x1c0: {  	v21 =	vadd.s32 v5, v57;
	_ =	sdelay $0x3  }
0x1c1: {  	v20 =	vperm.xlane v20, v19;
	[tilespmem:s24+$0x13DA0] =	vst.add.f32.msk $0xffff, v22  }
0x1c2: {  	v21 =	vld.idx.msk [tilespmem:v21+s3+$0x0], $0xffff  }
0x1c3: {  	v61 =	vadd.s32 v1, v20;
	_ =	sdelay $0x3  }
0x1c4: {  	[tilespmem:s24+$0x13DB0] =	vst.add.f32.msk $0xffff, v21  }
0x1c5: {  	v21 =	vld.idx.msk [tilespmem:v61+s3+$0x0], $0xffff  }
0x1c6: {  	v62 =	vadd.s32 v3, v20;
	_ =	sdelay $0x3  }
0x1c7: {  	[tilespmem:s24+$0x13DC0] =	vst.add.f32.msk $0xffff, v21  }
0x1c8: {  	v21 =	vld.idx.msk [tilespmem:v62+s3+$0x0], $0xffff  }
0x1c9: {  	v63 =	vadd.s32 v4, v20;
	_ =	sdelay $0x3  }
0x1ca: {  	[tilespmem:s24+$0x13DD0] =	vst.add.f32.msk $0xffff, v21  }
0x1cb: {  	v21 =	vld.idx.msk [tilespmem:v63+s3+$0x0], $0xffff  }
0x1cc: {  	v20 =	vadd.s32 v5, v20;
	_ =	sdelay $0x3  }
0x1cd: {  	[tilespmem:s24+$0x13DE0] =	vst.add.f32.msk $0xffff, v21  }
0x1ce: {  	p1 =	sne.s32 s12, $0xF000;
	v20 =	vld.idx.msk [tilespmem:v20+s3+$0x0], $0xffff  }
.Ltmp3:
0x1cf: {  	_ = 	snop;
	(pc) =	sbr.rel @p1 .LBB2_5-.Ltmp3, $2  }
0x1d0: {  	_ =	sdelay $0x2  }
0x1d1: {  	s20 =	sadd.s32 $0x10, s20;
	s12 =	sadd.s32 $0x1000, s12;
	[tilespmem:s24+$0x13DF0] =	vst.add.f32.msk $0xffff, v20  }
0x1d2: {  	s11 =	sadd.s32 s11, s13  }
0x1d3: {  	s17 =	sor.u32 $0x3, s17;
	s11 =	sshrl.u32 s11, $0x3  }
0x1d4: {  	s12 =	sshll.u32 s17, $0x8;
	s11 =	sadd.s32 s7, s11  }
0x1d5: {  	[hbm4b:s11+s3] =	stream.linear.scatter [tilespmem:s21], [sflag:$0xA], $0x4000, $0x38;
	[tilespmem:$0x1FE00] =	vst v63  }
0x1d6: {  	s12 =	sadd.s32 s5, s12;
	s11 =	simm.s32 @!p0 $0xC  }
0x1d7: {  	s24 =	simm.s32 $0x1FD00;
	s20 =	sshrl.u32 s12, $0x3;
	_ =	swait.ge @!p0 [sflag:s11], $0x4000  }
0x1d8: {  	s12 =	sshll.u32 s12, $0x3;
	s20 =	sadd.s32 s4, s20;
	[sflag:s11] =	ssyncset.done @!p0 $0x0  }
0x1d9: {  	s12 =	sand.u32 $0x1FFFF800, s12;
	[sflag:s11] =	ssyncadd.s32 @!p0 $0xFFFFC000;
	s11 =	simm.s32 $0x0  }
0x1da: {  	[tilespmem:s24], [sflag:$0x8] =	stream.linear.gather [hbm4b:s20+s11], $0x100, $0x38;
	[tilespmem:$0x1FE00] =	vst v63  }
0x1db: {  	s12 =	sadd.s32 s1, s12  }
0x1dc: {  	[tilespmem:s30], [sflag:$0x4] =	stream.linear.gather [hbm4b:s12+s11], $0x4000, $0x38;
	[tilespmem:$0x1FE00] =	vst v63  }
0x1dd: {  	_ =	swait.ge [sflag:s31], $0x100  }
0x1de: {  	[sflag:s31] =	ssyncset.done $0x0  }
0x1df: {  	[sflag:s31] =	ssyncadd.s32 $0xFFFFFF00  }
0x1e0: {  	_ =	swait.ge [sflag:s0], $0x4000  }
0x1e1: {  	[sflag:s0] =	ssyncset.done $0x0  }
0x1e2: {  	s12 =	simm.s32 $0x1FC00;
	[sflag:s0] =	ssyncadd.s32 $0xFFFFC000  }
.LBB2_7:
0x1e3: {  	v20 =	vld [tilespmem:s12+$0x0];
	_ =	sdelay $0x4  }
0x1e4: {  	v20 =	vshll.u32 v20, $0x6  }
0x1e5: {  	v21 =	vperm.xlane v20, v2;
	_ =	sdelay $0x1  }
0x1e6: {  	v22 =	vadd.s32 v1, v21;
	_ =	sdelay $0x4  }
0x1e7: {  	v22 =	vld.idx.msk [tilespmem:v22+s3+$0x0], $0xffff  }
0x1e8: {  	v23 =	vadd.s32 v3, v21;
	_ =	sdelay $0x2  }
0x1e9: {  	s20 =	sshra.s32 s11, $0x2  }
0x1ea: {  	[tilespmem:s20+$0x17A00] =	vst.add.f32.msk $0xffff, v22  }
0x1eb: {  	v22 =	vld.idx.msk [tilespmem:v23+s3+$0x0], $0xffff  }
0x1ec: {  	v44 =	vadd.s32 v4, v21;
	_ =	sdelay $0x3  }
0x1ed: {  	[tilespmem:s20+$0x17A10] =	vst.add.f32.msk $0xffff, v22  }
0x1ee: {  	v22 =	vld.idx.msk [tilespmem:v44+s3+$0x0], $0xffff  }
0x1ef: {  	v21 =	vadd.s32 v5, v21;
	_ =	sdelay $0x3  }
0x1f0: {  	v45 =	vperm.xlane v20, v6;
	[tilespmem:s20+$0x17A20] =	vst.add.f32.msk $0xffff, v22  }
0x1f1: {  	v21 =	vld.idx.msk [tilespmem:v21+s3+$0x0], $0xffff  }
0x1f2: {  	v46 =	vadd.s32 v1, v45;
	_ =	sdelay $0x3  }
0x1f3: {  	[tilespmem:s20+$0x17A30] =	vst.add.f32.msk $0xffff, v21  }
0x1f4: {  	v21 =	vld.idx.msk [tilespmem:v46+s3+$0x0], $0xffff  }
0x1f5: {  	v47 =	vadd.s32 v3, v45;
	_ =	sdelay $0x3  }
0x1f6: {  	[tilespmem:s20+$0x17A40] =	vst.add.f32.msk $0xffff, v21  }
0x1f7: {  	v21 =	vld.idx.msk [tilespmem:v47+s3+$0x0], $0xffff  }
0x1f8: {  	v48 =	vadd.s32 v4, v45;
	_ =	sdelay $0x3  }
0x1f9: {  	[tilespmem:s20+$0x17A50] =	vst.add.f32.msk $0xffff, v21  }
0x1fa: {  	v21 =	vld.idx.msk [tilespmem:v48+s3+$0x0], $0xffff  }
0x1fb: {  	v22 =	vadd.s32 v5, v45;
	_ =	sdelay $0x3  }
0x1fc: {  	v49 =	vperm.xlane v20, v7;
	[tilespmem:s20+$0x17A60] =	vst.add.f32.msk $0xffff, v21  }
0x1fd: {  	v22 =	vld.idx.msk [tilespmem:v22+s3+$0x0], $0xffff  }
0x1fe: {  	v50 =	vadd.s32 v1, v49;
	_ =	sdelay $0x3  }
0x1ff: {  	[tilespmem:s20+$0x17A70] =	vst.add.f32.msk $0xffff, v22  }
0x200: {  	v22 =	vld.idx.msk [tilespmem:v50+s3+$0x0], $0xffff  }
0x201: {  	v51 =	vadd.s32 v3, v49;
	_ =	sdelay $0x3  }
0x202: {  	[tilespmem:s20+$0x17A80] =	vst.add.f32.msk $0xffff, v22  }
0x203: {  	v22 =	vld.idx.msk [tilespmem:v51+s3+$0x0], $0xffff  }
0x204: {  	v52 =	vadd.s32 v4, v49;
	_ =	sdelay $0x3  }
0x205: {  	[tilespmem:s20+$0x17A90] =	vst.add.f32.msk $0xffff, v22  }
0x206: {  	v22 =	vld.idx.msk [tilespmem:v52+s3+$0x0], $0xffff  }
0x207: {  	v21 =	vadd.s32 v5, v49;
	_ =	sdelay $0x3  }
0x208: {  	v53 =	vperm.xlane v20, v8;
	[tilespmem:s20+$0x17AA0] =	vst.add.f32.msk $0xffff, v22  }
0x209: {  	v21 =	vld.idx.msk [tilespmem:v21+s3+$0x0], $0xffff  }
0x20a: {  	v54 =	vadd.s32 v1, v53;
	_ =	sdelay $0x3  }
0x20b: {  	[tilespmem:s20+$0x17AB0] =	vst.add.f32.msk $0xffff, v21  }
0x20c: {  	v21 =	vld.idx.msk [tilespmem:v54+s3+$0x0], $0xffff  }
0x20d: {  	v55 =	vadd.s32 v3, v53;
	_ =	sdelay $0x3  }
0x20e: {  	[tilespmem:s20+$0x17AC0] =	vst.add.f32.msk $0xffff, v21  }
0x20f: {  	v21 =	vld.idx.msk [tilespmem:v55+s3+$0x0], $0xffff  }
0x210: {  	v56 =	vadd.s32 v4, v53;
	_ =	sdelay $0x3  }
0x211: {  	[tilespmem:s20+$0x17AD0] =	vst.add.f32.msk $0xffff, v21  }
0x212: {  	v21 =	vld.idx.msk [tilespmem:v56+s3+$0x0], $0xffff  }
0x213: {  	v22 =	vadd.s32 v5, v53;
	_ =	sdelay $0x3  }
0x214: {  	v57 =	vperm.xlane v20, v9;
	[tilespmem:s20+$0x17AE0] =	vst.add.f32.msk $0xffff, v21  }
0x215: {  	v22 =	vld.idx.msk [tilespmem:v22+s3+$0x0], $0xffff  }
0x216: {  	v58 =	vadd.s32 v1, v57;
	_ =	sdelay $0x3  }
0x217: {  	[tilespmem:s20+$0x17AF0] =	vst.add.f32.msk $0xffff, v22  }
0x218: {  	v22 =	vld.idx.msk [tilespmem:v58+s3+$0x0], $0xffff  }
0x219: {  	v59 =	vadd.s32 v3, v57;
	_ =	sdelay $0x3  }
0x21a: {  	[tilespmem:s20+$0x17B00] =	vst.add.f32.msk $0xffff, v22  }
0x21b: {  	v22 =	vld.idx.msk [tilespmem:v59+s3+$0x0], $0xffff  }
0x21c: {  	v60 =	vadd.s32 v4, v57;
	_ =	sdelay $0x3  }
0x21d: {  	[tilespmem:s20+$0x17B10] =	vst.add.f32.msk $0xffff, v22  }
0x21e: {  	v22 =	vld.idx.msk [tilespmem:v60+s3+$0x0], $0xffff  }
0x21f: {  	v21 =	vadd.s32 v5, v57;
	_ =	sdelay $0x3  }
0x220: {  	v61 =	vperm.xlane v20, v10;
	[tilespmem:s20+$0x17B20] =	vst.add.f32.msk $0xffff, v22  }
0x221: {  	v21 =	vld.idx.msk [tilespmem:v21+s3+$0x0], $0xffff  }
0x222: {  	v62 =	vadd.s32 v1, v61;
	_ =	sdelay $0x3  }
0x223: {  	[tilespmem:s20+$0x17B30] =	vst.add.f32.msk $0xffff, v21  }
0x224: {  	v21 =	vld.idx.msk [tilespmem:v62+s3+$0x0], $0xffff  }
0x225: {  	v63 =	vadd.s32 v3, v61;
	_ =	sdelay $0x3  }
0x226: {  	[tilespmem:s20+$0x17B40] =	vst.add.f32.msk $0xffff, v21  }
0x227: {  	v21 =	vld.idx.msk [tilespmem:v63+s3+$0x0], $0xffff  }
0x228: {  	v24 =	vadd.s32 v4, v61;
	_ =	sdelay $0x3  }
0x229: {  	[tilespmem:s20+$0x17B50] =	vst.add.f32.msk $0xffff, v21  }
0x22a: {  	v21 =	vld.idx.msk [tilespmem:v24+s3+$0x0], $0xffff  }
0x22b: {  	v22 =	vadd.s32 v5, v61;
	_ =	sdelay $0x3  }
0x22c: {  	v25 =	vperm.xlane v20, v0;
	[tilespmem:s20+$0x17B60] =	vst.add.f32.msk $0xffff, v21  }
0x22d: {  	v22 =	vld.idx.msk [tilespmem:v22+s3+$0x0], $0xffff  }
0x22e: {  	v26 =	vadd.s32 v1, v25;
	_ =	sdelay $0x3  }
0x22f: {  	[tilespmem:s20+$0x17B70] =	vst.add.f32.msk $0xffff, v22  }
0x230: {  	v22 =	vld.idx.msk [tilespmem:v26+s3+$0x0], $0xffff  }
0x231: {  	v27 =	vadd.s32 v3, v25;
	_ =	sdelay $0x3  }
0x232: {  	[tilespmem:s20+$0x17B80] =	vst.add.f32.msk $0xffff, v22  }
0x233: {  	v22 =	vld.idx.msk [tilespmem:v27+s3+$0x0], $0xffff  }
0x234: {  	v28 =	vadd.s32 v4, v25;
	_ =	sdelay $0x3  }
0x235: {  	[tilespmem:s20+$0x17B90] =	vst.add.f32.msk $0xffff, v22  }
0x236: {  	v22 =	vld.idx.msk [tilespmem:v28+s3+$0x0], $0xffff  }
0x237: {  	v21 =	vadd.s32 v5, v25;
	_ =	sdelay $0x3  }
0x238: {  	v29 =	vperm.xlane v20, v11;
	[tilespmem:s20+$0x17BA0] =	vst.add.f32.msk $0xffff, v22  }
0x239: {  	v21 =	vld.idx.msk [tilespmem:v21+s3+$0x0], $0xffff  }
0x23a: {  	v30 =	vadd.s32 v1, v29;
	_ =	sdelay $0x3  }
0x23b: {  	[tilespmem:s20+$0x17BB0] =	vst.add.f32.msk $0xffff, v21  }
0x23c: {  	v21 =	vld.idx.msk [tilespmem:v30+s3+$0x0], $0xffff  }
0x23d: {  	v31 =	vadd.s32 v3, v29;
	_ =	sdelay $0x3  }
0x23e: {  	[tilespmem:s20+$0x17BC0] =	vst.add.f32.msk $0xffff, v21  }
0x23f: {  	v21 =	vld.idx.msk [tilespmem:v31+s3+$0x0], $0xffff  }
0x240: {  	v32 =	vadd.s32 v4, v29;
	_ =	sdelay $0x3  }
0x241: {  	[tilespmem:s20+$0x17BD0] =	vst.add.f32.msk $0xffff, v21  }
0x242: {  	v21 =	vld.idx.msk [tilespmem:v32+s3+$0x0], $0xffff  }
0x243: {  	v22 =	vadd.s32 v5, v29;
	_ =	sdelay $0x3  }
0x244: {  	v33 =	vperm.xlane v20, v12;
	[tilespmem:s20+$0x17BE0] =	vst.add.f32.msk $0xffff, v21  }
0x245: {  	v22 =	vld.idx.msk [tilespmem:v22+s3+$0x0], $0xffff  }
0x246: {  	v34 =	vadd.s32 v1, v33;
	_ =	sdelay $0x3  }
0x247: {  	[tilespmem:s20+$0x17BF0] =	vst.add.f32.msk $0xffff, v22  }
0x248: {  	v22 =	vld.idx.msk [tilespmem:v34+s3+$0x0], $0xffff  }
0x249: {  	v35 =	vadd.s32 v3, v33;
	_ =	sdelay $0x3  }
0x24a: {  	[tilespmem:s20+$0x17C00] =	vst.add.f32.msk $0xffff, v22  }
0x24b: {  	v22 =	vld.idx.msk [tilespmem:v35+s3+$0x0], $0xffff  }
0x24c: {  	v36 =	vadd.s32 v4, v33;
	_ =	sdelay $0x3  }
0x24d: {  	[tilespmem:s20+$0x17C10] =	vst.add.f32.msk $0xffff, v22  }
0x24e: {  	v22 =	vld.idx.msk [tilespmem:v36+s3+$0x0], $0xffff  }
0x24f: {  	v21 =	vadd.s32 v5, v33;
	_ =	sdelay $0x3  }
0x250: {  	v37 =	vperm.xlane v20, v13;
	[tilespmem:s20+$0x17C20] =	vst.add.f32.msk $0xffff, v22  }
0x251: {  	v21 =	vld.idx.msk [tilespmem:v21+s3+$0x0], $0xffff  }
0x252: {  	v38 =	vadd.s32 v1, v37;
	_ =	sdelay $0x3  }
0x253: {  	[tilespmem:s20+$0x17C30] =	vst.add.f32.msk $0xffff, v21  }
0x254: {  	v21 =	vld.idx.msk [tilespmem:v38+s3+$0x0], $0xffff  }
0x255: {  	v39 =	vadd.s32 v3, v37;
	_ =	sdelay $0x3  }
0x256: {  	[tilespmem:s20+$0x17C40] =	vst.add.f32.msk $0xffff, v21  }
0x257: {  	v21 =	vld.idx.msk [tilespmem:v39+s3+$0x0], $0xffff  }
0x258: {  	v40 =	vadd.s32 v4, v37;
	_ =	sdelay $0x3  }
0x259: {  	[tilespmem:s20+$0x17C50] =	vst.add.f32.msk $0xffff, v21  }
0x25a: {  	v21 =	vld.idx.msk [tilespmem:v40+s3+$0x0], $0xffff  }
0x25b: {  	v22 =	vadd.s32 v5, v37;
	_ =	sdelay $0x3  }
0x25c: {  	v41 =	vperm.xlane v20, v14;
	[tilespmem:s20+$0x17C60] =	vst.add.f32.msk $0xffff, v21  }
0x25d: {  	v22 =	vld.idx.msk [tilespmem:v22+s3+$0x0], $0xffff  }
0x25e: {  	v42 =	vadd.s32 v1, v41;
	_ =	sdelay $0x3  }
0x25f: {  	[tilespmem:s20+$0x17C70] =	vst.add.f32.msk $0xffff, v22  }
0x260: {  	v22 =	vld.idx.msk [tilespmem:v42+s3+$0x0], $0xffff  }
0x261: {  	v43 =	vadd.s32 v3, v41;
	_ =	sdelay $0x3  }
0x262: {  	[tilespmem:s20+$0x17C80] =	vst.add.f32.msk $0xffff, v22  }
0x263: {  	v22 =	vld.idx.msk [tilespmem:v43+s3+$0x0], $0xffff  }
0x264: {  	v44 =	vadd.s32 v4, v41;
	_ =	sdelay $0x3  }
0x265: {  	[tilespmem:s20+$0x17C90] =	vst.add.f32.msk $0xffff, v22  }
0x266: {  	v22 =	vld.idx.msk [tilespmem:v44+s3+$0x0], $0xffff  }
0x267: {  	v21 =	vadd.s32 v5, v41;
	_ =	sdelay $0x3  }
0x268: {  	v45 =	vperm.xlane v20, v15;
	[tilespmem:s20+$0x17CA0] =	vst.add.f32.msk $0xffff, v22  }
0x269: {  	v21 =	vld.idx.msk [tilespmem:v21+s3+$0x0], $0xffff  }
0x26a: {  	v46 =	vadd.s32 v1, v45;
	_ =	sdelay $0x3  }
0x26b: {  	[tilespmem:s20+$0x17CB0] =	vst.add.f32.msk $0xffff, v21  }
0x26c: {  	v21 =	vld.idx.msk [tilespmem:v46+s3+$0x0], $0xffff  }
0x26d: {  	v47 =	vadd.s32 v3, v45;
	_ =	sdelay $0x3  }
0x26e: {  	[tilespmem:s20+$0x17CC0] =	vst.add.f32.msk $0xffff, v21  }
0x26f: {  	v21 =	vld.idx.msk [tilespmem:v47+s3+$0x0], $0xffff  }
0x270: {  	v48 =	vadd.s32 v4, v45;
	_ =	sdelay $0x3  }
0x271: {  	[tilespmem:s20+$0x17CD0] =	vst.add.f32.msk $0xffff, v21  }
0x272: {  	v21 =	vld.idx.msk [tilespmem:v48+s3+$0x0], $0xffff  }
0x273: {  	v22 =	vadd.s32 v5, v45;
	_ =	sdelay $0x3  }
0x274: {  	v49 =	vperm.xlane v20, v16;
	[tilespmem:s20+$0x17CE0] =	vst.add.f32.msk $0xffff, v21  }
0x275: {  	v22 =	vld.idx.msk [tilespmem:v22+s3+$0x0], $0xffff  }
0x276: {  	v50 =	vadd.s32 v1, v49;
	_ =	sdelay $0x3  }
0x277: {  	[tilespmem:s20+$0x17CF0] =	vst.add.f32.msk $0xffff, v22  }
0x278: {  	v22 =	vld.idx.msk [tilespmem:v50+s3+$0x0], $0xffff  }
0x279: {  	v51 =	vadd.s32 v3, v49;
	_ =	sdelay $0x3  }
0x27a: {  	[tilespmem:s20+$0x17D00] =	vst.add.f32.msk $0xffff, v22  }
0x27b: {  	v22 =	vld.idx.msk [tilespmem:v51+s3+$0x0], $0xffff  }
0x27c: {  	v52 =	vadd.s32 v4, v49;
	_ =	sdelay $0x3  }
0x27d: {  	[tilespmem:s20+$0x17D10] =	vst.add.f32.msk $0xffff, v22  }
0x27e: {  	v22 =	vld.idx.msk [tilespmem:v52+s3+$0x0], $0xffff  }
0x27f: {  	v21 =	vadd.s32 v5, v49;
	_ =	sdelay $0x3  }
0x280: {  	v53 =	vperm.xlane v20, v17;
	[tilespmem:s20+$0x17D20] =	vst.add.f32.msk $0xffff, v22  }
0x281: {  	v21 =	vld.idx.msk [tilespmem:v21+s3+$0x0], $0xffff  }
0x282: {  	v54 =	vadd.s32 v1, v53;
	_ =	sdelay $0x3  }
0x283: {  	[tilespmem:s20+$0x17D30] =	vst.add.f32.msk $0xffff, v21  }
0x284: {  	v21 =	vld.idx.msk [tilespmem:v54+s3+$0x0], $0xffff  }
0x285: {  	v55 =	vadd.s32 v3, v53;
	_ =	sdelay $0x3  }
0x286: {  	[tilespmem:s20+$0x17D40] =	vst.add.f32.msk $0xffff, v21  }
0x287: {  	v21 =	vld.idx.msk [tilespmem:v55+s3+$0x0], $0xffff  }
0x288: {  	v56 =	vadd.s32 v4, v53;
	_ =	sdelay $0x3  }
0x289: {  	[tilespmem:s20+$0x17D50] =	vst.add.f32.msk $0xffff, v21  }
0x28a: {  	v21 =	vld.idx.msk [tilespmem:v56+s3+$0x0], $0xffff  }
0x28b: {  	v22 =	vadd.s32 v5, v53;
	_ =	sdelay $0x3  }
0x28c: {  	v57 =	vperm.xlane v20, v18;
	[tilespmem:s20+$0x17D60] =	vst.add.f32.msk $0xffff, v21  }
0x28d: {  	v22 =	vld.idx.msk [tilespmem:v22+s3+$0x0], $0xffff  }
0x28e: {  	v58 =	vadd.s32 v1, v57;
	_ =	sdelay $0x3  }
0x28f: {  	[tilespmem:s20+$0x17D70] =	vst.add.f32.msk $0xffff, v22  }
0x290: {  	v22 =	vld.idx.msk [tilespmem:v58+s3+$0x0], $0xffff  }
0x291: {  	v59 =	vadd.s32 v3, v57;
	_ =	sdelay $0x3  }
0x292: {  	[tilespmem:s20+$0x17D80] =	vst.add.f32.msk $0xffff, v22  }
0x293: {  	v22 =	vld.idx.msk [tilespmem:v59+s3+$0x0], $0xffff  }
0x294: {  	v60 =	vadd.s32 v4, v57;
	_ =	sdelay $0x3  }
0x295: {  	[tilespmem:s20+$0x17D90] =	vst.add.f32.msk $0xffff, v22  }
0x296: {  	v22 =	vld.idx.msk [tilespmem:v60+s3+$0x0], $0xffff  }
0x297: {  	v21 =	vadd.s32 v5, v57;
	_ =	sdelay $0x3  }
0x298: {  	v20 =	vperm.xlane v20, v19;
	[tilespmem:s20+$0x17DA0] =	vst.add.f32.msk $0xffff, v22  }
0x299: {  	v21 =	vld.idx.msk [tilespmem:v21+s3+$0x0], $0xffff  }
0x29a: {  	v61 =	vadd.s32 v1, v20;
	_ =	sdelay $0x3  }
0x29b: {  	[tilespmem:s20+$0x17DB0] =	vst.add.f32.msk $0xffff, v21  }
0x29c: {  	v21 =	vld.idx.msk [tilespmem:v61+s3+$0x0], $0xffff  }
0x29d: {  	v62 =	vadd.s32 v3, v20;
	_ =	sdelay $0x3  }
0x29e: {  	[tilespmem:s20+$0x17DC0] =	vst.add.f32.msk $0xffff, v21  }
0x29f: {  	v21 =	vld.idx.msk [tilespmem:v62+s3+$0x0], $0xffff  }
0x2a0: {  	v63 =	vadd.s32 v4, v20;
	_ =	sdelay $0x3  }
0x2a1: {  	[tilespmem:s20+$0x17DD0] =	vst.add.f32.msk $0xffff, v21  }
0x2a2: {  	v21 =	vld.idx.msk [tilespmem:v63+s3+$0x0], $0xffff  }
0x2a3: {  	v20 =	vadd.s32 v5, v20;
	_ =	sdelay $0x3  }
0x2a4: {  	[tilespmem:s20+$0x17DE0] =	vst.add.f32.msk $0xffff, v21  }
0x2a5: {  	p0 =	sne.s32 s11, $0xF000;
	v20 =	vld.idx.msk [tilespmem:v20+s3+$0x0], $0xffff  }
.Ltmp4:
0x2a6: {  	_ = 	snop;
	(pc) =	sbr.rel @p0 .LBB2_7-.Ltmp4, $2  }
0x2a7: {  	_ =	sdelay $0x2  }
0x2a8: {  	s12 =	sadd.s32 $0x10, s12;
	s11 =	sadd.s32 $0x1000, s11;
	[tilespmem:s20+$0x17DF0] =	vst.add.f32.msk $0xffff, v20  }
0x2a9: {  	s10 =	sshll.u32 s10, $0xE  }
0x2aa: {  	s10 =	sadd.s32 s9, s10  }
0x2ab: {  	s10 =	sshrl.u32 s10, $0x3  }
0x2ac: {  	p0 =	seq.s32 s16, $0x63;
	s10 =	sadd.s32 s7, s10  }
0x2ad: {  	[hbm4b:s10+s3] =	stream.linear.scatter [tilespmem:s25], [sflag:$0xB], $0x4000, $0x38;
	[tilespmem:$0x1FE00] =	vst v63  }
0x2ae: {  	s12 =	simm.s32 @!p0 $0x0;
	s10 =	sshll.u32 @!p0 s16, $0xA  }
0x2af: {  	s20 =	simm.s32 @!p0 $0x1FA00;
	_ =	swait.ge [sflag:s2], $0x4000;
	s10 =	sadd.s32 @!p0 s10, s14  }
0x2b0: {  	[sflag:s2] =	ssyncset.done $0x0;
	s11 =	sshrl.u32 @!p0 s10, $0x3;
	s10 =	sshll.u32 @!p0 s10, $0x3  }
0x2b1: {  	[sflag:s2] =	ssyncadd.s32 $0xFFFFC000;
	s11 =	sadd.s32 @!p0 s4, s11;
	s10 =	sand.u32 @!p0 $0x1FFFE000, s10  }
0x2b2: {  	[tilespmem:s20], [sflag:$0x5] =	stream.linear.gather @!p0 [hbm4b:s11+s12], $0x100, $0x38;
	[tilespmem:$0x1FE00] =	vst v63  }
0x2b3: {  	s10 =	sadd.s32 @!p0 s1, s10;
	s11 =	simm.s32 @!p0 $0xFA00  }
0x2b4: {  	[tilespmem:s11], [sflag:$0x1] =	stream.linear.gather @!p0 [hbm4b:s10+s12], $0x4000, $0x38;
	[tilespmem:$0x1FE00] =	vst v63  }
0x2b5: {  	_ =	swait.ge [sflag:s18], $0x100  }
0x2b6: {  	[sflag:s18] =	ssyncset.done $0x0  }
0x2b7: {  	[sflag:s18] =	ssyncadd.s32 $0xFFFFFF00  }
0x2b8: {  	_ =	swait.ge [sflag:s6], $0x4000  }
0x2b9: {  	[sflag:s6] =	ssyncset.done $0x0  }
0x2ba: {  	s10 =	simm.s32 $0x0;
	s11 =	simm.s32 $0x1FD00;
	[sflag:s6] =	ssyncadd.s32 $0xFFFFC000  }
.LBB2_9:
0x2bb: {  	v20 =	vld [tilespmem:s11+$0x0];
	_ =	sdelay $0x4  }
0x2bc: {  	v20 =	vshll.u32 v20, $0x6  }
0x2bd: {  	v21 =	vperm.xlane v20, v2;
	_ =	sdelay $0x1  }
0x2be: {  	v22 =	vadd.s32 v1, v21;
	_ =	sdelay $0x4  }
0x2bf: {  	v22 =	vld.idx.msk [tilespmem:v22+s3+$0x0], $0xffff  }
0x2c0: {  	v23 =	vadd.s32 v3, v21;
	_ =	sdelay $0x2  }
0x2c1: {  	s12 =	sshra.s32 s10, $0x2  }
0x2c2: {  	[tilespmem:s12+$0x1BA00] =	vst.add.f32.msk $0xffff, v22  }
0x2c3: {  	v22 =	vld.idx.msk [tilespmem:v23+s3+$0x0], $0xffff  }
0x2c4: {  	v44 =	vadd.s32 v4, v21;
	_ =	sdelay $0x3  }
0x2c5: {  	[tilespmem:s12+$0x1BA10] =	vst.add.f32.msk $0xffff, v22  }
0x2c6: {  	v22 =	vld.idx.msk [tilespmem:v44+s3+$0x0], $0xffff  }
0x2c7: {  	v21 =	vadd.s32 v5, v21;
	_ =	sdelay $0x3  }
0x2c8: {  	v45 =	vperm.xlane v20, v6;
	[tilespmem:s12+$0x1BA20] =	vst.add.f32.msk $0xffff, v22  }
0x2c9: {  	v21 =	vld.idx.msk [tilespmem:v21+s3+$0x0], $0xffff  }
0x2ca: {  	v46 =	vadd.s32 v1, v45;
	_ =	sdelay $0x3  }
0x2cb: {  	[tilespmem:s12+$0x1BA30] =	vst.add.f32.msk $0xffff, v21  }
0x2cc: {  	v21 =	vld.idx.msk [tilespmem:v46+s3+$0x0], $0xffff  }
0x2cd: {  	v47 =	vadd.s32 v3, v45;
	_ =	sdelay $0x3  }
0x2ce: {  	[tilespmem:s12+$0x1BA40] =	vst.add.f32.msk $0xffff, v21  }
0x2cf: {  	v21 =	vld.idx.msk [tilespmem:v47+s3+$0x0], $0xffff  }
0x2d0: {  	v48 =	vadd.s32 v4, v45;
	_ =	sdelay $0x3  }
0x2d1: {  	[tilespmem:s12+$0x1BA50] =	vst.add.f32.msk $0xffff, v21  }
0x2d2: {  	v21 =	vld.idx.msk [tilespmem:v48+s3+$0x0], $0xffff  }
0x2d3: {  	v22 =	vadd.s32 v5, v45;
	_ =	sdelay $0x3  }
0x2d4: {  	v49 =	vperm.xlane v20, v7;
	[tilespmem:s12+$0x1BA60] =	vst.add.f32.msk $0xffff, v21  }
0x2d5: {  	v22 =	vld.idx.msk [tilespmem:v22+s3+$0x0], $0xffff  }
0x2d6: {  	v50 =	vadd.s32 v1, v49;
	_ =	sdelay $0x3  }
0x2d7: {  	[tilespmem:s12+$0x1BA70] =	vst.add.f32.msk $0xffff, v22  }
0x2d8: {  	v22 =	vld.idx.msk [tilespmem:v50+s3+$0x0], $0xffff  }
0x2d9: {  	v51 =	vadd.s32 v3, v49;
	_ =	sdelay $0x3  }
0x2da: {  	[tilespmem:s12+$0x1BA80] =	vst.add.f32.msk $0xffff, v22  }
0x2db: {  	v22 =	vld.idx.msk [tilespmem:v51+s3+$0x0], $0xffff  }
0x2dc: {  	v52 =	vadd.s32 v4, v49;
	_ =	sdelay $0x3  }
0x2dd: {  	[tilespmem:s12+$0x1BA90] =	vst.add.f32.msk $0xffff, v22  }
0x2de: {  	v22 =	vld.idx.msk [tilespmem:v52+s3+$0x0], $0xffff  }
0x2df: {  	v21 =	vadd.s32 v5, v49;
	_ =	sdelay $0x3  }
0x2e0: {  	v53 =	vperm.xlane v20, v8;
	[tilespmem:s12+$0x1BAA0] =	vst.add.f32.msk $0xffff, v22  }
0x2e1: {  	v21 =	vld.idx.msk [tilespmem:v21+s3+$0x0], $0xffff  }
0x2e2: {  	v54 =	vadd.s32 v1, v53;
	_ =	sdelay $0x3  }
0x2e3: {  	[tilespmem:s12+$0x1BAB0] =	vst.add.f32.msk $0xffff, v21  }
0x2e4: {  	v21 =	vld.idx.msk [tilespmem:v54+s3+$0x0], $0xffff  }
0x2e5: {  	v55 =	vadd.s32 v3, v53;
	_ =	sdelay $0x3  }
0x2e6: {  	[tilespmem:s12+$0x1BAC0] =	vst.add.f32.msk $0xffff, v21  }
0x2e7: {  	v21 =	vld.idx.msk [tilespmem:v55+s3+$0x0], $0xffff  }
0x2e8: {  	v56 =	vadd.s32 v4, v53;
	_ =	sdelay $0x3  }
0x2e9: {  	[tilespmem:s12+$0x1BAD0] =	vst.add.f32.msk $0xffff, v21  }
0x2ea: {  	v21 =	vld.idx.msk [tilespmem:v56+s3+$0x0], $0xffff  }
0x2eb: {  	v22 =	vadd.s32 v5, v53;
	_ =	sdelay $0x3  }
0x2ec: {  	v57 =	vperm.xlane v20, v9;
	[tilespmem:s12+$0x1BAE0] =	vst.add.f32.msk $0xffff, v21  }
0x2ed: {  	v22 =	vld.idx.msk [tilespmem:v22+s3+$0x0], $0xffff  }
0x2ee: {  	v58 =	vadd.s32 v1, v57;
	_ =	sdelay $0x3  }
0x2ef: {  	[tilespmem:s12+$0x1BAF0] =	vst.add.f32.msk $0xffff, v22  }
0x2f0: {  	v22 =	vld.idx.msk [tilespmem:v58+s3+$0x0], $0xffff  }
0x2f1: {  	v59 =	vadd.s32 v3, v57;
	_ =	sdelay $0x3  }
0x2f2: {  	[tilespmem:s12+$0x1BB00] =	vst.add.f32.msk $0xffff, v22  }
0x2f3: {  	v22 =	vld.idx.msk [tilespmem:v59+s3+$0x0], $0xffff  }
0x2f4: {  	v60 =	vadd.s32 v4, v57;
	_ =	sdelay $0x3  }
0x2f5: {  	[tilespmem:s12+$0x1BB10] =	vst.add.f32.msk $0xffff, v22  }
0x2f6: {  	v22 =	vld.idx.msk [tilespmem:v60+s3+$0x0], $0xffff  }
0x2f7: {  	v21 =	vadd.s32 v5, v57;
	_ =	sdelay $0x3  }
0x2f8: {  	v61 =	vperm.xlane v20, v10;
	[tilespmem:s12+$0x1BB20] =	vst.add.f32.msk $0xffff, v22  }
0x2f9: {  	v21 =	vld.idx.msk [tilespmem:v21+s3+$0x0], $0xffff  }
0x2fa: {  	v62 =	vadd.s32 v1, v61;
	_ =	sdelay $0x3  }
0x2fb: {  	[tilespmem:s12+$0x1BB30] =	vst.add.f32.msk $0xffff, v21  }
0x2fc: {  	v21 =	vld.idx.msk [tilespmem:v62+s3+$0x0], $0xffff  }
0x2fd: {  	v63 =	vadd.s32 v3, v61;
	_ =	sdelay $0x3  }
0x2fe: {  	[tilespmem:s12+$0x1BB40] =	vst.add.f32.msk $0xffff, v21  }
0x2ff: {  	v21 =	vld.idx.msk [tilespmem:v63+s3+$0x0], $0xffff  }
0x300: {  	v24 =	vadd.s32 v4, v61;
	_ =	sdelay $0x3  }
0x301: {  	[tilespmem:s12+$0x1BB50] =	vst.add.f32.msk $0xffff, v21  }
0x302: {  	v21 =	vld.idx.msk [tilespmem:v24+s3+$0x0], $0xffff  }
0x303: {  	v22 =	vadd.s32 v5, v61;
	_ =	sdelay $0x3  }
0x304: {  	v25 =	vperm.xlane v20, v0;
	[tilespmem:s12+$0x1BB60] =	vst.add.f32.msk $0xffff, v21  }
0x305: {  	v22 =	vld.idx.msk [tilespmem:v22+s3+$0x0], $0xffff  }
0x306: {  	v26 =	vadd.s32 v1, v25;
	_ =	sdelay $0x3  }
0x307: {  	[tilespmem:s12+$0x1BB70] =	vst.add.f32.msk $0xffff, v22  }
0x308: {  	v22 =	vld.idx.msk [tilespmem:v26+s3+$0x0], $0xffff  }
0x309: {  	v27 =	vadd.s32 v3, v25;
	_ =	sdelay $0x3  }
0x30a: {  	[tilespmem:s12+$0x1BB80] =	vst.add.f32.msk $0xffff, v22  }
0x30b: {  	v22 =	vld.idx.msk [tilespmem:v27+s3+$0x0], $0xffff  }
0x30c: {  	v28 =	vadd.s32 v4, v25;
	_ =	sdelay $0x3  }
0x30d: {  	[tilespmem:s12+$0x1BB90] =	vst.add.f32.msk $0xffff, v22  }
0x30e: {  	v22 =	vld.idx.msk [tilespmem:v28+s3+$0x0], $0xffff  }
0x30f: {  	v21 =	vadd.s32 v5, v25;
	_ =	sdelay $0x3  }
0x310: {  	v29 =	vperm.xlane v20, v11;
	[tilespmem:s12+$0x1BBA0] =	vst.add.f32.msk $0xffff, v22  }
0x311: {  	v21 =	vld.idx.msk [tilespmem:v21+s3+$0x0], $0xffff  }
0x312: {  	v30 =	vadd.s32 v1, v29;
	_ =	sdelay $0x3  }
0x313: {  	[tilespmem:s12+$0x1BBB0] =	vst.add.f32.msk $0xffff, v21  }
0x314: {  	v21 =	vld.idx.msk [tilespmem:v30+s3+$0x0], $0xffff  }
0x315: {  	v31 =	vadd.s32 v3, v29;
	_ =	sdelay $0x3  }
0x316: {  	[tilespmem:s12+$0x1BBC0] =	vst.add.f32.msk $0xffff, v21  }
0x317: {  	v21 =	vld.idx.msk [tilespmem:v31+s3+$0x0], $0xffff  }
0x318: {  	v32 =	vadd.s32 v4, v29;
	_ =	sdelay $0x3  }
0x319: {  	[tilespmem:s12+$0x1BBD0] =	vst.add.f32.msk $0xffff, v21  }
0x31a: {  	v21 =	vld.idx.msk [tilespmem:v32+s3+$0x0], $0xffff  }
0x31b: {  	v22 =	vadd.s32 v5, v29;
	_ =	sdelay $0x3  }
0x31c: {  	v33 =	vperm.xlane v20, v12;
	[tilespmem:s12+$0x1BBE0] =	vst.add.f32.msk $0xffff, v21  }
0x31d: {  	v22 =	vld.idx.msk [tilespmem:v22+s3+$0x0], $0xffff  }
0x31e: {  	v34 =	vadd.s32 v1, v33;
	_ =	sdelay $0x3  }
0x31f: {  	[tilespmem:s12+$0x1BBF0] =	vst.add.f32.msk $0xffff, v22  }
0x320: {  	v22 =	vld.idx.msk [tilespmem:v34+s3+$0x0], $0xffff  }
0x321: {  	v35 =	vadd.s32 v3, v33;
	_ =	sdelay $0x3  }
0x322: {  	[tilespmem:s12+$0x1BC00] =	vst.add.f32.msk $0xffff, v22  }
0x323: {  	v22 =	vld.idx.msk [tilespmem:v35+s3+$0x0], $0xffff  }
0x324: {  	v36 =	vadd.s32 v4, v33;
	_ =	sdelay $0x3  }
0x325: {  	[tilespmem:s12+$0x1BC10] =	vst.add.f32.msk $0xffff, v22  }
0x326: {  	v22 =	vld.idx.msk [tilespmem:v36+s3+$0x0], $0xffff  }
0x327: {  	v21 =	vadd.s32 v5, v33;
	_ =	sdelay $0x3  }
0x328: {  	v37 =	vperm.xlane v20, v13;
	[tilespmem:s12+$0x1BC20] =	vst.add.f32.msk $0xffff, v22  }
0x329: {  	v21 =	vld.idx.msk [tilespmem:v21+s3+$0x0], $0xffff  }
0x32a: {  	v38 =	vadd.s32 v1, v37;
	_ =	sdelay $0x3  }
0x32b: {  	[tilespmem:s12+$0x1BC30] =	vst.add.f32.msk $0xffff, v21  }
0x32c: {  	v21 =	vld.idx.msk [tilespmem:v38+s3+$0x0], $0xffff  }
0x32d: {  	v39 =	vadd.s32 v3, v37;
	_ =	sdelay $0x3  }
0x32e: {  	[tilespmem:s12+$0x1BC40] =	vst.add.f32.msk $0xffff, v21  }
0x32f: {  	v21 =	vld.idx.msk [tilespmem:v39+s3+$0x0], $0xffff  }
0x330: {  	v40 =	vadd.s32 v4, v37;
	_ =	sdelay $0x3  }
0x331: {  	[tilespmem:s12+$0x1BC50] =	vst.add.f32.msk $0xffff, v21  }
0x332: {  	v21 =	vld.idx.msk [tilespmem:v40+s3+$0x0], $0xffff  }
0x333: {  	v22 =	vadd.s32 v5, v37;
	_ =	sdelay $0x3  }
0x334: {  	v41 =	vperm.xlane v20, v14;
	[tilespmem:s12+$0x1BC60] =	vst.add.f32.msk $0xffff, v21  }
0x335: {  	v22 =	vld.idx.msk [tilespmem:v22+s3+$0x0], $0xffff  }
0x336: {  	v42 =	vadd.s32 v1, v41;
	_ =	sdelay $0x3  }
0x337: {  	[tilespmem:s12+$0x1BC70] =	vst.add.f32.msk $0xffff, v22  }
0x338: {  	v22 =	vld.idx.msk [tilespmem:v42+s3+$0x0], $0xffff  }
0x339: {  	v43 =	vadd.s32 v3, v41;
	_ =	sdelay $0x3  }
0x33a: {  	[tilespmem:s12+$0x1BC80] =	vst.add.f32.msk $0xffff, v22  }
0x33b: {  	v22 =	vld.idx.msk [tilespmem:v43+s3+$0x0], $0xffff  }
0x33c: {  	v44 =	vadd.s32 v4, v41;
	_ =	sdelay $0x3  }
0x33d: {  	[tilespmem:s12+$0x1BC90] =	vst.add.f32.msk $0xffff, v22  }
0x33e: {  	v22 =	vld.idx.msk [tilespmem:v44+s3+$0x0], $0xffff  }
0x33f: {  	v21 =	vadd.s32 v5, v41;
	_ =	sdelay $0x3  }
0x340: {  	v45 =	vperm.xlane v20, v15;
	[tilespmem:s12+$0x1BCA0] =	vst.add.f32.msk $0xffff, v22  }
0x341: {  	v21 =	vld.idx.msk [tilespmem:v21+s3+$0x0], $0xffff  }
0x342: {  	v46 =	vadd.s32 v1, v45;
	_ =	sdelay $0x3  }
0x343: {  	[tilespmem:s12+$0x1BCB0] =	vst.add.f32.msk $0xffff, v21  }
0x344: {  	v21 =	vld.idx.msk [tilespmem:v46+s3+$0x0], $0xffff  }
0x345: {  	v47 =	vadd.s32 v3, v45;
	_ =	sdelay $0x3  }
0x346: {  	[tilespmem:s12+$0x1BCC0] =	vst.add.f32.msk $0xffff, v21  }
0x347: {  	v21 =	vld.idx.msk [tilespmem:v47+s3+$0x0], $0xffff  }
0x348: {  	v48 =	vadd.s32 v4, v45;
	_ =	sdelay $0x3  }
0x349: {  	[tilespmem:s12+$0x1BCD0] =	vst.add.f32.msk $0xffff, v21  }
0x34a: {  	v21 =	vld.idx.msk [tilespmem:v48+s3+$0x0], $0xffff  }
0x34b: {  	v22 =	vadd.s32 v5, v45;
	_ =	sdelay $0x3  }
0x34c: {  	v49 =	vperm.xlane v20, v16;
	[tilespmem:s12+$0x1BCE0] =	vst.add.f32.msk $0xffff, v21  }
0x34d: {  	v22 =	vld.idx.msk [tilespmem:v22+s3+$0x0], $0xffff  }
0x34e: {  	v50 =	vadd.s32 v1, v49;
	_ =	sdelay $0x3  }
0x34f: {  	[tilespmem:s12+$0x1BCF0] =	vst.add.f32.msk $0xffff, v22  }
0x350: {  	v22 =	vld.idx.msk [tilespmem:v50+s3+$0x0], $0xffff  }
0x351: {  	v51 =	vadd.s32 v3, v49;
	_ =	sdelay $0x3  }
0x352: {  	[tilespmem:s12+$0x1BD00] =	vst.add.f32.msk $0xffff, v22  }
0x353: {  	v22 =	vld.idx.msk [tilespmem:v51+s3+$0x0], $0xffff  }
0x354: {  	v52 =	vadd.s32 v4, v49;
	_ =	sdelay $0x3  }
0x355: {  	[tilespmem:s12+$0x1BD10] =	vst.add.f32.msk $0xffff, v22  }
0x356: {  	v22 =	vld.idx.msk [tilespmem:v52+s3+$0x0], $0xffff  }
0x357: {  	v21 =	vadd.s32 v5, v49;
	_ =	sdelay $0x3  }
0x358: {  	v53 =	vperm.xlane v20, v17;
	[tilespmem:s12+$0x1BD20] =	vst.add.f32.msk $0xffff, v22  }
0x359: {  	v21 =	vld.idx.msk [tilespmem:v21+s3+$0x0], $0xffff  }
0x35a: {  	v54 =	vadd.s32 v1, v53;
	_ =	sdelay $0x3  }
0x35b: {  	[tilespmem:s12+$0x1BD30] =	vst.add.f32.msk $0xffff, v21  }
0x35c: {  	v21 =	vld.idx.msk [tilespmem:v54+s3+$0x0], $0xffff  }
0x35d: {  	v55 =	vadd.s32 v3, v53;
	_ =	sdelay $0x3  }
0x35e: {  	[tilespmem:s12+$0x1BD40] =	vst.add.f32.msk $0xffff, v21  }
0x35f: {  	v21 =	vld.idx.msk [tilespmem:v55+s3+$0x0], $0xffff  }
0x360: {  	v56 =	vadd.s32 v4, v53;
	_ =	sdelay $0x3  }
0x361: {  	[tilespmem:s12+$0x1BD50] =	vst.add.f32.msk $0xffff, v21  }
0x362: {  	v21 =	vld.idx.msk [tilespmem:v56+s3+$0x0], $0xffff  }
0x363: {  	v22 =	vadd.s32 v5, v53;
	_ =	sdelay $0x3  }
0x364: {  	v57 =	vperm.xlane v20, v18;
	[tilespmem:s12+$0x1BD60] =	vst.add.f32.msk $0xffff, v21  }
0x365: {  	v22 =	vld.idx.msk [tilespmem:v22+s3+$0x0], $0xffff  }
0x366: {  	v58 =	vadd.s32 v1, v57;
	_ =	sdelay $0x3  }
0x367: {  	[tilespmem:s12+$0x1BD70] =	vst.add.f32.msk $0xffff, v22  }
0x368: {  	v22 =	vld.idx.msk [tilespmem:v58+s3+$0x0], $0xffff  }
0x369: {  	v59 =	vadd.s32 v3, v57;
	_ =	sdelay $0x3  }
0x36a: {  	[tilespmem:s12+$0x1BD80] =	vst.add.f32.msk $0xffff, v22  }
0x36b: {  	v22 =	vld.idx.msk [tilespmem:v59+s3+$0x0], $0xffff  }
0x36c: {  	v60 =	vadd.s32 v4, v57;
	_ =	sdelay $0x3  }
0x36d: {  	[tilespmem:s12+$0x1BD90] =	vst.add.f32.msk $0xffff, v22  }
0x36e: {  	v22 =	vld.idx.msk [tilespmem:v60+s3+$0x0], $0xffff  }
0x36f: {  	v21 =	vadd.s32 v5, v57;
	_ =	sdelay $0x3  }
0x370: {  	v20 =	vperm.xlane v20, v19;
	[tilespmem:s12+$0x1BDA0] =	vst.add.f32.msk $0xffff, v22  }
0x371: {  	v21 =	vld.idx.msk [tilespmem:v21+s3+$0x0], $0xffff  }
0x372: {  	v61 =	vadd.s32 v1, v20;
	_ =	sdelay $0x3  }
0x373: {  	[tilespmem:s12+$0x1BDB0] =	vst.add.f32.msk $0xffff, v21  }
0x374: {  	v21 =	vld.idx.msk [tilespmem:v61+s3+$0x0], $0xffff  }
0x375: {  	v62 =	vadd.s32 v3, v20;
	_ =	sdelay $0x3  }
0x376: {  	[tilespmem:s12+$0x1BDC0] =	vst.add.f32.msk $0xffff, v21  }
0x377: {  	v21 =	vld.idx.msk [tilespmem:v62+s3+$0x0], $0xffff  }
0x378: {  	v63 =	vadd.s32 v4, v20;
	_ =	sdelay $0x3  }
0x379: {  	[tilespmem:s12+$0x1BDD0] =	vst.add.f32.msk $0xffff, v21  }
0x37a: {  	v21 =	vld.idx.msk [tilespmem:v63+s3+$0x0], $0xffff  }
0x37b: {  	v20 =	vadd.s32 v5, v20;
	_ =	sdelay $0x3  }
0x37c: {  	[tilespmem:s12+$0x1BDE0] =	vst.add.f32.msk $0xffff, v21  }
0x37d: {  	p1 =	sne.s32 s10, $0xF000;
	v20 =	vld.idx.msk [tilespmem:v20+s3+$0x0], $0xffff  }
.Ltmp5:
0x37e: {  	_ = 	snop;
	(pc) =	sbr.rel @p1 .LBB2_9-.Ltmp5, $2  }
0x37f: {  	_ =	sdelay $0x2  }
0x380: {  	s11 =	sadd.s32 $0x10, s11;
	s10 =	sadd.s32 $0x1000, s10;
	[tilespmem:s12+$0x1BDF0] =	vst.add.f32.msk $0xffff, v20  }
0x381: {  	s10 =	sshll.u32 s17, $0xE  }
0x382: {  	s10 =	sadd.s32 s9, s10  }
0x383: {  	s10 =	sshrl.u32 s10, $0x3  }
.Ltmp6:
0x384: {  	s10 =	sadd.s32 s7, s10;
	(pc) =	sbr.rel @p0 .LBB2_12-.Ltmp6, $4  }
0x385: {  	[hbm4b:s10+s3] =	stream.linear.scatter [tilespmem:s30], [sflag:$0xC], $0x4000, $0x38;
	[tilespmem:$0x1FE00] =	vst v63  }
0x386: {  	_ =	swait.ge [sflag:s8], $0x4000  }
0x387: {  	[sflag:s8] =	ssyncset.done $0x0  }
0x388: {  	[sflag:s8] =	ssyncadd.s32 $0xFFFFC000  }
0x389: {  	s10 =	sshll.u32 s16, $0xA  }
0x38a: {  	s10 =	sadd.s32 s10, s15  }
.Ltmp7:
0x38b: {  	s11 =	sshrl.u32 s10, $0x3;
	s10 =	sshll.u32 s10, $0x3;
	(pc) =	sbr.rel .LBB2_2-.Ltmp7, $4  }
0x38c: {  	s12 =	simm.s32 $0x1FB00;
	s11 =	sadd.s32 s4, s11;
	s10 =	sand.u32 $0x1FFFE800, s10  }
0x38d: {  	[tilespmem:s12], [sflag:$0x6] =	stream.linear.gather [hbm4b:s11+s3], $0x100, $0x38;
	[tilespmem:$0x1FE00] =	vst v63  }
0x38e: {  	s16 =	sadd.s32 $0x1, s16;
	s10 =	sadd.s32 s1, s10  }
0x38f: {  	[tilespmem:s21], [sflag:$0x2] =	stream.linear.gather [hbm4b:s10+s3], $0x4000, $0x38;
	[tilespmem:$0x1FE00] =	vst v63  }
.LBB2_13:
0x390: {  	_ =	sfence.sel $0x180000  }
0x391: {  	[bflag:$0x0] =	sbarrier.arrive $0xFFFF  }
0x392: {  	_ =	strace $0x90000047  }
0x393: {  	s0 =	stileid.u32;
	[bflag:$0x2] =	sbarrier.arrive $0xFFFF  }
0x394: {  	p0 =	sne.s32 s0, $0x0;
	s0 =	rddreg [dreg:$0x2]  }
0x395: {  	s0 =	sadd.s32 @!p0 $0x100000, s0  }
0x396: {  	[sflag:s0] =	ssyncadd.tile.s32 @!p0 $0x1;
	_ =	shalt  }
.Lfunc_end2:
_tile_overlayer_lowered:
.L_overlay_start_2:
0x397: {  	(tag) =	ssettag $0x2  }
0x398: {  	s0 =	rddreg [dreg:$0x0];
	s2 =	stileid.u32  }
0x399: {  	s1 =	rddreg [dreg:$0x1];
	p0 =	sne.s32 s2, $0x0  }
0x39a: {  	s3 =	rddreg [dreg:$0x2];
	[bflag:$0x3] =	sbarrier.arrive $0xFFFF;
	s2 =	simm.s32 @!p0 $0x1C0D  }
0x39b: {  	[timem:s3], [sflag:s2] =	dma.local @!p0 [hbm:s0], s1  }
0x39c: {  	s0 =	simm.s32 @!p0 $0xD  }
0x39d: {  	_ =	swait.ge @!p0 [sflag:s0], s1  }
0x39e: {  	s1 =	ssub.s32 @!p0 $0x0, s1;
	[sflag:s0] =	ssyncset.done @!p0 $0x0  }
0x39f: {  	[sflag:s0] =	ssyncadd.s32 @!p0 s1  }
0x3a0: {  	[bflag:$0x3] =	sbarrier.arrive $0xFFFF  }
0x3a1: {  	_ =	shalt  }

// kernel: sparse-core-data-format-call.cloned.1.call-start
scs
called_computation_lowered:
.L_overlay_start_0:
0x0: {  	s2 =	sld [smem:$0x3FD9]  }
0x1: {  	s3 =	sld [smem:$0x3FFE];
	_ =	sdelay $0x1  }
0x2: {  	s1 =	srdreg.scid  }
0x3: {  	s0 =	sand.u32 $0x1, s1  }
0x4: {  	s18 =	sshll.u32 s0, $0xA;
	s2 =	sadd.s32 s3, s2  }
0x5: {  	s2 =	sadd.s32 s2, s18  }
0x6: {  	[smem:$0x3FC5] =	sst s2  }
0x7: {  	_ = 	snop  }
0x8: {  	s2 =	sld [smem:$0x3FD0];
	(tm) =	ssettm $0x1  }
0x9: {  	s19 =	sld [smem:$0x3FFB];
	_ =	sdelay $0x3  }
0xa: {  	_ =	strace s19  }
0xb: {  	s3 =	sld [smem:$0x3FFC];
	_ =	sdelay $0x3  }
0xc: {  	_ =	strace s3  }
0xd: {  	s3 =	sld [smem:$0x3FFD];
	_ =	sdelay $0x3  }
0xe: {  	_ =	strace s3  }
0xf: {  	_ =	strace $0x8FFFFFFF  }
0x10: {  	s20 =	sld [smem:$0x3FDB];
	_ =	sdelay $0x1  }
0x11: {  	s4 =	simm.s32 $_scs_section_size  }
0x12: {  	s5 =	simm.s32 $_size__tile_overlayer_lowered;
	s6 =	simm.s32 $_tile_overlayer_lowered  }
0x13: {  	s23 =	simm.s32 $0x1BFF;
	s22 =	sshll.u32 s6, $0x1;
	s3 =	sadd.s32 s4, s20  }
0x14: {  	s7 =	simm.s32 $0x0;
	s21 =	sshll.u32 s5, $0x1;
	s5 =	sadd.s32 s22, s3  }
0x15: {  	[timem:s7], [sflag:s23] =	dma.local [hbm:s5], s21  }
0x16: {  	_ =	swait.ge [sflag:s23], s21  }
0x17: {  	s4 =	ssub.s32 $0x0, s21;
	[sflag:s23] =	ssyncset.done $0x0  }
0x18: {  	[sflag:s23] =	ssyncadd.s32 s4;
	_ =	sdelay $0x1  }
0x19: {  	s24 =	simm.s32 $0x1B8B  }
0x1a: {  	_ =	swait.ge [sflag:s24], $0x1  }
0x1b: {  	[sflag:s24] =	ssyncset.done $0x0  }
0x1c: {  	s26 =	simm.s32 $0x1B8E;
	s25 =	sld [smem:$0x3FFE];
	[sflag:s24] =	ssyncadd.s32 $0xFFFFFFFF  }
0x1d: {  	s27 =	simm.s32 $execute0_lowered;
	[smem:$0x3FD2] =	sst s26  }
0x1e: {  	s5 =	sshll.u32 s27, $0x1;
	_ =	strace $0x80000049;
	[dreg:$0x1] =	wrdreg $0xFFFFFFFF  }
0x1f: {  	s28 =	simm.s32 $_size_execute0_lowered;
	s3 =	sadd.s32 s3, s5;
	[dreg:$0x0] =	wrdreg $0x0  }
0x20: {  	s5 =	sshll.u32 s28, $0x1;
	[dreg:$0x2] =	wrdreg s3  }
0x21: {  	[dreg:$0x3] =	wrdreg s5  }
0x22: {  	[dreg:$0x4] =	wrdreg $0xC0  }
0x23: {  	_ =	task [dreg:s7], $0x5FFFF  }
0x24: {  	[dreg:$0x1] =	wrdreg $0xFFFFFFFF  }
0x25: {  	[dreg:$0x0] =	wrdreg $0x60  }
0x26: {  	[dreg:$0x2] =	wrdreg s25  }
0x27: {  	[dreg:$0x3] =	wrdreg s2  }
0x28: {  	[dreg:$0x4] =	wrdreg $0x9  }
0x29: {  	_ =	task.clear_ibuf [dreg:s7], $0x5FFFF;
	_ =	strace $0x90000049  }
0x2a: {  	s29 =	simm.s32 $0x9;
	_ =	strace $0x8000004B  }
0x2b: {  	_ =	swait.ge [sflag:s29], $0x1  }
0x2c: {  	[sflag:s29] =	ssyncadd.s32 $0xFFFFFFFF  }
0x2d: {  	_ =	strace $0x9000004B  }
0x2e: {  	_ =	sfence  }
0x2f: {  	s30 =	sld [smem:$0x0];
	_ =	sdelay $0x2  }
0x30: {  	s31 =	sshll.u32 s1, $0xD;
	s1 =	sshrl.u32 s1, $0x2  }
0x31: {  	s3 =	sand.u32 $0x4000, s31;
	s1 =	sadd.s32 s1, s30  }
0x32: {  	s0 =	sor.u32 s3, s0;
	s1 =	sshll.u32 s1, $0x11  }
0x33: {  	s0 =	sor.u32 s1, s0  }
0x34: {  	s0 =	sadd.s32 $0x8F2B, s0  }
0x35: {  	[sflag:s0] =	ssyncadd.remote.s32 $0x1  }
0x36: {  	_ =	sfence.sel $0xFFFF  }
0x37: {  	[dreg:$0x0] =	wrdreg $0xFFFFFFFF;
	(pc) =	sbr.abs _section_cstart, $3  }
0x38: {  	[dreg:$0x1] =	wrdreg $0xFFFFFFFF  }
0x39: {  	_ =	task.clear_ibuf [dreg:s7], $0x2FFFF;
	_ =	strace $0x9FFFFFFF  }
0x3a: {  	(tm) =	ssettm $0x7FFFFFFF  }
0x3b: {  	_ =	shalt  }
tec
execute0_lowered:
.L_overlay_start_1:
0x0: {  	(tag) =	ssettag $0x1  }
0x1: {  	s0 =	srdreg.scid  }
0x2: {  	s1 =	sshll.u32 s0, $0x4  }
0x3: {  	s0 =	stileid.u32;
	s1 =	sand.u32 $0x10, s1  }
0x4: {  	s1 =	sor.u32 s0, s1  }
0x5: {  	s6 =	rddreg [dreg:$0x0];
	s4 =	simm.s32 $0x1;
	s2 =	sshll.u32 s1, $0x7  }
0x6: {  	s7 =	simm.s32 $0x2;
	s12 =	simm.s32 $0x0;
	s1 =	ssub.s32 $0x4000, s2  }
0x7: {  	s8 =	simm.s32 $0x20000;
	s13 =	simm.s32 $0x0;
	s3 =	sand.u32 $0xF80, s1  }
0x8: {  	s9 =	simm.s32 $0x0;
	s5 =	sshrl.u32 s1, $0xC;
	p0 =	sne.s32 s3, $0x0  }
.Ltmp0:
0x9: {  	s1 =	rddreg [dreg:$0x2];
	s4 =	simm.s32 @!p0 $0x0;
	(pc) =	sbr.rel .LBB1_1-.Ltmp0, $4  }
0xa: {  	s11 =	simm.s32 $0x0;
	s3 =	rddreg [dreg:$0x1];
	s5 =	sadd.s32 s4, s5  }
0xb: {  	_ =	strace $0x8000004A;
	s4 =	simm.s32 $0x1;
	s5 =	smul.u32 $0xC8, s5  }
0xc: {  	s6 =	sadd.s32 $0x1966C00, s6;
	s10 =	smov.u32 s2;
	[sflag:s4] =	ssyncpa.u1 $0x0  }
0xd: {  	p0 =	por $0x0, $0x0;
	[sflag:s7] =	ssyncpa.u1 $0x0;
	s7 =	sor.u32 $0x1, s5  }
.LBB1_4:
0xe: {  	s16 =	sshll.u32 s13, $0x3;
	s17 =	sand.u32 $0x78, s13  }
0xf: {  	s30 =	sand.u32 $0x1F800, s13;
	s12 =	sshll.u32 s12, $0x11;
	s16 =	sand.u32 $0x3C00, s16  }
0x10: {  	[tilespmem:s15+$0x810 ss:$0x81] =	vst.msk $0xffff, v2;
	s31 =	sand.u32 $0x7, s13;
	s16 =	sor.u32 s17, s16;
	s17 =	sadd.s32 s3, s30  }
0x11: {  	[tilespmem:s15+$0x1020 ss:$0x81] =	vst.msk $0xffff, v0;
	s13 =	sshll.u32 s31, $0x12;
	s12 =	sadd.s32 s12, s17;
	s16 =	sshrl.u32 s16, $0x3  }
0x12: {  	[tilespmem:s15+$0x0 ss:$0x81] =	vst.msk $0xffff, v1;
	s13 =	sor.u32 $0x400, s13;
	s12 =	sadd.s32 s16, s12  }
0x13: {  	[hbm4b:s12+s13] =	stream.strided.scatter [tilespmem:s14], [sflag:$0x2], $0x2000, s8, s13, $0x20;
	[tilespmem:$0x8080] =	vst v63  }
.LBB1_5:
0x14: {  	s14 =	sadd.s32 $0x1, s9  }
0x15: {  	s12 =	sadd.s32 $0x1000, s10;
	s16 =	smov.u32 s10;
	p2 =	sgt.s32 s14, $0xC7  }
0x16: {  	s16 =	smov.u32 @p2 s12  }
0x17: {  	s14 =	simm.s32 @p2 $0x0;
	p2 =	sgt.s32 s16, $0x3FFF  }
0x18: {  	s16 =	smov.u32 @p2 s2;
	p2 =	sne.s32 s11, s7  }
.Ltmp1:
0x19: {  	p1 =	slt.u32 s11, $0x2;
	(pc) =	sbr.rel @!p2 .LBB1_6-.Ltmp1, $4  }
0x1a: {  	s15 =	simm.s32 @!p1 $0x2  }
0x1b: {  	s13 =	smov.u32 s10;
	p0 =	por !p0, !p0;
	_ =	swait.ge @!p1 [sflag:s15], $0x2000  }
0x1c: {  	s12 =	smov.u32 s9;
	[sflag:s15] =	ssyncset.done @!p1 $0x0;
	s9 =	smov.u32 s14  }
0x1d: {  	s11 =	sadd.s32 $0x1, s11;
	[sflag:s15] =	ssyncadd.s32 @!p1 $0xFFFFE000;
	s10 =	smov.u32 s16  }
.LBB1_1:
0x1e: {  	p1 =	sge.u32 s11, s5  }
0x1f: {  	s14 =	sand.u32 @!p1 $0x1FFFFFF, s9  }
0x20: {  	s15 =	smulhi.u32 @!p1 $0x147AE15, s14;
	_ =	sdelay $0x1  }
0x21: {  	s15 =	smul.u32 @!p1 $0xC8, s15  }
0x22: {  	s16 =	sxor.u32 @!p1 $0xFFFFFFFF, s11;
	s17 =	smul.u32 @!p1 $0xC80, s10  }
0x23: {  	s31 =	sadd.s32 $0xFFFFFFFF, s11;
	s16 =	sshll.u32 @!p1 s16, $0xD;
	s14 =	ssub.s32 @!p1 s14, s15  }
0x24: {  	s15 =	sand.u32 @!p1 $0x2000, s16;
	s16 =	sadd.s32 @!p1 s6, s17;
	s14 =	sshll.u32 @!p1 s14, $0x4  }
0x25: {  	s17 =	simm.s32 @!p1 $0x6400;
	s14 =	sadd.s32 @!p1 s14, s16;
	s16 =	simm.s32 @!p1 $0x40  }
0x26: {  	[tilespmem:s15], [sflag:$0x1] =	stream.strided.gather @!p1 [hbm4b:s14+s16], $0x2000, s17, s16, $0x38;
	[tilespmem:$0x8080] =	vst v63  }
0x27: {  	p1 =	sge.u32 s31, s5  }
.Ltmp2:
0x28: {  	_ = 	snop;
	(pc) =	sbr.rel @p1 .LBB1_5-.Ltmp2, $1  }
0x29: {  	_ =	sdelay $0x3  }
0x2a: {  	s14 =	simm.s32 $0x1  }
0x2b: {  	_ =	swait.ge [sflag:s4], $0x2000;
	s14 =	simm.s32 @!p0 $0x0  }
0x2c: {  	[sflag:s4] =	ssyncset.done $0x0;
	s15 =	sshll.u32 s14, $0xD  }
0x2d: {  	[sflag:s4] =	ssyncadd.s32 $0xFFFFE000;
	s18 =	sor.u32 $0x20, s15  }
0x2e: {  	s14 =	smul.u32 $0x8100, s14;
	v3 =	vld [tilespmem:s18+$0x10]  }
0x2f: {  	s30 =	sand.u32 $0x1, s11;
	v2 =	vld [tilespmem:s18+$0xFFFFFFF0]  }
0x30: {  	s15 =	smul.u32 $0x8100, s30;
	s14 =	sshrl.u32 s14, $0x2;
	v0 =	vld [tilespmem:s18+$0x0]  }
0x31: {  	v1 =	vld [tilespmem:s18+$0xFFFFFFE0];
	s16 =	sor.u32 $0x4000, s14  }
0x32: {  	s31 =	sshrl.u32 s15, $0x2;
	s15 =	sadd.s32 $0x0, s16  }
0x33: {  	s17 =	simm.s32 $0x4;
	s18 =	sadd.s32 $0x40, s18;
	s14 =	sor.u32 $0x4000, s31;
	[tilespmem:s15+$0x1830 ss:$0x81] =	vst.msk $0xffff, v3  }
.LBB1_3:
0x34: {  	v3 =	vld [tilespmem:s18+$0x10];
	p1 =	sne.s32 s17, $0x1FC;
	[tilespmem:s15+$0x810 ss:$0x81] =	vst.msk $0xffff, v2;
	s19 =	smov.u32 s17;
	s17 =	sadd.s32 $0x4, s17  }
.Ltmp3:
0x35: {  	v2 =	vld [tilespmem:s18+$0xFFFFFFF0];
	[tilespmem:s15+$0x1020 ss:$0x81] =	vst.msk $0xffff, v0;
	(pc) =	sbr.rel @p1 .LBB1_3-.Ltmp3, $4  }
0x36: {  	v0 =	vld [tilespmem:s18+$0x0];
	[tilespmem:s15+$0x0 ss:$0x81] =	vst.msk $0xffff, v1  }
0x37: {  	s15 =	sshra.s32 s19, $0x2;
	v1 =	vld [tilespmem:s18+$0xFFFFFFE0]  }
0x38: {  	s15 =	sadd.s32 s15, s16  }
0x39: {  	s18 =	sadd.s32 $0x40, s18;
	[tilespmem:s15+$0x1830 ss:$0x81] =	vst.msk $0xffff, v3  }
.Ltmp4:
0x3a: {  	_ = 	snop;
	(pc) =	sbr.rel .LBB1_4-.Ltmp4, $1  }
0x3b: {  	_ =	sdelay $0x3  }
.LBB1_6:
0x3c: {  	_ =	sfence.sel $0x180000  }
0x3d: {  	s2 =	simm.s32 $0x1;
	[bflag:$0x0] =	sbarrier.arrive $0xFFFF  }
0x3e: {  	s31 =	simm.s32 $0x2;
	[sflag:s2] =	ssyncpa.u1 $0x1  }
0x3f: {  	[sflag:s31] =	ssyncpa.u1 $0x1  }
0x40: {  	p0 =	sne.s32 s0, $0x0;
	_ =	strace $0x9000004A  }
0x41: {  	s0 =	sadd.s32 @!p0 $0x100000, s1;
	[bflag:$0x2] =	sbarrier.arrive $0xFFFF  }
0x42: {  	[sflag:s0] =	ssyncadd.tile.s32 @!p0 $0x1;
	_ =	shalt  }
.Lfunc_end1:
_tile_overlayer_lowered:
.L_overlay_start_2:
0x43: {  	(tag) =	ssettag $0x2  }
0x44: {  	s0 =	rddreg [dreg:$0x0];
	s2 =	stileid.u32  }
0x45: {  	s1 =	rddreg [dreg:$0x1];
	p0 =	sne.s32 s2, $0x0  }
0x46: {  	s3 =	rddreg [dreg:$0x2];
	[bflag:$0x3] =	sbarrier.arrive $0xFFFF;
	s2 =	simm.s32 @!p0 $0x1C01  }
0x47: {  	[timem:s3], [sflag:s2] =	dma.local @!p0 [hbm:s0], s1  }
0x48: {  	s0 =	simm.s32 @!p0 $0x1  }
0x49: {  	_ =	swait.ge @!p0 [sflag:s0], s1  }
0x4a: {  	s1 =	ssub.s32 @!p0 $0x0, s1;
	[sflag:s0] =	ssyncset.done @!p0 $0x0  }
0x4b: {  	[sflag:s0] =	ssyncadd.s32 @!p0 s1  }
0x4c: {  	[bflag:$0x3] =	sbarrier.arrive $0xFFFF  }
0x4d: {  	_ =	shalt  }

</sc_bundles>
